<compile_context>
chip_gen: v7x
topology: tpu7x:2x2x1
jax: 0.10.2.dev20260603
libtpu: 0.0.44.dev20260713+nightly
codegen_flags: <defaults>
</compile_context>

<pallas_src>
import jax
import jax.numpy as jnp
from jax import lax
from jax.experimental import pallas as pl
from jax.experimental.pallas import tpu as pltpu
from jax.experimental.pallas import tpu_sc as plsc

N = 10000
C = 128
E_HALF = 160000
NSC = 2
NTILE = 16
CHUNK = 128
TPT = 80
EPH = NTILE * TPT * CHUNK
ROWS_H = EPH // CHUNK
DEG_PAD = 10240
DPT = DEG_PAD // NTILE
RPT = 640
G = 8
NDG = 2 * TPT // G


def _mm_body(x_ref, w_ref, o_ref):
    o_ref[...] = jnp.dot(x_ref[...], w_ref[...],
                         preferred_element_type=jnp.float32)


def _addrelu_body(a_ref, b_ref, o_ref):
    o_ref[...] = jnp.maximum(a_ref[...] + b_ref[...], 0.0)


def _sc_body(src_ref, dst_ref, w_ref, dst2_ref, w2_ref, xw_ref, out_ref,
             acc_sh, deg_sh, dis_sh, dis_v, dstg, wg,
             ssrc, sdst, sw, sc_idx, rows2, norm_b, tmp_v,
             gsem, ssem, psem, dsem, zsem):
    c = lax.axis_index("c")
    s = lax.axis_index("s")
    r0 = s * RPT
    t0 = s * DPT
    zbase = (NTILE - 1) * RPT

    with jax.named_scope("ph_zero"):
        def zrow(i, carry):
            for k in range(C // 16):
                rows2[0, i, pl.ds(k * 16, 16)] = jnp.zeros((16,), jnp.float32)
            return carry
        lax.fori_loop(0, CHUNK, zrow, 0)
        zsrc = rows2.at[0]

        @pl.when(s < NTILE - 1)
        def _():
            for q in range(RPT // CHUNK):
                pltpu.async_copy(zsrc, acc_sh.at[pl.ds(r0 + q * CHUNK, CHUNK)],
                                 zsem)

        @pl.when(s == NTILE - 1)
        def _():
            for q in range(3):
                pltpu.async_copy(zsrc,
                                 acc_sh.at[pl.ds(zbase + q * CHUNK, CHUNK)],
                                 zsem)
            pltpu.async_copy(zsrc.at[pl.ds(0, 16)],
                             acc_sh.at[pl.ds(zbase + 3 * CHUNK, 16)], zsem)

        def ztmp(i, carry):
            tmp_v[pl.ds(i * 16, 16)] = jnp.zeros((16,), jnp.float32)
            return carry
        lax.fori_loop(0, DPT // 16, ztmp, 0)
        pltpu.sync_copy(tmp_v, deg_sh.at[pl.ds(t0, DPT)])
        plsc.subcore_barrier()

    own_r = (c * NTILE + s) * TPT
    oth_r = ((1 - c) * NTILE + s) * TPT
    own = own_r * CHUNK

    with jax.named_scope("ph_deg"):
        def drow(g):
            half = g // (NDG // 2)
            rem = g - half * (NDG // 2)
            return own_r * (1 - half) + oth_r * half + rem * G

        pltpu.sync_copy(dst2_ref.at[pl.ds(own_r, G)], dstg.at[0])
        pltpu.sync_copy(w2_ref.at[pl.ds(own_r, G)], wg.at[0])

        def dgroup(g, carry):
            b = g % 2
            nb2 = 1 - b

            @pl.when(g > 0)
            def _():
                for k in range(G):
                    pltpu.make_async_copy(
                        wg.at[nb2, k], deg_sh.at[dstg.at[nb2, k]],
                        dsem).wait()
                pltpu.make_async_copy(dst2_ref.at[pl.ds(0, G)],
                                      dstg.at[b], psem).wait()
                pltpu.make_async_copy(w2_ref.at[pl.ds(0, G)],
                                      wg.at[b], psem).wait()

            @pl.when(g < NDG - 1)
            def _():
                row = drow(g + 1)
                pltpu.async_copy(dst2_ref.at[pl.ds(row, G)], dstg.at[nb2],
                                 psem)
                pltpu.async_copy(w2_ref.at[pl.ds(row, G)], wg.at[nb2], psem)

            for k in range(G):
                pltpu.async_copy(wg.at[b, k], deg_sh.at[dstg.at[b, k]],
                                 dsem, add=True)
            return carry
        lax.fori_loop(0, NDG, dgroup, 0)
        bl = (NDG - 1) % 2
        for k in range(G):
            pltpu.make_async_copy(wg.at[bl, k], deg_sh.at[dstg.at[bl, k]],
                                  dsem).wait()
        plsc.subcore_barrier()

    with jax.named_scope("ph_newton"):
        pltpu.sync_copy(deg_sh.at[pl.ds(t0, DPT)], tmp_v)
        for k in range(DPT // 16):
            d = tmp_v[pl.ds(k * 16, 16)]
            bits = plsc.bitcast(d, jnp.int32)
            y = plsc.bitcast(jnp.int32(0x5F3759DF) - (bits >> 1), jnp.float32)
            for _ in range(3):
                y = y * (1.5 - 0.5 * d * y * y)
            tmp_v[pl.ds(k * 16, 16)] = jnp.where(d > 0.0, y, 0.0)
        pltpu.sync_copy(tmp_v, dis_sh.at[pl.ds(t0, DPT)])

        @pl.when(s < NTILE - 1)
        def _():
            for q in range(RPT // CHUNK):
                pltpu.make_async_copy(
                    zsrc, acc_sh.at[pl.ds(r0 + q * CHUNK, CHUNK)],
                    zsem).wait()

        @pl.when(s == NTILE - 1)
        def _():
            for q in range(3):
                pltpu.make_async_copy(
                    zsrc, acc_sh.at[pl.ds(zbase + q * CHUNK, CHUNK)],
                    zsem).wait()
            pltpu.make_async_copy(zsrc.at[pl.ds(0, 16)],
                                  acc_sh.at[pl.ds(zbase + 3 * CHUNK, 16)],
                                  zsem).wait()

        plsc.subcore_barrier()
        pltpu.sync_copy(dis_sh, dis_v)

    with jax.named_scope("ph_main"):
        def stage(j, slot, copy):
            base = own + j * CHUNK
            copy(src_ref.at[pl.ds(base, CHUNK)], ssrc.at[slot])
            copy(dst_ref.at[pl.ds(base, CHUNK)], sdst.at[slot])
            copy(w_ref.at[pl.ds(base, CHUNK)], sw.at[slot])

        stage(0, 0, pltpu.sync_copy)
        pltpu.async_copy(xw_ref.at[ssrc.at[0, pl.ds(0, 64)]],
                         rows2.at[0, pl.ds(0, 64)], gsem)
        pltpu.async_copy(xw_ref.at[ssrc.at[0, pl.ds(64, 64)]],
                         rows2.at[0, pl.ds(64, 64)], gsem)
        stage(1, 1, lambda a, b_: pltpu.async_copy(a, b_, psem))

        def mchunk(j, carry):
            b = j % 2
            nb_ = 1 - b
            pltpu.make_async_copy(xw_ref.at[ssrc.at[b, pl.ds(0, 64)]],
                                  rows2.at[b, pl.ds(0, 64)], gsem).wait()
            pltpu.make_async_copy(xw_ref.at[ssrc.at[b, pl.ds(64, 64)]],
                                  rows2.at[b, pl.ds(64, 64)], gsem).wait()

            @pl.when(j > 0)
            def _():
                pltpu.make_async_copy(rows2.at[nb_],
                                      acc_sh.at[sc_idx.at[nb_]], ssem).wait()

            @pl.when(j < TPT - 1)
            def _():
                for q in range(3):
                    pltpu.make_async_copy(src_ref.at[pl.ds(0, CHUNK)],
                                          ssrc.at[nb_], psem).wait()
                pltpu.async_copy(xw_ref.at[ssrc.at[nb_, pl.ds(0, 64)]],
                                 rows2.at[nb_, pl.ds(0, 64)], gsem)
                pltpu.async_copy(xw_ref.at[ssrc.at[nb_, pl.ds(64, 64)]],
                                 rows2.at[nb_, pl.ds(64, 64)], gsem)

            for q in range(CHUNK // 16):
                sc_idx[b, pl.ds(q * 16, 16)] = sdst[b, pl.ds(q * 16, 16)]
            for q in range(CHUNK // 16):
                sv = ssrc[b, pl.ds(q * 16, 16)]
                dv = sdst[b, pl.ds(q * 16, 16)]
                wv = sw[b, pl.ds(q * 16, 16)]
                nv = (plsc.load_gather(dis_v, [sv]) * wv
                      * plsc.load_gather(dis_v, [dv]))
                norm_b[pl.ds(q * 16, 16)] = nv

            @pl.when(j < TPT - 2)
            def _():
                stage(j + 2, b, lambda a, d: pltpu.async_copy(a, d, psem))

            def scale(e, carry2):
                nbv = plsc.load_gather(norm_b,
                                       [jnp.full((16,), e, jnp.int32)])
                for q in range(C // 16):
                    rows2[b, e, pl.ds(q * 16, 16)] = (
                        rows2[b, e, pl.ds(q * 16, 16)] * nbv)
                return carry2
            lax.fori_loop(0, CHUNK, scale, 0, unroll=8)

            pltpu.async_copy(rows2.at[b], acc_sh.at[sc_idx.at[b]], ssem,
                             add=True)
            return carry
        lax.fori_loop(0, TPT, mchunk, 0)
        pltpu.make_async_copy(rows2.at[(TPT - 1) % 2],
                              acc_sh.at[sc_idx.at[(TPT - 1) % 2]],
                              ssem).wait()
        plsc.subcore_barrier()

    @pl.when(s < NTILE - 1)
    def _():
        pltpu.sync_copy(acc_sh.at[pl.ds(r0, RPT)],
                        out_ref.at[c, pl.ds(r0, RPT)])

    @pl.when(s == NTILE - 1)
    def _():
        pltpu.sync_copy(acc_sh.at[pl.ds(zbase, N - zbase)],
                        out_ref.at[c, pl.ds(zbase, N - zbase)])


def _prep_half(ei, w):
    src = ei[0].astype(jnp.int32)
    dst = ei[1].astype(jnp.int32)
    pad = EPH - E_HALF
    spread = (jnp.arange(pad, dtype=jnp.int32) * 61) % N
    return (jnp.concatenate([src, spread]),
            jnp.concatenate([dst, spread]),
            jnp.concatenate([w.astype(jnp.float32),
                             jnp.zeros((pad,), jnp.float32)]))


def kernel(x, u_edge_index, u_edge_weight, v_edge_index, v_edge_weight, W):
    su, du, wu = _prep_half(u_edge_index, u_edge_weight)
    sv, dv, wv = _prep_half(v_edge_index, v_edge_weight)
    src1d = jnp.concatenate([su, sv])
    dst1d = jnp.concatenate([du, dv])
    w1d = jnp.concatenate([wu, wv])
    dst2d = dst1d.reshape(2 * ROWS_H, CHUNK)
    w2d = w1d.reshape(2 * ROWS_H, CHUNK)

    xw = pl.pallas_call(
        _mm_body, grid=(10,),
        in_specs=[pl.BlockSpec((1000, C), lambda i: (i, 0)),
                  pl.BlockSpec((C, C), lambda i: (0, 0))],
        out_specs=pl.BlockSpec((1000, C), lambda i: (i, 0)),
        out_shape=jax.ShapeDtypeStruct((N, C), jnp.float32))(x, W)

    mesh = plsc.VectorSubcoreMesh(core_axis_name="c", subcore_axis_name="s")
    partials = pl.kernel(
        _sc_body,
        out_type=jax.ShapeDtypeStruct((NSC, N, C), jnp.float32),
        mesh=mesh,
        compiler_params=pltpu.CompilerParams(needs_layout_passes=False),
        scratch_types=[
            pltpu.VMEM_SHARED((N, C), jnp.float32),
            pltpu.VMEM_SHARED((DEG_PAD,), jnp.float32),
            pltpu.VMEM_SHARED((DEG_PAD,), jnp.float32),
            pltpu.VMEM((DEG_PAD,), jnp.float32),
            pltpu.VMEM((2, G, CHUNK), jnp.int32),
            pltpu.VMEM((2, G, CHUNK), jnp.float32),
            pltpu.VMEM((2, CHUNK), jnp.int32),
            pltpu.VMEM((2, CHUNK), jnp.int32),
            pltpu.VMEM((2, CHUNK), jnp.float32),
            pltpu.VMEM((2, CHUNK), jnp.int32),
            pltpu.VMEM((2, CHUNK, C), jnp.float32),
            pltpu.VMEM((CHUNK,), jnp.float32),
            pltpu.VMEM((DPT,), jnp.float32),
            pltpu.SemaphoreType.DMA,
            pltpu.SemaphoreType.DMA,
            pltpu.SemaphoreType.DMA,
            pltpu.SemaphoreType.DMA,
            pltpu.SemaphoreType.DMA,
        ])(src1d, dst1d, w1d, dst2d, w2d, xw)

    return pl.pallas_call(
        _addrelu_body, grid=(10,),
        in_specs=[pl.BlockSpec((1000, C), lambda i: (i, 0)),
                  pl.BlockSpec((1000, C), lambda i: (i, 0))],
        out_specs=pl.BlockSpec((1000, C), lambda i: (i, 0)),
        out_shape=jax.ShapeDtypeStruct((N, C), jnp.float32))(
            partials[0], partials[1])

# --- scband reference (transcript-rebuilt; emitter-appended) ---
"""Pipeline reference for scband-share-gcn-26190710571455 (READ-ONLY COPY).

The authoritative reference and input builder live on the scoring server;
editing this copy changes nothing except your own understanding.
"""

import jax, jax.numpy as jnp
import numpy as np

NUM_NODES = 10000
IN_CH = 128
OUT_CH = 128
E_U = 160000
E_V = 160000


def setup_inputs(seed: int = 0) -> dict:
    key = jax.random.key(seed)
    k1, k2, k3, k4, k5, k6 = jax.random.split(key, 6)
    x = jax.random.normal(k1, (NUM_NODES, IN_CH), dtype=jnp.float32)
    u_edge_index = jax.random.randint(k2, (2, E_U), 0, NUM_NODES, dtype=jnp.int64)
    u_edge_weight = jax.random.uniform(k3, (E_U,), dtype=jnp.float32)
    v_edge_index = jax.random.randint(k4, (2, E_V), 0, NUM_NODES, dtype=jnp.int64)
    v_edge_weight = jax.random.uniform(k5, (E_V,), dtype=jnp.float32)
    W = jax.random.normal(k6, (IN_CH, OUT_CH), dtype=jnp.float32) * (1.0 / np.sqrt(IN_CH))
    return {"x": x, "u_edge_index": u_edge_index, "u_edge_weight": u_edge_weight,
            "v_edge_index": v_edge_index, "v_edge_weight": v_edge_weight, "W": W}


def _gcn_conv(x, edge_index, edge_weight, W, num_nodes):
    # GCNConv with normalize=True, add_self_loops=False, bias=False.
    src = edge_index[0]
    dst = edge_index[1]
    # gcn_norm: deg computed at target (adj_t row-sum), norm = d^-1/2[src] * w * d^-1/2[dst]
    deg = jnp.zeros((num_nodes,), dtype=x.dtype).at[dst].add(edge_weight)
    deg_inv_sqrt = jnp.where(deg > 0, jax.lax.rsqrt(jnp.maximum(deg, 1e-30)), 0.0)
    norm = deg_inv_sqrt[src] * edge_weight * deg_inv_sqrt[dst]
    xw = x @ W  # linear transform
    msg = norm[:, None] * jnp.take(xw, src, axis=0)  # gather from source nodes
    out = jnp.zeros((num_nodes, xw.shape[1]), dtype=xw.dtype).at[dst].add(msg)  # scatter-add to targets
    return out


def reference(x, u_edge_index, u_edge_weight, v_edge_index, v_edge_weight, W):
    # dropout is identity in eval mode
    # share=True: concatenate u and v edges into one graph over num_nodes = size_u + size_v
    edge_index = jnp.concatenate([u_edge_index, v_edge_index], axis=1)
    edge_weight = jnp.concatenate([u_edge_weight, v_edge_weight], axis=0)
    feature = _gcn_conv(x, edge_index, edge_weight, W, NUM_NODES)
    return jax.nn.relu(feature)

if __name__ == "__main__":
    import jax
    _d = setup_inputs()
    print(jax.jit(kernel)(*tuple(_d.values())))

</pallas_src>

<mosaic_0001>
#map = affine_map<(d0, d1) -> (0)>
#map1 = affine_map<(d0, d1) -> (0, 0)>
#map2 = affine_map<(d0, d1) -> (0, 0, 0)>
module attributes {stable_mosaic.version = 14 : i64} {
  func.func @_sc_body(%arg0: i32, %arg1: i32, %arg2: memref<327680xi32, #tpu.memory_space<hbm>>, %arg3: memref<327680xi32, #tpu.memory_space<hbm>>, %arg4: memref<327680xf32, #tpu.memory_space<hbm>>, %arg5: memref<2560x128xi32, #tpu.memory_space<hbm>>, %arg6: memref<2560x128xf32, #tpu.memory_space<hbm>>, %arg7: memref<10000x128xf32, #tpu.memory_space<hbm>>, %arg8: memref<2x10000x128xf32, #tpu.memory_space<hbm>>, %arg9: memref<10000x128xf32, #tpu.memory_space<vmem_shared>>, %arg10: memref<10240xf32, #tpu.memory_space<vmem_shared>>, %arg11: memref<10240xf32, #tpu.memory_space<vmem_shared>>, %arg12: memref<10240xf32, #tpu.memory_space<vmem>>, %arg13: memref<2x8x128xi32, #tpu.memory_space<vmem>>, %arg14: memref<2x8x128xf32, #tpu.memory_space<vmem>>, %arg15: memref<2x128xi32, #tpu.memory_space<vmem>>, %arg16: memref<2x128xi32, #tpu.memory_space<vmem>>, %arg17: memref<2x128xf32, #tpu.memory_space<vmem>>, %arg18: memref<2x128xi32, #tpu.memory_space<vmem>>, %arg19: memref<2x128x128xf32, #tpu.memory_space<vmem>>, %arg20: memref<128xf32, #tpu.memory_space<vmem>>, %arg21: memref<640xf32, #tpu.memory_space<vmem>>, %arg22: memref<!tpu.dma_semaphore, #tpu.memory_space<semaphore_mem>>, %arg23: memref<!tpu.dma_semaphore, #tpu.memory_space<semaphore_mem>>, %arg24: memref<!tpu.dma_semaphore, #tpu.memory_space<semaphore_mem>>, %arg25: memref<!tpu.dma_semaphore, #tpu.memory_space<semaphore_mem>>, %arg26: memref<!tpu.dma_semaphore, #tpu.memory_space<semaphore_mem>>) attributes {dimension_semantics = [#tpu.dimension_semantics<core_parallel>, #tpu.dimension_semantics<subcore_parallel>], iteration_bounds = array<i64: 2, 16>, scalar_prefetch = 0 : i64, scratch_operands = 18 : i64, tpu.core_type = #tpu.core_type<sc_vector_subcore>, window_params = [{transform_indices = #map}, {transform_indices = #map}, {transform_indices = #map}, {transform_indices = #map1}, {transform_indices = #map1}, {transform_indices = #map1}, {transform_indices = #map2}]} {
    %mul3A = arith.constant 640 : i32
    %mul3A_0 = arith.muli %arg1, %mul3A : i32
    %mul3A_1 = arith.constant 640 : i32
    %mul3A_2 = arith.muli %arg1, %mul3A_1 : i32
    "tpu.trace_start"() <{level = 10 : i32, message = "ph_zero"}> : () -> ()
    %scan3A = arith.constant 0 : i32
    %scan3A_3 = arith.constant 0 : i32
    %scan3A_4 = arith.constant 128 : i32
    %scan3A_5 = arith.addi %scan3A_3, %scan3A_4 : i32
    %scan3A_6 = arith.constant 1 : i32
    scf.for %scan3A_2028 = %scan3A_3 to %scan3A_5 step %scan3A_6  : i32 {
      %broadcast_in_dim3A_2029 = arith.constant 0.000000e+00 : f32
      %broadcast_in_dim3A_2030 = vector.broadcast %broadcast_in_dim3A_2029 : f32 to vector<16xf32>
      %swap3A_2031 = arith.constant 0 : i32
      %swap3A_2032 = arith.index_cast %swap3A_2031 : i32 to index
      %swap3A_2033 = arith.index_cast %scan3A_2028 : i32 to index
      %swap3A_2034 = arith.constant 0 : index
      %swap3A_2035 = tpu.vector_load %arg19[%swap3A_2032, %swap3A_2033, %swap3A_2034] {strides = array<i32>} : memref<2x128x128xf32, #tpu.memory_space<vmem>>, vector<16xf32>,
      tpu.vector_store %arg19[%swap3A_2032, %swap3A_2033, %swap3A_2034], %broadcast_in_dim3A_2030 {strides = array<i32>} : memref<2x128x128xf32, #tpu.memory_space<vmem>>, vector<16xf32>,
      %broadcast_in_dim3A_2036 = arith.constant 0.000000e+00 : f32
      %broadcast_in_dim3A_2037 = vector.broadcast %broadcast_in_dim3A_2036 : f32 to vector<16xf32>
      %swap3A_2038 = arith.constant 0 : i32
      %swap3A_2039 = arith.index_cast %swap3A_2038 : i32 to index
      %swap3A_2040 = arith.index_cast %scan3A_2028 : i32 to index
      %swap3A_2041 = arith.constant 16 : index
      %swap3A_2042 = tpu.vector_load %arg19[%swap3A_2039, %swap3A_2040, %swap3A_2041] {strides = array<i32>} : memref<2x128x128xf32, #tpu.memory_space<vmem>>, vector<16xf32>,
      tpu.vector_store %arg19[%swap3A_2039, %swap3A_2040, %swap3A_2041], %broadcast_in_dim3A_2037 {strides = array<i32>} : memref<2x128x128xf32, #tpu.memory_space<vmem>>, vector<16xf32>,
      %broadcast_in_dim3A_2043 = arith.constant 0.000000e+00 : f32
      %broadcast_in_dim3A_2044 = vector.broadcast %broadcast_in_dim3A_2043 : f32 to vector<16xf32>
      %swap3A_2045 = arith.constant 0 : i32
      %swap3A_2046 = arith.index_cast %swap3A_2045 : i32 to index
      %swap3A_2047 = arith.index_cast %scan3A_2028 : i32 to index
      %swap3A_2048 = arith.constant 32 : index
      %swap3A_2049 = tpu.vector_load %arg19[%swap3A_2046, %swap3A_2047, %swap3A_2048] {strides = array<i32>} : memref<2x128x128xf32, #tpu.memory_space<vmem>>, vector<16xf32>,
      tpu.vector_store %arg19[%swap3A_2046, %swap3A_2047, %swap3A_2048], %broadcast_in_dim3A_2044 {strides = array<i32>} : memref<2x128x128xf32, #tpu.memory_space<vmem>>, vector<16xf32>,
      %broadcast_in_dim3A_2050 = arith.constant 0.000000e+00 : f32
      %broadcast_in_dim3A_2051 = vector.broadcast %broadcast_in_dim3A_2050 : f32 to vector<16xf32>
      %swap3A_2052 = arith.constant 0 : i32
      %swap3A_2053 = arith.index_cast %swap3A_2052 : i32 to index
      %swap3A_2054 = arith.index_cast %scan3A_2028 : i32 to index
      %swap3A_2055 = arith.constant 48 : index
      %swap3A_2056 = tpu.vector_load %arg19[%swap3A_2053, %swap3A_2054, %swap3A_2055] {strides = array<i32>} : memref<2x128x128xf32, #tpu.memory_space<vmem>>, vector<16xf32>,
      tpu.vector_store %arg19[%swap3A_2053, %swap3A_2054, %swap3A_2055], %broadcast_in_dim3A_2051 {strides = array<i32>} : memref<2x128x128xf32, #tpu.memory_space<vmem>>, vector<16xf32>,
      %broadcast_in_dim3A_2057 = arith.constant 0.000000e+00 : f32
      %broadcast_in_dim3A_2058 = vector.broadcast %broadcast_in_dim3A_2057 : f32 to vector<16xf32>
      %swap3A_2059 = arith.constant 0 : i32
      %swap3A_2060 = arith.index_cast %swap3A_2059 : i32 to index
      %swap3A_2061 = arith.index_cast %scan3A_2028 : i32 to index
      %swap3A_2062 = arith.constant 64 : index
      %swap3A_2063 = tpu.vector_load %arg19[%swap3A_2060, %swap3A_2061, %swap3A_2062] {strides = array<i32>} : memref<2x128x128xf32, #tpu.memory_space<vmem>>, vector<16xf32>,
      tpu.vector_store %arg19[%swap3A_2060, %swap3A_2061, %swap3A_2062], %broadcast_in_dim3A_2058 {strides = array<i32>} : memref<2x128x128xf32, #tpu.memory_space<vmem>>, vector<16xf32>,
      %broadcast_in_dim3A_2064 = arith.constant 0.000000e+00 : f32
      %broadcast_in_dim3A_2065 = vector.broadcast %broadcast_in_dim3A_2064 : f32 to vector<16xf32>
      %swap3A_2066 = arith.constant 0 : i32
      %swap3A_2067 = arith.index_cast %swap3A_2066 : i32 to index
      %swap3A_2068 = arith.index_cast %scan3A_2028 : i32 to index
      %swap3A_2069 = arith.constant 80 : index
      %swap3A_2070 = tpu.vector_load %arg19[%swap3A_2067, %swap3A_2068, %swap3A_2069] {strides = array<i32>} : memref<2x128x128xf32, #tpu.memory_space<vmem>>, vector<16xf32>,
      tpu.vector_store %arg19[%swap3A_2067, %swap3A_2068, %swap3A_2069], %broadcast_in_dim3A_2065 {strides = array<i32>} : memref<2x128x128xf32, #tpu.memory_space<vmem>>, vector<16xf32>,
      %broadcast_in_dim3A_2071 = arith.constant 0.000000e+00 : f32
      %broadcast_in_dim3A_2072 = vector.broadcast %broadcast_in_dim3A_2071 : f32 to vector<16xf32>
      %swap3A_2073 = arith.constant 0 : i32
      %swap3A_2074 = arith.index_cast %swap3A_2073 : i32 to index
      %swap3A_2075 = arith.index_cast %scan3A_2028 : i32 to index
      %swap3A_2076 = arith.constant 96 : index
      %swap3A_2077 = tpu.vector_load %arg19[%swap3A_2074, %swap3A_2075, %swap3A_2076] {strides = array<i32>} : memref<2x128x128xf32, #tpu.memory_space<vmem>>, vector<16xf32>,
      tpu.vector_store %arg19[%swap3A_2074, %swap3A_2075, %swap3A_2076], %broadcast_in_dim3A_2072 {strides = array<i32>} : memref<2x128x128xf32, #tpu.memory_space<vmem>>, vector<16xf32>,
      %broadcast_in_dim3A_2078 = arith.constant 0.000000e+00 : f32
      %broadcast_in_dim3A_2079 = vector.broadcast %broadcast_in_dim3A_2078 : f32 to vector<16xf32>
      %swap3A_2080 = arith.constant 0 : i32
      %swap3A_2081 = arith.index_cast %swap3A_2080 : i32 to index
      %swap3A_2082 = arith.index_cast %scan3A_2028 : i32 to index
      %swap3A_2083 = arith.constant 112 : index
      %swap3A_2084 = tpu.vector_load %arg19[%swap3A_2081, %swap3A_2082, %swap3A_2083] {strides = array<i32>} : memref<2x128x128xf32, #tpu.memory_space<vmem>>, vector<16xf32>,
      tpu.vector_store %arg19[%swap3A_2081, %swap3A_2082, %swap3A_2083], %broadcast_in_dim3A_2079 {strides = array<i32>} : memref<2x128x128xf32, #tpu.memory_space<vmem>>, vector<16xf32>,
    }
    %scan3A_7 = arith.constant 128 : i32
    %lt3A = arith.constant 15 : i32
    %lt3A_8 = arith.cmpi slt, %arg1, %lt3A : i32
    %convert_element_type3A = arith.extui %lt3A_8 : i1 to i32
    %cond3A = arith.constant 0 : i32
    %cond3A_9 = arith.constant 0 : i32
    %cond3A_10 = arith.cmpi ne, %convert_element_type3A, %cond3A_9 : i32
    scf.if %cond3A_10 {
      %add3A_2028 = arith.constant 0 : i32
      %add3A_2029 = arith.addi %mul3A_0, %add3A_2028 : i32
      %dma_start3A_2030 = arith.constant 0 : i32
      %dma_start3A_2031 = arith.constant 0 : i32
      %dma_start3A_2032 = tpu.memref_slice %arg19[%cond3A, %dma_start3A_2030, %dma_start3A_2031] : memref<2x128x128xf32, #tpu.memory_space<vmem>> -> memref<1x128x128xf32, #tpu.memory_space<vmem>>
      %dma_start3A_2033 = tpu.memref_squeeze %dma_start3A_2032 : memref<1x128x128xf32, #tpu.memory_space<vmem>> -> memref<128x128xf32, #tpu.memory_space<vmem>>
      %dma_start3A_2034 = arith.constant 0 : i32
      %dma_start3A_2035 = tpu.memref_slice %arg9[%add3A_2029, %dma_start3A_2034] : memref<10000x128xf32, #tpu.memory_space<vmem_shared>> -> memref<128x128xf32, #tpu.memory_space<vmem_shared>>
      %dma_start3A_2036 = arith.constant 0 : i32
      %dma_start3A_2037 = tpu.memref_slice %arg9[%add3A_2029, %dma_start3A_2036] : memref<10000x128xf32, #tpu.memory_space<vmem_shared>> -> memref<128x128xf32, #tpu.memory_space<vmem_shared>>
      %dma_start3A_2038 = arith.constant 0 : i32
      %dma_start3A_2039 = arith.constant 0 : i32
      %dma_start3A_2040 = tpu.memref_slice %arg19[%cond3A, %dma_start3A_2038, %dma_start3A_2039] : memref<2x128x128xf32, #tpu.memory_space<vmem>> -> memref<1x128x128xf32, #tpu.memory_space<vmem>>
      %dma_start3A_2041 = tpu.memref_squeeze %dma_start3A_2040 : memref<1x128x128xf32, #tpu.memory_space<vmem>> -> memref<128x128xf32, #tpu.memory_space<vmem>>
      tpu.enqueue_dma source(%dma_start3A_2041 : memref<128x128xf32, #tpu.memory_space<vmem>>) target(%dma_start3A_2037 : memref<128x128xf32, #tpu.memory_space<vmem_shared>>) target_semaphore(%arg26 : memref<!tpu.dma_semaphore, #tpu.memory_space<semaphore_mem>>)
      %add3A_2042 = arith.constant 128 : i32
      %add3A_2043 = arith.addi %mul3A_0, %add3A_2042 : i32
      %dma_start3A_2044 = arith.constant 0 : i32
      %dma_start3A_2045 = arith.constant 0 : i32
      %dma_start3A_2046 = tpu.memref_slice %arg19[%cond3A, %dma_start3A_2044, %dma_start3A_2045] : memref<2x128x128xf32, #tpu.memory_space<vmem>> -> memref<1x128x128xf32, #tpu.memory_space<vmem>>
      %dma_start3A_2047 = tpu.memref_squeeze %dma_start3A_2046 : memref<1x128x128xf32, #tpu.memory_space<vmem>> -> memref<128x128xf32, #tpu.memory_space<vmem>>
      %dma_start3A_2048 = arith.constant 0 : i32
      %dma_start3A_2049 = tpu.memref_slice %arg9[%add3A_2043, %dma_start3A_2048] : memref<10000x128xf32, #tpu.memory_space<vmem_shared>> -> memref<128x128xf32, #tpu.memory_space<vmem_shared>>
      %dma_start3A_2050 = arith.constant 0 : i32
      %dma_start3A_2051 = tpu.memref_slice %arg9[%add3A_2043, %dma_start3A_2050] : memref<10000x128xf32, #tpu.memory_space<vmem_shared>> -> memref<128x128xf32, #tpu.memory_space<vmem_shared>>
      %dma_start3A_2052 = arith.constant 0 : i32
      %dma_start3A_2053 = arith.constant 0 : i32
      %dma_start3A_2054 = tpu.memref_slice %arg19[%cond3A, %dma_start3A_2052, %dma_start3A_2053] : memref<2x128x128xf32, #tpu.memory_space<vmem>> -> memref<1x128x128xf32, #tpu.memory_space<vmem>>
      %dma_start3A_2055 = tpu.memref_squeeze %dma_start3A_2054 : memref<1x128x128xf32, #tpu.memory_space<vmem>> -> memref<128x128xf32, #tpu.memory_space<vmem>>
      tpu.enqueue_dma source(%dma_start3A_2055 : memref<128x128xf32, #tpu.memory_space<vmem>>) target(%dma_start3A_2051 : memref<128x128xf32, #tpu.memory_space<vmem_shared>>) target_semaphore(%arg26 : memref<!tpu.dma_semaphore, #tpu.memory_space<semaphore_mem>>)
      %add3A_2056 = arith.constant 256 : i32
      %add3A_2057 = arith.addi %mul3A_0, %add3A_2056 : i32
      %dma_start3A_2058 = arith.constant 0 : i32
      %dma_start3A_2059 = arith.constant 0 : i32
      %dma_start3A_2060 = tpu.memref_slice %arg19[%cond3A, %dma_start3A_2058, %dma_start3A_2059] : memref<2x128x128xf32, #tpu.memory_space<vmem>> -> memref<1x128x128xf32, #tpu.memory_space<vmem>>
      %dma_start3A_2061 = tpu.memref_squeeze %dma_start3A_2060 : memref<1x128x128xf32, #tpu.memory_space<vmem>> -> memref<128x128xf32, #tpu.memory_space<vmem>>
      %dma_start3A_2062 = arith.constant 0 : i32
      %dma_start3A_2063 = tpu.memref_slice %arg9[%add3A_2057, %dma_start3A_2062] : memref<10000x128xf32, #tpu.memory_space<vmem_shared>> -> memref<128x128xf32, #tpu.memory_space<vmem_shared>>
      %dma_start3A_2064 = arith.constant 0 : i32
      %dma_start3A_2065 = tpu.memref_slice %arg9[%add3A_2057, %dma_start3A_2064] : memref<10000x128xf32, #tpu.memory_space<vmem_shared>> -> memref<128x128xf32, #tpu.memory_space<vmem_shared>>
      %dma_start3A_2066 = arith.constant 0 : i32
      %dma_start3A_2067 = arith.constant 0 : i32
      %dma_start3A_2068 = tpu.memref_slice %arg19[%cond3A, %dma_start3A_2066, %dma_start3A_2067] : memref<2x128x128xf32, #tpu.memory_space<vmem>> -> memref<1x128x128xf32, #tpu.memory_space<vmem>>
      %dma_start3A_2069 = tpu.memref_squeeze %dma_start3A_2068 : memref<1x128x128xf32, #tpu.memory_space<vmem>> -> memref<128x128xf32, #tpu.memory_space<vmem>>
      tpu.enqueue_dma source(%dma_start3A_2069 : memref<128x128xf32, #tpu.memory_space<vmem>>) target(%dma_start3A_2065 : memref<128x128xf32, #tpu.memory_space<vmem_shared>>) target_semaphore(%arg26 : memref<!tpu.dma_semaphore, #tpu.memory_space<semaphore_mem>>)
      %add3A_2070 = arith.constant 384 : i32
      %add3A_2071 = arith.addi %mul3A_0, %add3A_2070 : i32
      %dma_start3A_2072 = arith.constant 0 : i32
      %dma_start3A_2073 = arith.constant 0 : i32
      %dma_start3A_2074 = tpu.memref_slice %arg19[%cond3A, %dma_start3A_2072, %dma_start3A_2073] : memref<2x128x128xf32, #tpu.memory_space<vmem>> -> memref<1x128x128xf32, #tpu.memory_space<vmem>>
      %dma_start3A_2075 = tpu.memref_squeeze %dma_start3A_2074 : memref<1x128x128xf32, #tpu.memory_space<vmem>> -> memref<128x128xf32, #tpu.memory_space<vmem>>
      %dma_start3A_2076 = arith.constant 0 : i32
      %dma_start3A_2077 = tpu.memref_slice %arg9[%add3A_2071, %dma_start3A_2076] : memref<10000x128xf32, #tpu.memory_space<vmem_shared>> -> memref<128x128xf32, #tpu.memory_space<vmem_shared>>
      %dma_start3A_2078 = arith.constant 0 : i32
      %dma_start3A_2079 = tpu.memref_slice %arg9[%add3A_2071, %dma_start3A_2078] : memref<10000x128xf32, #tpu.memory_space<vmem_shared>> -> memref<128x128xf32, #tpu.memory_space<vmem_shared>>
      %dma_start3A_2080 = arith.constant 0 : i32
      %dma_start3A_2081 = arith.constant 0 : i32
      %dma_start3A_2082 = tpu.memref_slice %arg19[%cond3A, %dma_start3A_2080, %dma_start3A_2081] : memref<2x128x128xf32, #tpu.memory_space<vmem>> -> memref<1x128x128xf32, #tpu.memory_space<vmem>>
      %dma_start3A_2083 = tpu.memref_squeeze %dma_start3A_2082 : memref<1x128x128xf32, #tpu.memory_space<vmem>> -> memref<128x128xf32, #tpu.memory_space<vmem>>
      tpu.enqueue_dma source(%dma_start3A_2083 : memref<128x128xf32, #tpu.memory_space<vmem>>) target(%dma_start3A_2079 : memref<128x128xf32, #tpu.memory_space<vmem_shared>>) target_semaphore(%arg26 : memref<!tpu.dma_semaphore, #tpu.memory_space<semaphore_mem>>)
      %add3A_2084 = arith.constant 512 : i32
      %add3A_2085 = arith.addi %mul3A_0, %add3A_2084 : i32
      %dma_start3A_2086 = arith.constant 0 : i32
      %dma_start3A_2087 = arith.constant 0 : i32
      %dma_start3A_2088 = tpu.memref_slice %arg19[%cond3A, %dma_start3A_2086, %dma_start3A_2087] : memref<2x128x128xf32, #tpu.memory_space<vmem>> -> memref<1x128x128xf32, #tpu.memory_space<vmem>>
      %dma_start3A_2089 = tpu.memref_squeeze %dma_start3A_2088 : memref<1x128x128xf32, #tpu.memory_space<vmem>> -> memref<128x128xf32, #tpu.memory_space<vmem>>
      %dma_start3A_2090 = arith.constant 0 : i32
      %dma_start3A_2091 = tpu.memref_slice %arg9[%add3A_2085, %dma_start3A_2090] : memref<10000x128xf32, #tpu.memory_space<vmem_shared>> -> memref<128x128xf32, #tpu.memory_space<vmem_shared>>
      %dma_start3A_2092 = arith.constant 0 : i32
      %dma_start3A_2093 = tpu.memref_slice %arg9[%add3A_2085, %dma_start3A_2092] : memref<10000x128xf32, #tpu.memory_space<vmem_shared>> -> memref<128x128xf32, #tpu.memory_space<vmem_shared>>
      %dma_start3A_2094 = arith.constant 0 : i32
      %dma_start3A_2095 = arith.constant 0 : i32
      %dma_start3A_2096 = tpu.memref_slice %arg19[%cond3A, %dma_start3A_2094, %dma_start3A_2095] : memref<2x128x128xf32, #tpu.memory_space<vmem>> -> memref<1x128x128xf32, #tpu.memory_space<vmem>>
      %dma_start3A_2097 = tpu.memref_squeeze %dma_start3A_2096 : memref<1x128x128xf32, #tpu.memory_space<vmem>> -> memref<128x128xf32, #tpu.memory_space<vmem>>
      tpu.enqueue_dma source(%dma_start3A_2097 : memref<128x128xf32, #tpu.memory_space<vmem>>) target(%dma_start3A_2093 : memref<128x128xf32, #tpu.memory_space<vmem_shared>>) target_semaphore(%arg26 : memref<!tpu.dma_semaphore, #tpu.memory_space<semaphore_mem>>)
    } else {
    }
    %eq3A = arith.constant 15 : i32
    %eq3A_11 = arith.cmpi eq, %arg1, %eq3A : i32
    %convert_element_type3A_12 = arith.extui %eq3A_11 : i1 to i32
    %cond3A_13 = arith.constant 0 : i32
    %cond3A_14 = arith.constant 0 : i32
    %cond3A_15 = arith.cmpi ne, %convert_element_type3A_12, %cond3A_14 : i32
    scf.if %cond3A_15 {
      %dma_start3A_2028 = arith.constant 0 : i32
      %dma_start3A_2029 = arith.constant 0 : i32
      %dma_start3A_2030 = tpu.memref_slice %arg19[%cond3A_13, %dma_start3A_2028, %dma_start3A_2029] : memref<2x128x128xf32, #tpu.memory_space<vmem>> -> memref<1x128x128xf32, #tpu.memory_space<vmem>>
      %dma_start3A_2031 = tpu.memref_squeeze %dma_start3A_2030 : memref<1x128x128xf32, #tpu.memory_space<vmem>> -> memref<128x128xf32, #tpu.memory_space<vmem>>
      %dma_start3A_2032 = arith.constant 9600 : i32
      %dma_start3A_2033 = arith.constant 0 : i32
      %dma_start3A_2034 = tpu.memref_slice %arg9[%dma_start3A_2032, %dma_start3A_2033] : memref<10000x128xf32, #tpu.memory_space<vmem_shared>> -> memref<128x128xf32, #tpu.memory_space<vmem_shared>>
      %dma_start3A_2035 = arith.constant 9600 : i32
      %dma_start3A_2036 = arith.constant 0 : i32
      %dma_start3A_2037 = tpu.memref_slice %arg9[%dma_start3A_2035, %dma_start3A_2036] : memref<10000x128xf32, #tpu.memory_space<vmem_shared>> -> memref<128x128xf32, #tpu.memory_space<vmem_shared>>
      %dma_start3A_2038 = arith.constant 0 : i32
      %dma_start3A_2039 = arith.constant 0 : i32
      %dma_start3A_2040 = tpu.memref_slice %arg19[%cond3A_13, %dma_start3A_2038, %dma_start3A_2039] : memref<2x128x128xf32, #tpu.memory_space<vmem>> -> memref<1x128x128xf32, #tpu.memory_space<vmem>>
      %dma_start3A_2041 = tpu.memref_squeeze %dma_start3A_2040 : memref<1x128x128xf32, #tpu.memory_space<vmem>> -> memref<128x128xf32, #tpu.memory_space<vmem>>
      tpu.enqueue_dma source(%dma_start3A_2041 : memref<128x128xf32, #tpu.memory_space<vmem>>) target(%dma_start3A_2037 : memref<128x128xf32, #tpu.memory_space<vmem_shared>>) target_semaphore(%arg26 : memref<!tpu.dma_semaphore, #tpu.memory_space<semaphore_mem>>)
      %dma_start3A_2042 = arith.constant 0 : i32
      %dma_start3A_2043 = arith.constant 0 : i32
      %dma_start3A_2044 = tpu.memref_slice %arg19[%cond3A_13, %dma_start3A_2042, %dma_start3A_2043] : memref<2x128x128xf32, #tpu.memory_space<vmem>> -> memref<1x128x128xf32, #tpu.memory_space<vmem>>
      %dma_start3A_2045 = tpu.memref_squeeze %dma_start3A_2044 : memref<1x128x128xf32, #tpu.memory_space<vmem>> -> memref<128x128xf32, #tpu.memory_space<vmem>>
      %dma_start3A_2046 = arith.constant 9728 : i32
      %dma_start3A_2047 = arith.constant 0 : i32
      %dma_start3A_2048 = tpu.memref_slice %arg9[%dma_start3A_2046, %dma_start3A_2047] : memref<10000x128xf32, #tpu.memory_space<vmem_shared>> -> memref<128x128xf32, #tpu.memory_space<vmem_shared>>
      %dma_start3A_2049 = arith.constant 9728 : i32
      %dma_start3A_2050 = arith.constant 0 : i32
      %dma_start3A_2051 = tpu.memref_slice %arg9[%dma_start3A_2049, %dma_start3A_2050] : memref<10000x128xf32, #tpu.memory_space<vmem_shared>> -> memref<128x128xf32, #tpu.memory_space<vmem_shared>>
      %dma_start3A_2052 = arith.constant 0 : i32
      %dma_start3A_2053 = arith.constant 0 : i32
      %dma_start3A_2054 = tpu.memref_slice %arg19[%cond3A_13, %dma_start3A_2052, %dma_start3A_2053] : memref<2x128x128xf32, #tpu.memory_space<vmem>> -> memref<1x128x128xf32, #tpu.memory_space<vmem>>
      %dma_start3A_2055 = tpu.memref_squeeze %dma_start3A_2054 : memref<1x128x128xf32, #tpu.memory_space<vmem>> -> memref<128x128xf32, #tpu.memory_space<vmem>>
      tpu.enqueue_dma source(%dma_start3A_2055 : memref<128x128xf32, #tpu.memory_space<vmem>>) target(%dma_start3A_2051 : memref<128x128xf32, #tpu.memory_space<vmem_shared>>) target_semaphore(%arg26 : memref<!tpu.dma_semaphore, #tpu.memory_space<semaphore_mem>>)
      %dma_start3A_2056 = arith.constant 0 : i32
      %dma_start3A_2057 = arith.constant 0 : i32
      %dma_start3A_2058 = tpu.memref_slice %arg19[%cond3A_13, %dma_start3A_2056, %dma_start3A_2057] : memref<2x128x128xf32, #tpu.memory_space<vmem>> -> memref<1x128x128xf32, #tpu.memory_space<vmem>>
      %dma_start3A_2059 = tpu.memref_squeeze %dma_start3A_2058 : memref<1x128x128xf32, #tpu.memory_space<vmem>> -> memref<128x128xf32, #tpu.memory_space<vmem>>
      %dma_start3A_2060 = arith.constant 9856 : i32
      %dma_start3A_2061 = arith.constant 0 : i32
      %dma_start3A_2062 = tpu.memref_slice %arg9[%dma_start3A_2060, %dma_start3A_2061] : memref<10000x128xf32, #tpu.memory_space<vmem_shared>> -> memref<128x128xf32, #tpu.memory_space<vmem_shared>>
      %dma_start3A_2063 = arith.constant 9856 : i32
      %dma_start3A_2064 = arith.constant 0 : i32
      %dma_start3A_2065 = tpu.memref_slice %arg9[%dma_start3A_2063, %dma_start3A_2064] : memref<10000x128xf32, #tpu.memory_space<vmem_shared>> -> memref<128x128xf32, #tpu.memory_space<vmem_shared>>
      %dma_start3A_2066 = arith.constant 0 : i32
      %dma_start3A_2067 = arith.constant 0 : i32
      %dma_start3A_2068 = tpu.memref_slice %arg19[%cond3A_13, %dma_start3A_2066, %dma_start3A_2067] : memref<2x128x128xf32, #tpu.memory_space<vmem>> -> memref<1x128x128xf32, #tpu.memory_space<vmem>>
      %dma_start3A_2069 = tpu.memref_squeeze %dma_start3A_2068 : memref<1x128x128xf32, #tpu.memory_space<vmem>> -> memref<128x128xf32, #tpu.memory_space<vmem>>
      tpu.enqueue_dma source(%dma_start3A_2069 : memref<128x128xf32, #tpu.memory_space<vmem>>) target(%dma_start3A_2065 : memref<128x128xf32, #tpu.memory_space<vmem_shared>>) target_semaphore(%arg26 : memref<!tpu.dma_semaphore, #tpu.memory_space<semaphore_mem>>)
      %dma_start3A_2070 = arith.constant 0 : i32
      %dma_start3A_2071 = arith.constant 0 : i32
      %dma_start3A_2072 = tpu.memref_slice %arg19[%cond3A_13, %dma_start3A_2070, %dma_start3A_2071] : memref<2x128x128xf32, #tpu.memory_space<vmem>> -> memref<1x128x128xf32, #tpu.memory_space<vmem>>
      %dma_start3A_2073 = tpu.memref_squeeze %dma_start3A_2072 : memref<1x128x128xf32, #tpu.memory_space<vmem>> -> memref<128x128xf32, #tpu.memory_space<vmem>>
      %dma_start3A_2074 = arith.constant 0 : i32
      %dma_start3A_2075 = arith.constant 0 : i32
      %dma_start3A_2076 = tpu.memref_slice %dma_start3A_2073[%dma_start3A_2074, %dma_start3A_2075] : memref<128x128xf32, #tpu.memory_space<vmem>> -> memref<16x128xf32, #tpu.memory_space<vmem>>
      %dma_start3A_2077 = arith.constant 9984 : i32
      %dma_start3A_2078 = arith.constant 0 : i32
      %dma_start3A_2079 = tpu.memref_slice %arg9[%dma_start3A_2077, %dma_start3A_2078] : memref<10000x128xf32, #tpu.memory_space<vmem_shared>> -> memref<16x128xf32, #tpu.memory_space<vmem_shared>>
      %dma_start3A_2080 = arith.constant 9984 : i32
      %dma_start3A_2081 = arith.constant 0 : i32
      %dma_start3A_2082 = tpu.memref_slice %arg9[%dma_start3A_2080, %dma_start3A_2081] : memref<10000x128xf32, #tpu.memory_space<vmem_shared>> -> memref<16x128xf32, #tpu.memory_space<vmem_shared>>
      %dma_start3A_2083 = arith.constant 0 : i32
      %dma_start3A_2084 = arith.constant 0 : i32
      %dma_start3A_2085 = tpu.memref_slice %arg19[%cond3A_13, %dma_start3A_2083, %dma_start3A_2084] : memref<2x128x128xf32, #tpu.memory_space<vmem>> -> memref<1x128x128xf32, #tpu.memory_space<vmem>>
      %dma_start3A_2086 = tpu.memref_squeeze %dma_start3A_2085 : memref<1x128x128xf32, #tpu.memory_space<vmem>> -> memref<128x128xf32, #tpu.memory_space<vmem>>
      %dma_start3A_2087 = arith.constant 0 : i32
      %dma_start3A_2088 = arith.constant 0 : i32
      %dma_start3A_2089 = tpu.memref_slice %dma_start3A_2086[%dma_start3A_2087, %dma_start3A_2088] : memref<128x128xf32, #tpu.memory_space<vmem>> -> memref<16x128xf32, #tpu.memory_space<vmem>>
      tpu.enqueue_dma source(%dma_start3A_2089 : memref<16x128xf32, #tpu.memory_space<vmem>>) target(%dma_start3A_2082 : memref<16x128xf32, #tpu.memory_space<vmem_shared>>) target_semaphore(%arg26 : memref<!tpu.dma_semaphore, #tpu.memory_space<semaphore_mem>>)
    } else {
    }
    %scan3A_16 = arith.constant 0 : i32
    %scan3A_17 = arith.constant 0 : i32
    %scan3A_18 = arith.constant 40 : i32
    %scan3A_19 = arith.addi %scan3A_17, %scan3A_18 : i32
    %scan3A_20 = arith.constant 1 : i32
    scf.for %scan3A_2028 = %scan3A_17 to %scan3A_19 step %scan3A_20  : i32 {
      %broadcast_in_dim3A_2029 = arith.constant 0.000000e+00 : f32
      %broadcast_in_dim3A_2030 = vector.broadcast %broadcast_in_dim3A_2029 : f32 to vector<16xf32>
      %mul3A_2031 = arith.constant 16 : i32
      %mul3A_2032 = arith.muli %scan3A_2028, %mul3A_2031 : i32
      %swap3A_2033 = arith.index_cast %mul3A_2032 : i32 to index
      %swap3A_2034 = tpu.vector_load %arg21[%swap3A_2033] {strides = array<i32>} : memref<640xf32, #tpu.memory_space<vmem>>, vector<16xf32>,
      tpu.vector_store %arg21[%swap3A_2033], %broadcast_in_dim3A_2030 {strides = array<i32>} : memref<640xf32, #tpu.memory_space<vmem>>, vector<16xf32>,
    }
    %scan3A_21 = arith.constant 40 : i32
    "tpu.region"() ({
      %run_scoped3A_2028 = tpu.sem_alloc : memref<!tpu.dma_semaphore, #tpu.memory_space<semaphore_mem>>
      %dma_start3A_2029 = tpu.memref_slice %arg10[%mul3A_2] : memref<10240xf32, #tpu.memory_space<vmem_shared>> -> memref<640xf32, #tpu.memory_space<vmem_shared>>
      %dma_start3A_2030 = tpu.memref_slice %arg10[%mul3A_2] : memref<10240xf32, #tpu.memory_space<vmem_shared>> -> memref<640xf32, #tpu.memory_space<vmem_shared>>
      tpu.enqueue_dma source(%arg21 : memref<640xf32, #tpu.memory_space<vmem>>) target(%dma_start3A_2030 : memref<640xf32, #tpu.memory_space<vmem_shared>>) target_semaphore(%run_scoped3A_2028 : memref<!tpu.dma_semaphore, #tpu.memory_space<semaphore_mem>>)
      %dma_wait3A_2031 = tpu.memref_slice %arg10[%mul3A_2] : memref<10240xf32, #tpu.memory_space<vmem_shared>> -> memref<640xf32, #tpu.memory_space<vmem_shared>>
      %dma_wait3A_2032 = tpu.memref_slice %arg10[%mul3A_2] : memref<10240xf32, #tpu.memory_space<vmem_shared>> -> memref<640xf32, #tpu.memory_space<vmem_shared>>
      tpu.wait_dma2 semaphore(%run_scoped3A_2028 : memref<!tpu.dma_semaphore, #tpu.memory_space<semaphore_mem>>) src(%arg21 : memref<640xf32, #tpu.memory_space<vmem>>) dst(%dma_wait3A_2032 : memref<640xf32, #tpu.memory_space<vmem_shared>>)
      tpu.yield
    }) : () -> ()
    %barrier3A = arith.constant 0 : index
    tpu.barrier barrier_id(%barrier3A)
    "tpu.trace_stop"() : () -> ()
    %mul3A_22 = arith.constant 16 : i32
    %mul3A_23 = arith.muli %arg0, %mul3A_22 : i32
    %add3A = arith.addi %mul3A_23, %arg1 : i32
    %mul3A_24 = arith.constant 80 : i32
    %mul3A_25 = arith.muli %add3A, %mul3A_24 : i32
    %sub3A = arith.constant 1 : i32
    %sub3A_26 = arith.subi %sub3A, %arg0 : i32
    %mul3A_27 = arith.constant 16 : i32
    %mul3A_28 = arith.muli %sub3A_26, %mul3A_27 : i32
    %add3A_29 = arith.addi %mul3A_28, %arg1 : i32
    %mul3A_30 = arith.constant 80 : i32
    %mul3A_31 = arith.muli %add3A_29, %mul3A_30 : i32
    %mul3A_32 = arith.constant 128 : i32
    %mul3A_33 = arith.muli %mul3A_25, %mul3A_32 : i32
    %run_scoped3A = arith.constant 0 : i32
    "tpu.trace_start"() <{level = 10 : i32, message = "ph_deg"}> : () -> ()
    "tpu.region"() ({
      %run_scoped3A_2028 = tpu.sem_alloc : memref<!tpu.dma_semaphore, #tpu.memory_space<semaphore_mem>>
      %dma_start3A_2029 = arith.constant 0 : i32
      %dma_start3A_2030 = arith.constant 0 : i32
      %dma_start3A_2031 = tpu.memref_slice %arg13[%run_scoped3A, %dma_start3A_2029, %dma_start3A_2030] : memref<2x8x128xi32, #tpu.memory_space<vmem>> -> memref<1x8x128xi32, #tpu.memory_space<vmem>>
      %dma_start3A_2032 = tpu.memref_squeeze %dma_start3A_2031 : memref<1x8x128xi32, #tpu.memory_space<vmem>> -> memref<8x128xi32, #tpu.memory_space<vmem>>
      %dma_start3A_2033 = arith.constant 0 : i32
      %dma_start3A_2034 = tpu.memref_slice %arg5[%mul3A_25, %dma_start3A_2033] : memref<2560x128xi32, #tpu.memory_space<hbm>> -> memref<8x128xi32, #tpu.memory_space<hbm>>
      %dma_start3A_2035 = arith.constant 0 : i32
      %dma_start3A_2036 = arith.constant 0 : i32
      %dma_start3A_2037 = tpu.memref_slice %arg13[%run_scoped3A, %dma_start3A_2035, %dma_start3A_2036] : memref<2x8x128xi32, #tpu.memory_space<vmem>> -> memref<1x8x128xi32, #tpu.memory_space<vmem>>
      %dma_start3A_2038 = tpu.memref_squeeze %dma_start3A_2037 : memref<1x8x128xi32, #tpu.memory_space<vmem>> -> memref<8x128xi32, #tpu.memory_space<vmem>>
      %dma_start3A_2039 = arith.constant 0 : i32
      %dma_start3A_2040 = tpu.memref_slice %arg5[%mul3A_25, %dma_start3A_2039] : memref<2560x128xi32, #tpu.memory_space<hbm>> -> memref<8x128xi32, #tpu.memory_space<hbm>>
      tpu.enqueue_dma source(%dma_start3A_2040 : memref<8x128xi32, #tpu.memory_space<hbm>>) target(%dma_start3A_2038 : memref<8x128xi32, #tpu.memory_space<vmem>>) target_semaphore(%run_scoped3A_2028 : memref<!tpu.dma_semaphore, #tpu.memory_space<semaphore_mem>>)
      %dma_wait3A_2041 = arith.constant 0 : i32
      %dma_wait3A_2042 = arith.constant 0 : i32
      %dma_wait3A_2043 = tpu.memref_slice %arg13[%run_scoped3A, %dma_wait3A_2041, %dma_wait3A_2042] : memref<2x8x128xi32, #tpu.memory_space<vmem>> -> memref<1x8x128xi32, #tpu.memory_space<vmem>>
      %dma_wait3A_2044 = tpu.memref_squeeze %dma_wait3A_2043 : memref<1x8x128xi32, #tpu.memory_space<vmem>> -> memref<8x128xi32, #tpu.memory_space<vmem>>
      %dma_wait3A_2045 = arith.constant 0 : i32
      %dma_wait3A_2046 = tpu.memref_slice %arg5[%mul3A_25, %dma_wait3A_2045] : memref<2560x128xi32, #tpu.memory_space<hbm>> -> memref<8x128xi32, #tpu.memory_space<hbm>>
      %dma_wait3A_2047 = arith.constant 0 : i32
      %dma_wait3A_2048 = arith.constant 0 : i32
      %dma_wait3A_2049 = tpu.memref_slice %arg13[%run_scoped3A, %dma_wait3A_2047, %dma_wait3A_2048] : memref<2x8x128xi32, #tpu.memory_space<vmem>> -> memref<1x8x128xi32, #tpu.memory_space<vmem>>
      %dma_wait3A_2050 = tpu.memref_squeeze %dma_wait3A_2049 : memref<1x8x128xi32, #tpu.memory_space<vmem>> -> memref<8x128xi32, #tpu.memory_space<vmem>>
      %dma_wait3A_2051 = arith.constant 0 : i32
      %dma_wait3A_2052 = tpu.memref_slice %arg5[%mul3A_25, %dma_wait3A_2051] : memref<2560x128xi32, #tpu.memory_space<hbm>> -> memref<8x128xi32, #tpu.memory_space<hbm>>
      tpu.wait_dma2 semaphore(%run_scoped3A_2028 : memref<!tpu.dma_semaphore, #tpu.memory_space<semaphore_mem>>) src(%dma_wait3A_2052 : memref<8x128xi32, #tpu.memory_space<hbm>>) dst(%dma_wait3A_2050 : memref<8x128xi32, #tpu.memory_space<vmem>>)
      tpu.yield
    }) : () -> ()
    %run_scoped3A_34 = arith.constant 0 : i32
    "tpu.region"() ({
      %run_scoped3A_2028 = tpu.sem_alloc : memref<!tpu.dma_semaphore, #tpu.memory_space<semaphore_mem>>
      %dma_start3A_2029 = arith.constant 0 : i32
      %dma_start3A_2030 = arith.constant 0 : i32
      %dma_start3A_2031 = tpu.memref_slice %arg14[%run_scoped3A_34, %dma_start3A_2029, %dma_start3A_2030] : memref<2x8x128xf32, #tpu.memory_space<vmem>> -> memref<1x8x128xf32, #tpu.memory_space<vmem>>
      %dma_start3A_2032 = tpu.memref_squeeze %dma_start3A_2031 : memref<1x8x128xf32, #tpu.memory_space<vmem>> -> memref<8x128xf32, #tpu.memory_space<vmem>>
      %dma_start3A_2033 = arith.constant 0 : i32
      %dma_start3A_2034 = tpu.memref_slice %arg6[%mul3A_25, %dma_start3A_2033] : memref<2560x128xf32, #tpu.memory_space<hbm>> -> memref<8x128xf32, #tpu.memory_space<hbm>>
      %dma_start3A_2035 = arith.constant 0 : i32
      %dma_start3A_2036 = arith.constant 0 : i32
      %dma_start3A_2037 = tpu.memref_slice %arg14[%run_scoped3A_34, %dma_start3A_2035, %dma_start3A_2036] : memref<2x8x128xf32, #tpu.memory_space<vmem>> -> memref<1x8x128xf32, #tpu.memory_space<vmem>>
      %dma_start3A_2038 = tpu.memref_squeeze %dma_start3A_2037 : memref<1x8x128xf32, #tpu.memory_space<vmem>> -> memref<8x128xf32, #tpu.memory_space<vmem>>
      %dma_start3A_2039 = arith.constant 0 : i32
      %dma_start3A_2040 = tpu.memref_slice %arg6[%mul3A_25, %dma_start3A_2039] : memref<2560x128xf32, #tpu.memory_space<hbm>> -> memref<8x128xf32, #tpu.memory_space<hbm>>
      tpu.enqueue_dma source(%dma_start3A_2040 : memref<8x128xf32, #tpu.memory_space<hbm>>) target(%dma_start3A_2038 : memref<8x128xf32, #tpu.memory_space<vmem>>) target_semaphore(%run_scoped3A_2028 : memref<!tpu.dma_semaphore, #tpu.memory_space<semaphore_mem>>)
      %dma_wait3A_2041 = arith.constant 0 : i32
      %dma_wait3A_2042 = arith.constant 0 : i32
      %dma_wait3A_2043 = tpu.memref_slice %arg14[%run_scoped3A_34, %dma_wait3A_2041, %dma_wait3A_2042] : memref<2x8x128xf32, #tpu.memory_space<vmem>> -> memref<1x8x128xf32, #tpu.memory_space<vmem>>
      %dma_wait3A_2044 = tpu.memref_squeeze %dma_wait3A_2043 : memref<1x8x128xf32, #tpu.memory_space<vmem>> -> memref<8x128xf32, #tpu.memory_space<vmem>>
      %dma_wait3A_2045 = arith.constant 0 : i32
      %dma_wait3A_2046 = tpu.memref_slice %arg6[%mul3A_25, %dma_wait3A_2045] : memref<2560x128xf32, #tpu.memory_space<hbm>> -> memref<8x128xf32, #tpu.memory_space<hbm>>
      %dma_wait3A_2047 = arith.constant 0 : i32
      %dma_wait3A_2048 = arith.constant 0 : i32
      %dma_wait3A_2049 = tpu.memref_slice %arg14[%run_scoped3A_34, %dma_wait3A_2047, %dma_wait3A_2048] : memref<2x8x128xf32, #tpu.memory_space<vmem>> -> memref<1x8x128xf32, #tpu.memory_space<vmem>>
      %dma_wait3A_2050 = tpu.memref_squeeze %dma_wait3A_2049 : memref<1x8x128xf32, #tpu.memory_space<vmem>> -> memref<8x128xf32, #tpu.memory_space<vmem>>
      %dma_wait3A_2051 = arith.constant 0 : i32
      %dma_wait3A_2052 = tpu.memref_slice %arg6[%mul3A_25, %dma_wait3A_2051] : memref<2560x128xf32, #tpu.memory_space<hbm>> -> memref<8x128xf32, #tpu.memory_space<hbm>>
      tpu.wait_dma2 semaphore(%run_scoped3A_2028 : memref<!tpu.dma_semaphore, #tpu.memory_space<semaphore_mem>>) src(%dma_wait3A_2052 : memref<8x128xf32, #tpu.memory_space<hbm>>) dst(%dma_wait3A_2050 : memref<8x128xf32, #tpu.memory_space<vmem>>)
      tpu.yield
    }) : () -> ()
    %scan3A_35 = arith.constant 0 : i32
    %scan3A_36 = arith.constant 0 : i32
    %scan3A_37 = arith.constant 20 : i32
    %scan3A_38 = arith.addi %scan3A_36, %scan3A_37 : i32
    %scan3A_39 = arith.constant 1 : i32
    scf.for %scan3A_2028 = %scan3A_36 to %scan3A_38 step %scan3A_39  : i32 {
      %jit3A_2029 = arith.constant 2 : i32
      %eq3A_2030 = arith.constant 0 : i32
      %eq3A_2031 = arith.cmpi eq, %jit3A_2029, %eq3A_2030 : i32
      %jit3A_2032 = arith.constant 1 : i32
      %select_n3A_2033 = arith.select %eq3A_2031, %jit3A_2032, %jit3A_2029 : i32
      %rem3A = arith.remsi %scan3A_2028, %select_n3A_2033 : i32
      %ne3A = arith.constant 0 : i32
      %ne3A_2034 = arith.cmpi ne, %rem3A, %ne3A : i32
      %lt3A_2035 = arith.constant 0 : i32
      %lt3A_2036 = arith.cmpi slt, %rem3A, %lt3A_2035 : i32
      %lt3A_2037 = arith.constant 0 : i32
      %lt3A_2038 = arith.cmpi slt, %select_n3A_2033, %lt3A_2037 : i32
      %ne3A_2039 = arith.xori %lt3A_2036, %lt3A_2038 : i1
      %and3A = arith.andi %ne3A_2039, %ne3A_2034 : i1
      %add3A_2040 = arith.addi %rem3A, %select_n3A_2033 : i32
      %select_n3A_2041 = arith.select %and3A, %add3A_2040, %rem3A : i32
      %sub3A_2042 = arith.constant 1 : i32
      %sub3A_2043 = arith.subi %sub3A_2042, %select_n3A_2041 : i32
      %gt3A_2044 = arith.constant 0 : i32
      %gt3A_2045 = arith.cmpi sgt, %scan3A_2028, %gt3A_2044 : i32
      %convert_element_type3A_2046 = arith.extui %gt3A_2045 : i1 to i32
      %cond3A_2047 = arith.constant 0 : i32
      %cond3A_2048 = arith.cmpi ne, %convert_element_type3A_2046, %cond3A_2047 : i32
      scf.if %cond3A_2048 {
        %dma_wait3A_2134 = arith.constant 0 : i32
        %dma_wait3A_2135 = arith.constant 0 : i32
        %dma_wait3A_2136 = arith.constant 0 : i32
        %dma_wait3A_2137 = tpu.memref_slice %arg14[%sub3A_2043, %dma_wait3A_2134, %dma_wait3A_2136] : memref<2x8x128xf32, #tpu.memory_space<vmem>> -> memref<1x1x128xf32, #tpu.memory_space<vmem>>
        %dma_wait3A_2138 = tpu.memref_squeeze %dma_wait3A_2137 : memref<1x1x128xf32, #tpu.memory_space<vmem>> -> memref<128xf32, #tpu.memory_space<vmem>>
        %dma_wait3A_2139 = arith.constant 0 : i32
        %dma_wait3A_2140 = tpu.memref_slice %arg13[%sub3A_2043, %dma_wait3A_2135, %dma_wait3A_2139] : memref<2x8x128xi32, #tpu.memory_space<vmem>> -> memref<1x1x128xi32, #tpu.memory_space<vmem>>
        %dma_wait3A_2141 = tpu.memref_squeeze %dma_wait3A_2140 : memref<1x1x128xi32, #tpu.memory_space<vmem>> -> memref<128xi32, #tpu.memory_space<vmem>>
        %dma_wait3A_2142 = arith.constant 0 : i32
        %dma_wait3A_2143 = tpu.memref_slice %arg10[%dma_wait3A_2142] : memref<10240xf32, #tpu.memory_space<vmem_shared>> -> memref<10240xf32, #tpu.memory_space<vmem_shared>>
        tpu.wait_indirect_dma semaphore(%arg25 : memref<!tpu.dma_semaphore, #tpu.memory_space<semaphore_mem>>) src(%dma_wait3A_2138 : memref<128xf32, #tpu.memory_space<vmem>>) dst(%dma_wait3A_2143 : memref<10240xf32, #tpu.memory_space<vmem_shared>>)
        %dma_wait3A_2144 = arith.constant 1 : i32
        %dma_wait3A_2145 = arith.constant 1 : i32
        %dma_wait3A_2146 = arith.constant 0 : i32
        %dma_wait3A_2147 = tpu.memref_slice %arg14[%sub3A_2043, %dma_wait3A_2144, %dma_wait3A_2146] : memref<2x8x128xf32, #tpu.memory_space<vmem>> -> memref<1x1x128xf32, #tpu.memory_space<vmem>>
        %dma_wait3A_2148 = tpu.memref_squeeze %dma_wait3A_2147 : memref<1x1x128xf32, #tpu.memory_space<vmem>> -> memref<128xf32, #tpu.memory_space<vmem>>
        %dma_wait3A_2149 = arith.constant 0 : i32
        %dma_wait3A_2150 = tpu.memref_slice %arg13[%sub3A_2043, %dma_wait3A_2145, %dma_wait3A_2149] : memref<2x8x128xi32, #tpu.memory_space<vmem>> -> memref<1x1x128xi32, #tpu.memory_space<vmem>>
        %dma_wait3A_2151 = tpu.memref_squeeze %dma_wait3A_2150 : memref<1x1x128xi32, #tpu.memory_space<vmem>> -> memref<128xi32, #tpu.memory_space<vmem>>
        %dma_wait3A_2152 = arith.constant 0 : i32
        %dma_wait3A_2153 = tpu.memref_slice %arg10[%dma_wait3A_2152] : memref<10240xf32, #tpu.memory_space<vmem_shared>> -> memref<10240xf32, #tpu.memory_space<vmem_shared>>
        tpu.wait_indirect_dma semaphore(%arg25 : memref<!tpu.dma_semaphore, #tpu.memory_space<semaphore_mem>>) src(%dma_wait3A_2148 : memref<128xf32, #tpu.memory_space<vmem>>) dst(%dma_wait3A_2153 : memref<10240xf32, #tpu.memory_space<vmem_shared>>)
        %dma_wait3A_2154 = arith.constant 2 : i32
        %dma_wait3A_2155 = arith.constant 2 : i32
        %dma_wait3A_2156 = arith.constant 0 : i32
        %dma_wait3A_2157 = tpu.memref_slice %arg14[%sub3A_2043, %dma_wait3A_2154, %dma_wait3A_2156] : memref<2x8x128xf32, #tpu.memory_space<vmem>> -> memref<1x1x128xf32, #tpu.memory_space<vmem>>
        %dma_wait3A_2158 = tpu.memref_squeeze %dma_wait3A_2157 : memref<1x1x128xf32, #tpu.memory_space<vmem>> -> memref<128xf32, #tpu.memory_space<vmem>>
        %dma_wait3A_2159 = arith.constant 0 : i32
        %dma_wait3A_2160 = tpu.memref_slice %arg13[%sub3A_2043, %dma_wait3A_2155, %dma_wait3A_2159] : memref<2x8x128xi32, #tpu.memory_space<vmem>> -> memref<1x1x128xi32, #tpu.memory_space<vmem>>
        %dma_wait3A_2161 = tpu.memref_squeeze %dma_wait3A_2160 : memref<1x1x128xi32, #tpu.memory_space<vmem>> -> memref<128xi32, #tpu.memory_space<vmem>>
        %dma_wait3A_2162 = arith.constant 0 : i32
        %dma_wait3A_2163 = tpu.memref_slice %arg10[%dma_wait3A_2162] : memref<10240xf32, #tpu.memory_space<vmem_shared>> -> memref<10240xf32, #tpu.memory_space<vmem_shared>>
        tpu.wait_indirect_dma semaphore(%arg25 : memref<!tpu.dma_semaphore, #tpu.memory_space<semaphore_mem>>) src(%dma_wait3A_2158 : memref<128xf32, #tpu.memory_space<vmem>>) dst(%dma_wait3A_2163 : memref<10240xf32, #tpu.memory_space<vmem_shared>>)
        %dma_wait3A_2164 = arith.constant 3 : i32
        %dma_wait3A_2165 = arith.constant 3 : i32
        %dma_wait3A_2166 = arith.constant 0 : i32
        %dma_wait3A_2167 = tpu.memref_slice %arg14[%sub3A_2043, %dma_wait3A_2164, %dma_wait3A_2166] : memref<2x8x128xf32, #tpu.memory_space<vmem>> -> memref<1x1x128xf32, #tpu.memory_space<vmem>>
        %dma_wait3A_2168 = tpu.memref_squeeze %dma_wait3A_2167 : memref<1x1x128xf32, #tpu.memory_space<vmem>> -> memref<128xf32, #tpu.memory_space<vmem>>
        %dma_wait3A_2169 = arith.constant 0 : i32
        %dma_wait3A_2170 = tpu.memref_slice %arg13[%sub3A_2043, %dma_wait3A_2165, %dma_wait3A_2169] : memref<2x8x128xi32, #tpu.memory_space<vmem>> -> memref<1x1x128xi32, #tpu.memory_space<vmem>>
        %dma_wait3A_2171 = tpu.memref_squeeze %dma_wait3A_2170 : memref<1x1x128xi32, #tpu.memory_space<vmem>> -> memref<128xi32, #tpu.memory_space<vmem>>
        %dma_wait3A_2172 = arith.constant 0 : i32
        %dma_wait3A_2173 = tpu.memref_slice %arg10[%dma_wait3A_2172] : memref<10240xf32, #tpu.memory_space<vmem_shared>> -> memref<10240xf32, #tpu.memory_space<vmem_shared>>
        tpu.wait_indirect_dma semaphore(%arg25 : memref<!tpu.dma_semaphore, #tpu.memory_space<semaphore_mem>>) src(%dma_wait3A_2168 : memref<128xf32, #tpu.memory_space<vmem>>) dst(%dma_wait3A_2173 : memref<10240xf32, #tpu.memory_space<vmem_shared>>)
        %dma_wait3A_2174 = arith.constant 4 : i32
        %dma_wait3A_2175 = arith.constant 4 : i32
        %dma_wait3A_2176 = arith.constant 0 : i32
        %dma_wait3A_2177 = tpu.memref_slice %arg14[%sub3A_2043, %dma_wait3A_2174, %dma_wait3A_2176] : memref<2x8x128xf32, #tpu.memory_space<vmem>> -> memref<1x1x128xf32, #tpu.memory_space<vmem>>
        %dma_wait3A_2178 = tpu.memref_squeeze %dma_wait3A_2177 : memref<1x1x128xf32, #tpu.memory_space<vmem>> -> memref<128xf32, #tpu.memory_space<vmem>>
        %dma_wait3A_2179 = arith.constant 0 : i32
        %dma_wait3A_2180 = tpu.memref_slice %arg13[%sub3A_2043, %dma_wait3A_2175, %dma_wait3A_2179] : memref<2x8x128xi32, #tpu.memory_space<vmem>> -> memref<1x1x128xi32, #tpu.memory_space<vmem>>
        %dma_wait3A_2181 = tpu.memref_squeeze %dma_wait3A_2180 : memref<1x1x128xi32, #tpu.memory_space<vmem>> -> memref<128xi32, #tpu.memory_space<vmem>>
        %dma_wait3A_2182 = arith.constant 0 : i32
        %dma_wait3A_2183 = tpu.memref_slice %arg10[%dma_wait3A_2182] : memref<10240xf32, #tpu.memory_space<vmem_shared>> -> memref<10240xf32, #tpu.memory_space<vmem_shared>>
        tpu.wait_indirect_dma semaphore(%arg25 : memref<!tpu.dma_semaphore, #tpu.memory_space<semaphore_mem>>) src(%dma_wait3A_2178 : memref<128xf32, #tpu.memory_space<vmem>>) dst(%dma_wait3A_2183 : memref<10240xf32, #tpu.memory_space<vmem_shared>>)
        %dma_wait3A_2184 = arith.constant 5 : i32
        %dma_wait3A_2185 = arith.constant 5 : i32
        %dma_wait3A_2186 = arith.constant 0 : i32
        %dma_wait3A_2187 = tpu.memref_slice %arg14[%sub3A_2043, %dma_wait3A_2184, %dma_wait3A_2186] : memref<2x8x128xf32, #tpu.memory_space<vmem>> -> memref<1x1x128xf32, #tpu.memory_space<vmem>>
        %dma_wait3A_2188 = tpu.memref_squeeze %dma_wait3A_2187 : memref<1x1x128xf32, #tpu.memory_space<vmem>> -> memref<128xf32, #tpu.memory_space<vmem>>
        %dma_wait3A_2189 = arith.constant 0 : i32
        %dma_wait3A_2190 = tpu.memref_slice %arg13[%sub3A_2043, %dma_wait3A_2185, %dma_wait3A_2189] : memref<2x8x128xi32, #tpu.memory_space<vmem>> -> memref<1x1x128xi32, #tpu.memory_space<vmem>>
        %dma_wait3A_2191 = tpu.memref_squeeze %dma_wait3A_2190 : memref<1x1x128xi32, #tpu.memory_space<vmem>> -> memref<128xi32, #tpu.memory_space<vmem>>
        %dma_wait3A_2192 = arith.constant 0 : i32
        %dma_wait3A_2193 = tpu.memref_slice %arg10[%dma_wait3A_2192] : memref<10240xf32, #tpu.memory_space<vmem_shared>> -> memref<10240xf32, #tpu.memory_space<vmem_shared>>
        tpu.wait_indirect_dma semaphore(%arg25 : memref<!tpu.dma_semaphore, #tpu.memory_space<semaphore_mem>>) src(%dma_wait3A_2188 : memref<128xf32, #tpu.memory_space<vmem>>) dst(%dma_wait3A_2193 : memref<10240xf32, #tpu.memory_space<vmem_shared>>)
        %dma_wait3A_2194 = arith.constant 6 : i32
        %dma_wait3A_2195 = arith.constant 6 : i32
        %dma_wait3A_2196 = arith.constant 0 : i32
        %dma_wait3A_2197 = tpu.memref_slice %arg14[%sub3A_2043, %dma_wait3A_2194, %dma_wait3A_2196] : memref<2x8x128xf32, #tpu.memory_space<vmem>> -> memref<1x1x128xf32, #tpu.memory_space<vmem>>
        %dma_wait3A_2198 = tpu.memref_squeeze %dma_wait3A_2197 : memref<1x1x128xf32, #tpu.memory_space<vmem>> -> memref<128xf32, #tpu.memory_space<vmem>>
        %dma_wait3A_2199 = arith.constant 0 : i32
        %dma_wait3A_2200 = tpu.memref_slice %arg13[%sub3A_2043, %dma_wait3A_2195, %dma_wait3A_2199] : memref<2x8x128xi32, #tpu.memory_space<vmem>> -> memref<1x1x128xi32, #tpu.memory_space<vmem>>
        %dma_wait3A_2201 = tpu.memref_squeeze %dma_wait3A_2200 : memref<1x1x128xi32, #tpu.memory_space<vmem>> -> memref<128xi32, #tpu.memory_space<vmem>>
        %dma_wait3A_2202 = arith.constant 0 : i32
        %dma_wait3A_2203 = tpu.memref_slice %arg10[%dma_wait3A_2202] : memref<10240xf32, #tpu.memory_space<vmem_shared>> -> memref<10240xf32, #tpu.memory_space<vmem_shared>>
        tpu.wait_indirect_dma semaphore(%arg25 : memref<!tpu.dma_semaphore, #tpu.memory_space<semaphore_mem>>) src(%dma_wait3A_2198 : memref<128xf32, #tpu.memory_space<vmem>>) dst(%dma_wait3A_2203 : memref<10240xf32, #tpu.memory_space<vmem_shared>>)
        %dma_wait3A_2204 = arith.constant 7 : i32
        %dma_wait3A_2205 = arith.constant 7 : i32
        %dma_wait3A_2206 = arith.constant 0 : i32
        %dma_wait3A_2207 = tpu.memref_slice %arg14[%sub3A_2043, %dma_wait3A_2204, %dma_wait3A_2206] : memref<2x8x128xf32, #tpu.memory_space<vmem>> -> memref<1x1x128xf32, #tpu.memory_space<vmem>>
        %dma_wait3A_2208 = tpu.memref_squeeze %dma_wait3A_2207 : memref<1x1x128xf32, #tpu.memory_space<vmem>> -> memref<128xf32, #tpu.memory_space<vmem>>
        %dma_wait3A_2209 = arith.constant 0 : i32
        %dma_wait3A_2210 = tpu.memref_slice %arg13[%sub3A_2043, %dma_wait3A_2205, %dma_wait3A_2209] : memref<2x8x128xi32, #tpu.memory_space<vmem>> -> memref<1x1x128xi32, #tpu.memory_space<vmem>>
        %dma_wait3A_2211 = tpu.memref_squeeze %dma_wait3A_2210 : memref<1x1x128xi32, #tpu.memory_space<vmem>> -> memref<128xi32, #tpu.memory_space<vmem>>
        %dma_wait3A_2212 = arith.constant 0 : i32
        %dma_wait3A_2213 = tpu.memref_slice %arg10[%dma_wait3A_2212] : memref<10240xf32, #tpu.memory_space<vmem_shared>> -> memref<10240xf32, #tpu.memory_space<vmem_shared>>
        tpu.wait_indirect_dma semaphore(%arg25 : memref<!tpu.dma_semaphore, #tpu.memory_space<semaphore_mem>>) src(%dma_wait3A_2208 : memref<128xf32, #tpu.memory_space<vmem>>) dst(%dma_wait3A_2213 : memref<10240xf32, #tpu.memory_space<vmem_shared>>)
        %dma_wait3A_2214 = arith.constant 0 : i32
        %dma_wait3A_2215 = arith.constant 0 : i32
        %dma_wait3A_2216 = tpu.memref_slice %arg13[%select_n3A_2041, %dma_wait3A_2214, %dma_wait3A_2215] : memref<2x8x128xi32, #tpu.memory_space<vmem>> -> memref<1x8x128xi32, #tpu.memory_space<vmem>>
        %dma_wait3A_2217 = tpu.memref_squeeze %dma_wait3A_2216 : memref<1x8x128xi32, #tpu.memory_space<vmem>> -> memref<8x128xi32, #tpu.memory_space<vmem>>
        %dma_wait3A_2218 = arith.constant 0 : i32
        %dma_wait3A_2219 = arith.constant 0 : i32
        %dma_wait3A_2220 = tpu.memref_slice %arg5[%dma_wait3A_2218, %dma_wait3A_2219] : memref<2560x128xi32, #tpu.memory_space<hbm>> -> memref<8x128xi32, #tpu.memory_space<hbm>>
        %dma_wait3A_2221 = arith.constant 0 : i32
        %dma_wait3A_2222 = arith.constant 0 : i32
        %dma_wait3A_2223 = tpu.memref_slice %arg13[%select_n3A_2041, %dma_wait3A_2221, %dma_wait3A_2222] : memref<2x8x128xi32, #tpu.memory_space<vmem>> -> memref<1x8x128xi32, #tpu.memory_space<vmem>>
        %dma_wait3A_2224 = tpu.memref_squeeze %dma_wait3A_2223 : memref<1x8x128xi32, #tpu.memory_space<vmem>> -> memref<8x128xi32, #tpu.memory_space<vmem>>
        %dma_wait3A_2225 = arith.constant 0 : i32
        %dma_wait3A_2226 = arith.constant 0 : i32
        %dma_wait3A_2227 = tpu.memref_slice %arg5[%dma_wait3A_2225, %dma_wait3A_2226] : memref<2560x128xi32, #tpu.memory_space<hbm>> -> memref<8x128xi32, #tpu.memory_space<hbm>>
        tpu.wait_dma2 semaphore(%arg24 : memref<!tpu.dma_semaphore, #tpu.memory_space<semaphore_mem>>) src(%dma_wait3A_2227 : memref<8x128xi32, #tpu.memory_space<hbm>>) dst(%dma_wait3A_2224 : memref<8x128xi32, #tpu.memory_space<vmem>>)
        %dma_wait3A_2228 = arith.constant 0 : i32
        %dma_wait3A_2229 = arith.constant 0 : i32
        %dma_wait3A_2230 = tpu.memref_slice %arg14[%select_n3A_2041, %dma_wait3A_2228, %dma_wait3A_2229] : memref<2x8x128xf32, #tpu.memory_space<vmem>> -> memref<1x8x128xf32, #tpu.memory_space<vmem>>
        %dma_wait3A_2231 = tpu.memref_squeeze %dma_wait3A_2230 : memref<1x8x128xf32, #tpu.memory_space<vmem>> -> memref<8x128xf32, #tpu.memory_space<vmem>>
        %dma_wait3A_2232 = arith.constant 0 : i32
        %dma_wait3A_2233 = arith.constant 0 : i32
        %dma_wait3A_2234 = tpu.memref_slice %arg6[%dma_wait3A_2232, %dma_wait3A_2233] : memref<2560x128xf32, #tpu.memory_space<hbm>> -> memref<8x128xf32, #tpu.memory_space<hbm>>
        %dma_wait3A_2235 = arith.constant 0 : i32
        %dma_wait3A_2236 = arith.constant 0 : i32
        %dma_wait3A_2237 = tpu.memref_slice %arg14[%select_n3A_2041, %dma_wait3A_2235, %dma_wait3A_2236] : memref<2x8x128xf32, #tpu.memory_space<vmem>> -> memref<1x8x128xf32, #tpu.memory_space<vmem>>
        %dma_wait3A_2238 = tpu.memref_squeeze %dma_wait3A_2237 : memref<1x8x128xf32, #tpu.memory_space<vmem>> -> memref<8x128xf32, #tpu.memory_space<vmem>>
        %dma_wait3A_2239 = arith.constant 0 : i32
        %dma_wait3A_2240 = arith.constant 0 : i32
        %dma_wait3A_2241 = tpu.memref_slice %arg6[%dma_wait3A_2239, %dma_wait3A_2240] : memref<2560x128xf32, #tpu.memory_space<hbm>> -> memref<8x128xf32, #tpu.memory_space<hbm>>
        tpu.wait_dma2 semaphore(%arg24 : memref<!tpu.dma_semaphore, #tpu.memory_space<semaphore_mem>>) src(%dma_wait3A_2241 : memref<8x128xf32, #tpu.memory_space<hbm>>) dst(%dma_wait3A_2238 : memref<8x128xf32, #tpu.memory_space<vmem>>)
      } else {
      }
      %lt3A_2049 = arith.constant 19 : i32
      %lt3A_2050 = arith.cmpi slt, %scan3A_2028, %lt3A_2049 : i32
      %convert_element_type3A_2051 = arith.extui %lt3A_2050 : i1 to i32
      %cond3A_2052 = arith.constant 0 : i32
      %cond3A_2053 = arith.cmpi ne, %convert_element_type3A_2051, %cond3A_2052 : i32
      scf.if %cond3A_2053 {
        %add3A_2134 = arith.constant 1 : i32
        %add3A_2135 = arith.addi %scan3A_2028, %add3A_2134 : i32
        %jit3A_2136 = arith.constant 10 : i32
        %div3A = arith.divsi %add3A_2135, %jit3A_2136 : i32
        %sign3A = arith.constant 0 : i32
        %sign3A_2137 = arith.cmpi sgt, %add3A_2135, %sign3A : i32
        %sign3A_2138 = arith.extui %sign3A_2137 : i1 to i32
        %sign3A_2139 = arith.constant 0 : i32
        %sign3A_2140 = arith.cmpi slt, %add3A_2135, %sign3A_2139 : i32
        %sign3A_2141 = arith.extui %sign3A_2140 : i1 to i32
        %sign3A_2142 = arith.subi %sign3A_2138, %sign3A_2141 : i32
        %sign3A_2143 = arith.constant 0 : i32
        %sign3A_2144 = arith.cmpi sgt, %jit3A_2136, %sign3A_2143 : i32
        %sign3A_2145 = arith.extui %sign3A_2144 : i1 to i32
        %sign3A_2146 = arith.constant 0 : i32
        %sign3A_2147 = arith.cmpi slt, %jit3A_2136, %sign3A_2146 : i32
        %sign3A_2148 = arith.extui %sign3A_2147 : i1 to i32
        %sign3A_2149 = arith.subi %sign3A_2145, %sign3A_2148 : i32
        %ne3A_2150 = arith.cmpi ne, %sign3A_2142, %sign3A_2149 : i32
        %rem3A_2151 = arith.remsi %add3A_2135, %jit3A_2136 : i32
        %ne3A_2152 = arith.constant 0 : i32
        %ne3A_2153 = arith.cmpi ne, %rem3A_2151, %ne3A_2152 : i32
        %and3A_2154 = arith.andi %ne3A_2150, %ne3A_2153 : i1
        %sub3A_2155 = arith.constant 1 : i32
        %sub3A_2156 = arith.subi %div3A, %sub3A_2155 : i32
        %select_n3A_2157 = arith.select %and3A_2154, %sub3A_2156, %div3A : i32
        %mul3A_2158 = arith.constant 10 : i32
        %mul3A_2159 = arith.muli %select_n3A_2157, %mul3A_2158 : i32
        %sub3A_2160 = arith.subi %add3A_2135, %mul3A_2159 : i32
        %sub3A_2161 = arith.constant 1 : i32
        %sub3A_2162 = arith.subi %sub3A_2161, %select_n3A_2157 : i32
        %mul3A_2163 = arith.muli %mul3A_25, %sub3A_2162 : i32
        %mul3A_2164 = arith.muli %mul3A_31, %select_n3A_2157 : i32
        %add3A_2165 = arith.addi %mul3A_2163, %mul3A_2164 : i32
        %mul3A_2166 = arith.constant 8 : i32
        %mul3A_2167 = arith.muli %sub3A_2160, %mul3A_2166 : i32
        %add3A_2168 = arith.addi %add3A_2165, %mul3A_2167 : i32
        %dma_start3A_2169 = arith.constant 0 : i32
        %dma_start3A_2170 = arith.constant 0 : i32
        %dma_start3A_2171 = tpu.memref_slice %arg13[%sub3A_2043, %dma_start3A_2169, %dma_start3A_2170] : memref<2x8x128xi32, #tpu.memory_space<vmem>> -> memref<1x8x128xi32, #tpu.memory_space<vmem>>
        %dma_start3A_2172 = tpu.memref_squeeze %dma_start3A_2171 : memref<1x8x128xi32, #tpu.memory_space<vmem>> -> memref<8x128xi32, #tpu.memory_space<vmem>>
        %dma_start3A_2173 = arith.constant 0 : i32
        %dma_start3A_2174 = tpu.memref_slice %arg5[%add3A_2168, %dma_start3A_2173] : memref<2560x128xi32, #tpu.memory_space<hbm>> -> memref<8x128xi32, #tpu.memory_space<hbm>>
        %dma_start3A_2175 = arith.constant 0 : i32
        %dma_start3A_2176 = arith.constant 0 : i32
        %dma_start3A_2177 = tpu.memref_slice %arg13[%sub3A_2043, %dma_start3A_2175, %dma_start3A_2176] : memref<2x8x128xi32, #tpu.memory_space<vmem>> -> memref<1x8x128xi32, #tpu.memory_space<vmem>>
        %dma_start3A_2178 = tpu.memref_squeeze %dma_start3A_2177 : memref<1x8x128xi32, #tpu.memory_space<vmem>> -> memref<8x128xi32, #tpu.memory_space<vmem>>
        %dma_start3A_2179 = arith.constant 0 : i32
        %dma_start3A_2180 = tpu.memref_slice %arg5[%add3A_2168, %dma_start3A_2179] : memref<2560x128xi32, #tpu.memory_space<hbm>> -> memref<8x128xi32, #tpu.memory_space<hbm>>
        tpu.enqueue_dma source(%dma_start3A_2180 : memref<8x128xi32, #tpu.memory_space<hbm>>) target(%dma_start3A_2178 : memref<8x128xi32, #tpu.memory_space<vmem>>) target_semaphore(%arg24 : memref<!tpu.dma_semaphore, #tpu.memory_space<semaphore_mem>>)
        %dma_start3A_2181 = arith.constant 0 : i32
        %dma_start3A_2182 = arith.constant 0 : i32
        %dma_start3A_2183 = tpu.memref_slice %arg14[%sub3A_2043, %dma_start3A_2181, %dma_start3A_2182] : memref<2x8x128xf32, #tpu.memory_space<vmem>> -> memref<1x8x128xf32, #tpu.memory_space<vmem>>
        %dma_start3A_2184 = tpu.memref_squeeze %dma_start3A_2183 : memref<1x8x128xf32, #tpu.memory_space<vmem>> -> memref<8x128xf32, #tpu.memory_space<vmem>>
        %dma_start3A_2185 = arith.constant 0 : i32
        %dma_start3A_2186 = tpu.memref_slice %arg6[%add3A_2168, %dma_start3A_2185] : memref<2560x128xf32, #tpu.memory_space<hbm>> -> memref<8x128xf32, #tpu.memory_space<hbm>>
        %dma_start3A_2187 = arith.constant 0 : i32
        %dma_start3A_2188 = arith.constant 0 : i32
        %dma_start3A_2189 = tpu.memref_slice %arg14[%sub3A_2043, %dma_start3A_2187, %dma_start3A_2188] : memref<2x8x128xf32, #tpu.memory_space<vmem>> -> memref<1x8x128xf32, #tpu.memory_space<vmem>>
        %dma_start3A_2190 = tpu.memref_squeeze %dma_start3A_2189 : memref<1x8x128xf32, #tpu.memory_space<vmem>> -> memref<8x128xf32, #tpu.memory_space<vmem>>
        %dma_start3A_2191 = arith.constant 0 : i32
        %dma_start3A_2192 = tpu.memref_slice %arg6[%add3A_2168, %dma_start3A_2191] : memref<2560x128xf32, #tpu.memory_space<hbm>> -> memref<8x128xf32, #tpu.memory_space<hbm>>
        tpu.enqueue_dma source(%dma_start3A_2192 : memref<8x128xf32, #tpu.memory_space<hbm>>) target(%dma_start3A_2190 : memref<8x128xf32, #tpu.memory_space<vmem>>) target_semaphore(%arg24 : memref<!tpu.dma_semaphore, #tpu.memory_space<semaphore_mem>>)
      } else {
      }
      %dma_start3A_2054 = arith.constant 0 : i32
      %dma_start3A_2055 = arith.constant 0 : i32
      %dma_start3A_2056 = arith.constant 0 : i32
      %dma_start3A_2057 = tpu.memref_slice %arg14[%select_n3A_2041, %dma_start3A_2054, %dma_start3A_2056] : memref<2x8x128xf32, #tpu.memory_space<vmem>> -> memref<1x1x128xf32, #tpu.memory_space<vmem>>
      %dma_start3A_2058 = tpu.memref_squeeze %dma_start3A_2057 : memref<1x1x128xf32, #tpu.memory_space<vmem>> -> memref<128xf32, #tpu.memory_space<vmem>>
      %dma_start3A_2059 = arith.constant 0 : i32
      %dma_start3A_2060 = tpu.memref_slice %arg13[%select_n3A_2041, %dma_start3A_2055, %dma_start3A_2059] : memref<2x8x128xi32, #tpu.memory_space<vmem>> -> memref<1x1x128xi32, #tpu.memory_space<vmem>>
      %dma_start3A_2061 = tpu.memref_squeeze %dma_start3A_2060 : memref<1x1x128xi32, #tpu.memory_space<vmem>> -> memref<128xi32, #tpu.memory_space<vmem>>
      %dma_start3A_2062 = arith.constant 0 : i32
      %dma_start3A_2063 = tpu.memref_slice %arg10[%dma_start3A_2062] : memref<10240xf32, #tpu.memory_space<vmem_shared>> -> memref<10240xf32, #tpu.memory_space<vmem_shared>>
      tpu.enqueue_indirect_dma source(%dma_start3A_2058 : memref<128xf32, #tpu.memory_space<vmem>>) target(%dma_start3A_2063 : memref<10240xf32, #tpu.memory_space<vmem_shared>>) offsets(%dma_start3A_2061 : memref<128xi32, #tpu.memory_space<vmem>>) semaphore(%arg25 : memref<!tpu.dma_semaphore, #tpu.memory_space<semaphore_mem>>) {add = true}
      %dma_start3A_2064 = arith.constant 1 : i32
      %dma_start3A_2065 = arith.constant 1 : i32
      %dma_start3A_2066 = arith.constant 0 : i32
      %dma_start3A_2067 = tpu.memref_slice %arg14[%select_n3A_2041, %dma_start3A_2064, %dma_start3A_2066] : memref<2x8x128xf32, #tpu.memory_space<vmem>> -> memref<1x1x128xf32, #tpu.memory_space<vmem>>
      %dma_start3A_2068 = tpu.memref_squeeze %dma_start3A_2067 : memref<1x1x128xf32, #tpu.memory_space<vmem>> -> memref<128xf32, #tpu.memory_space<vmem>>
      %dma_start3A_2069 = arith.constant 0 : i32
      %dma_start3A_2070 = tpu.memref_slice %arg13[%select_n3A_2041, %dma_start3A_2065, %dma_start3A_2069] : memref<2x8x128xi32, #tpu.memory_space<vmem>> -> memref<1x1x128xi32, #tpu.memory_space<vmem>>
      %dma_start3A_2071 = tpu.memref_squeeze %dma_start3A_2070 : memref<1x1x128xi32, #tpu.memory_space<vmem>> -> memref<128xi32, #tpu.memory_space<vmem>>
      %dma_start3A_2072 = arith.constant 0 : i32
      %dma_start3A_2073 = tpu.memref_slice %arg10[%dma_start3A_2072] : memref<10240xf32, #tpu.memory_space<vmem_shared>> -> memref<10240xf32, #tpu.memory_space<vmem_shared>>
      tpu.enqueue_indirect_dma source(%dma_start3A_2068 : memref<128xf32, #tpu.memory_space<vmem>>) target(%dma_start3A_2073 : memref<10240xf32, #tpu.memory_space<vmem_shared>>) offsets(%dma_start3A_2071 : memref<128xi32, #tpu.memory_space<vmem>>) semaphore(%arg25 : memref<!tpu.dma_semaphore, #tpu.memory_space<semaphore_mem>>) {add = true}
      %dma_start3A_2074 = arith.constant 2 : i32
      %dma_start3A_2075 = arith.constant 2 : i32
      %dma_start3A_2076 = arith.constant 0 : i32
      %dma_start3A_2077 = tpu.memref_slice %arg14[%select_n3A_2041, %dma_start3A_2074, %dma_start3A_2076] : memref<2x8x128xf32, #tpu.memory_space<vmem>> -> memref<1x1x128xf32, #tpu.memory_space<vmem>>
      %dma_start3A_2078 = tpu.memref_squeeze %dma_start3A_2077 : memref<1x1x128xf32, #tpu.memory_space<vmem>> -> memref<128xf32, #tpu.memory_space<vmem>>
      %dma_start3A_2079 = arith.constant 0 : i32
      %dma_start3A_2080 = tpu.memref_slice %arg13[%select_n3A_2041, %dma_start3A_2075, %dma_start3A_2079] : memref<2x8x128xi32, #tpu.memory_space<vmem>> -> memref<1x1x128xi32, #tpu.memory_space<vmem>>
      %dma_start3A_2081 = tpu.memref_squeeze %dma_start3A_2080 : memref<1x1x128xi32, #tpu.memory_space<vmem>> -> memref<128xi32, #tpu.memory_space<vmem>>
      %dma_start3A_2082 = arith.constant 0 : i32
      %dma_start3A_2083 = tpu.memref_slice %arg10[%dma_start3A_2082] : memref<10240xf32, #tpu.memory_space<vmem_shared>> -> memref<10240xf32, #tpu.memory_space<vmem_shared>>
      tpu.enqueue_indirect_dma source(%dma_start3A_2078 : memref<128xf32, #tpu.memory_space<vmem>>) target(%dma_start3A_2083 : memref<10240xf32, #tpu.memory_space<vmem_shared>>) offsets(%dma_start3A_2081 : memref<128xi32, #tpu.memory_space<vmem>>) semaphore(%arg25 : memref<!tpu.dma_semaphore, #tpu.memory_space<semaphore_mem>>) {add = true}
      %dma_start3A_2084 = arith.constant 3 : i32
      %dma_start3A_2085 = arith.constant 3 : i32
      %dma_start3A_2086 = arith.constant 0 : i32
      %dma_start3A_2087 = tpu.memref_slice %arg14[%select_n3A_2041, %dma_start3A_2084, %dma_start3A_2086] : memref<2x8x128xf32, #tpu.memory_space<vmem>> -> memref<1x1x128xf32, #tpu.memory_space<vmem>>
      %dma_start3A_2088 = tpu.memref_squeeze %dma_start3A_2087 : memref<1x1x128xf32, #tpu.memory_space<vmem>> -> memref<128xf32, #tpu.memory_space<vmem>>
      %dma_start3A_2089 = arith.constant 0 : i32
      %dma_start3A_2090 = tpu.memref_slice %arg13[%select_n3A_2041, %dma_start3A_2085, %dma_start3A_2089] : memref<2x8x128xi32, #tpu.memory_space<vmem>> -> memref<1x1x128xi32, #tpu.memory_space<vmem>>
      %dma_start3A_2091 = tpu.memref_squeeze %dma_start3A_2090 : memref<1x1x128xi32, #tpu.memory_space<vmem>> -> memref<128xi32, #tpu.memory_space<vmem>>
      %dma_start3A_2092 = arith.constant 0 : i32
      %dma_start3A_2093 = tpu.memref_slice %arg10[%dma_start3A_2092] : memref<10240xf32, #tpu.memory_space<vmem_shared>> -> memref<10240xf32, #tpu.memory_space<vmem_shared>>
      tpu.enqueue_indirect_dma source(%dma_start3A_2088 : memref<128xf32, #tpu.memory_space<vmem>>) target(%dma_start3A_2093 : memref<10240xf32, #tpu.memory_space<vmem_shared>>) offsets(%dma_start3A_2091 : memref<128xi32, #tpu.memory_space<vmem>>) semaphore(%arg25 : memref<!tpu.dma_semaphore, #tpu.memory_space<semaphore_mem>>) {add = true}
      %dma_start3A_2094 = arith.constant 4 : i32
      %dma_start3A_2095 = arith.constant 4 : i32
      %dma_start3A_2096 = arith.constant 0 : i32
      %dma_start3A_2097 = tpu.memref_slice %arg14[%select_n3A_2041, %dma_start3A_2094, %dma_start3A_2096] : memref<2x8x128xf32, #tpu.memory_space<vmem>> -> memref<1x1x128xf32, #tpu.memory_space<vmem>>
      %dma_start3A_2098 = tpu.memref_squeeze %dma_start3A_2097 : memref<1x1x128xf32, #tpu.memory_space<vmem>> -> memref<128xf32, #tpu.memory_space<vmem>>
      %dma_start3A_2099 = arith.constant 0 : i32
      %dma_start3A_2100 = tpu.memref_slice %arg13[%select_n3A_2041, %dma_start3A_2095, %dma_start3A_2099] : memref<2x8x128xi32, #tpu.memory_space<vmem>> -> memref<1x1x128xi32, #tpu.memory_space<vmem>>
      %dma_start3A_2101 = tpu.memref_squeeze %dma_start3A_2100 : memref<1x1x128xi32, #tpu.memory_space<vmem>> -> memref<128xi32, #tpu.memory_space<vmem>>
      %dma_start3A_2102 = arith.constant 0 : i32
      %dma_start3A_2103 = tpu.memref_slice %arg10[%dma_start3A_2102] : memref<10240xf32, #tpu.memory_space<vmem_shared>> -> memref<10240xf32, #tpu.memory_space<vmem_shared>>
      tpu.enqueue_indirect_dma source(%dma_start3A_2098 : memref<128xf32, #tpu.memory_space<vmem>>) target(%dma_start3A_2103 : memref<10240xf32, #tpu.memory_space<vmem_shared>>) offsets(%dma_start3A_2101 : memref<128xi32, #tpu.memory_space<vmem>>) semaphore(%arg25 : memref<!tpu.dma_semaphore, #tpu.memory_space<semaphore_mem>>) {add = true}
      %dma_start3A_2104 = arith.constant 5 : i32
      %dma_start3A_2105 = arith.constant 5 : i32
      %dma_start3A_2106 = arith.constant 0 : i32
      %dma_start3A_2107 = tpu.memref_slice %arg14[%select_n3A_2041, %dma_start3A_2104, %dma_start3A_2106] : memref<2x8x128xf32, #tpu.memory_space<vmem>> -> memref<1x1x128xf32, #tpu.memory_space<vmem>>
      %dma_start3A_2108 = tpu.memref_squeeze %dma_start3A_2107 : memref<1x1x128xf32, #tpu.memory_space<vmem>> -> memref<128xf32, #tpu.memory_space<vmem>>
      %dma_start3A_2109 = arith.constant 0 : i32
      %dma_start3A_2110 = tpu.memref_slice %arg13[%select_n3A_2041, %dma_start3A_2105, %dma_start3A_2109] : memref<2x8x128xi32, #tpu.memory_space<vmem>> -> memref<1x1x128xi32, #tpu.memory_space<vmem>>
      %dma_start3A_2111 = tpu.memref_squeeze %dma_start3A_2110 : memref<1x1x128xi32, #tpu.memory_space<vmem>> -> memref<128xi32, #tpu.memory_space<vmem>>
      %dma_start3A_2112 = arith.constant 0 : i32
      %dma_start3A_2113 = tpu.memref_slice %arg10[%dma_start3A_2112] : memref<10240xf32, #tpu.memory_space<vmem_shared>> -> memref<10240xf32, #tpu.memory_space<vmem_shared>>
      tpu.enqueue_indirect_dma source(%dma_start3A_2108 : memref<128xf32, #tpu.memory_space<vmem>>) target(%dma_start3A_2113 : memref<10240xf32, #tpu.memory_space<vmem_shared>>) offsets(%dma_start3A_2111 : memref<128xi32, #tpu.memory_space<vmem>>) semaphore(%arg25 : memref<!tpu.dma_semaphore, #tpu.memory_space<semaphore_mem>>) {add = true}
      %dma_start3A_2114 = arith.constant 6 : i32
      %dma_start3A_2115 = arith.constant 6 : i32
      %dma_start3A_2116 = arith.constant 0 : i32
      %dma_start3A_2117 = tpu.memref_slice %arg14[%select_n3A_2041, %dma_start3A_2114, %dma_start3A_2116] : memref<2x8x128xf32, #tpu.memory_space<vmem>> -> memref<1x1x128xf32, #tpu.memory_space<vmem>>
      %dma_start3A_2118 = tpu.memref_squeeze %dma_start3A_2117 : memref<1x1x128xf32, #tpu.memory_space<vmem>> -> memref<128xf32, #tpu.memory_space<vmem>>
      %dma_start3A_2119 = arith.constant 0 : i32
      %dma_start3A_2120 = tpu.memref_slice %arg13[%select_n3A_2041, %dma_start3A_2115, %dma_start3A_2119] : memref<2x8x128xi32, #tpu.memory_space<vmem>> -> memref<1x1x128xi32, #tpu.memory_space<vmem>>
      %dma_start3A_2121 = tpu.memref_squeeze %dma_start3A_2120 : memref<1x1x128xi32, #tpu.memory_space<vmem>> -> memref<128xi32, #tpu.memory_space<vmem>>
      %dma_start3A_2122 = arith.constant 0 : i32
      %dma_start3A_2123 = tpu.memref_slice %arg10[%dma_start3A_2122] : memref<10240xf32, #tpu.memory_space<vmem_shared>> -> memref<10240xf32, #tpu.memory_space<vmem_shared>>
      tpu.enqueue_indirect_dma source(%dma_start3A_2118 : memref<128xf32, #tpu.memory_space<vmem>>) target(%dma_start3A_2123 : memref<10240xf32, #tpu.memory_space<vmem_shared>>) offsets(%dma_start3A_2121 : memref<128xi32, #tpu.memory_space<vmem>>) semaphore(%arg25 : memref<!tpu.dma_semaphore, #tpu.memory_space<semaphore_mem>>) {add = true}
      %dma_start3A_2124 = arith.constant 7 : i32
      %dma_start3A_2125 = arith.constant 7 : i32
      %dma_start3A_2126 = arith.constant 0 : i32
      %dma_start3A_2127 = tpu.memref_slice %arg14[%select_n3A_2041, %dma_start3A_2124, %dma_start3A_2126] : memref<2x8x128xf32, #tpu.memory_space<vmem>> -> memref<1x1x128xf32, #tpu.memory_space<vmem>>
      %dma_start3A_2128 = tpu.memref_squeeze %dma_start3A_2127 : memref<1x1x128xf32, #tpu.memory_space<vmem>> -> memref<128xf32, #tpu.memory_space<vmem>>
      %dma_start3A_2129 = arith.constant 0 : i32
      %dma_start3A_2130 = tpu.memref_slice %arg13[%select_n3A_2041, %dma_start3A_2125, %dma_start3A_2129] : memref<2x8x128xi32, #tpu.memory_space<vmem>> -> memref<1x1x128xi32, #tpu.memory_space<vmem>>
      %dma_start3A_2131 = tpu.memref_squeeze %dma_start3A_2130 : memref<1x1x128xi32, #tpu.memory_space<vmem>> -> memref<128xi32, #tpu.memory_space<vmem>>
      %dma_start3A_2132 = arith.constant 0 : i32
      %dma_start3A_2133 = tpu.memref_slice %arg10[%dma_start3A_2132] : memref<10240xf32, #tpu.memory_space<vmem_shared>> -> memref<10240xf32, #tpu.memory_space<vmem_shared>>
      tpu.enqueue_indirect_dma source(%dma_start3A_2128 : memref<128xf32, #tpu.memory_space<vmem>>) target(%dma_start3A_2133 : memref<10240xf32, #tpu.memory_space<vmem_shared>>) offsets(%dma_start3A_2131 : memref<128xi32, #tpu.memory_space<vmem>>) semaphore(%arg25 : memref<!tpu.dma_semaphore, #tpu.memory_space<semaphore_mem>>) {add = true}
    }
    %scan3A_40 = arith.constant 20 : i32
    %dma_wait3A = arith.constant 1 : i32
    %dma_wait3A_41 = arith.constant 0 : i32
    %dma_wait3A_42 = arith.constant 1 : i32
    %dma_wait3A_43 = arith.constant 0 : i32
    %dma_wait3A_44 = arith.constant 0 : i32
    %dma_wait3A_45 = tpu.memref_slice %arg14[%dma_wait3A, %dma_wait3A_41, %dma_wait3A_44] : memref<2x8x128xf32, #tpu.memory_space<vmem>> -> memref<1x1x128xf32, #tpu.memory_space<vmem>>
    %dma_wait3A_46 = tpu.memref_squeeze %dma_wait3A_45 : memref<1x1x128xf32, #tpu.memory_space<vmem>> -> memref<128xf32, #tpu.memory_space<vmem>>
    %dma_wait3A_47 = arith.constant 0 : i32
    %dma_wait3A_48 = tpu.memref_slice %arg13[%dma_wait3A_42, %dma_wait3A_43, %dma_wait3A_47] : memref<2x8x128xi32, #tpu.memory_space<vmem>> -> memref<1x1x128xi32, #tpu.memory_space<vmem>>
    %dma_wait3A_49 = tpu.memref_squeeze %dma_wait3A_48 : memref<1x1x128xi32, #tpu.memory_space<vmem>> -> memref<128xi32, #tpu.memory_space<vmem>>
    %dma_wait3A_50 = arith.constant 0 : i32
    %dma_wait3A_51 = tpu.memref_slice %arg10[%dma_wait3A_50] : memref<10240xf32, #tpu.memory_space<vmem_shared>> -> memref<10240xf32, #tpu.memory_space<vmem_shared>>
    tpu.wait_indirect_dma semaphore(%arg25 : memref<!tpu.dma_semaphore, #tpu.memory_space<semaphore_mem>>) src(%dma_wait3A_46 : memref<128xf32, #tpu.memory_space<vmem>>) dst(%dma_wait3A_51 : memref<10240xf32, #tpu.memory_space<vmem_shared>>)
    %dma_wait3A_52 = arith.constant 1 : i32
    %dma_wait3A_53 = arith.constant 1 : i32
    %dma_wait3A_54 = arith.constant 1 : i32
    %dma_wait3A_55 = arith.constant 1 : i32
    %dma_wait3A_56 = arith.constant 0 : i32
    %dma_wait3A_57 = tpu.memref_slice %arg14[%dma_wait3A_52, %dma_wait3A_53, %dma_wait3A_56] : memref<2x8x128xf32, #tpu.memory_space<vmem>> -> memref<1x1x128xf32, #tpu.memory_space<vmem>>
    %dma_wait3A_58 = tpu.memref_squeeze %dma_wait3A_57 : memref<1x1x128xf32, #tpu.memory_space<vmem>> -> memref<128xf32, #tpu.memory_space<vmem>>
    %dma_wait3A_59 = arith.constant 0 : i32
    %dma_wait3A_60 = tpu.memref_slice %arg13[%dma_wait3A_54, %dma_wait3A_55, %dma_wait3A_59] : memref<2x8x128xi32, #tpu.memory_space<vmem>> -> memref<1x1x128xi32, #tpu.memory_space<vmem>>
    %dma_wait3A_61 = tpu.memref_squeeze %dma_wait3A_60 : memref<1x1x128xi32, #tpu.memory_space<vmem>> -> memref<128xi32, #tpu.memory_space<vmem>>
    %dma_wait3A_62 = arith.constant 0 : i32
    %dma_wait3A_63 = tpu.memref_slice %arg10[%dma_wait3A_62] : memref<10240xf32, #tpu.memory_space<vmem_shared>> -> memref<10240xf32, #tpu.memory_space<vmem_shared>>
    tpu.wait_indirect_dma semaphore(%arg25 : memref<!tpu.dma_semaphore, #tpu.memory_space<semaphore_mem>>) src(%dma_wait3A_58 : memref<128xf32, #tpu.memory_space<vmem>>) dst(%dma_wait3A_63 : memref<10240xf32, #tpu.memory_space<vmem_shared>>)
    %dma_wait3A_64 = arith.constant 1 : i32
    %dma_wait3A_65 = arith.constant 2 : i32
    %dma_wait3A_66 = arith.constant 1 : i32
    %dma_wait3A_67 = arith.constant 2 : i32
    %dma_wait3A_68 = arith.constant 0 : i32
    %dma_wait3A_69 = tpu.memref_slice %arg14[%dma_wait3A_64, %dma_wait3A_65, %dma_wait3A_68] : memref<2x8x128xf32, #tpu.memory_space<vmem>> -> memref<1x1x128xf32, #tpu.memory_space<vmem>>
    %dma_wait3A_70 = tpu.memref_squeeze %dma_wait3A_69 : memref<1x1x128xf32, #tpu.memory_space<vmem>> -> memref<128xf32, #tpu.memory_space<vmem>>
    %dma_wait3A_71 = arith.constant 0 : i32
    %dma_wait3A_72 = tpu.memref_slice %arg13[%dma_wait3A_66, %dma_wait3A_67, %dma_wait3A_71] : memref<2x8x128xi32, #tpu.memory_space<vmem>> -> memref<1x1x128xi32, #tpu.memory_space<vmem>>
    %dma_wait3A_73 = tpu.memref_squeeze %dma_wait3A_72 : memref<1x1x128xi32, #tpu.memory_space<vmem>> -> memref<128xi32, #tpu.memory_space<vmem>>
    %dma_wait3A_74 = arith.constant 0 : i32
    %dma_wait3A_75 = tpu.memref_slice %arg10[%dma_wait3A_74] : memref<10240xf32, #tpu.memory_space<vmem_shared>> -> memref<10240xf32, #tpu.memory_space<vmem_shared>>
    tpu.wait_indirect_dma semaphore(%arg25 : memref<!tpu.dma_semaphore, #tpu.memory_space<semaphore_mem>>) src(%dma_wait3A_70 : memref<128xf32, #tpu.memory_space<vmem>>) dst(%dma_wait3A_75 : memref<10240xf32, #tpu.memory_space<vmem_shared>>)
    %dma_wait3A_76 = arith.constant 1 : i32
    %dma_wait3A_77 = arith.constant 3 : i32
    %dma_wait3A_78 = arith.constant 1 : i32
    %dma_wait3A_79 = arith.constant 3 : i32
    %dma_wait3A_80 = arith.constant 0 : i32
    %dma_wait3A_81 = tpu.memref_slice %arg14[%dma_wait3A_76, %dma_wait3A_77, %dma_wait3A_80] : memref<2x8x128xf32, #tpu.memory_space<vmem>> -> memref<1x1x128xf32, #tpu.memory_space<vmem>>
    %dma_wait3A_82 = tpu.memref_squeeze %dma_wait3A_81 : memref<1x1x128xf32, #tpu.memory_space<vmem>> -> memref<128xf32, #tpu.memory_space<vmem>>
    %dma_wait3A_83 = arith.constant 0 : i32
    %dma_wait3A_84 = tpu.memref_slice %arg13[%dma_wait3A_78, %dma_wait3A_79, %dma_wait3A_83] : memref<2x8x128xi32, #tpu.memory_space<vmem>> -> memref<1x1x128xi32, #tpu.memory_space<vmem>>
    %dma_wait3A_85 = tpu.memref_squeeze %dma_wait3A_84 : memref<1x1x128xi32, #tpu.memory_space<vmem>> -> memref<128xi32, #tpu.memory_space<vmem>>
    %dma_wait3A_86 = arith.constant 0 : i32
    %dma_wait3A_87 = tpu.memref_slice %arg10[%dma_wait3A_86] : memref<10240xf32, #tpu.memory_space<vmem_shared>> -> memref<10240xf32, #tpu.memory_space<vmem_shared>>
    tpu.wait_indirect_dma semaphore(%arg25 : memref<!tpu.dma_semaphore, #tpu.memory_space<semaphore_mem>>) src(%dma_wait3A_82 : memref<128xf32, #tpu.memory_space<vmem>>) dst(%dma_wait3A_87 : memref<10240xf32, #tpu.memory_space<vmem_shared>>)
    %dma_wait3A_88 = arith.constant 1 : i32
    %dma_wait3A_89 = arith.constant 4 : i32
    %dma_wait3A_90 = arith.constant 1 : i32
    %dma_wait3A_91 = arith.constant 4 : i32
    %dma_wait3A_92 = arith.constant 0 : i32
    %dma_wait3A_93 = tpu.memref_slice %arg14[%dma_wait3A_88, %dma_wait3A_89, %dma_wait3A_92] : memref<2x8x128xf32, #tpu.memory_space<vmem>> -> memref<1x1x128xf32, #tpu.memory_space<vmem>>
    %dma_wait3A_94 = tpu.memref_squeeze %dma_wait3A_93 : memref<1x1x128xf32, #tpu.memory_space<vmem>> -> memref<128xf32, #tpu.memory_space<vmem>>
    %dma_wait3A_95 = arith.constant 0 : i32
    %dma_wait3A_96 = tpu.memref_slice %arg13[%dma_wait3A_90, %dma_wait3A_91, %dma_wait3A_95] : memref<2x8x128xi32, #tpu.memory_space<vmem>> -> memref<1x1x128xi32, #tpu.memory_space<vmem>>
    %dma_wait3A_97 = tpu.memref_squeeze %dma_wait3A_96 : memref<1x1x128xi32, #tpu.memory_space<vmem>> -> memref<128xi32, #tpu.memory_space<vmem>>
    %dma_wait3A_98 = arith.constant 0 : i32
    %dma_wait3A_99 = tpu.memref_slice %arg10[%dma_wait3A_98] : memref<10240xf32, #tpu.memory_space<vmem_shared>> -> memref<10240xf32, #tpu.memory_space<vmem_shared>>
    tpu.wait_indirect_dma semaphore(%arg25 : memref<!tpu.dma_semaphore, #tpu.memory_space<semaphore_mem>>) src(%dma_wait3A_94 : memref<128xf32, #tpu.memory_space<vmem>>) dst(%dma_wait3A_99 : memref<10240xf32, #tpu.memory_space<vmem_shared>>)
    %dma_wait3A_100 = arith.constant 1 : i32
    %dma_wait3A_101 = arith.constant 5 : i32
    %dma_wait3A_102 = arith.constant 1 : i32
    %dma_wait3A_103 = arith.constant 5 : i32
    %dma_wait3A_104 = arith.constant 0 : i32
    %dma_wait3A_105 = tpu.memref_slice %arg14[%dma_wait3A_100, %dma_wait3A_101, %dma_wait3A_104] : memref<2x8x128xf32, #tpu.memory_space<vmem>> -> memref<1x1x128xf32, #tpu.memory_space<vmem>>
    %dma_wait3A_106 = tpu.memref_squeeze %dma_wait3A_105 : memref<1x1x128xf32, #tpu.memory_space<vmem>> -> memref<128xf32, #tpu.memory_space<vmem>>
    %dma_wait3A_107 = arith.constant 0 : i32
    %dma_wait3A_108 = tpu.memref_slice %arg13[%dma_wait3A_102, %dma_wait3A_103, %dma_wait3A_107] : memref<2x8x128xi32, #tpu.memory_space<vmem>> -> memref<1x1x128xi32, #tpu.memory_space<vmem>>
    %dma_wait3A_109 = tpu.memref_squeeze %dma_wait3A_108 : memref<1x1x128xi32, #tpu.memory_space<vmem>> -> memref<128xi32, #tpu.memory_space<vmem>>
    %dma_wait3A_110 = arith.constant 0 : i32
    %dma_wait3A_111 = tpu.memref_slice %arg10[%dma_wait3A_110] : memref<10240xf32, #tpu.memory_space<vmem_shared>> -> memref<10240xf32, #tpu.memory_space<vmem_shared>>
    tpu.wait_indirect_dma semaphore(%arg25 : memref<!tpu.dma_semaphore, #tpu.memory_space<semaphore_mem>>) src(%dma_wait3A_106 : memref<128xf32, #tpu.memory_space<vmem>>) dst(%dma_wait3A_111 : memref<10240xf32, #tpu.memory_space<vmem_shared>>)
    %dma_wait3A_112 = arith.constant 1 : i32
    %dma_wait3A_113 = arith.constant 6 : i32
    %dma_wait3A_114 = arith.constant 1 : i32
    %dma_wait3A_115 = arith.constant 6 : i32
    %dma_wait3A_116 = arith.constant 0 : i32
    %dma_wait3A_117 = tpu.memref_slice %arg14[%dma_wait3A_112, %dma_wait3A_113, %dma_wait3A_116] : memref<2x8x128xf32, #tpu.memory_space<vmem>> -> memref<1x1x128xf32, #tpu.memory_space<vmem>>
    %dma_wait3A_118 = tpu.memref_squeeze %dma_wait3A_117 : memref<1x1x128xf32, #tpu.memory_space<vmem>> -> memref<128xf32, #tpu.memory_space<vmem>>
    %dma_wait3A_119 = arith.constant 0 : i32
    %dma_wait3A_120 = tpu.memref_slice %arg13[%dma_wait3A_114, %dma_wait3A_115, %dma_wait3A_119] : memref<2x8x128xi32, #tpu.memory_space<vmem>> -> memref<1x1x128xi32, #tpu.memory_space<vmem>>
    %dma_wait3A_121 = tpu.memref_squeeze %dma_wait3A_120 : memref<1x1x128xi32, #tpu.memory_space<vmem>> -> memref<128xi32, #tpu.memory_space<vmem>>
    %dma_wait3A_122 = arith.constant 0 : i32
    %dma_wait3A_123 = tpu.memref_slice %arg10[%dma_wait3A_122] : memref<10240xf32, #tpu.memory_space<vmem_shared>> -> memref<10240xf32, #tpu.memory_space<vmem_shared>>
    tpu.wait_indirect_dma semaphore(%arg25 : memref<!tpu.dma_semaphore, #tpu.memory_space<semaphore_mem>>) src(%dma_wait3A_118 : memref<128xf32, #tpu.memory_space<vmem>>) dst(%dma_wait3A_123 : memref<10240xf32, #tpu.memory_space<vmem_shared>>)
    %dma_wait3A_124 = arith.constant 1 : i32
    %dma_wait3A_125 = arith.constant 7 : i32
    %dma_wait3A_126 = arith.constant 1 : i32
    %dma_wait3A_127 = arith.constant 7 : i32
    %dma_wait3A_128 = arith.constant 0 : i32
    %dma_wait3A_129 = tpu.memref_slice %arg14[%dma_wait3A_124, %dma_wait3A_125, %dma_wait3A_128] : memref<2x8x128xf32, #tpu.memory_space<vmem>> -> memref<1x1x128xf32, #tpu.memory_space<vmem>>
    %dma_wait3A_130 = tpu.memref_squeeze %dma_wait3A_129 : memref<1x1x128xf32, #tpu.memory_space<vmem>> -> memref<128xf32, #tpu.memory_space<vmem>>
    %dma_wait3A_131 = arith.constant 0 : i32
    %dma_wait3A_132 = tpu.memref_slice %arg13[%dma_wait3A_126, %dma_wait3A_127, %dma_wait3A_131] : memref<2x8x128xi32, #tpu.memory_space<vmem>> -> memref<1x1x128xi32, #tpu.memory_space<vmem>>
    %dma_wait3A_133 = tpu.memref_squeeze %dma_wait3A_132 : memref<1x1x128xi32, #tpu.memory_space<vmem>> -> memref<128xi32, #tpu.memory_space<vmem>>
    %dma_wait3A_134 = arith.constant 0 : i32
    %dma_wait3A_135 = tpu.memref_slice %arg10[%dma_wait3A_134] : memref<10240xf32, #tpu.memory_space<vmem_shared>> -> memref<10240xf32, #tpu.memory_space<vmem_shared>>
    tpu.wait_indirect_dma semaphore(%arg25 : memref<!tpu.dma_semaphore, #tpu.memory_space<semaphore_mem>>) src(%dma_wait3A_130 : memref<128xf32, #tpu.memory_space<vmem>>) dst(%dma_wait3A_135 : memref<10240xf32, #tpu.memory_space<vmem_shared>>)
    %barrier3A_136 = arith.constant 0 : index
    tpu.barrier barrier_id(%barrier3A_136)
    "tpu.trace_stop"() : () -> ()
    "tpu.trace_start"() <{level = 10 : i32, message = "ph_newton"}> : () -> ()
    "tpu.region"() ({
      %run_scoped3A_2028 = tpu.sem_alloc : memref<!tpu.dma_semaphore, #tpu.memory_space<semaphore_mem>>
      %dma_start3A_2029 = tpu.memref_slice %arg10[%mul3A_2] : memref<10240xf32, #tpu.memory_space<vmem_shared>> -> memref<640xf32, #tpu.memory_space<vmem_shared>>
      %dma_start3A_2030 = tpu.memref_slice %arg10[%mul3A_2] : memref<10240xf32, #tpu.memory_space<vmem_shared>> -> memref<640xf32, #tpu.memory_space<vmem_shared>>
      tpu.enqueue_dma source(%dma_start3A_2030 : memref<640xf32, #tpu.memory_space<vmem_shared>>) target(%arg21 : memref<640xf32, #tpu.memory_space<vmem>>) target_semaphore(%run_scoped3A_2028 : memref<!tpu.dma_semaphore, #tpu.memory_space<semaphore_mem>>)
      %dma_wait3A_2031 = tpu.memref_slice %arg10[%mul3A_2] : memref<10240xf32, #tpu.memory_space<vmem_shared>> -> memref<640xf32, #tpu.memory_space<vmem_shared>>
      %dma_wait3A_2032 = tpu.memref_slice %arg10[%mul3A_2] : memref<10240xf32, #tpu.memory_space<vmem_shared>> -> memref<640xf32, #tpu.memory_space<vmem_shared>>
      tpu.wait_dma2 semaphore(%run_scoped3A_2028 : memref<!tpu.dma_semaphore, #tpu.memory_space<semaphore_mem>>) src(%dma_wait3A_2032 : memref<640xf32, #tpu.memory_space<vmem_shared>>) dst(%arg21 : memref<640xf32, #tpu.memory_space<vmem>>)
      tpu.yield
    }) : () -> ()
    %get3A = arith.constant 0 : index
    %get3A_137 = tpu.vector_load %arg21[%get3A] {strides = array<i32>} : memref<640xf32, #tpu.memory_space<vmem>>, vector<16xf32>,
    %bitcast3A = vector.bitcast %get3A_137 : vector<16xf32> to vector<16xi32>
    %shift_right_arithmetic3A = arith.constant 1 : i32
    %shift_right_arithmetic3A_138 = vector.broadcast %shift_right_arithmetic3A : i32 to vector<16xi32>
    %shift_right_arithmetic3A_139 = arith.shrsi %bitcast3A, %shift_right_arithmetic3A_138 : vector<16xi32>
    %sub3A_140 = arith.constant 1597463007 : i32
    %sub3A_141 = vector.broadcast %sub3A_140 : i32 to vector<16xi32>
    %sub3A_142 = arith.subi %sub3A_141, %shift_right_arithmetic3A_139 : vector<16xi32>
    %bitcast3A_143 = vector.bitcast %sub3A_142 : vector<16xi32> to vector<16xf32>
    %mul3A_144 = arith.constant 5.000000e-01 : f32
    %mul3A_145 = vector.broadcast %mul3A_144 : f32 to vector<16xf32>
    %mul3A_146 = arith.mulf %mul3A_145, %get3A_137 : vector<16xf32>
    %mul3A_147 = arith.mulf %mul3A_146, %bitcast3A_143 : vector<16xf32>
    %mul3A_148 = arith.mulf %mul3A_147, %bitcast3A_143 : vector<16xf32>
    %sub3A_149 = arith.constant 1.500000e+00 : f32
    %sub3A_150 = vector.broadcast %sub3A_149 : f32 to vector<16xf32>
    %sub3A_151 = arith.subf %sub3A_150, %mul3A_148 : vector<16xf32>
    %mul3A_152 = arith.mulf %bitcast3A_143, %sub3A_151 : vector<16xf32>
    %mul3A_153 = arith.constant 5.000000e-01 : f32
    %mul3A_154 = vector.broadcast %mul3A_153 : f32 to vector<16xf32>
    %mul3A_155 = arith.mulf %mul3A_154, %get3A_137 : vector<16xf32>
    %mul3A_156 = arith.mulf %mul3A_155, %mul3A_152 : vector<16xf32>
    %mul3A_157 = arith.mulf %mul3A_156, %mul3A_152 : vector<16xf32>
    %sub3A_158 = arith.constant 1.500000e+00 : f32
    %sub3A_159 = vector.broadcast %sub3A_158 : f32 to vector<16xf32>
    %sub3A_160 = arith.subf %sub3A_159, %mul3A_157 : vector<16xf32>
    %mul3A_161 = arith.mulf %mul3A_152, %sub3A_160 : vector<16xf32>
    %mul3A_162 = arith.constant 5.000000e-01 : f32
    %mul3A_163 = vector.broadcast %mul3A_162 : f32 to vector<16xf32>
    %mul3A_164 = arith.mulf %mul3A_163, %get3A_137 : vector<16xf32>
    %mul3A_165 = arith.mulf %mul3A_164, %mul3A_161 : vector<16xf32>
    %mul3A_166 = arith.mulf %mul3A_165, %mul3A_161 : vector<16xf32>
    %sub3A_167 = arith.constant 1.500000e+00 : f32
    %sub3A_168 = vector.broadcast %sub3A_167 : f32 to vector<16xf32>
    %sub3A_169 = arith.subf %sub3A_168, %mul3A_166 : vector<16xf32>
    %mul3A_170 = arith.mulf %mul3A_161, %sub3A_169 : vector<16xf32>
    %gt3A = arith.constant 0.000000e+00 : f32
    %gt3A_171 = vector.broadcast %gt3A : f32 to vector<16xf32>
    %gt3A_172 = arith.cmpf ogt, %get3A_137, %gt3A_171 : vector<16xf32>
    %jit3A = arith.constant 0.000000e+00 : f32
    %broadcast_in_dim3A = vector.broadcast %jit3A : f32 to vector<16xf32>
    %select_n3A = arith.select %gt3A_172, %mul3A_170, %broadcast_in_dim3A : vector<16xi1>, vector<16xf32>
    %swap3A = arith.constant 0 : index
    %swap3A_173 = tpu.vector_load %arg21[%swap3A] {strides = array<i32>} : memref<640xf32, #tpu.memory_space<vmem>>, vector<16xf32>,
    tpu.vector_store %arg21[%swap3A], %select_n3A {strides = array<i32>} : memref<640xf32, #tpu.memory_space<vmem>>, vector<16xf32>,
    %get3A_174 = arith.constant 16 : index
    %get3A_175 = tpu.vector_load %arg21[%get3A_174] {strides = array<i32>} : memref<640xf32, #tpu.memory_space<vmem>>, vector<16xf32>,
    %bitcast3A_176 = vector.bitcast %get3A_175 : vector<16xf32> to vector<16xi32>
    %shift_right_arithmetic3A_177 = arith.constant 1 : i32
    %shift_right_arithmetic3A_178 = vector.broadcast %shift_right_arithmetic3A_177 : i32 to vector<16xi32>
    %shift_right_arithmetic3A_179 = arith.shrsi %bitcast3A_176, %shift_right_arithmetic3A_178 : vector<16xi32>
    %sub3A_180 = arith.constant 1597463007 : i32
    %sub3A_181 = vector.broadcast %sub3A_180 : i32 to vector<16xi32>
    %sub3A_182 = arith.subi %sub3A_181, %shift_right_arithmetic3A_179 : vector<16xi32>
    %bitcast3A_183 = vector.bitcast %sub3A_182 : vector<16xi32> to vector<16xf32>
    %mul3A_184 = arith.constant 5.000000e-01 : f32
    %mul3A_185 = vector.broadcast %mul3A_184 : f32 to vector<16xf32>
    %mul3A_186 = arith.mulf %mul3A_185, %get3A_175 : vector<16xf32>
    %mul3A_187 = arith.mulf %mul3A_186, %bitcast3A_183 : vector<16xf32>
    %mul3A_188 = arith.mulf %mul3A_187, %bitcast3A_183 : vector<16xf32>
    %sub3A_189 = arith.constant 1.500000e+00 : f32
    %sub3A_190 = vector.broadcast %sub3A_189 : f32 to vector<16xf32>
    %sub3A_191 = arith.subf %sub3A_190, %mul3A_188 : vector<16xf32>
    %mul3A_192 = arith.mulf %bitcast3A_183, %sub3A_191 : vector<16xf32>
    %mul3A_193 = arith.constant 5.000000e-01 : f32
    %mul3A_194 = vector.broadcast %mul3A_193 : f32 to vector<16xf32>
    %mul3A_195 = arith.mulf %mul3A_194, %get3A_175 : vector<16xf32>
    %mul3A_196 = arith.mulf %mul3A_195, %mul3A_192 : vector<16xf32>
    %mul3A_197 = arith.mulf %mul3A_196, %mul3A_192 : vector<16xf32>
    %sub3A_198 = arith.constant 1.500000e+00 : f32
    %sub3A_199 = vector.broadcast %sub3A_198 : f32 to vector<16xf32>
    %sub3A_200 = arith.subf %sub3A_199, %mul3A_197 : vector<16xf32>
    %mul3A_201 = arith.mulf %mul3A_192, %sub3A_200 : vector<16xf32>
    %mul3A_202 = arith.constant 5.000000e-01 : f32
    %mul3A_203 = vector.broadcast %mul3A_202 : f32 to vector<16xf32>
    %mul3A_204 = arith.mulf %mul3A_203, %get3A_175 : vector<16xf32>
    %mul3A_205 = arith.mulf %mul3A_204, %mul3A_201 : vector<16xf32>
    %mul3A_206 = arith.mulf %mul3A_205, %mul3A_201 : vector<16xf32>
    %sub3A_207 = arith.constant 1.500000e+00 : f32
    %sub3A_208 = vector.broadcast %sub3A_207 : f32 to vector<16xf32>
    %sub3A_209 = arith.subf %sub3A_208, %mul3A_206 : vector<16xf32>
    %mul3A_210 = arith.mulf %mul3A_201, %sub3A_209 : vector<16xf32>
    %gt3A_211 = arith.constant 0.000000e+00 : f32
    %gt3A_212 = vector.broadcast %gt3A_211 : f32 to vector<16xf32>
    %gt3A_213 = arith.cmpf ogt, %get3A_175, %gt3A_212 : vector<16xf32>
    %jit3A_214 = arith.constant 0.000000e+00 : f32
    %broadcast_in_dim3A_215 = vector.broadcast %jit3A_214 : f32 to vector<16xf32>
    %select_n3A_216 = arith.select %gt3A_213, %mul3A_210, %broadcast_in_dim3A_215 : vector<16xi1>, vector<16xf32>
    %swap3A_217 = arith.constant 16 : index
    %swap3A_218 = tpu.vector_load %arg21[%swap3A_217] {strides = array<i32>} : memref<640xf32, #tpu.memory_space<vmem>>, vector<16xf32>,
    tpu.vector_store %arg21[%swap3A_217], %select_n3A_216 {strides = array<i32>} : memref<640xf32, #tpu.memory_space<vmem>>, vector<16xf32>,
    %get3A_219 = arith.constant 32 : index
    %get3A_220 = tpu.vector_load %arg21[%get3A_219] {strides = array<i32>} : memref<640xf32, #tpu.memory_space<vmem>>, vector<16xf32>,
    %bitcast3A_221 = vector.bitcast %get3A_220 : vector<16xf32> to vector<16xi32>
    %shift_right_arithmetic3A_222 = arith.constant 1 : i32
    %shift_right_arithmetic3A_223 = vector.broadcast %shift_right_arithmetic3A_222 : i32 to vector<16xi32>
    %shift_right_arithmetic3A_224 = arith.shrsi %bitcast3A_221, %shift_right_arithmetic3A_223 : vector<16xi32>
    %sub3A_225 = arith.constant 1597463007 : i32
    %sub3A_226 = vector.broadcast %sub3A_225 : i32 to vector<16xi32>
    %sub3A_227 = arith.subi %sub3A_226, %shift_right_arithmetic3A_224 : vector<16xi32>
    %bitcast3A_228 = vector.bitcast %sub3A_227 : vector<16xi32> to vector<16xf32>
    %mul3A_229 = arith.constant 5.000000e-01 : f32
    %mul3A_230 = vector.broadcast %mul3A_229 : f32 to vector<16xf32>
    %mul3A_231 = arith.mulf %mul3A_230, %get3A_220 : vector<16xf32>
    %mul3A_232 = arith.mulf %mul3A_231, %bitcast3A_228 : vector<16xf32>
    %mul3A_233 = arith.mulf %mul3A_232, %bitcast3A_228 : vector<16xf32>
    %sub3A_234 = arith.constant 1.500000e+00 : f32
    %sub3A_235 = vector.broadcast %sub3A_234 : f32 to vector<16xf32>
    %sub3A_236 = arith.subf %sub3A_235, %mul3A_233 : vector<16xf32>
    %mul3A_237 = arith.mulf %bitcast3A_228, %sub3A_236 : vector<16xf32>
    %mul3A_238 = arith.constant 5.000000e-01 : f32
    %mul3A_239 = vector.broadcast %mul3A_238 : f32 to vector<16xf32>
    %mul3A_240 = arith.mulf %mul3A_239, %get3A_220 : vector<16xf32>
    %mul3A_241 = arith.mulf %mul3A_240, %mul3A_237 : vector<16xf32>
    %mul3A_242 = arith.mulf %mul3A_241, %mul3A_237 : vector<16xf32>
    %sub3A_243 = arith.constant 1.500000e+00 : f32
    %sub3A_244 = vector.broadcast %sub3A_243 : f32 to vector<16xf32>
    %sub3A_245 = arith.subf %sub3A_244, %mul3A_242 : vector<16xf32>
    %mul3A_246 = arith.mulf %mul3A_237, %sub3A_245 : vector<16xf32>
    %mul3A_247 = arith.constant 5.000000e-01 : f32
    %mul3A_248 = vector.broadcast %mul3A_247 : f32 to vector<16xf32>
    %mul3A_249 = arith.mulf %mul3A_248, %get3A_220 : vector<16xf32>
    %mul3A_250 = arith.mulf %mul3A_249, %mul3A_246 : vector<16xf32>
    %mul3A_251 = arith.mulf %mul3A_250, %mul3A_246 : vector<16xf32>
    %sub3A_252 = arith.constant 1.500000e+00 : f32
    %sub3A_253 = vector.broadcast %sub3A_252 : f32 to vector<16xf32>
    %sub3A_254 = arith.subf %sub3A_253, %mul3A_251 : vector<16xf32>
    %mul3A_255 = arith.mulf %mul3A_246, %sub3A_254 : vector<16xf32>
    %gt3A_256 = arith.constant 0.000000e+00 : f32
    %gt3A_257 = vector.broadcast %gt3A_256 : f32 to vector<16xf32>
    %gt3A_258 = arith.cmpf ogt, %get3A_220, %gt3A_257 : vector<16xf32>
    %jit3A_259 = arith.constant 0.000000e+00 : f32
    %broadcast_in_dim3A_260 = vector.broadcast %jit3A_259 : f32 to vector<16xf32>
    %select_n3A_261 = arith.select %gt3A_258, %mul3A_255, %broadcast_in_dim3A_260 : vector<16xi1>, vector<16xf32>
    %swap3A_262 = arith.constant 32 : index
    %swap3A_263 = tpu.vector_load %arg21[%swap3A_262] {strides = array<i32>} : memref<640xf32, #tpu.memory_space<vmem>>, vector<16xf32>,
    tpu.vector_store %arg21[%swap3A_262], %select_n3A_261 {strides = array<i32>} : memref<640xf32, #tpu.memory_space<vmem>>, vector<16xf32>,
    %get3A_264 = arith.constant 48 : index
    %get3A_265 = tpu.vector_load %arg21[%get3A_264] {strides = array<i32>} : memref<640xf32, #tpu.memory_space<vmem>>, vector<16xf32>,
    %bitcast3A_266 = vector.bitcast %get3A_265 : vector<16xf32> to vector<16xi32>
    %shift_right_arithmetic3A_267 = arith.constant 1 : i32
    %shift_right_arithmetic3A_268 = vector.broadcast %shift_right_arithmetic3A_267 : i32 to vector<16xi32>
    %shift_right_arithmetic3A_269 = arith.shrsi %bitcast3A_266, %shift_right_arithmetic3A_268 : vector<16xi32>
    %sub3A_270 = arith.constant 1597463007 : i32
    %sub3A_271 = vector.broadcast %sub3A_270 : i32 to vector<16xi32>
    %sub3A_272 = arith.subi %sub3A_271, %shift_right_arithmetic3A_269 : vector<16xi32>
    %bitcast3A_273 = vector.bitcast %sub3A_272 : vector<16xi32> to vector<16xf32>
    %mul3A_274 = arith.constant 5.000000e-01 : f32
    %mul3A_275 = vector.broadcast %mul3A_274 : f32 to vector<16xf32>
    %mul3A_276 = arith.mulf %mul3A_275, %get3A_265 : vector<16xf32>
    %mul3A_277 = arith.mulf %mul3A_276, %bitcast3A_273 : vector<16xf32>
    %mul3A_278 = arith.mulf %mul3A_277, %bitcast3A_273 : vector<16xf32>
    %sub3A_279 = arith.constant 1.500000e+00 : f32
    %sub3A_280 = vector.broadcast %sub3A_279 : f32 to vector<16xf32>
    %sub3A_281 = arith.subf %sub3A_280, %mul3A_278 : vector<16xf32>
    %mul3A_282 = arith.mulf %bitcast3A_273, %sub3A_281 : vector<16xf32>
    %mul3A_283 = arith.constant 5.000000e-01 : f32
    %mul3A_284 = vector.broadcast %mul3A_283 : f32 to vector<16xf32>
    %mul3A_285 = arith.mulf %mul3A_284, %get3A_265 : vector<16xf32>
    %mul3A_286 = arith.mulf %mul3A_285, %mul3A_282 : vector<16xf32>
    %mul3A_287 = arith.mulf %mul3A_286, %mul3A_282 : vector<16xf32>
    %sub3A_288 = arith.constant 1.500000e+00 : f32
    %sub3A_289 = vector.broadcast %sub3A_288 : f32 to vector<16xf32>
    %sub3A_290 = arith.subf %sub3A_289, %mul3A_287 : vector<16xf32>
    %mul3A_291 = arith.mulf %mul3A_282, %sub3A_290 : vector<16xf32>
    %mul3A_292 = arith.constant 5.000000e-01 : f32
    %mul3A_293 = vector.broadcast %mul3A_292 : f32 to vector<16xf32>
    %mul3A_294 = arith.mulf %mul3A_293, %get3A_265 : vector<16xf32>
    %mul3A_295 = arith.mulf %mul3A_294, %mul3A_291 : vector<16xf32>
    %mul3A_296 = arith.mulf %mul3A_295, %mul3A_291 : vector<16xf32>
    %sub3A_297 = arith.constant 1.500000e+00 : f32
    %sub3A_298 = vector.broadcast %sub3A_297 : f32 to vector<16xf32>
    %sub3A_299 = arith.subf %sub3A_298, %mul3A_296 : vector<16xf32>
    %mul3A_300 = arith.mulf %mul3A_291, %sub3A_299 : vector<16xf32>
    %gt3A_301 = arith.constant 0.000000e+00 : f32
    %gt3A_302 = vector.broadcast %gt3A_301 : f32 to vector<16xf32>
    %gt3A_303 = arith.cmpf ogt, %get3A_265, %gt3A_302 : vector<16xf32>
    %jit3A_304 = arith.constant 0.000000e+00 : f32
    %broadcast_in_dim3A_305 = vector.broadcast %jit3A_304 : f32 to vector<16xf32>
    %select_n3A_306 = arith.select %gt3A_303, %mul3A_300, %broadcast_in_dim3A_305 : vector<16xi1>, vector<16xf32>
    %swap3A_307 = arith.constant 48 : index
    %swap3A_308 = tpu.vector_load %arg21[%swap3A_307] {strides = array<i32>} : memref<640xf32, #tpu.memory_space<vmem>>, vector<16xf32>,
    tpu.vector_store %arg21[%swap3A_307], %select_n3A_306 {strides = array<i32>} : memref<640xf32, #tpu.memory_space<vmem>>, vector<16xf32>,
    %get3A_309 = arith.constant 64 : index
    %get3A_310 = tpu.vector_load %arg21[%get3A_309] {strides = array<i32>} : memref<640xf32, #tpu.memory_space<vmem>>, vector<16xf32>,
    %bitcast3A_311 = vector.bitcast %get3A_310 : vector<16xf32> to vector<16xi32>
    %shift_right_arithmetic3A_312 = arith.constant 1 : i32
    %shift_right_arithmetic3A_313 = vector.broadcast %shift_right_arithmetic3A_312 : i32 to vector<16xi32>
    %shift_right_arithmetic3A_314 = arith.shrsi %bitcast3A_311, %shift_right_arithmetic3A_313 : vector<16xi32>
    %sub3A_315 = arith.constant 1597463007 : i32
    %sub3A_316 = vector.broadcast %sub3A_315 : i32 to vector<16xi32>
    %sub3A_317 = arith.subi %sub3A_316, %shift_right_arithmetic3A_314 : vector<16xi32>
    %bitcast3A_318 = vector.bitcast %sub3A_317 : vector<16xi32> to vector<16xf32>
    %mul3A_319 = arith.constant 5.000000e-01 : f32
    %mul3A_320 = vector.broadcast %mul3A_319 : f32 to vector<16xf32>
    %mul3A_321 = arith.mulf %mul3A_320, %get3A_310 : vector<16xf32>
    %mul3A_322 = arith.mulf %mul3A_321, %bitcast3A_318 : vector<16xf32>
    %mul3A_323 = arith.mulf %mul3A_322, %bitcast3A_318 : vector<16xf32>
    %sub3A_324 = arith.constant 1.500000e+00 : f32
    %sub3A_325 = vector.broadcast %sub3A_324 : f32 to vector<16xf32>
    %sub3A_326 = arith.subf %sub3A_325, %mul3A_323 : vector<16xf32>
    %mul3A_327 = arith.mulf %bitcast3A_318, %sub3A_326 : vector<16xf32>
    %mul3A_328 = arith.constant 5.000000e-01 : f32
    %mul3A_329 = vector.broadcast %mul3A_328 : f32 to vector<16xf32>
    %mul3A_330 = arith.mulf %mul3A_329, %get3A_310 : vector<16xf32>
    %mul3A_331 = arith.mulf %mul3A_330, %mul3A_327 : vector<16xf32>
    %mul3A_332 = arith.mulf %mul3A_331, %mul3A_327 : vector<16xf32>
    %sub3A_333 = arith.constant 1.500000e+00 : f32
    %sub3A_334 = vector.broadcast %sub3A_333 : f32 to vector<16xf32>
    %sub3A_335 = arith.subf %sub3A_334, %mul3A_332 : vector<16xf32>
    %mul3A_336 = arith.mulf %mul3A_327, %sub3A_335 : vector<16xf32>
    %mul3A_337 = arith.constant 5.000000e-01 : f32
    %mul3A_338 = vector.broadcast %mul3A_337 : f32 to vector<16xf32>
    %mul3A_339 = arith.mulf %mul3A_338, %get3A_310 : vector<16xf32>
    %mul3A_340 = arith.mulf %mul3A_339, %mul3A_336 : vector<16xf32>
    %mul3A_341 = arith.mulf %mul3A_340, %mul3A_336 : vector<16xf32>
    %sub3A_342 = arith.constant 1.500000e+00 : f32
    %sub3A_343 = vector.broadcast %sub3A_342 : f32 to vector<16xf32>
    %sub3A_344 = arith.subf %sub3A_343, %mul3A_341 : vector<16xf32>
    %mul3A_345 = arith.mulf %mul3A_336, %sub3A_344 : vector<16xf32>
    %gt3A_346 = arith.constant 0.000000e+00 : f32
    %gt3A_347 = vector.broadcast %gt3A_346 : f32 to vector<16xf32>
    %gt3A_348 = arith.cmpf ogt, %get3A_310, %gt3A_347 : vector<16xf32>
    %jit3A_349 = arith.constant 0.000000e+00 : f32
    %broadcast_in_dim3A_350 = vector.broadcast %jit3A_349 : f32 to vector<16xf32>
    %select_n3A_351 = arith.select %gt3A_348, %mul3A_345, %broadcast_in_dim3A_350 : vector<16xi1>, vector<16xf32>
    %swap3A_352 = arith.constant 64 : index
    %swap3A_353 = tpu.vector_load %arg21[%swap3A_352] {strides = array<i32>} : memref<640xf32, #tpu.memory_space<vmem>>, vector<16xf32>,
    tpu.vector_store %arg21[%swap3A_352], %select_n3A_351 {strides = array<i32>} : memref<640xf32, #tpu.memory_space<vmem>>, vector<16xf32>,
    %get3A_354 = arith.constant 80 : index
    %get3A_355 = tpu.vector_load %arg21[%get3A_354] {strides = array<i32>} : memref<640xf32, #tpu.memory_space<vmem>>, vector<16xf32>,
    %bitcast3A_356 = vector.bitcast %get3A_355 : vector<16xf32> to vector<16xi32>
    %shift_right_arithmetic3A_357 = arith.constant 1 : i32
    %shift_right_arithmetic3A_358 = vector.broadcast %shift_right_arithmetic3A_357 : i32 to vector<16xi32>
    %shift_right_arithmetic3A_359 = arith.shrsi %bitcast3A_356, %shift_right_arithmetic3A_358 : vector<16xi32>
    %sub3A_360 = arith.constant 1597463007 : i32
    %sub3A_361 = vector.broadcast %sub3A_360 : i32 to vector<16xi32>
    %sub3A_362 = arith.subi %sub3A_361, %shift_right_arithmetic3A_359 : vector<16xi32>
    %bitcast3A_363 = vector.bitcast %sub3A_362 : vector<16xi32> to vector<16xf32>
    %mul3A_364 = arith.constant 5.000000e-01 : f32
    %mul3A_365 = vector.broadcast %mul3A_364 : f32 to vector<16xf32>
    %mul3A_366 = arith.mulf %mul3A_365, %get3A_355 : vector<16xf32>
    %mul3A_367 = arith.mulf %mul3A_366, %bitcast3A_363 : vector<16xf32>
    %mul3A_368 = arith.mulf %mul3A_367, %bitcast3A_363 : vector<16xf32>
    %sub3A_369 = arith.constant 1.500000e+00 : f32
    %sub3A_370 = vector.broadcast %sub3A_369 : f32 to vector<16xf32>
    %sub3A_371 = arith.subf %sub3A_370, %mul3A_368 : vector<16xf32>
    %mul3A_372 = arith.mulf %bitcast3A_363, %sub3A_371 : vector<16xf32>
    %mul3A_373 = arith.constant 5.000000e-01 : f32
    %mul3A_374 = vector.broadcast %mul3A_373 : f32 to vector<16xf32>
    %mul3A_375 = arith.mulf %mul3A_374, %get3A_355 : vector<16xf32>
    %mul3A_376 = arith.mulf %mul3A_375, %mul3A_372 : vector<16xf32>
    %mul3A_377 = arith.mulf %mul3A_376, %mul3A_372 : vector<16xf32>
    %sub3A_378 = arith.constant 1.500000e+00 : f32
    %sub3A_379 = vector.broadcast %sub3A_378 : f32 to vector<16xf32>
    %sub3A_380 = arith.subf %sub3A_379, %mul3A_377 : vector<16xf32>
    %mul3A_381 = arith.mulf %mul3A_372, %sub3A_380 : vector<16xf32>
    %mul3A_382 = arith.constant 5.000000e-01 : f32
    %mul3A_383 = vector.broadcast %mul3A_382 : f32 to vector<16xf32>
    %mul3A_384 = arith.mulf %mul3A_383, %get3A_355 : vector<16xf32>
    %mul3A_385 = arith.mulf %mul3A_384, %mul3A_381 : vector<16xf32>
    %mul3A_386 = arith.mulf %mul3A_385, %mul3A_381 : vector<16xf32>
    %sub3A_387 = arith.constant 1.500000e+00 : f32
    %sub3A_388 = vector.broadcast %sub3A_387 : f32 to vector<16xf32>
    %sub3A_389 = arith.subf %sub3A_388, %mul3A_386 : vector<16xf32>
    %mul3A_390 = arith.mulf %mul3A_381, %sub3A_389 : vector<16xf32>
    %gt3A_391 = arith.constant 0.000000e+00 : f32
    %gt3A_392 = vector.broadcast %gt3A_391 : f32 to vector<16xf32>
    %gt3A_393 = arith.cmpf ogt, %get3A_355, %gt3A_392 : vector<16xf32>
    %jit3A_394 = arith.constant 0.000000e+00 : f32
    %broadcast_in_dim3A_395 = vector.broadcast %jit3A_394 : f32 to vector<16xf32>
    %select_n3A_396 = arith.select %gt3A_393, %mul3A_390, %broadcast_in_dim3A_395 : vector<16xi1>, vector<16xf32>
    %swap3A_397 = arith.constant 80 : index
    %swap3A_398 = tpu.vector_load %arg21[%swap3A_397] {strides = array<i32>} : memref<640xf32, #tpu.memory_space<vmem>>, vector<16xf32>,
    tpu.vector_store %arg21[%swap3A_397], %select_n3A_396 {strides = array<i32>} : memref<640xf32, #tpu.memory_space<vmem>>, vector<16xf32>,
    %get3A_399 = arith.constant 96 : index
    %get3A_400 = tpu.vector_load %arg21[%get3A_399] {strides = array<i32>} : memref<640xf32, #tpu.memory_space<vmem>>, vector<16xf32>,
    %bitcast3A_401 = vector.bitcast %get3A_400 : vector<16xf32> to vector<16xi32>
    %shift_right_arithmetic3A_402 = arith.constant 1 : i32
    %shift_right_arithmetic3A_403 = vector.broadcast %shift_right_arithmetic3A_402 : i32 to vector<16xi32>
    %shift_right_arithmetic3A_404 = arith.shrsi %bitcast3A_401, %shift_right_arithmetic3A_403 : vector<16xi32>
    %sub3A_405 = arith.constant 1597463007 : i32
    %sub3A_406 = vector.broadcast %sub3A_405 : i32 to vector<16xi32>
    %sub3A_407 = arith.subi %sub3A_406, %shift_right_arithmetic3A_404 : vector<16xi32>
    %bitcast3A_408 = vector.bitcast %sub3A_407 : vector<16xi32> to vector<16xf32>
    %mul3A_409 = arith.constant 5.000000e-01 : f32
    %mul3A_410 = vector.broadcast %mul3A_409 : f32 to vector<16xf32>
    %mul3A_411 = arith.mulf %mul3A_410, %get3A_400 : vector<16xf32>
    %mul3A_412 = arith.mulf %mul3A_411, %bitcast3A_408 : vector<16xf32>
    %mul3A_413 = arith.mulf %mul3A_412, %bitcast3A_408 : vector<16xf32>
    %sub3A_414 = arith.constant 1.500000e+00 : f32
    %sub3A_415 = vector.broadcast %sub3A_414 : f32 to vector<16xf32>
    %sub3A_416 = arith.subf %sub3A_415, %mul3A_413 : vector<16xf32>
    %mul3A_417 = arith.mulf %bitcast3A_408, %sub3A_416 : vector<16xf32>
    %mul3A_418 = arith.constant 5.000000e-01 : f32
    %mul3A_419 = vector.broadcast %mul3A_418 : f32 to vector<16xf32>
    %mul3A_420 = arith.mulf %mul3A_419, %get3A_400 : vector<16xf32>
    %mul3A_421 = arith.mulf %mul3A_420, %mul3A_417 : vector<16xf32>
    %mul3A_422 = arith.mulf %mul3A_421, %mul3A_417 : vector<16xf32>
    %sub3A_423 = arith.constant 1.500000e+00 : f32
    %sub3A_424 = vector.broadcast %sub3A_423 : f32 to vector<16xf32>
    %sub3A_425 = arith.subf %sub3A_424, %mul3A_422 : vector<16xf32>
    %mul3A_426 = arith.mulf %mul3A_417, %sub3A_425 : vector<16xf32>
    %mul3A_427 = arith.constant 5.000000e-01 : f32
    %mul3A_428 = vector.broadcast %mul3A_427 : f32 to vector<16xf32>
    %mul3A_429 = arith.mulf %mul3A_428, %get3A_400 : vector<16xf32>
    %mul3A_430 = arith.mulf %mul3A_429, %mul3A_426 : vector<16xf32>
    %mul3A_431 = arith.mulf %mul3A_430, %mul3A_426 : vector<16xf32>
    %sub3A_432 = arith.constant 1.500000e+00 : f32
    %sub3A_433 = vector.broadcast %sub3A_432 : f32 to vector<16xf32>
    %sub3A_434 = arith.subf %sub3A_433, %mul3A_431 : vector<16xf32>
    %mul3A_435 = arith.mulf %mul3A_426, %sub3A_434 : vector<16xf32>
    %gt3A_436 = arith.constant 0.000000e+00 : f32
    %gt3A_437 = vector.broadcast %gt3A_436 : f32 to vector<16xf32>
    %gt3A_438 = arith.cmpf ogt, %get3A_400, %gt3A_437 : vector<16xf32>
    %jit3A_439 = arith.constant 0.000000e+00 : f32
    %broadcast_in_dim3A_440 = vector.broadcast %jit3A_439 : f32 to vector<16xf32>
    %select_n3A_441 = arith.select %gt3A_438, %mul3A_435, %broadcast_in_dim3A_440 : vector<16xi1>, vector<16xf32>
    %swap3A_442 = arith.constant 96 : index
    %swap3A_443 = tpu.vector_load %arg21[%swap3A_442] {strides = array<i32>} : memref<640xf32, #tpu.memory_space<vmem>>, vector<16xf32>,
    tpu.vector_store %arg21[%swap3A_442], %select_n3A_441 {strides = array<i32>} : memref<640xf32, #tpu.memory_space<vmem>>, vector<16xf32>,
    %get3A_444 = arith.constant 112 : index
    %get3A_445 = tpu.vector_load %arg21[%get3A_444] {strides = array<i32>} : memref<640xf32, #tpu.memory_space<vmem>>, vector<16xf32>,
    %bitcast3A_446 = vector.bitcast %get3A_445 : vector<16xf32> to vector<16xi32>
    %shift_right_arithmetic3A_447 = arith.constant 1 : i32
    %shift_right_arithmetic3A_448 = vector.broadcast %shift_right_arithmetic3A_447 : i32 to vector<16xi32>
    %shift_right_arithmetic3A_449 = arith.shrsi %bitcast3A_446, %shift_right_arithmetic3A_448 : vector<16xi32>
    %sub3A_450 = arith.constant 1597463007 : i32
    %sub3A_451 = vector.broadcast %sub3A_450 : i32 to vector<16xi32>
    %sub3A_452 = arith.subi %sub3A_451, %shift_right_arithmetic3A_449 : vector<16xi32>
    %bitcast3A_453 = vector.bitcast %sub3A_452 : vector<16xi32> to vector<16xf32>
    %mul3A_454 = arith.constant 5.000000e-01 : f32
    %mul3A_455 = vector.broadcast %mul3A_454 : f32 to vector<16xf32>
    %mul3A_456 = arith.mulf %mul3A_455, %get3A_445 : vector<16xf32>
    %mul3A_457 = arith.mulf %mul3A_456, %bitcast3A_453 : vector<16xf32>
    %mul3A_458 = arith.mulf %mul3A_457, %bitcast3A_453 : vector<16xf32>
    %sub3A_459 = arith.constant 1.500000e+00 : f32
    %sub3A_460 = vector.broadcast %sub3A_459 : f32 to vector<16xf32>
    %sub3A_461 = arith.subf %sub3A_460, %mul3A_458 : vector<16xf32>
    %mul3A_462 = arith.mulf %bitcast3A_453, %sub3A_461 : vector<16xf32>
    %mul3A_463 = arith.constant 5.000000e-01 : f32
    %mul3A_464 = vector.broadcast %mul3A_463 : f32 to vector<16xf32>
    %mul3A_465 = arith.mulf %mul3A_464, %get3A_445 : vector<16xf32>
    %mul3A_466 = arith.mulf %mul3A_465, %mul3A_462 : vector<16xf32>
    %mul3A_467 = arith.mulf %mul3A_466, %mul3A_462 : vector<16xf32>
    %sub3A_468 = arith.constant 1.500000e+00 : f32
    %sub3A_469 = vector.broadcast %sub3A_468 : f32 to vector<16xf32>
    %sub3A_470 = arith.subf %sub3A_469, %mul3A_467 : vector<16xf32>
    %mul3A_471 = arith.mulf %mul3A_462, %sub3A_470 : vector<16xf32>
    %mul3A_472 = arith.constant 5.000000e-01 : f32
    %mul3A_473 = vector.broadcast %mul3A_472 : f32 to vector<16xf32>
    %mul3A_474 = arith.mulf %mul3A_473, %get3A_445 : vector<16xf32>
    %mul3A_475 = arith.mulf %mul3A_474, %mul3A_471 : vector<16xf32>
    %mul3A_476 = arith.mulf %mul3A_475, %mul3A_471 : vector<16xf32>
    %sub3A_477 = arith.constant 1.500000e+00 : f32
    %sub3A_478 = vector.broadcast %sub3A_477 : f32 to vector<16xf32>
    %sub3A_479 = arith.subf %sub3A_478, %mul3A_476 : vector<16xf32>
    %mul3A_480 = arith.mulf %mul3A_471, %sub3A_479 : vector<16xf32>
    %gt3A_481 = arith.constant 0.000000e+00 : f32
    %gt3A_482 = vector.broadcast %gt3A_481 : f32 to vector<16xf32>
    %gt3A_483 = arith.cmpf ogt, %get3A_445, %gt3A_482 : vector<16xf32>
    %jit3A_484 = arith.constant 0.000000e+00 : f32
    %broadcast_in_dim3A_485 = vector.broadcast %jit3A_484 : f32 to vector<16xf32>
    %select_n3A_486 = arith.select %gt3A_483, %mul3A_480, %broadcast_in_dim3A_485 : vector<16xi1>, vector<16xf32>
    %swap3A_487 = arith.constant 112 : index
    %swap3A_488 = tpu.vector_load %arg21[%swap3A_487] {strides = array<i32>} : memref<640xf32, #tpu.memory_space<vmem>>, vector<16xf32>,
    tpu.vector_store %arg21[%swap3A_487], %select_n3A_486 {strides = array<i32>} : memref<640xf32, #tpu.memory_space<vmem>>, vector<16xf32>,
    %get3A_489 = arith.constant 128 : index
    %get3A_490 = tpu.vector_load %arg21[%get3A_489] {strides = array<i32>} : memref<640xf32, #tpu.memory_space<vmem>>, vector<16xf32>,
    %bitcast3A_491 = vector.bitcast %get3A_490 : vector<16xf32> to vector<16xi32>
    %shift_right_arithmetic3A_492 = arith.constant 1 : i32
    %shift_right_arithmetic3A_493 = vector.broadcast %shift_right_arithmetic3A_492 : i32 to vector<16xi32>
    %shift_right_arithmetic3A_494 = arith.shrsi %bitcast3A_491, %shift_right_arithmetic3A_493 : vector<16xi32>
    %sub3A_495 = arith.constant 1597463007 : i32
    %sub3A_496 = vector.broadcast %sub3A_495 : i32 to vector<16xi32>
    %sub3A_497 = arith.subi %sub3A_496, %shift_right_arithmetic3A_494 : vector<16xi32>
    %bitcast3A_498 = vector.bitcast %sub3A_497 : vector<16xi32> to vector<16xf32>
    %mul3A_499 = arith.constant 5.000000e-01 : f32
    %mul3A_500 = vector.broadcast %mul3A_499 : f32 to vector<16xf32>
    %mul3A_501 = arith.mulf %mul3A_500, %get3A_490 : vector<16xf32>
    %mul3A_502 = arith.mulf %mul3A_501, %bitcast3A_498 : vector<16xf32>
    %mul3A_503 = arith.mulf %mul3A_502, %bitcast3A_498 : vector<16xf32>
    %sub3A_504 = arith.constant 1.500000e+00 : f32
    %sub3A_505 = vector.broadcast %sub3A_504 : f32 to vector<16xf32>
    %sub3A_506 = arith.subf %sub3A_505, %mul3A_503 : vector<16xf32>
    %mul3A_507 = arith.mulf %bitcast3A_498, %sub3A_506 : vector<16xf32>
    %mul3A_508 = arith.constant 5.000000e-01 : f32
    %mul3A_509 = vector.broadcast %mul3A_508 : f32 to vector<16xf32>
    %mul3A_510 = arith.mulf %mul3A_509, %get3A_490 : vector<16xf32>
    %mul3A_511 = arith.mulf %mul3A_510, %mul3A_507 : vector<16xf32>
    %mul3A_512 = arith.mulf %mul3A_511, %mul3A_507 : vector<16xf32>
    %sub3A_513 = arith.constant 1.500000e+00 : f32
    %sub3A_514 = vector.broadcast %sub3A_513 : f32 to vector<16xf32>
    %sub3A_515 = arith.subf %sub3A_514, %mul3A_512 : vector<16xf32>
    %mul3A_516 = arith.mulf %mul3A_507, %sub3A_515 : vector<16xf32>
    %mul3A_517 = arith.constant 5.000000e-01 : f32
    %mul3A_518 = vector.broadcast %mul3A_517 : f32 to vector<16xf32>
    %mul3A_519 = arith.mulf %mul3A_518, %get3A_490 : vector<16xf32>
    %mul3A_520 = arith.mulf %mul3A_519, %mul3A_516 : vector<16xf32>
    %mul3A_521 = arith.mulf %mul3A_520, %mul3A_516 : vector<16xf32>
    %sub3A_522 = arith.constant 1.500000e+00 : f32
    %sub3A_523 = vector.broadcast %sub3A_522 : f32 to vector<16xf32>
    %sub3A_524 = arith.subf %sub3A_523, %mul3A_521 : vector<16xf32>
    %mul3A_525 = arith.mulf %mul3A_516, %sub3A_524 : vector<16xf32>
    %gt3A_526 = arith.constant 0.000000e+00 : f32
    %gt3A_527 = vector.broadcast %gt3A_526 : f32 to vector<16xf32>
    %gt3A_528 = arith.cmpf ogt, %get3A_490, %gt3A_527 : vector<16xf32>
    %jit3A_529 = arith.constant 0.000000e+00 : f32
    %broadcast_in_dim3A_530 = vector.broadcast %jit3A_529 : f32 to vector<16xf32>
    %select_n3A_531 = arith.select %gt3A_528, %mul3A_525, %broadcast_in_dim3A_530 : vector<16xi1>, vector<16xf32>
    %swap3A_532 = arith.constant 128 : index
    %swap3A_533 = tpu.vector_load %arg21[%swap3A_532] {strides = array<i32>} : memref<640xf32, #tpu.memory_space<vmem>>, vector<16xf32>,
    tpu.vector_store %arg21[%swap3A_532], %select_n3A_531 {strides = array<i32>} : memref<640xf32, #tpu.memory_space<vmem>>, vector<16xf32>,
    %get3A_534 = arith.constant 144 : index
    %get3A_535 = tpu.vector_load %arg21[%get3A_534] {strides = array<i32>} : memref<640xf32, #tpu.memory_space<vmem>>, vector<16xf32>,
    %bitcast3A_536 = vector.bitcast %get3A_535 : vector<16xf32> to vector<16xi32>
    %shift_right_arithmetic3A_537 = arith.constant 1 : i32
    %shift_right_arithmetic3A_538 = vector.broadcast %shift_right_arithmetic3A_537 : i32 to vector<16xi32>
    %shift_right_arithmetic3A_539 = arith.shrsi %bitcast3A_536, %shift_right_arithmetic3A_538 : vector<16xi32>
    %sub3A_540 = arith.constant 1597463007 : i32
    %sub3A_541 = vector.broadcast %sub3A_540 : i32 to vector<16xi32>
    %sub3A_542 = arith.subi %sub3A_541, %shift_right_arithmetic3A_539 : vector<16xi32>
    %bitcast3A_543 = vector.bitcast %sub3A_542 : vector<16xi32> to vector<16xf32>
    %mul3A_544 = arith.constant 5.000000e-01 : f32
    %mul3A_545 = vector.broadcast %mul3A_544 : f32 to vector<16xf32>
    %mul3A_546 = arith.mulf %mul3A_545, %get3A_535 : vector<16xf32>
    %mul3A_547 = arith.mulf %mul3A_546, %bitcast3A_543 : vector<16xf32>
    %mul3A_548 = arith.mulf %mul3A_547, %bitcast3A_543 : vector<16xf32>
    %sub3A_549 = arith.constant 1.500000e+00 : f32
    %sub3A_550 = vector.broadcast %sub3A_549 : f32 to vector<16xf32>
    %sub3A_551 = arith.subf %sub3A_550, %mul3A_548 : vector<16xf32>
    %mul3A_552 = arith.mulf %bitcast3A_543, %sub3A_551 : vector<16xf32>
    %mul3A_553 = arith.constant 5.000000e-01 : f32
    %mul3A_554 = vector.broadcast %mul3A_553 : f32 to vector<16xf32>
    %mul3A_555 = arith.mulf %mul3A_554, %get3A_535 : vector<16xf32>
    %mul3A_556 = arith.mulf %mul3A_555, %mul3A_552 : vector<16xf32>
    %mul3A_557 = arith.mulf %mul3A_556, %mul3A_552 : vector<16xf32>
    %sub3A_558 = arith.constant 1.500000e+00 : f32
    %sub3A_559 = vector.broadcast %sub3A_558 : f32 to vector<16xf32>
    %sub3A_560 = arith.subf %sub3A_559, %mul3A_557 : vector<16xf32>
    %mul3A_561 = arith.mulf %mul3A_552, %sub3A_560 : vector<16xf32>
    %mul3A_562 = arith.constant 5.000000e-01 : f32
    %mul3A_563 = vector.broadcast %mul3A_562 : f32 to vector<16xf32>
    %mul3A_564 = arith.mulf %mul3A_563, %get3A_535 : vector<16xf32>
    %mul3A_565 = arith.mulf %mul3A_564, %mul3A_561 : vector<16xf32>
    %mul3A_566 = arith.mulf %mul3A_565, %mul3A_561 : vector<16xf32>
    %sub3A_567 = arith.constant 1.500000e+00 : f32
    %sub3A_568 = vector.broadcast %sub3A_567 : f32 to vector<16xf32>
    %sub3A_569 = arith.subf %sub3A_568, %mul3A_566 : vector<16xf32>
    %mul3A_570 = arith.mulf %mul3A_561, %sub3A_569 : vector<16xf32>
    %gt3A_571 = arith.constant 0.000000e+00 : f32
    %gt3A_572 = vector.broadcast %gt3A_571 : f32 to vector<16xf32>
    %gt3A_573 = arith.cmpf ogt, %get3A_535, %gt3A_572 : vector<16xf32>
    %jit3A_574 = arith.constant 0.000000e+00 : f32
    %broadcast_in_dim3A_575 = vector.broadcast %jit3A_574 : f32 to vector<16xf32>
    %select_n3A_576 = arith.select %gt3A_573, %mul3A_570, %broadcast_in_dim3A_575 : vector<16xi1>, vector<16xf32>
    %swap3A_577 = arith.constant 144 : index
    %swap3A_578 = tpu.vector_load %arg21[%swap3A_577] {strides = array<i32>} : memref<640xf32, #tpu.memory_space<vmem>>, vector<16xf32>,
    tpu.vector_store %arg21[%swap3A_577], %select_n3A_576 {strides = array<i32>} : memref<640xf32, #tpu.memory_space<vmem>>, vector<16xf32>,
    %get3A_579 = arith.constant 160 : index
    %get3A_580 = tpu.vector_load %arg21[%get3A_579] {strides = array<i32>} : memref<640xf32, #tpu.memory_space<vmem>>, vector<16xf32>,
    %bitcast3A_581 = vector.bitcast %get3A_580 : vector<16xf32> to vector<16xi32>
    %shift_right_arithmetic3A_582 = arith.constant 1 : i32
    %shift_right_arithmetic3A_583 = vector.broadcast %shift_right_arithmetic3A_582 : i32 to vector<16xi32>
    %shift_right_arithmetic3A_584 = arith.shrsi %bitcast3A_581, %shift_right_arithmetic3A_583 : vector<16xi32>
    %sub3A_585 = arith.constant 1597463007 : i32
    %sub3A_586 = vector.broadcast %sub3A_585 : i32 to vector<16xi32>
    %sub3A_587 = arith.subi %sub3A_586, %shift_right_arithmetic3A_584 : vector<16xi32>
    %bitcast3A_588 = vector.bitcast %sub3A_587 : vector<16xi32> to vector<16xf32>
    %mul3A_589 = arith.constant 5.000000e-01 : f32
    %mul3A_590 = vector.broadcast %mul3A_589 : f32 to vector<16xf32>
    %mul3A_591 = arith.mulf %mul3A_590, %get3A_580 : vector<16xf32>
    %mul3A_592 = arith.mulf %mul3A_591, %bitcast3A_588 : vector<16xf32>
    %mul3A_593 = arith.mulf %mul3A_592, %bitcast3A_588 : vector<16xf32>
    %sub3A_594 = arith.constant 1.500000e+00 : f32
    %sub3A_595 = vector.broadcast %sub3A_594 : f32 to vector<16xf32>
    %sub3A_596 = arith.subf %sub3A_595, %mul3A_593 : vector<16xf32>
    %mul3A_597 = arith.mulf %bitcast3A_588, %sub3A_596 : vector<16xf32>
    %mul3A_598 = arith.constant 5.000000e-01 : f32
    %mul3A_599 = vector.broadcast %mul3A_598 : f32 to vector<16xf32>
    %mul3A_600 = arith.mulf %mul3A_599, %get3A_580 : vector<16xf32>
    %mul3A_601 = arith.mulf %mul3A_600, %mul3A_597 : vector<16xf32>
    %mul3A_602 = arith.mulf %mul3A_601, %mul3A_597 : vector<16xf32>
    %sub3A_603 = arith.constant 1.500000e+00 : f32
    %sub3A_604 = vector.broadcast %sub3A_603 : f32 to vector<16xf32>
    %sub3A_605 = arith.subf %sub3A_604, %mul3A_602 : vector<16xf32>
    %mul3A_606 = arith.mulf %mul3A_597, %sub3A_605 : vector<16xf32>
    %mul3A_607 = arith.constant 5.000000e-01 : f32
    %mul3A_608 = vector.broadcast %mul3A_607 : f32 to vector<16xf32>
    %mul3A_609 = arith.mulf %mul3A_608, %get3A_580 : vector<16xf32>
    %mul3A_610 = arith.mulf %mul3A_609, %mul3A_606 : vector<16xf32>
    %mul3A_611 = arith.mulf %mul3A_610, %mul3A_606 : vector<16xf32>
    %sub3A_612 = arith.constant 1.500000e+00 : f32
    %sub3A_613 = vector.broadcast %sub3A_612 : f32 to vector<16xf32>
    %sub3A_614 = arith.subf %sub3A_613, %mul3A_611 : vector<16xf32>
    %mul3A_615 = arith.mulf %mul3A_606, %sub3A_614 : vector<16xf32>
    %gt3A_616 = arith.constant 0.000000e+00 : f32
    %gt3A_617 = vector.broadcast %gt3A_616 : f32 to vector<16xf32>
    %gt3A_618 = arith.cmpf ogt, %get3A_580, %gt3A_617 : vector<16xf32>
    %jit3A_619 = arith.constant 0.000000e+00 : f32
    %broadcast_in_dim3A_620 = vector.broadcast %jit3A_619 : f32 to vector<16xf32>
    %select_n3A_621 = arith.select %gt3A_618, %mul3A_615, %broadcast_in_dim3A_620 : vector<16xi1>, vector<16xf32>
    %swap3A_622 = arith.constant 160 : index
    %swap3A_623 = tpu.vector_load %arg21[%swap3A_622] {strides = array<i32>} : memref<640xf32, #tpu.memory_space<vmem>>, vector<16xf32>,
    tpu.vector_store %arg21[%swap3A_622], %select_n3A_621 {strides = array<i32>} : memref<640xf32, #tpu.memory_space<vmem>>, vector<16xf32>,
    %get3A_624 = arith.constant 176 : index
    %get3A_625 = tpu.vector_load %arg21[%get3A_624] {strides = array<i32>} : memref<640xf32, #tpu.memory_space<vmem>>, vector<16xf32>,
    %bitcast3A_626 = vector.bitcast %get3A_625 : vector<16xf32> to vector<16xi32>
    %shift_right_arithmetic3A_627 = arith.constant 1 : i32
    %shift_right_arithmetic3A_628 = vector.broadcast %shift_right_arithmetic3A_627 : i32 to vector<16xi32>
    %shift_right_arithmetic3A_629 = arith.shrsi %bitcast3A_626, %shift_right_arithmetic3A_628 : vector<16xi32>
    %sub3A_630 = arith.constant 1597463007 : i32
    %sub3A_631 = vector.broadcast %sub3A_630 : i32 to vector<16xi32>
    %sub3A_632 = arith.subi %sub3A_631, %shift_right_arithmetic3A_629 : vector<16xi32>
    %bitcast3A_633 = vector.bitcast %sub3A_632 : vector<16xi32> to vector<16xf32>
    %mul3A_634 = arith.constant 5.000000e-01 : f32
    %mul3A_635 = vector.broadcast %mul3A_634 : f32 to vector<16xf32>
    %mul3A_636 = arith.mulf %mul3A_635, %get3A_625 : vector<16xf32>
    %mul3A_637 = arith.mulf %mul3A_636, %bitcast3A_633 : vector<16xf32>
    %mul3A_638 = arith.mulf %mul3A_637, %bitcast3A_633 : vector<16xf32>
    %sub3A_639 = arith.constant 1.500000e+00 : f32
    %sub3A_640 = vector.broadcast %sub3A_639 : f32 to vector<16xf32>
    %sub3A_641 = arith.subf %sub3A_640, %mul3A_638 : vector<16xf32>
    %mul3A_642 = arith.mulf %bitcast3A_633, %sub3A_641 : vector<16xf32>
    %mul3A_643 = arith.constant 5.000000e-01 : f32
    %mul3A_644 = vector.broadcast %mul3A_643 : f32 to vector<16xf32>
    %mul3A_645 = arith.mulf %mul3A_644, %get3A_625 : vector<16xf32>
    %mul3A_646 = arith.mulf %mul3A_645, %mul3A_642 : vector<16xf32>
    %mul3A_647 = arith.mulf %mul3A_646, %mul3A_642 : vector<16xf32>
    %sub3A_648 = arith.constant 1.500000e+00 : f32
    %sub3A_649 = vector.broadcast %sub3A_648 : f32 to vector<16xf32>
    %sub3A_650 = arith.subf %sub3A_649, %mul3A_647 : vector<16xf32>
    %mul3A_651 = arith.mulf %mul3A_642, %sub3A_650 : vector<16xf32>
    %mul3A_652 = arith.constant 5.000000e-01 : f32
    %mul3A_653 = vector.broadcast %mul3A_652 : f32 to vector<16xf32>
    %mul3A_654 = arith.mulf %mul3A_653, %get3A_625 : vector<16xf32>
    %mul3A_655 = arith.mulf %mul3A_654, %mul3A_651 : vector<16xf32>
    %mul3A_656 = arith.mulf %mul3A_655, %mul3A_651 : vector<16xf32>
    %sub3A_657 = arith.constant 1.500000e+00 : f32
    %sub3A_658 = vector.broadcast %sub3A_657 : f32 to vector<16xf32>
    %sub3A_659 = arith.subf %sub3A_658, %mul3A_656 : vector<16xf32>
    %mul3A_660 = arith.mulf %mul3A_651, %sub3A_659 : vector<16xf32>
    %gt3A_661 = arith.constant 0.000000e+00 : f32
    %gt3A_662 = vector.broadcast %gt3A_661 : f32 to vector<16xf32>
    %gt3A_663 = arith.cmpf ogt, %get3A_625, %gt3A_662 : vector<16xf32>
    %jit3A_664 = arith.constant 0.000000e+00 : f32
    %broadcast_in_dim3A_665 = vector.broadcast %jit3A_664 : f32 to vector<16xf32>
    %select_n3A_666 = arith.select %gt3A_663, %mul3A_660, %broadcast_in_dim3A_665 : vector<16xi1>, vector<16xf32>
    %swap3A_667 = arith.constant 176 : index
    %swap3A_668 = tpu.vector_load %arg21[%swap3A_667] {strides = array<i32>} : memref<640xf32, #tpu.memory_space<vmem>>, vector<16xf32>,
    tpu.vector_store %arg21[%swap3A_667], %select_n3A_666 {strides = array<i32>} : memref<640xf32, #tpu.memory_space<vmem>>, vector<16xf32>,
    %get3A_669 = arith.constant 192 : index
    %get3A_670 = tpu.vector_load %arg21[%get3A_669] {strides = array<i32>} : memref<640xf32, #tpu.memory_space<vmem>>, vector<16xf32>,
    %bitcast3A_671 = vector.bitcast %get3A_670 : vector<16xf32> to vector<16xi32>
    %shift_right_arithmetic3A_672 = arith.constant 1 : i32
    %shift_right_arithmetic3A_673 = vector.broadcast %shift_right_arithmetic3A_672 : i32 to vector<16xi32>
    %shift_right_arithmetic3A_674 = arith.shrsi %bitcast3A_671, %shift_right_arithmetic3A_673 : vector<16xi32>
    %sub3A_675 = arith.constant 1597463007 : i32
    %sub3A_676 = vector.broadcast %sub3A_675 : i32 to vector<16xi32>
    %sub3A_677 = arith.subi %sub3A_676, %shift_right_arithmetic3A_674 : vector<16xi32>
    %bitcast3A_678 = vector.bitcast %sub3A_677 : vector<16xi32> to vector<16xf32>
    %mul3A_679 = arith.constant 5.000000e-01 : f32
    %mul3A_680 = vector.broadcast %mul3A_679 : f32 to vector<16xf32>
    %mul3A_681 = arith.mulf %mul3A_680, %get3A_670 : vector<16xf32>
    %mul3A_682 = arith.mulf %mul3A_681, %bitcast3A_678 : vector<16xf32>
    %mul3A_683 = arith.mulf %mul3A_682, %bitcast3A_678 : vector<16xf32>
    %sub3A_684 = arith.constant 1.500000e+00 : f32
    %sub3A_685 = vector.broadcast %sub3A_684 : f32 to vector<16xf32>
    %sub3A_686 = arith.subf %sub3A_685, %mul3A_683 : vector<16xf32>
    %mul3A_687 = arith.mulf %bitcast3A_678, %sub3A_686 : vector<16xf32>
    %mul3A_688 = arith.constant 5.000000e-01 : f32
    %mul3A_689 = vector.broadcast %mul3A_688 : f32 to vector<16xf32>
    %mul3A_690 = arith.mulf %mul3A_689, %get3A_670 : vector<16xf32>
    %mul3A_691 = arith.mulf %mul3A_690, %mul3A_687 : vector<16xf32>
    %mul3A_692 = arith.mulf %mul3A_691, %mul3A_687 : vector<16xf32>
    %sub3A_693 = arith.constant 1.500000e+00 : f32
    %sub3A_694 = vector.broadcast %sub3A_693 : f32 to vector<16xf32>
    %sub3A_695 = arith.subf %sub3A_694, %mul3A_692 : vector<16xf32>
    %mul3A_696 = arith.mulf %mul3A_687, %sub3A_695 : vector<16xf32>
    %mul3A_697 = arith.constant 5.000000e-01 : f32
    %mul3A_698 = vector.broadcast %mul3A_697 : f32 to vector<16xf32>
    %mul3A_699 = arith.mulf %mul3A_698, %get3A_670 : vector<16xf32>
    %mul3A_700 = arith.mulf %mul3A_699, %mul3A_696 : vector<16xf32>
    %mul3A_701 = arith.mulf %mul3A_700, %mul3A_696 : vector<16xf32>
    %sub3A_702 = arith.constant 1.500000e+00 : f32
    %sub3A_703 = vector.broadcast %sub3A_702 : f32 to vector<16xf32>
    %sub3A_704 = arith.subf %sub3A_703, %mul3A_701 : vector<16xf32>
    %mul3A_705 = arith.mulf %mul3A_696, %sub3A_704 : vector<16xf32>
    %gt3A_706 = arith.constant 0.000000e+00 : f32
    %gt3A_707 = vector.broadcast %gt3A_706 : f32 to vector<16xf32>
    %gt3A_708 = arith.cmpf ogt, %get3A_670, %gt3A_707 : vector<16xf32>
    %jit3A_709 = arith.constant 0.000000e+00 : f32
    %broadcast_in_dim3A_710 = vector.broadcast %jit3A_709 : f32 to vector<16xf32>
    %select_n3A_711 = arith.select %gt3A_708, %mul3A_705, %broadcast_in_dim3A_710 : vector<16xi1>, vector<16xf32>
    %swap3A_712 = arith.constant 192 : index
    %swap3A_713 = tpu.vector_load %arg21[%swap3A_712] {strides = array<i32>} : memref<640xf32, #tpu.memory_space<vmem>>, vector<16xf32>,
    tpu.vector_store %arg21[%swap3A_712], %select_n3A_711 {strides = array<i32>} : memref<640xf32, #tpu.memory_space<vmem>>, vector<16xf32>,
    %get3A_714 = arith.constant 208 : index
    %get3A_715 = tpu.vector_load %arg21[%get3A_714] {strides = array<i32>} : memref<640xf32, #tpu.memory_space<vmem>>, vector<16xf32>,
    %bitcast3A_716 = vector.bitcast %get3A_715 : vector<16xf32> to vector<16xi32>
    %shift_right_arithmetic3A_717 = arith.constant 1 : i32
    %shift_right_arithmetic3A_718 = vector.broadcast %shift_right_arithmetic3A_717 : i32 to vector<16xi32>
    %shift_right_arithmetic3A_719 = arith.shrsi %bitcast3A_716, %shift_right_arithmetic3A_718 : vector<16xi32>
    %sub3A_720 = arith.constant 1597463007 : i32
    %sub3A_721 = vector.broadcast %sub3A_720 : i32 to vector<16xi32>
    %sub3A_722 = arith.subi %sub3A_721, %shift_right_arithmetic3A_719 : vector<16xi32>
    %bitcast3A_723 = vector.bitcast %sub3A_722 : vector<16xi32> to vector<16xf32>
    %mul3A_724 = arith.constant 5.000000e-01 : f32
    %mul3A_725 = vector.broadcast %mul3A_724 : f32 to vector<16xf32>
    %mul3A_726 = arith.mulf %mul3A_725, %get3A_715 : vector<16xf32>
    %mul3A_727 = arith.mulf %mul3A_726, %bitcast3A_723 : vector<16xf32>
    %mul3A_728 = arith.mulf %mul3A_727, %bitcast3A_723 : vector<16xf32>
    %sub3A_729 = arith.constant 1.500000e+00 : f32
    %sub3A_730 = vector.broadcast %sub3A_729 : f32 to vector<16xf32>
    %sub3A_731 = arith.subf %sub3A_730, %mul3A_728 : vector<16xf32>
    %mul3A_732 = arith.mulf %bitcast3A_723, %sub3A_731 : vector<16xf32>
    %mul3A_733 = arith.constant 5.000000e-01 : f32
    %mul3A_734 = vector.broadcast %mul3A_733 : f32 to vector<16xf32>
    %mul3A_735 = arith.mulf %mul3A_734, %get3A_715 : vector<16xf32>
    %mul3A_736 = arith.mulf %mul3A_735, %mul3A_732 : vector<16xf32>
    %mul3A_737 = arith.mulf %mul3A_736, %mul3A_732 : vector<16xf32>
    %sub3A_738 = arith.constant 1.500000e+00 : f32
    %sub3A_739 = vector.broadcast %sub3A_738 : f32 to vector<16xf32>
    %sub3A_740 = arith.subf %sub3A_739, %mul3A_737 : vector<16xf32>
    %mul3A_741 = arith.mulf %mul3A_732, %sub3A_740 : vector<16xf32>
    %mul3A_742 = arith.constant 5.000000e-01 : f32
    %mul3A_743 = vector.broadcast %mul3A_742 : f32 to vector<16xf32>
    %mul3A_744 = arith.mulf %mul3A_743, %get3A_715 : vector<16xf32>
    %mul3A_745 = arith.mulf %mul3A_744, %mul3A_741 : vector<16xf32>
    %mul3A_746 = arith.mulf %mul3A_745, %mul3A_741 : vector<16xf32>
    %sub3A_747 = arith.constant 1.500000e+00 : f32
    %sub3A_748 = vector.broadcast %sub3A_747 : f32 to vector<16xf32>
    %sub3A_749 = arith.subf %sub3A_748, %mul3A_746 : vector<16xf32>
    %mul3A_750 = arith.mulf %mul3A_741, %sub3A_749 : vector<16xf32>
    %gt3A_751 = arith.constant 0.000000e+00 : f32
    %gt3A_752 = vector.broadcast %gt3A_751 : f32 to vector<16xf32>
    %gt3A_753 = arith.cmpf ogt, %get3A_715, %gt3A_752 : vector<16xf32>
    %jit3A_754 = arith.constant 0.000000e+00 : f32
    %broadcast_in_dim3A_755 = vector.broadcast %jit3A_754 : f32 to vector<16xf32>
    %select_n3A_756 = arith.select %gt3A_753, %mul3A_750, %broadcast_in_dim3A_755 : vector<16xi1>, vector<16xf32>
    %swap3A_757 = arith.constant 208 : index
    %swap3A_758 = tpu.vector_load %arg21[%swap3A_757] {strides = array<i32>} : memref<640xf32, #tpu.memory_space<vmem>>, vector<16xf32>,
    tpu.vector_store %arg21[%swap3A_757], %select_n3A_756 {strides = array<i32>} : memref<640xf32, #tpu.memory_space<vmem>>, vector<16xf32>,
    %get3A_759 = arith.constant 224 : index
    %get3A_760 = tpu.vector_load %arg21[%get3A_759] {strides = array<i32>} : memref<640xf32, #tpu.memory_space<vmem>>, vector<16xf32>,
    %bitcast3A_761 = vector.bitcast %get3A_760 : vector<16xf32> to vector<16xi32>
    %shift_right_arithmetic3A_762 = arith.constant 1 : i32
    %shift_right_arithmetic3A_763 = vector.broadcast %shift_right_arithmetic3A_762 : i32 to vector<16xi32>
    %shift_right_arithmetic3A_764 = arith.shrsi %bitcast3A_761, %shift_right_arithmetic3A_763 : vector<16xi32>
    %sub3A_765 = arith.constant 1597463007 : i32
    %sub3A_766 = vector.broadcast %sub3A_765 : i32 to vector<16xi32>
    %sub3A_767 = arith.subi %sub3A_766, %shift_right_arithmetic3A_764 : vector<16xi32>
    %bitcast3A_768 = vector.bitcast %sub3A_767 : vector<16xi32> to vector<16xf32>
    %mul3A_769 = arith.constant 5.000000e-01 : f32
    %mul3A_770 = vector.broadcast %mul3A_769 : f32 to vector<16xf32>
    %mul3A_771 = arith.mulf %mul3A_770, %get3A_760 : vector<16xf32>
    %mul3A_772 = arith.mulf %mul3A_771, %bitcast3A_768 : vector<16xf32>
    %mul3A_773 = arith.mulf %mul3A_772, %bitcast3A_768 : vector<16xf32>
    %sub3A_774 = arith.constant 1.500000e+00 : f32
    %sub3A_775 = vector.broadcast %sub3A_774 : f32 to vector<16xf32>
    %sub3A_776 = arith.subf %sub3A_775, %mul3A_773 : vector<16xf32>
    %mul3A_777 = arith.mulf %bitcast3A_768, %sub3A_776 : vector<16xf32>
    %mul3A_778 = arith.constant 5.000000e-01 : f32
    %mul3A_779 = vector.broadcast %mul3A_778 : f32 to vector<16xf32>
    %mul3A_780 = arith.mulf %mul3A_779, %get3A_760 : vector<16xf32>
    %mul3A_781 = arith.mulf %mul3A_780, %mul3A_777 : vector<16xf32>
    %mul3A_782 = arith.mulf %mul3A_781, %mul3A_777 : vector<16xf32>
    %sub3A_783 = arith.constant 1.500000e+00 : f32
    %sub3A_784 = vector.broadcast %sub3A_783 : f32 to vector<16xf32>
    %sub3A_785 = arith.subf %sub3A_784, %mul3A_782 : vector<16xf32>
    %mul3A_786 = arith.mulf %mul3A_777, %sub3A_785 : vector<16xf32>
    %mul3A_787 = arith.constant 5.000000e-01 : f32
    %mul3A_788 = vector.broadcast %mul3A_787 : f32 to vector<16xf32>
    %mul3A_789 = arith.mulf %mul3A_788, %get3A_760 : vector<16xf32>
    %mul3A_790 = arith.mulf %mul3A_789, %mul3A_786 : vector<16xf32>
    %mul3A_791 = arith.mulf %mul3A_790, %mul3A_786 : vector<16xf32>
    %sub3A_792 = arith.constant 1.500000e+00 : f32
    %sub3A_793 = vector.broadcast %sub3A_792 : f32 to vector<16xf32>
    %sub3A_794 = arith.subf %sub3A_793, %mul3A_791 : vector<16xf32>
    %mul3A_795 = arith.mulf %mul3A_786, %sub3A_794 : vector<16xf32>
    %gt3A_796 = arith.constant 0.000000e+00 : f32
    %gt3A_797 = vector.broadcast %gt3A_796 : f32 to vector<16xf32>
    %gt3A_798 = arith.cmpf ogt, %get3A_760, %gt3A_797 : vector<16xf32>
    %jit3A_799 = arith.constant 0.000000e+00 : f32
    %broadcast_in_dim3A_800 = vector.broadcast %jit3A_799 : f32 to vector<16xf32>
    %select_n3A_801 = arith.select %gt3A_798, %mul3A_795, %broadcast_in_dim3A_800 : vector<16xi1>, vector<16xf32>
    %swap3A_802 = arith.constant 224 : index
    %swap3A_803 = tpu.vector_load %arg21[%swap3A_802] {strides = array<i32>} : memref<640xf32, #tpu.memory_space<vmem>>, vector<16xf32>,
    tpu.vector_store %arg21[%swap3A_802], %select_n3A_801 {strides = array<i32>} : memref<640xf32, #tpu.memory_space<vmem>>, vector<16xf32>,
    %get3A_804 = arith.constant 240 : index
    %get3A_805 = tpu.vector_load %arg21[%get3A_804] {strides = array<i32>} : memref<640xf32, #tpu.memory_space<vmem>>, vector<16xf32>,
    %bitcast3A_806 = vector.bitcast %get3A_805 : vector<16xf32> to vector<16xi32>
    %shift_right_arithmetic3A_807 = arith.constant 1 : i32
    %shift_right_arithmetic3A_808 = vector.broadcast %shift_right_arithmetic3A_807 : i32 to vector<16xi32>
    %shift_right_arithmetic3A_809 = arith.shrsi %bitcast3A_806, %shift_right_arithmetic3A_808 : vector<16xi32>
    %sub3A_810 = arith.constant 1597463007 : i32
    %sub3A_811 = vector.broadcast %sub3A_810 : i32 to vector<16xi32>
    %sub3A_812 = arith.subi %sub3A_811, %shift_right_arithmetic3A_809 : vector<16xi32>
    %bitcast3A_813 = vector.bitcast %sub3A_812 : vector<16xi32> to vector<16xf32>
    %mul3A_814 = arith.constant 5.000000e-01 : f32
    %mul3A_815 = vector.broadcast %mul3A_814 : f32 to vector<16xf32>
    %mul3A_816 = arith.mulf %mul3A_815, %get3A_805 : vector<16xf32>
    %mul3A_817 = arith.mulf %mul3A_816, %bitcast3A_813 : vector<16xf32>
    %mul3A_818 = arith.mulf %mul3A_817, %bitcast3A_813 : vector<16xf32>
    %sub3A_819 = arith.constant 1.500000e+00 : f32
    %sub3A_820 = vector.broadcast %sub3A_819 : f32 to vector<16xf32>
    %sub3A_821 = arith.subf %sub3A_820, %mul3A_818 : vector<16xf32>
    %mul3A_822 = arith.mulf %bitcast3A_813, %sub3A_821 : vector<16xf32>
    %mul3A_823 = arith.constant 5.000000e-01 : f32
    %mul3A_824 = vector.broadcast %mul3A_823 : f32 to vector<16xf32>
    %mul3A_825 = arith.mulf %mul3A_824, %get3A_805 : vector<16xf32>
    %mul3A_826 = arith.mulf %mul3A_825, %mul3A_822 : vector<16xf32>
    %mul3A_827 = arith.mulf %mul3A_826, %mul3A_822 : vector<16xf32>
    %sub3A_828 = arith.constant 1.500000e+00 : f32
    %sub3A_829 = vector.broadcast %sub3A_828 : f32 to vector<16xf32>
    %sub3A_830 = arith.subf %sub3A_829, %mul3A_827 : vector<16xf32>
    %mul3A_831 = arith.mulf %mul3A_822, %sub3A_830 : vector<16xf32>
    %mul3A_832 = arith.constant 5.000000e-01 : f32
    %mul3A_833 = vector.broadcast %mul3A_832 : f32 to vector<16xf32>
    %mul3A_834 = arith.mulf %mul3A_833, %get3A_805 : vector<16xf32>
    %mul3A_835 = arith.mulf %mul3A_834, %mul3A_831 : vector<16xf32>
    %mul3A_836 = arith.mulf %mul3A_835, %mul3A_831 : vector<16xf32>
    %sub3A_837 = arith.constant 1.500000e+00 : f32
    %sub3A_838 = vector.broadcast %sub3A_837 : f32 to vector<16xf32>
    %sub3A_839 = arith.subf %sub3A_838, %mul3A_836 : vector<16xf32>
    %mul3A_840 = arith.mulf %mul3A_831, %sub3A_839 : vector<16xf32>
    %gt3A_841 = arith.constant 0.000000e+00 : f32
    %gt3A_842 = vector.broadcast %gt3A_841 : f32 to vector<16xf32>
    %gt3A_843 = arith.cmpf ogt, %get3A_805, %gt3A_842 : vector<16xf32>
    %jit3A_844 = arith.constant 0.000000e+00 : f32
    %broadcast_in_dim3A_845 = vector.broadcast %jit3A_844 : f32 to vector<16xf32>
    %select_n3A_846 = arith.select %gt3A_843, %mul3A_840, %broadcast_in_dim3A_845 : vector<16xi1>, vector<16xf32>
    %swap3A_847 = arith.constant 240 : index
    %swap3A_848 = tpu.vector_load %arg21[%swap3A_847] {strides = array<i32>} : memref<640xf32, #tpu.memory_space<vmem>>, vector<16xf32>,
    tpu.vector_store %arg21[%swap3A_847], %select_n3A_846 {strides = array<i32>} : memref<640xf32, #tpu.memory_space<vmem>>, vector<16xf32>,
    %get3A_849 = arith.constant 256 : index
    %get3A_850 = tpu.vector_load %arg21[%get3A_849] {strides = array<i32>} : memref<640xf32, #tpu.memory_space<vmem>>, vector<16xf32>,
    %bitcast3A_851 = vector.bitcast %get3A_850 : vector<16xf32> to vector<16xi32>
    %shift_right_arithmetic3A_852 = arith.constant 1 : i32
    %shift_right_arithmetic3A_853 = vector.broadcast %shift_right_arithmetic3A_852 : i32 to vector<16xi32>
    %shift_right_arithmetic3A_854 = arith.shrsi %bitcast3A_851, %shift_right_arithmetic3A_853 : vector<16xi32>
    %sub3A_855 = arith.constant 1597463007 : i32
    %sub3A_856 = vector.broadcast %sub3A_855 : i32 to vector<16xi32>
    %sub3A_857 = arith.subi %sub3A_856, %shift_right_arithmetic3A_854 : vector<16xi32>
    %bitcast3A_858 = vector.bitcast %sub3A_857 : vector<16xi32> to vector<16xf32>
    %mul3A_859 = arith.constant 5.000000e-01 : f32
    %mul3A_860 = vector.broadcast %mul3A_859 : f32 to vector<16xf32>
    %mul3A_861 = arith.mulf %mul3A_860, %get3A_850 : vector<16xf32>
    %mul3A_862 = arith.mulf %mul3A_861, %bitcast3A_858 : vector<16xf32>
    %mul3A_863 = arith.mulf %mul3A_862, %bitcast3A_858 : vector<16xf32>
    %sub3A_864 = arith.constant 1.500000e+00 : f32
    %sub3A_865 = vector.broadcast %sub3A_864 : f32 to vector<16xf32>
    %sub3A_866 = arith.subf %sub3A_865, %mul3A_863 : vector<16xf32>
    %mul3A_867 = arith.mulf %bitcast3A_858, %sub3A_866 : vector<16xf32>
    %mul3A_868 = arith.constant 5.000000e-01 : f32
    %mul3A_869 = vector.broadcast %mul3A_868 : f32 to vector<16xf32>
    %mul3A_870 = arith.mulf %mul3A_869, %get3A_850 : vector<16xf32>
    %mul3A_871 = arith.mulf %mul3A_870, %mul3A_867 : vector<16xf32>
    %mul3A_872 = arith.mulf %mul3A_871, %mul3A_867 : vector<16xf32>
    %sub3A_873 = arith.constant 1.500000e+00 : f32
    %sub3A_874 = vector.broadcast %sub3A_873 : f32 to vector<16xf32>
    %sub3A_875 = arith.subf %sub3A_874, %mul3A_872 : vector<16xf32>
    %mul3A_876 = arith.mulf %mul3A_867, %sub3A_875 : vector<16xf32>
    %mul3A_877 = arith.constant 5.000000e-01 : f32
    %mul3A_878 = vector.broadcast %mul3A_877 : f32 to vector<16xf32>
    %mul3A_879 = arith.mulf %mul3A_878, %get3A_850 : vector<16xf32>
    %mul3A_880 = arith.mulf %mul3A_879, %mul3A_876 : vector<16xf32>
    %mul3A_881 = arith.mulf %mul3A_880, %mul3A_876 : vector<16xf32>
    %sub3A_882 = arith.constant 1.500000e+00 : f32
    %sub3A_883 = vector.broadcast %sub3A_882 : f32 to vector<16xf32>
    %sub3A_884 = arith.subf %sub3A_883, %mul3A_881 : vector<16xf32>
    %mul3A_885 = arith.mulf %mul3A_876, %sub3A_884 : vector<16xf32>
    %gt3A_886 = arith.constant 0.000000e+00 : f32
    %gt3A_887 = vector.broadcast %gt3A_886 : f32 to vector<16xf32>
    %gt3A_888 = arith.cmpf ogt, %get3A_850, %gt3A_887 : vector<16xf32>
    %jit3A_889 = arith.constant 0.000000e+00 : f32
    %broadcast_in_dim3A_890 = vector.broadcast %jit3A_889 : f32 to vector<16xf32>
    %select_n3A_891 = arith.select %gt3A_888, %mul3A_885, %broadcast_in_dim3A_890 : vector<16xi1>, vector<16xf32>
    %swap3A_892 = arith.constant 256 : index
    %swap3A_893 = tpu.vector_load %arg21[%swap3A_892] {strides = array<i32>} : memref<640xf32, #tpu.memory_space<vmem>>, vector<16xf32>,
    tpu.vector_store %arg21[%swap3A_892], %select_n3A_891 {strides = array<i32>} : memref<640xf32, #tpu.memory_space<vmem>>, vector<16xf32>,
    %get3A_894 = arith.constant 272 : index
    %get3A_895 = tpu.vector_load %arg21[%get3A_894] {strides = array<i32>} : memref<640xf32, #tpu.memory_space<vmem>>, vector<16xf32>,
    %bitcast3A_896 = vector.bitcast %get3A_895 : vector<16xf32> to vector<16xi32>
    %shift_right_arithmetic3A_897 = arith.constant 1 : i32
    %shift_right_arithmetic3A_898 = vector.broadcast %shift_right_arithmetic3A_897 : i32 to vector<16xi32>
    %shift_right_arithmetic3A_899 = arith.shrsi %bitcast3A_896, %shift_right_arithmetic3A_898 : vector<16xi32>
    %sub3A_900 = arith.constant 1597463007 : i32
    %sub3A_901 = vector.broadcast %sub3A_900 : i32 to vector<16xi32>
    %sub3A_902 = arith.subi %sub3A_901, %shift_right_arithmetic3A_899 : vector<16xi32>
    %bitcast3A_903 = vector.bitcast %sub3A_902 : vector<16xi32> to vector<16xf32>
    %mul3A_904 = arith.constant 5.000000e-01 : f32
    %mul3A_905 = vector.broadcast %mul3A_904 : f32 to vector<16xf32>
    %mul3A_906 = arith.mulf %mul3A_905, %get3A_895 : vector<16xf32>
    %mul3A_907 = arith.mulf %mul3A_906, %bitcast3A_903 : vector<16xf32>
    %mul3A_908 = arith.mulf %mul3A_907, %bitcast3A_903 : vector<16xf32>
    %sub3A_909 = arith.constant 1.500000e+00 : f32
    %sub3A_910 = vector.broadcast %sub3A_909 : f32 to vector<16xf32>
    %sub3A_911 = arith.subf %sub3A_910, %mul3A_908 : vector<16xf32>
    %mul3A_912 = arith.mulf %bitcast3A_903, %sub3A_911 : vector<16xf32>
    %mul3A_913 = arith.constant 5.000000e-01 : f32
    %mul3A_914 = vector.broadcast %mul3A_913 : f32 to vector<16xf32>
    %mul3A_915 = arith.mulf %mul3A_914, %get3A_895 : vector<16xf32>
    %mul3A_916 = arith.mulf %mul3A_915, %mul3A_912 : vector<16xf32>
    %mul3A_917 = arith.mulf %mul3A_916, %mul3A_912 : vector<16xf32>
    %sub3A_918 = arith.constant 1.500000e+00 : f32
    %sub3A_919 = vector.broadcast %sub3A_918 : f32 to vector<16xf32>
    %sub3A_920 = arith.subf %sub3A_919, %mul3A_917 : vector<16xf32>
    %mul3A_921 = arith.mulf %mul3A_912, %sub3A_920 : vector<16xf32>
    %mul3A_922 = arith.constant 5.000000e-01 : f32
    %mul3A_923 = vector.broadcast %mul3A_922 : f32 to vector<16xf32>
    %mul3A_924 = arith.mulf %mul3A_923, %get3A_895 : vector<16xf32>
    %mul3A_925 = arith.mulf %mul3A_924, %mul3A_921 : vector<16xf32>
    %mul3A_926 = arith.mulf %mul3A_925, %mul3A_921 : vector<16xf32>
    %sub3A_927 = arith.constant 1.500000e+00 : f32
    %sub3A_928 = vector.broadcast %sub3A_927 : f32 to vector<16xf32>
    %sub3A_929 = arith.subf %sub3A_928, %mul3A_926 : vector<16xf32>
    %mul3A_930 = arith.mulf %mul3A_921, %sub3A_929 : vector<16xf32>
    %gt3A_931 = arith.constant 0.000000e+00 : f32
    %gt3A_932 = vector.broadcast %gt3A_931 : f32 to vector<16xf32>
    %gt3A_933 = arith.cmpf ogt, %get3A_895, %gt3A_932 : vector<16xf32>
    %jit3A_934 = arith.constant 0.000000e+00 : f32
    %broadcast_in_dim3A_935 = vector.broadcast %jit3A_934 : f32 to vector<16xf32>
    %select_n3A_936 = arith.select %gt3A_933, %mul3A_930, %broadcast_in_dim3A_935 : vector<16xi1>, vector<16xf32>
    %swap3A_937 = arith.constant 272 : index
    %swap3A_938 = tpu.vector_load %arg21[%swap3A_937] {strides = array<i32>} : memref<640xf32, #tpu.memory_space<vmem>>, vector<16xf32>,
    tpu.vector_store %arg21[%swap3A_937], %select_n3A_936 {strides = array<i32>} : memref<640xf32, #tpu.memory_space<vmem>>, vector<16xf32>,
    %get3A_939 = arith.constant 288 : index
    %get3A_940 = tpu.vector_load %arg21[%get3A_939] {strides = array<i32>} : memref<640xf32, #tpu.memory_space<vmem>>, vector<16xf32>,
    %bitcast3A_941 = vector.bitcast %get3A_940 : vector<16xf32> to vector<16xi32>
    %shift_right_arithmetic3A_942 = arith.constant 1 : i32
    %shift_right_arithmetic3A_943 = vector.broadcast %shift_right_arithmetic3A_942 : i32 to vector<16xi32>
    %shift_right_arithmetic3A_944 = arith.shrsi %bitcast3A_941, %shift_right_arithmetic3A_943 : vector<16xi32>
    %sub3A_945 = arith.constant 1597463007 : i32
    %sub3A_946 = vector.broadcast %sub3A_945 : i32 to vector<16xi32>
    %sub3A_947 = arith.subi %sub3A_946, %shift_right_arithmetic3A_944 : vector<16xi32>
    %bitcast3A_948 = vector.bitcast %sub3A_947 : vector<16xi32> to vector<16xf32>
    %mul3A_949 = arith.constant 5.000000e-01 : f32
    %mul3A_950 = vector.broadcast %mul3A_949 : f32 to vector<16xf32>
    %mul3A_951 = arith.mulf %mul3A_950, %get3A_940 : vector<16xf32>
    %mul3A_952 = arith.mulf %mul3A_951, %bitcast3A_948 : vector<16xf32>
    %mul3A_953 = arith.mulf %mul3A_952, %bitcast3A_948 : vector<16xf32>
    %sub3A_954 = arith.constant 1.500000e+00 : f32
    %sub3A_955 = vector.broadcast %sub3A_954 : f32 to vector<16xf32>
    %sub3A_956 = arith.subf %sub3A_955, %mul3A_953 : vector<16xf32>
    %mul3A_957 = arith.mulf %bitcast3A_948, %sub3A_956 : vector<16xf32>
    %mul3A_958 = arith.constant 5.000000e-01 : f32
    %mul3A_959 = vector.broadcast %mul3A_958 : f32 to vector<16xf32>
    %mul3A_960 = arith.mulf %mul3A_959, %get3A_940 : vector<16xf32>
    %mul3A_961 = arith.mulf %mul3A_960, %mul3A_957 : vector<16xf32>
    %mul3A_962 = arith.mulf %mul3A_961, %mul3A_957 : vector<16xf32>
    %sub3A_963 = arith.constant 1.500000e+00 : f32
    %sub3A_964 = vector.broadcast %sub3A_963 : f32 to vector<16xf32>
    %sub3A_965 = arith.subf %sub3A_964, %mul3A_962 : vector<16xf32>
    %mul3A_966 = arith.mulf %mul3A_957, %sub3A_965 : vector<16xf32>
    %mul3A_967 = arith.constant 5.000000e-01 : f32
    %mul3A_968 = vector.broadcast %mul3A_967 : f32 to vector<16xf32>
    %mul3A_969 = arith.mulf %mul3A_968, %get3A_940 : vector<16xf32>
    %mul3A_970 = arith.mulf %mul3A_969, %mul3A_966 : vector<16xf32>
    %mul3A_971 = arith.mulf %mul3A_970, %mul3A_966 : vector<16xf32>
    %sub3A_972 = arith.constant 1.500000e+00 : f32
    %sub3A_973 = vector.broadcast %sub3A_972 : f32 to vector<16xf32>
    %sub3A_974 = arith.subf %sub3A_973, %mul3A_971 : vector<16xf32>
    %mul3A_975 = arith.mulf %mul3A_966, %sub3A_974 : vector<16xf32>
    %gt3A_976 = arith.constant 0.000000e+00 : f32
    %gt3A_977 = vector.broadcast %gt3A_976 : f32 to vector<16xf32>
    %gt3A_978 = arith.cmpf ogt, %get3A_940, %gt3A_977 : vector<16xf32>
    %jit3A_979 = arith.constant 0.000000e+00 : f32
    %broadcast_in_dim3A_980 = vector.broadcast %jit3A_979 : f32 to vector<16xf32>
    %select_n3A_981 = arith.select %gt3A_978, %mul3A_975, %broadcast_in_dim3A_980 : vector<16xi1>, vector<16xf32>
    %swap3A_982 = arith.constant 288 : index
    %swap3A_983 = tpu.vector_load %arg21[%swap3A_982] {strides = array<i32>} : memref<640xf32, #tpu.memory_space<vmem>>, vector<16xf32>,
    tpu.vector_store %arg21[%swap3A_982], %select_n3A_981 {strides = array<i32>} : memref<640xf32, #tpu.memory_space<vmem>>, vector<16xf32>,
    %get3A_984 = arith.constant 304 : index
    %get3A_985 = tpu.vector_load %arg21[%get3A_984] {strides = array<i32>} : memref<640xf32, #tpu.memory_space<vmem>>, vector<16xf32>,
    %bitcast3A_986 = vector.bitcast %get3A_985 : vector<16xf32> to vector<16xi32>
    %shift_right_arithmetic3A_987 = arith.constant 1 : i32
    %shift_right_arithmetic3A_988 = vector.broadcast %shift_right_arithmetic3A_987 : i32 to vector<16xi32>
    %shift_right_arithmetic3A_989 = arith.shrsi %bitcast3A_986, %shift_right_arithmetic3A_988 : vector<16xi32>
    %sub3A_990 = arith.constant 1597463007 : i32
    %sub3A_991 = vector.broadcast %sub3A_990 : i32 to vector<16xi32>
    %sub3A_992 = arith.subi %sub3A_991, %shift_right_arithmetic3A_989 : vector<16xi32>
    %bitcast3A_993 = vector.bitcast %sub3A_992 : vector<16xi32> to vector<16xf32>
    %mul3A_994 = arith.constant 5.000000e-01 : f32
    %mul3A_995 = vector.broadcast %mul3A_994 : f32 to vector<16xf32>
    %mul3A_996 = arith.mulf %mul3A_995, %get3A_985 : vector<16xf32>
    %mul3A_997 = arith.mulf %mul3A_996, %bitcast3A_993 : vector<16xf32>
    %mul3A_998 = arith.mulf %mul3A_997, %bitcast3A_993 : vector<16xf32>
    %sub3A_999 = arith.constant 1.500000e+00 : f32
    %sub3A_1000 = vector.broadcast %sub3A_999 : f32 to vector<16xf32>
    %sub3A_1001 = arith.subf %sub3A_1000, %mul3A_998 : vector<16xf32>
    %mul3A_1002 = arith.mulf %bitcast3A_993, %sub3A_1001 : vector<16xf32>
    %mul3A_1003 = arith.constant 5.000000e-01 : f32
    %mul3A_1004 = vector.broadcast %mul3A_1003 : f32 to vector<16xf32>
    %mul3A_1005 = arith.mulf %mul3A_1004, %get3A_985 : vector<16xf32>
    %mul3A_1006 = arith.mulf %mul3A_1005, %mul3A_1002 : vector<16xf32>
    %mul3A_1007 = arith.mulf %mul3A_1006, %mul3A_1002 : vector<16xf32>
    %sub3A_1008 = arith.constant 1.500000e+00 : f32
    %sub3A_1009 = vector.broadcast %sub3A_1008 : f32 to vector<16xf32>
    %sub3A_1010 = arith.subf %sub3A_1009, %mul3A_1007 : vector<16xf32>
    %mul3A_1011 = arith.mulf %mul3A_1002, %sub3A_1010 : vector<16xf32>
    %mul3A_1012 = arith.constant 5.000000e-01 : f32
    %mul3A_1013 = vector.broadcast %mul3A_1012 : f32 to vector<16xf32>
    %mul3A_1014 = arith.mulf %mul3A_1013, %get3A_985 : vector<16xf32>
    %mul3A_1015 = arith.mulf %mul3A_1014, %mul3A_1011 : vector<16xf32>
    %mul3A_1016 = arith.mulf %mul3A_1015, %mul3A_1011 : vector<16xf32>
    %sub3A_1017 = arith.constant 1.500000e+00 : f32
    %sub3A_1018 = vector.broadcast %sub3A_1017 : f32 to vector<16xf32>
    %sub3A_1019 = arith.subf %sub3A_1018, %mul3A_1016 : vector<16xf32>
    %mul3A_1020 = arith.mulf %mul3A_1011, %sub3A_1019 : vector<16xf32>
    %gt3A_1021 = arith.constant 0.000000e+00 : f32
    %gt3A_1022 = vector.broadcast %gt3A_1021 : f32 to vector<16xf32>
    %gt3A_1023 = arith.cmpf ogt, %get3A_985, %gt3A_1022 : vector<16xf32>
    %jit3A_1024 = arith.constant 0.000000e+00 : f32
    %broadcast_in_dim3A_1025 = vector.broadcast %jit3A_1024 : f32 to vector<16xf32>
    %select_n3A_1026 = arith.select %gt3A_1023, %mul3A_1020, %broadcast_in_dim3A_1025 : vector<16xi1>, vector<16xf32>
    %swap3A_1027 = arith.constant 304 : index
    %swap3A_1028 = tpu.vector_load %arg21[%swap3A_1027] {strides = array<i32>} : memref<640xf32, #tpu.memory_space<vmem>>, vector<16xf32>,
    tpu.vector_store %arg21[%swap3A_1027], %select_n3A_1026 {strides = array<i32>} : memref<640xf32, #tpu.memory_space<vmem>>, vector<16xf32>,
    %get3A_1029 = arith.constant 320 : index
    %get3A_1030 = tpu.vector_load %arg21[%get3A_1029] {strides = array<i32>} : memref<640xf32, #tpu.memory_space<vmem>>, vector<16xf32>,
    %bitcast3A_1031 = vector.bitcast %get3A_1030 : vector<16xf32> to vector<16xi32>
    %shift_right_arithmetic3A_1032 = arith.constant 1 : i32
    %shift_right_arithmetic3A_1033 = vector.broadcast %shift_right_arithmetic3A_1032 : i32 to vector<16xi32>
    %shift_right_arithmetic3A_1034 = arith.shrsi %bitcast3A_1031, %shift_right_arithmetic3A_1033 : vector<16xi32>
    %sub3A_1035 = arith.constant 1597463007 : i32
    %sub3A_1036 = vector.broadcast %sub3A_1035 : i32 to vector<16xi32>
    %sub3A_1037 = arith.subi %sub3A_1036, %shift_right_arithmetic3A_1034 : vector<16xi32>
    %bitcast3A_1038 = vector.bitcast %sub3A_1037 : vector<16xi32> to vector<16xf32>
    %mul3A_1039 = arith.constant 5.000000e-01 : f32
    %mul3A_1040 = vector.broadcast %mul3A_1039 : f32 to vector<16xf32>
    %mul3A_1041 = arith.mulf %mul3A_1040, %get3A_1030 : vector<16xf32>
    %mul3A_1042 = arith.mulf %mul3A_1041, %bitcast3A_1038 : vector<16xf32>
    %mul3A_1043 = arith.mulf %mul3A_1042, %bitcast3A_1038 : vector<16xf32>
    %sub3A_1044 = arith.constant 1.500000e+00 : f32
    %sub3A_1045 = vector.broadcast %sub3A_1044 : f32 to vector<16xf32>
    %sub3A_1046 = arith.subf %sub3A_1045, %mul3A_1043 : vector<16xf32>
    %mul3A_1047 = arith.mulf %bitcast3A_1038, %sub3A_1046 : vector<16xf32>
    %mul3A_1048 = arith.constant 5.000000e-01 : f32
    %mul3A_1049 = vector.broadcast %mul3A_1048 : f32 to vector<16xf32>
    %mul3A_1050 = arith.mulf %mul3A_1049, %get3A_1030 : vector<16xf32>
    %mul3A_1051 = arith.mulf %mul3A_1050, %mul3A_1047 : vector<16xf32>
    %mul3A_1052 = arith.mulf %mul3A_1051, %mul3A_1047 : vector<16xf32>
    %sub3A_1053 = arith.constant 1.500000e+00 : f32
    %sub3A_1054 = vector.broadcast %sub3A_1053 : f32 to vector<16xf32>
    %sub3A_1055 = arith.subf %sub3A_1054, %mul3A_1052 : vector<16xf32>
    %mul3A_1056 = arith.mulf %mul3A_1047, %sub3A_1055 : vector<16xf32>
    %mul3A_1057 = arith.constant 5.000000e-01 : f32
    %mul3A_1058 = vector.broadcast %mul3A_1057 : f32 to vector<16xf32>
    %mul3A_1059 = arith.mulf %mul3A_1058, %get3A_1030 : vector<16xf32>
    %mul3A_1060 = arith.mulf %mul3A_1059, %mul3A_1056 : vector<16xf32>
    %mul3A_1061 = arith.mulf %mul3A_1060, %mul3A_1056 : vector<16xf32>
    %sub3A_1062 = arith.constant 1.500000e+00 : f32
    %sub3A_1063 = vector.broadcast %sub3A_1062 : f32 to vector<16xf32>
    %sub3A_1064 = arith.subf %sub3A_1063, %mul3A_1061 : vector<16xf32>
    %mul3A_1065 = arith.mulf %mul3A_1056, %sub3A_1064 : vector<16xf32>
    %gt3A_1066 = arith.constant 0.000000e+00 : f32
    %gt3A_1067 = vector.broadcast %gt3A_1066 : f32 to vector<16xf32>
    %gt3A_1068 = arith.cmpf ogt, %get3A_1030, %gt3A_1067 : vector<16xf32>
    %jit3A_1069 = arith.constant 0.000000e+00 : f32
    %broadcast_in_dim3A_1070 = vector.broadcast %jit3A_1069 : f32 to vector<16xf32>
    %select_n3A_1071 = arith.select %gt3A_1068, %mul3A_1065, %broadcast_in_dim3A_1070 : vector<16xi1>, vector<16xf32>
    %swap3A_1072 = arith.constant 320 : index
    %swap3A_1073 = tpu.vector_load %arg21[%swap3A_1072] {strides = array<i32>} : memref<640xf32, #tpu.memory_space<vmem>>, vector<16xf32>,
    tpu.vector_store %arg21[%swap3A_1072], %select_n3A_1071 {strides = array<i32>} : memref<640xf32, #tpu.memory_space<vmem>>, vector<16xf32>,
    %get3A_1074 = arith.constant 336 : index
    %get3A_1075 = tpu.vector_load %arg21[%get3A_1074] {strides = array<i32>} : memref<640xf32, #tpu.memory_space<vmem>>, vector<16xf32>,
    %bitcast3A_1076 = vector.bitcast %get3A_1075 : vector<16xf32> to vector<16xi32>
    %shift_right_arithmetic3A_1077 = arith.constant 1 : i32
    %shift_right_arithmetic3A_1078 = vector.broadcast %shift_right_arithmetic3A_1077 : i32 to vector<16xi32>
    %shift_right_arithmetic3A_1079 = arith.shrsi %bitcast3A_1076, %shift_right_arithmetic3A_1078 : vector<16xi32>
    %sub3A_1080 = arith.constant 1597463007 : i32
    %sub3A_1081 = vector.broadcast %sub3A_1080 : i32 to vector<16xi32>
    %sub3A_1082 = arith.subi %sub3A_1081, %shift_right_arithmetic3A_1079 : vector<16xi32>
    %bitcast3A_1083 = vector.bitcast %sub3A_1082 : vector<16xi32> to vector<16xf32>
    %mul3A_1084 = arith.constant 5.000000e-01 : f32
    %mul3A_1085 = vector.broadcast %mul3A_1084 : f32 to vector<16xf32>
    %mul3A_1086 = arith.mulf %mul3A_1085, %get3A_1075 : vector<16xf32>
    %mul3A_1087 = arith.mulf %mul3A_1086, %bitcast3A_1083 : vector<16xf32>
    %mul3A_1088 = arith.mulf %mul3A_1087, %bitcast3A_1083 : vector<16xf32>
    %sub3A_1089 = arith.constant 1.500000e+00 : f32
    %sub3A_1090 = vector.broadcast %sub3A_1089 : f32 to vector<16xf32>
    %sub3A_1091 = arith.subf %sub3A_1090, %mul3A_1088 : vector<16xf32>
    %mul3A_1092 = arith.mulf %bitcast3A_1083, %sub3A_1091 : vector<16xf32>
    %mul3A_1093 = arith.constant 5.000000e-01 : f32
    %mul3A_1094 = vector.broadcast %mul3A_1093 : f32 to vector<16xf32>
    %mul3A_1095 = arith.mulf %mul3A_1094, %get3A_1075 : vector<16xf32>
    %mul3A_1096 = arith.mulf %mul3A_1095, %mul3A_1092 : vector<16xf32>
    %mul3A_1097 = arith.mulf %mul3A_1096, %mul3A_1092 : vector<16xf32>
    %sub3A_1098 = arith.constant 1.500000e+00 : f32
    %sub3A_1099 = vector.broadcast %sub3A_1098 : f32 to vector<16xf32>
    %sub3A_1100 = arith.subf %sub3A_1099, %mul3A_1097 : vector<16xf32>
    %mul3A_1101 = arith.mulf %mul3A_1092, %sub3A_1100 : vector<16xf32>
    %mul3A_1102 = arith.constant 5.000000e-01 : f32
    %mul3A_1103 = vector.broadcast %mul3A_1102 : f32 to vector<16xf32>
    %mul3A_1104 = arith.mulf %mul3A_1103, %get3A_1075 : vector<16xf32>
    %mul3A_1105 = arith.mulf %mul3A_1104, %mul3A_1101 : vector<16xf32>
    %mul3A_1106 = arith.mulf %mul3A_1105, %mul3A_1101 : vector<16xf32>
    %sub3A_1107 = arith.constant 1.500000e+00 : f32
    %sub3A_1108 = vector.broadcast %sub3A_1107 : f32 to vector<16xf32>
    %sub3A_1109 = arith.subf %sub3A_1108, %mul3A_1106 : vector<16xf32>
    %mul3A_1110 = arith.mulf %mul3A_1101, %sub3A_1109 : vector<16xf32>
    %gt3A_1111 = arith.constant 0.000000e+00 : f32
    %gt3A_1112 = vector.broadcast %gt3A_1111 : f32 to vector<16xf32>
    %gt3A_1113 = arith.cmpf ogt, %get3A_1075, %gt3A_1112 : vector<16xf32>
    %jit3A_1114 = arith.constant 0.000000e+00 : f32
    %broadcast_in_dim3A_1115 = vector.broadcast %jit3A_1114 : f32 to vector<16xf32>
    %select_n3A_1116 = arith.select %gt3A_1113, %mul3A_1110, %broadcast_in_dim3A_1115 : vector<16xi1>, vector<16xf32>
    %swap3A_1117 = arith.constant 336 : index
    %swap3A_1118 = tpu.vector_load %arg21[%swap3A_1117] {strides = array<i32>} : memref<640xf32, #tpu.memory_space<vmem>>, vector<16xf32>,
    tpu.vector_store %arg21[%swap3A_1117], %select_n3A_1116 {strides = array<i32>} : memref<640xf32, #tpu.memory_space<vmem>>, vector<16xf32>,
    %get3A_1119 = arith.constant 352 : index
    %get3A_1120 = tpu.vector_load %arg21[%get3A_1119] {strides = array<i32>} : memref<640xf32, #tpu.memory_space<vmem>>, vector<16xf32>,
    %bitcast3A_1121 = vector.bitcast %get3A_1120 : vector<16xf32> to vector<16xi32>
    %shift_right_arithmetic3A_1122 = arith.constant 1 : i32
    %shift_right_arithmetic3A_1123 = vector.broadcast %shift_right_arithmetic3A_1122 : i32 to vector<16xi32>
    %shift_right_arithmetic3A_1124 = arith.shrsi %bitcast3A_1121, %shift_right_arithmetic3A_1123 : vector<16xi32>
    %sub3A_1125 = arith.constant 1597463007 : i32
    %sub3A_1126 = vector.broadcast %sub3A_1125 : i32 to vector<16xi32>
    %sub3A_1127 = arith.subi %sub3A_1126, %shift_right_arithmetic3A_1124 : vector<16xi32>
    %bitcast3A_1128 = vector.bitcast %sub3A_1127 : vector<16xi32> to vector<16xf32>
    %mul3A_1129 = arith.constant 5.000000e-01 : f32
    %mul3A_1130 = vector.broadcast %mul3A_1129 : f32 to vector<16xf32>
    %mul3A_1131 = arith.mulf %mul3A_1130, %get3A_1120 : vector<16xf32>
    %mul3A_1132 = arith.mulf %mul3A_1131, %bitcast3A_1128 : vector<16xf32>
    %mul3A_1133 = arith.mulf %mul3A_1132, %bitcast3A_1128 : vector<16xf32>
    %sub3A_1134 = arith.constant 1.500000e+00 : f32
    %sub3A_1135 = vector.broadcast %sub3A_1134 : f32 to vector<16xf32>
    %sub3A_1136 = arith.subf %sub3A_1135, %mul3A_1133 : vector<16xf32>
    %mul3A_1137 = arith.mulf %bitcast3A_1128, %sub3A_1136 : vector<16xf32>
    %mul3A_1138 = arith.constant 5.000000e-01 : f32
    %mul3A_1139 = vector.broadcast %mul3A_1138 : f32 to vector<16xf32>
    %mul3A_1140 = arith.mulf %mul3A_1139, %get3A_1120 : vector<16xf32>
    %mul3A_1141 = arith.mulf %mul3A_1140, %mul3A_1137 : vector<16xf32>
    %mul3A_1142 = arith.mulf %mul3A_1141, %mul3A_1137 : vector<16xf32>
    %sub3A_1143 = arith.constant 1.500000e+00 : f32
    %sub3A_1144 = vector.broadcast %sub3A_1143 : f32 to vector<16xf32>
    %sub3A_1145 = arith.subf %sub3A_1144, %mul3A_1142 : vector<16xf32>
    %mul3A_1146 = arith.mulf %mul3A_1137, %sub3A_1145 : vector<16xf32>
    %mul3A_1147 = arith.constant 5.000000e-01 : f32
    %mul3A_1148 = vector.broadcast %mul3A_1147 : f32 to vector<16xf32>
    %mul3A_1149 = arith.mulf %mul3A_1148, %get3A_1120 : vector<16xf32>
    %mul3A_1150 = arith.mulf %mul3A_1149, %mul3A_1146 : vector<16xf32>
    %mul3A_1151 = arith.mulf %mul3A_1150, %mul3A_1146 : vector<16xf32>
    %sub3A_1152 = arith.constant 1.500000e+00 : f32
    %sub3A_1153 = vector.broadcast %sub3A_1152 : f32 to vector<16xf32>
    %sub3A_1154 = arith.subf %sub3A_1153, %mul3A_1151 : vector<16xf32>
    %mul3A_1155 = arith.mulf %mul3A_1146, %sub3A_1154 : vector<16xf32>
    %gt3A_1156 = arith.constant 0.000000e+00 : f32
    %gt3A_1157 = vector.broadcast %gt3A_1156 : f32 to vector<16xf32>
    %gt3A_1158 = arith.cmpf ogt, %get3A_1120, %gt3A_1157 : vector<16xf32>
    %jit3A_1159 = arith.constant 0.000000e+00 : f32
    %broadcast_in_dim3A_1160 = vector.broadcast %jit3A_1159 : f32 to vector<16xf32>
    %select_n3A_1161 = arith.select %gt3A_1158, %mul3A_1155, %broadcast_in_dim3A_1160 : vector<16xi1>, vector<16xf32>
    %swap3A_1162 = arith.constant 352 : index
    %swap3A_1163 = tpu.vector_load %arg21[%swap3A_1162] {strides = array<i32>} : memref<640xf32, #tpu.memory_space<vmem>>, vector<16xf32>,
    tpu.vector_store %arg21[%swap3A_1162], %select_n3A_1161 {strides = array<i32>} : memref<640xf32, #tpu.memory_space<vmem>>, vector<16xf32>,
    %get3A_1164 = arith.constant 368 : index
    %get3A_1165 = tpu.vector_load %arg21[%get3A_1164] {strides = array<i32>} : memref<640xf32, #tpu.memory_space<vmem>>, vector<16xf32>,
    %bitcast3A_1166 = vector.bitcast %get3A_1165 : vector<16xf32> to vector<16xi32>
    %shift_right_arithmetic3A_1167 = arith.constant 1 : i32
    %shift_right_arithmetic3A_1168 = vector.broadcast %shift_right_arithmetic3A_1167 : i32 to vector<16xi32>
    %shift_right_arithmetic3A_1169 = arith.shrsi %bitcast3A_1166, %shift_right_arithmetic3A_1168 : vector<16xi32>
    %sub3A_1170 = arith.constant 1597463007 : i32
    %sub3A_1171 = vector.broadcast %sub3A_1170 : i32 to vector<16xi32>
    %sub3A_1172 = arith.subi %sub3A_1171, %shift_right_arithmetic3A_1169 : vector<16xi32>
    %bitcast3A_1173 = vector.bitcast %sub3A_1172 : vector<16xi32> to vector<16xf32>
    %mul3A_1174 = arith.constant 5.000000e-01 : f32
    %mul3A_1175 = vector.broadcast %mul3A_1174 : f32 to vector<16xf32>
    %mul3A_1176 = arith.mulf %mul3A_1175, %get3A_1165 : vector<16xf32>
    %mul3A_1177 = arith.mulf %mul3A_1176, %bitcast3A_1173 : vector<16xf32>
    %mul3A_1178 = arith.mulf %mul3A_1177, %bitcast3A_1173 : vector<16xf32>
    %sub3A_1179 = arith.constant 1.500000e+00 : f32
    %sub3A_1180 = vector.broadcast %sub3A_1179 : f32 to vector<16xf32>
    %sub3A_1181 = arith.subf %sub3A_1180, %mul3A_1178 : vector<16xf32>
    %mul3A_1182 = arith.mulf %bitcast3A_1173, %sub3A_1181 : vector<16xf32>
    %mul3A_1183 = arith.constant 5.000000e-01 : f32
    %mul3A_1184 = vector.broadcast %mul3A_1183 : f32 to vector<16xf32>
    %mul3A_1185 = arith.mulf %mul3A_1184, %get3A_1165 : vector<16xf32>
    %mul3A_1186 = arith.mulf %mul3A_1185, %mul3A_1182 : vector<16xf32>
    %mul3A_1187 = arith.mulf %mul3A_1186, %mul3A_1182 : vector<16xf32>
    %sub3A_1188 = arith.constant 1.500000e+00 : f32
    %sub3A_1189 = vector.broadcast %sub3A_1188 : f32 to vector<16xf32>
    %sub3A_1190 = arith.subf %sub3A_1189, %mul3A_1187 : vector<16xf32>
    %mul3A_1191 = arith.mulf %mul3A_1182, %sub3A_1190 : vector<16xf32>
    %mul3A_1192 = arith.constant 5.000000e-01 : f32
    %mul3A_1193 = vector.broadcast %mul3A_1192 : f32 to vector<16xf32>
    %mul3A_1194 = arith.mulf %mul3A_1193, %get3A_1165 : vector<16xf32>
    %mul3A_1195 = arith.mulf %mul3A_1194, %mul3A_1191 : vector<16xf32>
    %mul3A_1196 = arith.mulf %mul3A_1195, %mul3A_1191 : vector<16xf32>
    %sub3A_1197 = arith.constant 1.500000e+00 : f32
    %sub3A_1198 = vector.broadcast %sub3A_1197 : f32 to vector<16xf32>
    %sub3A_1199 = arith.subf %sub3A_1198, %mul3A_1196 : vector<16xf32>
    %mul3A_1200 = arith.mulf %mul3A_1191, %sub3A_1199 : vector<16xf32>
    %gt3A_1201 = arith.constant 0.000000e+00 : f32
    %gt3A_1202 = vector.broadcast %gt3A_1201 : f32 to vector<16xf32>
    %gt3A_1203 = arith.cmpf ogt, %get3A_1165, %gt3A_1202 : vector<16xf32>
    %jit3A_1204 = arith.constant 0.000000e+00 : f32
    %broadcast_in_dim3A_1205 = vector.broadcast %jit3A_1204 : f32 to vector<16xf32>
    %select_n3A_1206 = arith.select %gt3A_1203, %mul3A_1200, %broadcast_in_dim3A_1205 : vector<16xi1>, vector<16xf32>
    %swap3A_1207 = arith.constant 368 : index
    %swap3A_1208 = tpu.vector_load %arg21[%swap3A_1207] {strides = array<i32>} : memref<640xf32, #tpu.memory_space<vmem>>, vector<16xf32>,
    tpu.vector_store %arg21[%swap3A_1207], %select_n3A_1206 {strides = array<i32>} : memref<640xf32, #tpu.memory_space<vmem>>, vector<16xf32>,
    %get3A_1209 = arith.constant 384 : index
    %get3A_1210 = tpu.vector_load %arg21[%get3A_1209] {strides = array<i32>} : memref<640xf32, #tpu.memory_space<vmem>>, vector<16xf32>,
    %bitcast3A_1211 = vector.bitcast %get3A_1210 : vector<16xf32> to vector<16xi32>
    %shift_right_arithmetic3A_1212 = arith.constant 1 : i32
    %shift_right_arithmetic3A_1213 = vector.broadcast %shift_right_arithmetic3A_1212 : i32 to vector<16xi32>
    %shift_right_arithmetic3A_1214 = arith.shrsi %bitcast3A_1211, %shift_right_arithmetic3A_1213 : vector<16xi32>
    %sub3A_1215 = arith.constant 1597463007 : i32
    %sub3A_1216 = vector.broadcast %sub3A_1215 : i32 to vector<16xi32>
    %sub3A_1217 = arith.subi %sub3A_1216, %shift_right_arithmetic3A_1214 : vector<16xi32>
    %bitcast3A_1218 = vector.bitcast %sub3A_1217 : vector<16xi32> to vector<16xf32>
    %mul3A_1219 = arith.constant 5.000000e-01 : f32
    %mul3A_1220 = vector.broadcast %mul3A_1219 : f32 to vector<16xf32>
    %mul3A_1221 = arith.mulf %mul3A_1220, %get3A_1210 : vector<16xf32>
    %mul3A_1222 = arith.mulf %mul3A_1221, %bitcast3A_1218 : vector<16xf32>
    %mul3A_1223 = arith.mulf %mul3A_1222, %bitcast3A_1218 : vector<16xf32>
    %sub3A_1224 = arith.constant 1.500000e+00 : f32
    %sub3A_1225 = vector.broadcast %sub3A_1224 : f32 to vector<16xf32>
    %sub3A_1226 = arith.subf %sub3A_1225, %mul3A_1223 : vector<16xf32>
    %mul3A_1227 = arith.mulf %bitcast3A_1218, %sub3A_1226 : vector<16xf32>
    %mul3A_1228 = arith.constant 5.000000e-01 : f32
    %mul3A_1229 = vector.broadcast %mul3A_1228 : f32 to vector<16xf32>
    %mul3A_1230 = arith.mulf %mul3A_1229, %get3A_1210 : vector<16xf32>
    %mul3A_1231 = arith.mulf %mul3A_1230, %mul3A_1227 : vector<16xf32>
    %mul3A_1232 = arith.mulf %mul3A_1231, %mul3A_1227 : vector<16xf32>
    %sub3A_1233 = arith.constant 1.500000e+00 : f32
    %sub3A_1234 = vector.broadcast %sub3A_1233 : f32 to vector<16xf32>
    %sub3A_1235 = arith.subf %sub3A_1234, %mul3A_1232 : vector<16xf32>
    %mul3A_1236 = arith.mulf %mul3A_1227, %sub3A_1235 : vector<16xf32>
    %mul3A_1237 = arith.constant 5.000000e-01 : f32
    %mul3A_1238 = vector.broadcast %mul3A_1237 : f32 to vector<16xf32>
    %mul3A_1239 = arith.mulf %mul3A_1238, %get3A_1210 : vector<16xf32>
    %mul3A_1240 = arith.mulf %mul3A_1239, %mul3A_1236 : vector<16xf32>
    %mul3A_1241 = arith.mulf %mul3A_1240, %mul3A_1236 : vector<16xf32>
    %sub3A_1242 = arith.constant 1.500000e+00 : f32
    %sub3A_1243 = vector.broadcast %sub3A_1242 : f32 to vector<16xf32>
    %sub3A_1244 = arith.subf %sub3A_1243, %mul3A_1241 : vector<16xf32>
    %mul3A_1245 = arith.mulf %mul3A_1236, %sub3A_1244 : vector<16xf32>
    %gt3A_1246 = arith.constant 0.000000e+00 : f32
    %gt3A_1247 = vector.broadcast %gt3A_1246 : f32 to vector<16xf32>
    %gt3A_1248 = arith.cmpf ogt, %get3A_1210, %gt3A_1247 : vector<16xf32>
    %jit3A_1249 = arith.constant 0.000000e+00 : f32
    %broadcast_in_dim3A_1250 = vector.broadcast %jit3A_1249 : f32 to vector<16xf32>
    %select_n3A_1251 = arith.select %gt3A_1248, %mul3A_1245, %broadcast_in_dim3A_1250 : vector<16xi1>, vector<16xf32>
    %swap3A_1252 = arith.constant 384 : index
    %swap3A_1253 = tpu.vector_load %arg21[%swap3A_1252] {strides = array<i32>} : memref<640xf32, #tpu.memory_space<vmem>>, vector<16xf32>,
    tpu.vector_store %arg21[%swap3A_1252], %select_n3A_1251 {strides = array<i32>} : memref<640xf32, #tpu.memory_space<vmem>>, vector<16xf32>,
    %get3A_1254 = arith.constant 400 : index
    %get3A_1255 = tpu.vector_load %arg21[%get3A_1254] {strides = array<i32>} : memref<640xf32, #tpu.memory_space<vmem>>, vector<16xf32>,
    %bitcast3A_1256 = vector.bitcast %get3A_1255 : vector<16xf32> to vector<16xi32>
    %shift_right_arithmetic3A_1257 = arith.constant 1 : i32
    %shift_right_arithmetic3A_1258 = vector.broadcast %shift_right_arithmetic3A_1257 : i32 to vector<16xi32>
    %shift_right_arithmetic3A_1259 = arith.shrsi %bitcast3A_1256, %shift_right_arithmetic3A_1258 : vector<16xi32>
    %sub3A_1260 = arith.constant 1597463007 : i32
    %sub3A_1261 = vector.broadcast %sub3A_1260 : i32 to vector<16xi32>
    %sub3A_1262 = arith.subi %sub3A_1261, %shift_right_arithmetic3A_1259 : vector<16xi32>
    %bitcast3A_1263 = vector.bitcast %sub3A_1262 : vector<16xi32> to vector<16xf32>
    %mul3A_1264 = arith.constant 5.000000e-01 : f32
    %mul3A_1265 = vector.broadcast %mul3A_1264 : f32 to vector<16xf32>
    %mul3A_1266 = arith.mulf %mul3A_1265, %get3A_1255 : vector<16xf32>
    %mul3A_1267 = arith.mulf %mul3A_1266, %bitcast3A_1263 : vector<16xf32>
    %mul3A_1268 = arith.mulf %mul3A_1267, %bitcast3A_1263 : vector<16xf32>
    %sub3A_1269 = arith.constant 1.500000e+00 : f32
    %sub3A_1270 = vector.broadcast %sub3A_1269 : f32 to vector<16xf32>
    %sub3A_1271 = arith.subf %sub3A_1270, %mul3A_1268 : vector<16xf32>
    %mul3A_1272 = arith.mulf %bitcast3A_1263, %sub3A_1271 : vector<16xf32>
    %mul3A_1273 = arith.constant 5.000000e-01 : f32
    %mul3A_1274 = vector.broadcast %mul3A_1273 : f32 to vector<16xf32>
    %mul3A_1275 = arith.mulf %mul3A_1274, %get3A_1255 : vector<16xf32>
    %mul3A_1276 = arith.mulf %mul3A_1275, %mul3A_1272 : vector<16xf32>
    %mul3A_1277 = arith.mulf %mul3A_1276, %mul3A_1272 : vector<16xf32>
    %sub3A_1278 = arith.constant 1.500000e+00 : f32
    %sub3A_1279 = vector.broadcast %sub3A_1278 : f32 to vector<16xf32>
    %sub3A_1280 = arith.subf %sub3A_1279, %mul3A_1277 : vector<16xf32>
    %mul3A_1281 = arith.mulf %mul3A_1272, %sub3A_1280 : vector<16xf32>
    %mul3A_1282 = arith.constant 5.000000e-01 : f32
    %mul3A_1283 = vector.broadcast %mul3A_1282 : f32 to vector<16xf32>
    %mul3A_1284 = arith.mulf %mul3A_1283, %get3A_1255 : vector<16xf32>
    %mul3A_1285 = arith.mulf %mul3A_1284, %mul3A_1281 : vector<16xf32>
    %mul3A_1286 = arith.mulf %mul3A_1285, %mul3A_1281 : vector<16xf32>
    %sub3A_1287 = arith.constant 1.500000e+00 : f32
    %sub3A_1288 = vector.broadcast %sub3A_1287 : f32 to vector<16xf32>
    %sub3A_1289 = arith.subf %sub3A_1288, %mul3A_1286 : vector<16xf32>
    %mul3A_1290 = arith.mulf %mul3A_1281, %sub3A_1289 : vector<16xf32>
    %gt3A_1291 = arith.constant 0.000000e+00 : f32
    %gt3A_1292 = vector.broadcast %gt3A_1291 : f32 to vector<16xf32>
    %gt3A_1293 = arith.cmpf ogt, %get3A_1255, %gt3A_1292 : vector<16xf32>
    %jit3A_1294 = arith.constant 0.000000e+00 : f32
    %broadcast_in_dim3A_1295 = vector.broadcast %jit3A_1294 : f32 to vector<16xf32>
    %select_n3A_1296 = arith.select %gt3A_1293, %mul3A_1290, %broadcast_in_dim3A_1295 : vector<16xi1>, vector<16xf32>
    %swap3A_1297 = arith.constant 400 : index
    %swap3A_1298 = tpu.vector_load %arg21[%swap3A_1297] {strides = array<i32>} : memref<640xf32, #tpu.memory_space<vmem>>, vector<16xf32>,
    tpu.vector_store %arg21[%swap3A_1297], %select_n3A_1296 {strides = array<i32>} : memref<640xf32, #tpu.memory_space<vmem>>, vector<16xf32>,
    %get3A_1299 = arith.constant 416 : index
    %get3A_1300 = tpu.vector_load %arg21[%get3A_1299] {strides = array<i32>} : memref<640xf32, #tpu.memory_space<vmem>>, vector<16xf32>,
    %bitcast3A_1301 = vector.bitcast %get3A_1300 : vector<16xf32> to vector<16xi32>
    %shift_right_arithmetic3A_1302 = arith.constant 1 : i32
    %shift_right_arithmetic3A_1303 = vector.broadcast %shift_right_arithmetic3A_1302 : i32 to vector<16xi32>
    %shift_right_arithmetic3A_1304 = arith.shrsi %bitcast3A_1301, %shift_right_arithmetic3A_1303 : vector<16xi32>
    %sub3A_1305 = arith.constant 1597463007 : i32
    %sub3A_1306 = vector.broadcast %sub3A_1305 : i32 to vector<16xi32>
    %sub3A_1307 = arith.subi %sub3A_1306, %shift_right_arithmetic3A_1304 : vector<16xi32>
    %bitcast3A_1308 = vector.bitcast %sub3A_1307 : vector<16xi32> to vector<16xf32>
    %mul3A_1309 = arith.constant 5.000000e-01 : f32
    %mul3A_1310 = vector.broadcast %mul3A_1309 : f32 to vector<16xf32>
    %mul3A_1311 = arith.mulf %mul3A_1310, %get3A_1300 : vector<16xf32>
    %mul3A_1312 = arith.mulf %mul3A_1311, %bitcast3A_1308 : vector<16xf32>
    %mul3A_1313 = arith.mulf %mul3A_1312, %bitcast3A_1308 : vector<16xf32>
    %sub3A_1314 = arith.constant 1.500000e+00 : f32
    %sub3A_1315 = vector.broadcast %sub3A_1314 : f32 to vector<16xf32>
    %sub3A_1316 = arith.subf %sub3A_1315, %mul3A_1313 : vector<16xf32>
    %mul3A_1317 = arith.mulf %bitcast3A_1308, %sub3A_1316 : vector<16xf32>
    %mul3A_1318 = arith.constant 5.000000e-01 : f32
    %mul3A_1319 = vector.broadcast %mul3A_1318 : f32 to vector<16xf32>
    %mul3A_1320 = arith.mulf %mul3A_1319, %get3A_1300 : vector<16xf32>
    %mul3A_1321 = arith.mulf %mul3A_1320, %mul3A_1317 : vector<16xf32>
    %mul3A_1322 = arith.mulf %mul3A_1321, %mul3A_1317 : vector<16xf32>
    %sub3A_1323 = arith.constant 1.500000e+00 : f32
    %sub3A_1324 = vector.broadcast %sub3A_1323 : f32 to vector<16xf32>
    %sub3A_1325 = arith.subf %sub3A_1324, %mul3A_1322 : vector<16xf32>
    %mul3A_1326 = arith.mulf %mul3A_1317, %sub3A_1325 : vector<16xf32>
    %mul3A_1327 = arith.constant 5.000000e-01 : f32
    %mul3A_1328 = vector.broadcast %mul3A_1327 : f32 to vector<16xf32>
    %mul3A_1329 = arith.mulf %mul3A_1328, %get3A_1300 : vector<16xf32>
    %mul3A_1330 = arith.mulf %mul3A_1329, %mul3A_1326 : vector<16xf32>
    %mul3A_1331 = arith.mulf %mul3A_1330, %mul3A_1326 : vector<16xf32>
    %sub3A_1332 = arith.constant 1.500000e+00 : f32
    %sub3A_1333 = vector.broadcast %sub3A_1332 : f32 to vector<16xf32>
    %sub3A_1334 = arith.subf %sub3A_1333, %mul3A_1331 : vector<16xf32>
    %mul3A_1335 = arith.mulf %mul3A_1326, %sub3A_1334 : vector<16xf32>
    %gt3A_1336 = arith.constant 0.000000e+00 : f32
    %gt3A_1337 = vector.broadcast %gt3A_1336 : f32 to vector<16xf32>
    %gt3A_1338 = arith.cmpf ogt, %get3A_1300, %gt3A_1337 : vector<16xf32>
    %jit3A_1339 = arith.constant 0.000000e+00 : f32
    %broadcast_in_dim3A_1340 = vector.broadcast %jit3A_1339 : f32 to vector<16xf32>
    %select_n3A_1341 = arith.select %gt3A_1338, %mul3A_1335, %broadcast_in_dim3A_1340 : vector<16xi1>, vector<16xf32>
    %swap3A_1342 = arith.constant 416 : index
    %swap3A_1343 = tpu.vector_load %arg21[%swap3A_1342] {strides = array<i32>} : memref<640xf32, #tpu.memory_space<vmem>>, vector<16xf32>,
    tpu.vector_store %arg21[%swap3A_1342], %select_n3A_1341 {strides = array<i32>} : memref<640xf32, #tpu.memory_space<vmem>>, vector<16xf32>,
    %get3A_1344 = arith.constant 432 : index
    %get3A_1345 = tpu.vector_load %arg21[%get3A_1344] {strides = array<i32>} : memref<640xf32, #tpu.memory_space<vmem>>, vector<16xf32>,
    %bitcast3A_1346 = vector.bitcast %get3A_1345 : vector<16xf32> to vector<16xi32>
    %shift_right_arithmetic3A_1347 = arith.constant 1 : i32
    %shift_right_arithmetic3A_1348 = vector.broadcast %shift_right_arithmetic3A_1347 : i32 to vector<16xi32>
    %shift_right_arithmetic3A_1349 = arith.shrsi %bitcast3A_1346, %shift_right_arithmetic3A_1348 : vector<16xi32>
    %sub3A_1350 = arith.constant 1597463007 : i32
    %sub3A_1351 = vector.broadcast %sub3A_1350 : i32 to vector<16xi32>
    %sub3A_1352 = arith.subi %sub3A_1351, %shift_right_arithmetic3A_1349 : vector<16xi32>
    %bitcast3A_1353 = vector.bitcast %sub3A_1352 : vector<16xi32> to vector<16xf32>
    %mul3A_1354 = arith.constant 5.000000e-01 : f32
    %mul3A_1355 = vector.broadcast %mul3A_1354 : f32 to vector<16xf32>
    %mul3A_1356 = arith.mulf %mul3A_1355, %get3A_1345 : vector<16xf32>
    %mul3A_1357 = arith.mulf %mul3A_1356, %bitcast3A_1353 : vector<16xf32>
    %mul3A_1358 = arith.mulf %mul3A_1357, %bitcast3A_1353 : vector<16xf32>
    %sub3A_1359 = arith.constant 1.500000e+00 : f32
    %sub3A_1360 = vector.broadcast %sub3A_1359 : f32 to vector<16xf32>
    %sub3A_1361 = arith.subf %sub3A_1360, %mul3A_1358 : vector<16xf32>
    %mul3A_1362 = arith.mulf %bitcast3A_1353, %sub3A_1361 : vector<16xf32>
    %mul3A_1363 = arith.constant 5.000000e-01 : f32
    %mul3A_1364 = vector.broadcast %mul3A_1363 : f32 to vector<16xf32>
    %mul3A_1365 = arith.mulf %mul3A_1364, %get3A_1345 : vector<16xf32>
    %mul3A_1366 = arith.mulf %mul3A_1365, %mul3A_1362 : vector<16xf32>
    %mul3A_1367 = arith.mulf %mul3A_1366, %mul3A_1362 : vector<16xf32>
    %sub3A_1368 = arith.constant 1.500000e+00 : f32
    %sub3A_1369 = vector.broadcast %sub3A_1368 : f32 to vector<16xf32>
    %sub3A_1370 = arith.subf %sub3A_1369, %mul3A_1367 : vector<16xf32>
    %mul3A_1371 = arith.mulf %mul3A_1362, %sub3A_1370 : vector<16xf32>
    %mul3A_1372 = arith.constant 5.000000e-01 : f32
    %mul3A_1373 = vector.broadcast %mul3A_1372 : f32 to vector<16xf32>
    %mul3A_1374 = arith.mulf %mul3A_1373, %get3A_1345 : vector<16xf32>
    %mul3A_1375 = arith.mulf %mul3A_1374, %mul3A_1371 : vector<16xf32>
    %mul3A_1376 = arith.mulf %mul3A_1375, %mul3A_1371 : vector<16xf32>
    %sub3A_1377 = arith.constant 1.500000e+00 : f32
    %sub3A_1378 = vector.broadcast %sub3A_1377 : f32 to vector<16xf32>
    %sub3A_1379 = arith.subf %sub3A_1378, %mul3A_1376 : vector<16xf32>
    %mul3A_1380 = arith.mulf %mul3A_1371, %sub3A_1379 : vector<16xf32>
    %gt3A_1381 = arith.constant 0.000000e+00 : f32
    %gt3A_1382 = vector.broadcast %gt3A_1381 : f32 to vector<16xf32>
    %gt3A_1383 = arith.cmpf ogt, %get3A_1345, %gt3A_1382 : vector<16xf32>
    %jit3A_1384 = arith.constant 0.000000e+00 : f32
    %broadcast_in_dim3A_1385 = vector.broadcast %jit3A_1384 : f32 to vector<16xf32>
    %select_n3A_1386 = arith.select %gt3A_1383, %mul3A_1380, %broadcast_in_dim3A_1385 : vector<16xi1>, vector<16xf32>
    %swap3A_1387 = arith.constant 432 : index
    %swap3A_1388 = tpu.vector_load %arg21[%swap3A_1387] {strides = array<i32>} : memref<640xf32, #tpu.memory_space<vmem>>, vector<16xf32>,
    tpu.vector_store %arg21[%swap3A_1387], %select_n3A_1386 {strides = array<i32>} : memref<640xf32, #tpu.memory_space<vmem>>, vector<16xf32>,
    %get3A_1389 = arith.constant 448 : index
    %get3A_1390 = tpu.vector_load %arg21[%get3A_1389] {strides = array<i32>} : memref<640xf32, #tpu.memory_space<vmem>>, vector<16xf32>,
    %bitcast3A_1391 = vector.bitcast %get3A_1390 : vector<16xf32> to vector<16xi32>
    %shift_right_arithmetic3A_1392 = arith.constant 1 : i32
    %shift_right_arithmetic3A_1393 = vector.broadcast %shift_right_arithmetic3A_1392 : i32 to vector<16xi32>
    %shift_right_arithmetic3A_1394 = arith.shrsi %bitcast3A_1391, %shift_right_arithmetic3A_1393 : vector<16xi32>
    %sub3A_1395 = arith.constant 1597463007 : i32
    %sub3A_1396 = vector.broadcast %sub3A_1395 : i32 to vector<16xi32>
    %sub3A_1397 = arith.subi %sub3A_1396, %shift_right_arithmetic3A_1394 : vector<16xi32>
    %bitcast3A_1398 = vector.bitcast %sub3A_1397 : vector<16xi32> to vector<16xf32>
    %mul3A_1399 = arith.constant 5.000000e-01 : f32
    %mul3A_1400 = vector.broadcast %mul3A_1399 : f32 to vector<16xf32>
    %mul3A_1401 = arith.mulf %mul3A_1400, %get3A_1390 : vector<16xf32>
    %mul3A_1402 = arith.mulf %mul3A_1401, %bitcast3A_1398 : vector<16xf32>
    %mul3A_1403 = arith.mulf %mul3A_1402, %bitcast3A_1398 : vector<16xf32>
    %sub3A_1404 = arith.constant 1.500000e+00 : f32
    %sub3A_1405 = vector.broadcast %sub3A_1404 : f32 to vector<16xf32>
    %sub3A_1406 = arith.subf %sub3A_1405, %mul3A_1403 : vector<16xf32>
    %mul3A_1407 = arith.mulf %bitcast3A_1398, %sub3A_1406 : vector<16xf32>
    %mul3A_1408 = arith.constant 5.000000e-01 : f32
    %mul3A_1409 = vector.broadcast %mul3A_1408 : f32 to vector<16xf32>
    %mul3A_1410 = arith.mulf %mul3A_1409, %get3A_1390 : vector<16xf32>
    %mul3A_1411 = arith.mulf %mul3A_1410, %mul3A_1407 : vector<16xf32>
    %mul3A_1412 = arith.mulf %mul3A_1411, %mul3A_1407 : vector<16xf32>
    %sub3A_1413 = arith.constant 1.500000e+00 : f32
    %sub3A_1414 = vector.broadcast %sub3A_1413 : f32 to vector<16xf32>
    %sub3A_1415 = arith.subf %sub3A_1414, %mul3A_1412 : vector<16xf32>
    %mul3A_1416 = arith.mulf %mul3A_1407, %sub3A_1415 : vector<16xf32>
    %mul3A_1417 = arith.constant 5.000000e-01 : f32
    %mul3A_1418 = vector.broadcast %mul3A_1417 : f32 to vector<16xf32>
    %mul3A_1419 = arith.mulf %mul3A_1418, %get3A_1390 : vector<16xf32>
    %mul3A_1420 = arith.mulf %mul3A_1419, %mul3A_1416 : vector<16xf32>
    %mul3A_1421 = arith.mulf %mul3A_1420, %mul3A_1416 : vector<16xf32>
    %sub3A_1422 = arith.constant 1.500000e+00 : f32
    %sub3A_1423 = vector.broadcast %sub3A_1422 : f32 to vector<16xf32>
    %sub3A_1424 = arith.subf %sub3A_1423, %mul3A_1421 : vector<16xf32>
    %mul3A_1425 = arith.mulf %mul3A_1416, %sub3A_1424 : vector<16xf32>
    %gt3A_1426 = arith.constant 0.000000e+00 : f32
    %gt3A_1427 = vector.broadcast %gt3A_1426 : f32 to vector<16xf32>
    %gt3A_1428 = arith.cmpf ogt, %get3A_1390, %gt3A_1427 : vector<16xf32>
    %jit3A_1429 = arith.constant 0.000000e+00 : f32
    %broadcast_in_dim3A_1430 = vector.broadcast %jit3A_1429 : f32 to vector<16xf32>
    %select_n3A_1431 = arith.select %gt3A_1428, %mul3A_1425, %broadcast_in_dim3A_1430 : vector<16xi1>, vector<16xf32>
    %swap3A_1432 = arith.constant 448 : index
    %swap3A_1433 = tpu.vector_load %arg21[%swap3A_1432] {strides = array<i32>} : memref<640xf32, #tpu.memory_space<vmem>>, vector<16xf32>,
    tpu.vector_store %arg21[%swap3A_1432], %select_n3A_1431 {strides = array<i32>} : memref<640xf32, #tpu.memory_space<vmem>>, vector<16xf32>,
    %get3A_1434 = arith.constant 464 : index
    %get3A_1435 = tpu.vector_load %arg21[%get3A_1434] {strides = array<i32>} : memref<640xf32, #tpu.memory_space<vmem>>, vector<16xf32>,
    %bitcast3A_1436 = vector.bitcast %get3A_1435 : vector<16xf32> to vector<16xi32>
    %shift_right_arithmetic3A_1437 = arith.constant 1 : i32
    %shift_right_arithmetic3A_1438 = vector.broadcast %shift_right_arithmetic3A_1437 : i32 to vector<16xi32>
    %shift_right_arithmetic3A_1439 = arith.shrsi %bitcast3A_1436, %shift_right_arithmetic3A_1438 : vector<16xi32>
    %sub3A_1440 = arith.constant 1597463007 : i32
    %sub3A_1441 = vector.broadcast %sub3A_1440 : i32 to vector<16xi32>
    %sub3A_1442 = arith.subi %sub3A_1441, %shift_right_arithmetic3A_1439 : vector<16xi32>
    %bitcast3A_1443 = vector.bitcast %sub3A_1442 : vector<16xi32> to vector<16xf32>
    %mul3A_1444 = arith.constant 5.000000e-01 : f32
    %mul3A_1445 = vector.broadcast %mul3A_1444 : f32 to vector<16xf32>
    %mul3A_1446 = arith.mulf %mul3A_1445, %get3A_1435 : vector<16xf32>
    %mul3A_1447 = arith.mulf %mul3A_1446, %bitcast3A_1443 : vector<16xf32>
    %mul3A_1448 = arith.mulf %mul3A_1447, %bitcast3A_1443 : vector<16xf32>
    %sub3A_1449 = arith.constant 1.500000e+00 : f32
    %sub3A_1450 = vector.broadcast %sub3A_1449 : f32 to vector<16xf32>
    %sub3A_1451 = arith.subf %sub3A_1450, %mul3A_1448 : vector<16xf32>
    %mul3A_1452 = arith.mulf %bitcast3A_1443, %sub3A_1451 : vector<16xf32>
    %mul3A_1453 = arith.constant 5.000000e-01 : f32
    %mul3A_1454 = vector.broadcast %mul3A_1453 : f32 to vector<16xf32>
    %mul3A_1455 = arith.mulf %mul3A_1454, %get3A_1435 : vector<16xf32>
    %mul3A_1456 = arith.mulf %mul3A_1455, %mul3A_1452 : vector<16xf32>
    %mul3A_1457 = arith.mulf %mul3A_1456, %mul3A_1452 : vector<16xf32>
    %sub3A_1458 = arith.constant 1.500000e+00 : f32
    %sub3A_1459 = vector.broadcast %sub3A_1458 : f32 to vector<16xf32>
    %sub3A_1460 = arith.subf %sub3A_1459, %mul3A_1457 : vector<16xf32>
    %mul3A_1461 = arith.mulf %mul3A_1452, %sub3A_1460 : vector<16xf32>
    %mul3A_1462 = arith.constant 5.000000e-01 : f32
    %mul3A_1463 = vector.broadcast %mul3A_1462 : f32 to vector<16xf32>
    %mul3A_1464 = arith.mulf %mul3A_1463, %get3A_1435 : vector<16xf32>
    %mul3A_1465 = arith.mulf %mul3A_1464, %mul3A_1461 : vector<16xf32>
    %mul3A_1466 = arith.mulf %mul3A_1465, %mul3A_1461 : vector<16xf32>
    %sub3A_1467 = arith.constant 1.500000e+00 : f32
    %sub3A_1468 = vector.broadcast %sub3A_1467 : f32 to vector<16xf32>
    %sub3A_1469 = arith.subf %sub3A_1468, %mul3A_1466 : vector<16xf32>
    %mul3A_1470 = arith.mulf %mul3A_1461, %sub3A_1469 : vector<16xf32>
    %gt3A_1471 = arith.constant 0.000000e+00 : f32
    %gt3A_1472 = vector.broadcast %gt3A_1471 : f32 to vector<16xf32>
    %gt3A_1473 = arith.cmpf ogt, %get3A_1435, %gt3A_1472 : vector<16xf32>
    %jit3A_1474 = arith.constant 0.000000e+00 : f32
    %broadcast_in_dim3A_1475 = vector.broadcast %jit3A_1474 : f32 to vector<16xf32>
    %select_n3A_1476 = arith.select %gt3A_1473, %mul3A_1470, %broadcast_in_dim3A_1475 : vector<16xi1>, vector<16xf32>
    %swap3A_1477 = arith.constant 464 : index
    %swap3A_1478 = tpu.vector_load %arg21[%swap3A_1477] {strides = array<i32>} : memref<640xf32, #tpu.memory_space<vmem>>, vector<16xf32>,
    tpu.vector_store %arg21[%swap3A_1477], %select_n3A_1476 {strides = array<i32>} : memref<640xf32, #tpu.memory_space<vmem>>, vector<16xf32>,
    %get3A_1479 = arith.constant 480 : index
    %get3A_1480 = tpu.vector_load %arg21[%get3A_1479] {strides = array<i32>} : memref<640xf32, #tpu.memory_space<vmem>>, vector<16xf32>,
    %bitcast3A_1481 = vector.bitcast %get3A_1480 : vector<16xf32> to vector<16xi32>
    %shift_right_arithmetic3A_1482 = arith.constant 1 : i32
    %shift_right_arithmetic3A_1483 = vector.broadcast %shift_right_arithmetic3A_1482 : i32 to vector<16xi32>
    %shift_right_arithmetic3A_1484 = arith.shrsi %bitcast3A_1481, %shift_right_arithmetic3A_1483 : vector<16xi32>
    %sub3A_1485 = arith.constant 1597463007 : i32
    %sub3A_1486 = vector.broadcast %sub3A_1485 : i32 to vector<16xi32>
    %sub3A_1487 = arith.subi %sub3A_1486, %shift_right_arithmetic3A_1484 : vector<16xi32>
    %bitcast3A_1488 = vector.bitcast %sub3A_1487 : vector<16xi32> to vector<16xf32>
    %mul3A_1489 = arith.constant 5.000000e-01 : f32
    %mul3A_1490 = vector.broadcast %mul3A_1489 : f32 to vector<16xf32>
    %mul3A_1491 = arith.mulf %mul3A_1490, %get3A_1480 : vector<16xf32>
    %mul3A_1492 = arith.mulf %mul3A_1491, %bitcast3A_1488 : vector<16xf32>
    %mul3A_1493 = arith.mulf %mul3A_1492, %bitcast3A_1488 : vector<16xf32>
    %sub3A_1494 = arith.constant 1.500000e+00 : f32
    %sub3A_1495 = vector.broadcast %sub3A_1494 : f32 to vector<16xf32>
    %sub3A_1496 = arith.subf %sub3A_1495, %mul3A_1493 : vector<16xf32>
    %mul3A_1497 = arith.mulf %bitcast3A_1488, %sub3A_1496 : vector<16xf32>
    %mul3A_1498 = arith.constant 5.000000e-01 : f32
    %mul3A_1499 = vector.broadcast %mul3A_1498 : f32 to vector<16xf32>
    %mul3A_1500 = arith.mulf %mul3A_1499, %get3A_1480 : vector<16xf32>
    %mul3A_1501 = arith.mulf %mul3A_1500, %mul3A_1497 : vector<16xf32>
    %mul3A_1502 = arith.mulf %mul3A_1501, %mul3A_1497 : vector<16xf32>
    %sub3A_1503 = arith.constant 1.500000e+00 : f32
    %sub3A_1504 = vector.broadcast %sub3A_1503 : f32 to vector<16xf32>
    %sub3A_1505 = arith.subf %sub3A_1504, %mul3A_1502 : vector<16xf32>
    %mul3A_1506 = arith.mulf %mul3A_1497, %sub3A_1505 : vector<16xf32>
    %mul3A_1507 = arith.constant 5.000000e-01 : f32
    %mul3A_1508 = vector.broadcast %mul3A_1507 : f32 to vector<16xf32>
    %mul3A_1509 = arith.mulf %mul3A_1508, %get3A_1480 : vector<16xf32>
    %mul3A_1510 = arith.mulf %mul3A_1509, %mul3A_1506 : vector<16xf32>
    %mul3A_1511 = arith.mulf %mul3A_1510, %mul3A_1506 : vector<16xf32>
    %sub3A_1512 = arith.constant 1.500000e+00 : f32
    %sub3A_1513 = vector.broadcast %sub3A_1512 : f32 to vector<16xf32>
    %sub3A_1514 = arith.subf %sub3A_1513, %mul3A_1511 : vector<16xf32>
    %mul3A_1515 = arith.mulf %mul3A_1506, %sub3A_1514 : vector<16xf32>
    %gt3A_1516 = arith.constant 0.000000e+00 : f32
    %gt3A_1517 = vector.broadcast %gt3A_1516 : f32 to vector<16xf32>
    %gt3A_1518 = arith.cmpf ogt, %get3A_1480, %gt3A_1517 : vector<16xf32>
    %jit3A_1519 = arith.constant 0.000000e+00 : f32
    %broadcast_in_dim3A_1520 = vector.broadcast %jit3A_1519 : f32 to vector<16xf32>
    %select_n3A_1521 = arith.select %gt3A_1518, %mul3A_1515, %broadcast_in_dim3A_1520 : vector<16xi1>, vector<16xf32>
    %swap3A_1522 = arith.constant 480 : index
    %swap3A_1523 = tpu.vector_load %arg21[%swap3A_1522] {strides = array<i32>} : memref<640xf32, #tpu.memory_space<vmem>>, vector<16xf32>,
    tpu.vector_store %arg21[%swap3A_1522], %select_n3A_1521 {strides = array<i32>} : memref<640xf32, #tpu.memory_space<vmem>>, vector<16xf32>,
    %get3A_1524 = arith.constant 496 : index
    %get3A_1525 = tpu.vector_load %arg21[%get3A_1524] {strides = array<i32>} : memref<640xf32, #tpu.memory_space<vmem>>, vector<16xf32>,
    %bitcast3A_1526 = vector.bitcast %get3A_1525 : vector<16xf32> to vector<16xi32>
    %shift_right_arithmetic3A_1527 = arith.constant 1 : i32
    %shift_right_arithmetic3A_1528 = vector.broadcast %shift_right_arithmetic3A_1527 : i32 to vector<16xi32>
    %shift_right_arithmetic3A_1529 = arith.shrsi %bitcast3A_1526, %shift_right_arithmetic3A_1528 : vector<16xi32>
    %sub3A_1530 = arith.constant 1597463007 : i32
    %sub3A_1531 = vector.broadcast %sub3A_1530 : i32 to vector<16xi32>
    %sub3A_1532 = arith.subi %sub3A_1531, %shift_right_arithmetic3A_1529 : vector<16xi32>
    %bitcast3A_1533 = vector.bitcast %sub3A_1532 : vector<16xi32> to vector<16xf32>
    %mul3A_1534 = arith.constant 5.000000e-01 : f32
    %mul3A_1535 = vector.broadcast %mul3A_1534 : f32 to vector<16xf32>
    %mul3A_1536 = arith.mulf %mul3A_1535, %get3A_1525 : vector<16xf32>
    %mul3A_1537 = arith.mulf %mul3A_1536, %bitcast3A_1533 : vector<16xf32>
    %mul3A_1538 = arith.mulf %mul3A_1537, %bitcast3A_1533 : vector<16xf32>
    %sub3A_1539 = arith.constant 1.500000e+00 : f32
    %sub3A_1540 = vector.broadcast %sub3A_1539 : f32 to vector<16xf32>
    %sub3A_1541 = arith.subf %sub3A_1540, %mul3A_1538 : vector<16xf32>
    %mul3A_1542 = arith.mulf %bitcast3A_1533, %sub3A_1541 : vector<16xf32>
    %mul3A_1543 = arith.constant 5.000000e-01 : f32
    %mul3A_1544 = vector.broadcast %mul3A_1543 : f32 to vector<16xf32>
    %mul3A_1545 = arith.mulf %mul3A_1544, %get3A_1525 : vector<16xf32>
    %mul3A_1546 = arith.mulf %mul3A_1545, %mul3A_1542 : vector<16xf32>
    %mul3A_1547 = arith.mulf %mul3A_1546, %mul3A_1542 : vector<16xf32>
    %sub3A_1548 = arith.constant 1.500000e+00 : f32
    %sub3A_1549 = vector.broadcast %sub3A_1548 : f32 to vector<16xf32>
    %sub3A_1550 = arith.subf %sub3A_1549, %mul3A_1547 : vector<16xf32>
    %mul3A_1551 = arith.mulf %mul3A_1542, %sub3A_1550 : vector<16xf32>
    %mul3A_1552 = arith.constant 5.000000e-01 : f32
    %mul3A_1553 = vector.broadcast %mul3A_1552 : f32 to vector<16xf32>
    %mul3A_1554 = arith.mulf %mul3A_1553, %get3A_1525 : vector<16xf32>
    %mul3A_1555 = arith.mulf %mul3A_1554, %mul3A_1551 : vector<16xf32>
    %mul3A_1556 = arith.mulf %mul3A_1555, %mul3A_1551 : vector<16xf32>
    %sub3A_1557 = arith.constant 1.500000e+00 : f32
    %sub3A_1558 = vector.broadcast %sub3A_1557 : f32 to vector<16xf32>
    %sub3A_1559 = arith.subf %sub3A_1558, %mul3A_1556 : vector<16xf32>
    %mul3A_1560 = arith.mulf %mul3A_1551, %sub3A_1559 : vector<16xf32>
    %gt3A_1561 = arith.constant 0.000000e+00 : f32
    %gt3A_1562 = vector.broadcast %gt3A_1561 : f32 to vector<16xf32>
    %gt3A_1563 = arith.cmpf ogt, %get3A_1525, %gt3A_1562 : vector<16xf32>
    %jit3A_1564 = arith.constant 0.000000e+00 : f32
    %broadcast_in_dim3A_1565 = vector.broadcast %jit3A_1564 : f32 to vector<16xf32>
    %select_n3A_1566 = arith.select %gt3A_1563, %mul3A_1560, %broadcast_in_dim3A_1565 : vector<16xi1>, vector<16xf32>
    %swap3A_1567 = arith.constant 496 : index
    %swap3A_1568 = tpu.vector_load %arg21[%swap3A_1567] {strides = array<i32>} : memref<640xf32, #tpu.memory_space<vmem>>, vector<16xf32>,
    tpu.vector_store %arg21[%swap3A_1567], %select_n3A_1566 {strides = array<i32>} : memref<640xf32, #tpu.memory_space<vmem>>, vector<16xf32>,
    %get3A_1569 = arith.constant 512 : index
    %get3A_1570 = tpu.vector_load %arg21[%get3A_1569] {strides = array<i32>} : memref<640xf32, #tpu.memory_space<vmem>>, vector<16xf32>,
    %bitcast3A_1571 = vector.bitcast %get3A_1570 : vector<16xf32> to vector<16xi32>
    %shift_right_arithmetic3A_1572 = arith.constant 1 : i32
    %shift_right_arithmetic3A_1573 = vector.broadcast %shift_right_arithmetic3A_1572 : i32 to vector<16xi32>
    %shift_right_arithmetic3A_1574 = arith.shrsi %bitcast3A_1571, %shift_right_arithmetic3A_1573 : vector<16xi32>
    %sub3A_1575 = arith.constant 1597463007 : i32
    %sub3A_1576 = vector.broadcast %sub3A_1575 : i32 to vector<16xi32>
    %sub3A_1577 = arith.subi %sub3A_1576, %shift_right_arithmetic3A_1574 : vector<16xi32>
    %bitcast3A_1578 = vector.bitcast %sub3A_1577 : vector<16xi32> to vector<16xf32>
    %mul3A_1579 = arith.constant 5.000000e-01 : f32
    %mul3A_1580 = vector.broadcast %mul3A_1579 : f32 to vector<16xf32>
    %mul3A_1581 = arith.mulf %mul3A_1580, %get3A_1570 : vector<16xf32>
    %mul3A_1582 = arith.mulf %mul3A_1581, %bitcast3A_1578 : vector<16xf32>
    %mul3A_1583 = arith.mulf %mul3A_1582, %bitcast3A_1578 : vector<16xf32>
    %sub3A_1584 = arith.constant 1.500000e+00 : f32
    %sub3A_1585 = vector.broadcast %sub3A_1584 : f32 to vector<16xf32>
    %sub3A_1586 = arith.subf %sub3A_1585, %mul3A_1583 : vector<16xf32>
    %mul3A_1587 = arith.mulf %bitcast3A_1578, %sub3A_1586 : vector<16xf32>
    %mul3A_1588 = arith.constant 5.000000e-01 : f32
    %mul3A_1589 = vector.broadcast %mul3A_1588 : f32 to vector<16xf32>
    %mul3A_1590 = arith.mulf %mul3A_1589, %get3A_1570 : vector<16xf32>
    %mul3A_1591 = arith.mulf %mul3A_1590, %mul3A_1587 : vector<16xf32>
    %mul3A_1592 = arith.mulf %mul3A_1591, %mul3A_1587 : vector<16xf32>
    %sub3A_1593 = arith.constant 1.500000e+00 : f32
    %sub3A_1594 = vector.broadcast %sub3A_1593 : f32 to vector<16xf32>
    %sub3A_1595 = arith.subf %sub3A_1594, %mul3A_1592 : vector<16xf32>
    %mul3A_1596 = arith.mulf %mul3A_1587, %sub3A_1595 : vector<16xf32>
    %mul3A_1597 = arith.constant 5.000000e-01 : f32
    %mul3A_1598 = vector.broadcast %mul3A_1597 : f32 to vector<16xf32>
    %mul3A_1599 = arith.mulf %mul3A_1598, %get3A_1570 : vector<16xf32>
    %mul3A_1600 = arith.mulf %mul3A_1599, %mul3A_1596 : vector<16xf32>
    %mul3A_1601 = arith.mulf %mul3A_1600, %mul3A_1596 : vector<16xf32>
    %sub3A_1602 = arith.constant 1.500000e+00 : f32
    %sub3A_1603 = vector.broadcast %sub3A_1602 : f32 to vector<16xf32>
    %sub3A_1604 = arith.subf %sub3A_1603, %mul3A_1601 : vector<16xf32>
    %mul3A_1605 = arith.mulf %mul3A_1596, %sub3A_1604 : vector<16xf32>
    %gt3A_1606 = arith.constant 0.000000e+00 : f32
    %gt3A_1607 = vector.broadcast %gt3A_1606 : f32 to vector<16xf32>
    %gt3A_1608 = arith.cmpf ogt, %get3A_1570, %gt3A_1607 : vector<16xf32>
    %jit3A_1609 = arith.constant 0.000000e+00 : f32
    %broadcast_in_dim3A_1610 = vector.broadcast %jit3A_1609 : f32 to vector<16xf32>
    %select_n3A_1611 = arith.select %gt3A_1608, %mul3A_1605, %broadcast_in_dim3A_1610 : vector<16xi1>, vector<16xf32>
    %swap3A_1612 = arith.constant 512 : index
    %swap3A_1613 = tpu.vector_load %arg21[%swap3A_1612] {strides = array<i32>} : memref<640xf32, #tpu.memory_space<vmem>>, vector<16xf32>,
    tpu.vector_store %arg21[%swap3A_1612], %select_n3A_1611 {strides = array<i32>} : memref<640xf32, #tpu.memory_space<vmem>>, vector<16xf32>,
    %get3A_1614 = arith.constant 528 : index
    %get3A_1615 = tpu.vector_load %arg21[%get3A_1614] {strides = array<i32>} : memref<640xf32, #tpu.memory_space<vmem>>, vector<16xf32>,
    %bitcast3A_1616 = vector.bitcast %get3A_1615 : vector<16xf32> to vector<16xi32>
    %shift_right_arithmetic3A_1617 = arith.constant 1 : i32
    %shift_right_arithmetic3A_1618 = vector.broadcast %shift_right_arithmetic3A_1617 : i32 to vector<16xi32>
    %shift_right_arithmetic3A_1619 = arith.shrsi %bitcast3A_1616, %shift_right_arithmetic3A_1618 : vector<16xi32>
    %sub3A_1620 = arith.constant 1597463007 : i32
    %sub3A_1621 = vector.broadcast %sub3A_1620 : i32 to vector<16xi32>
    %sub3A_1622 = arith.subi %sub3A_1621, %shift_right_arithmetic3A_1619 : vector<16xi32>
    %bitcast3A_1623 = vector.bitcast %sub3A_1622 : vector<16xi32> to vector<16xf32>
    %mul3A_1624 = arith.constant 5.000000e-01 : f32
    %mul3A_1625 = vector.broadcast %mul3A_1624 : f32 to vector<16xf32>
    %mul3A_1626 = arith.mulf %mul3A_1625, %get3A_1615 : vector<16xf32>
    %mul3A_1627 = arith.mulf %mul3A_1626, %bitcast3A_1623 : vector<16xf32>
    %mul3A_1628 = arith.mulf %mul3A_1627, %bitcast3A_1623 : vector<16xf32>
    %sub3A_1629 = arith.constant 1.500000e+00 : f32
    %sub3A_1630 = vector.broadcast %sub3A_1629 : f32 to vector<16xf32>
    %sub3A_1631 = arith.subf %sub3A_1630, %mul3A_1628 : vector<16xf32>
    %mul3A_1632 = arith.mulf %bitcast3A_1623, %sub3A_1631 : vector<16xf32>
    %mul3A_1633 = arith.constant 5.000000e-01 : f32
    %mul3A_1634 = vector.broadcast %mul3A_1633 : f32 to vector<16xf32>
    %mul3A_1635 = arith.mulf %mul3A_1634, %get3A_1615 : vector<16xf32>
    %mul3A_1636 = arith.mulf %mul3A_1635, %mul3A_1632 : vector<16xf32>
    %mul3A_1637 = arith.mulf %mul3A_1636, %mul3A_1632 : vector<16xf32>
    %sub3A_1638 = arith.constant 1.500000e+00 : f32
    %sub3A_1639 = vector.broadcast %sub3A_1638 : f32 to vector<16xf32>
    %sub3A_1640 = arith.subf %sub3A_1639, %mul3A_1637 : vector<16xf32>
    %mul3A_1641 = arith.mulf %mul3A_1632, %sub3A_1640 : vector<16xf32>
    %mul3A_1642 = arith.constant 5.000000e-01 : f32
    %mul3A_1643 = vector.broadcast %mul3A_1642 : f32 to vector<16xf32>
    %mul3A_1644 = arith.mulf %mul3A_1643, %get3A_1615 : vector<16xf32>
    %mul3A_1645 = arith.mulf %mul3A_1644, %mul3A_1641 : vector<16xf32>
    %mul3A_1646 = arith.mulf %mul3A_1645, %mul3A_1641 : vector<16xf32>
    %sub3A_1647 = arith.constant 1.500000e+00 : f32
    %sub3A_1648 = vector.broadcast %sub3A_1647 : f32 to vector<16xf32>
    %sub3A_1649 = arith.subf %sub3A_1648, %mul3A_1646 : vector<16xf32>
    %mul3A_1650 = arith.mulf %mul3A_1641, %sub3A_1649 : vector<16xf32>
    %gt3A_1651 = arith.constant 0.000000e+00 : f32
    %gt3A_1652 = vector.broadcast %gt3A_1651 : f32 to vector<16xf32>
    %gt3A_1653 = arith.cmpf ogt, %get3A_1615, %gt3A_1652 : vector<16xf32>
    %jit3A_1654 = arith.constant 0.000000e+00 : f32
    %broadcast_in_dim3A_1655 = vector.broadcast %jit3A_1654 : f32 to vector<16xf32>
    %select_n3A_1656 = arith.select %gt3A_1653, %mul3A_1650, %broadcast_in_dim3A_1655 : vector<16xi1>, vector<16xf32>
    %swap3A_1657 = arith.constant 528 : index
    %swap3A_1658 = tpu.vector_load %arg21[%swap3A_1657] {strides = array<i32>} : memref<640xf32, #tpu.memory_space<vmem>>, vector<16xf32>,
    tpu.vector_store %arg21[%swap3A_1657], %select_n3A_1656 {strides = array<i32>} : memref<640xf32, #tpu.memory_space<vmem>>, vector<16xf32>,
    %get3A_1659 = arith.constant 544 : index
    %get3A_1660 = tpu.vector_load %arg21[%get3A_1659] {strides = array<i32>} : memref<640xf32, #tpu.memory_space<vmem>>, vector<16xf32>,
    %bitcast3A_1661 = vector.bitcast %get3A_1660 : vector<16xf32> to vector<16xi32>
    %shift_right_arithmetic3A_1662 = arith.constant 1 : i32
    %shift_right_arithmetic3A_1663 = vector.broadcast %shift_right_arithmetic3A_1662 : i32 to vector<16xi32>
    %shift_right_arithmetic3A_1664 = arith.shrsi %bitcast3A_1661, %shift_right_arithmetic3A_1663 : vector<16xi32>
    %sub3A_1665 = arith.constant 1597463007 : i32
    %sub3A_1666 = vector.broadcast %sub3A_1665 : i32 to vector<16xi32>
    %sub3A_1667 = arith.subi %sub3A_1666, %shift_right_arithmetic3A_1664 : vector<16xi32>
    %bitcast3A_1668 = vector.bitcast %sub3A_1667 : vector<16xi32> to vector<16xf32>
    %mul3A_1669 = arith.constant 5.000000e-01 : f32
    %mul3A_1670 = vector.broadcast %mul3A_1669 : f32 to vector<16xf32>
    %mul3A_1671 = arith.mulf %mul3A_1670, %get3A_1660 : vector<16xf32>
    %mul3A_1672 = arith.mulf %mul3A_1671, %bitcast3A_1668 : vector<16xf32>
    %mul3A_1673 = arith.mulf %mul3A_1672, %bitcast3A_1668 : vector<16xf32>
    %sub3A_1674 = arith.constant 1.500000e+00 : f32
    %sub3A_1675 = vector.broadcast %sub3A_1674 : f32 to vector<16xf32>
    %sub3A_1676 = arith.subf %sub3A_1675, %mul3A_1673 : vector<16xf32>
    %mul3A_1677 = arith.mulf %bitcast3A_1668, %sub3A_1676 : vector<16xf32>
    %mul3A_1678 = arith.constant 5.000000e-01 : f32
    %mul3A_1679 = vector.broadcast %mul3A_1678 : f32 to vector<16xf32>
    %mul3A_1680 = arith.mulf %mul3A_1679, %get3A_1660 : vector<16xf32>
    %mul3A_1681 = arith.mulf %mul3A_1680, %mul3A_1677 : vector<16xf32>
    %mul3A_1682 = arith.mulf %mul3A_1681, %mul3A_1677 : vector<16xf32>
    %sub3A_1683 = arith.constant 1.500000e+00 : f32
    %sub3A_1684 = vector.broadcast %sub3A_1683 : f32 to vector<16xf32>
    %sub3A_1685 = arith.subf %sub3A_1684, %mul3A_1682 : vector<16xf32>
    %mul3A_1686 = arith.mulf %mul3A_1677, %sub3A_1685 : vector<16xf32>
    %mul3A_1687 = arith.constant 5.000000e-01 : f32
    %mul3A_1688 = vector.broadcast %mul3A_1687 : f32 to vector<16xf32>
    %mul3A_1689 = arith.mulf %mul3A_1688, %get3A_1660 : vector<16xf32>
    %mul3A_1690 = arith.mulf %mul3A_1689, %mul3A_1686 : vector<16xf32>
    %mul3A_1691 = arith.mulf %mul3A_1690, %mul3A_1686 : vector<16xf32>
    %sub3A_1692 = arith.constant 1.500000e+00 : f32
    %sub3A_1693 = vector.broadcast %sub3A_1692 : f32 to vector<16xf32>
    %sub3A_1694 = arith.subf %sub3A_1693, %mul3A_1691 : vector<16xf32>
    %mul3A_1695 = arith.mulf %mul3A_1686, %sub3A_1694 : vector<16xf32>
    %gt3A_1696 = arith.constant 0.000000e+00 : f32
    %gt3A_1697 = vector.broadcast %gt3A_1696 : f32 to vector<16xf32>
    %gt3A_1698 = arith.cmpf ogt, %get3A_1660, %gt3A_1697 : vector<16xf32>
    %jit3A_1699 = arith.constant 0.000000e+00 : f32
    %broadcast_in_dim3A_1700 = vector.broadcast %jit3A_1699 : f32 to vector<16xf32>
    %select_n3A_1701 = arith.select %gt3A_1698, %mul3A_1695, %broadcast_in_dim3A_1700 : vector<16xi1>, vector<16xf32>
    %swap3A_1702 = arith.constant 544 : index
    %swap3A_1703 = tpu.vector_load %arg21[%swap3A_1702] {strides = array<i32>} : memref<640xf32, #tpu.memory_space<vmem>>, vector<16xf32>,
    tpu.vector_store %arg21[%swap3A_1702], %select_n3A_1701 {strides = array<i32>} : memref<640xf32, #tpu.memory_space<vmem>>, vector<16xf32>,
    %get3A_1704 = arith.constant 560 : index
    %get3A_1705 = tpu.vector_load %arg21[%get3A_1704] {strides = array<i32>} : memref<640xf32, #tpu.memory_space<vmem>>, vector<16xf32>,
    %bitcast3A_1706 = vector.bitcast %get3A_1705 : vector<16xf32> to vector<16xi32>
    %shift_right_arithmetic3A_1707 = arith.constant 1 : i32
    %shift_right_arithmetic3A_1708 = vector.broadcast %shift_right_arithmetic3A_1707 : i32 to vector<16xi32>
    %shift_right_arithmetic3A_1709 = arith.shrsi %bitcast3A_1706, %shift_right_arithmetic3A_1708 : vector<16xi32>
    %sub3A_1710 = arith.constant 1597463007 : i32
    %sub3A_1711 = vector.broadcast %sub3A_1710 : i32 to vector<16xi32>
    %sub3A_1712 = arith.subi %sub3A_1711, %shift_right_arithmetic3A_1709 : vector<16xi32>
    %bitcast3A_1713 = vector.bitcast %sub3A_1712 : vector<16xi32> to vector<16xf32>
    %mul3A_1714 = arith.constant 5.000000e-01 : f32
    %mul3A_1715 = vector.broadcast %mul3A_1714 : f32 to vector<16xf32>
    %mul3A_1716 = arith.mulf %mul3A_1715, %get3A_1705 : vector<16xf32>
    %mul3A_1717 = arith.mulf %mul3A_1716, %bitcast3A_1713 : vector<16xf32>
    %mul3A_1718 = arith.mulf %mul3A_1717, %bitcast3A_1713 : vector<16xf32>
    %sub3A_1719 = arith.constant 1.500000e+00 : f32
    %sub3A_1720 = vector.broadcast %sub3A_1719 : f32 to vector<16xf32>
    %sub3A_1721 = arith.subf %sub3A_1720, %mul3A_1718 : vector<16xf32>
    %mul3A_1722 = arith.mulf %bitcast3A_1713, %sub3A_1721 : vector<16xf32>
    %mul3A_1723 = arith.constant 5.000000e-01 : f32
    %mul3A_1724 = vector.broadcast %mul3A_1723 : f32 to vector<16xf32>
    %mul3A_1725 = arith.mulf %mul3A_1724, %get3A_1705 : vector<16xf32>
    %mul3A_1726 = arith.mulf %mul3A_1725, %mul3A_1722 : vector<16xf32>
    %mul3A_1727 = arith.mulf %mul3A_1726, %mul3A_1722 : vector<16xf32>
    %sub3A_1728 = arith.constant 1.500000e+00 : f32
    %sub3A_1729 = vector.broadcast %sub3A_1728 : f32 to vector<16xf32>
    %sub3A_1730 = arith.subf %sub3A_1729, %mul3A_1727 : vector<16xf32>
    %mul3A_1731 = arith.mulf %mul3A_1722, %sub3A_1730 : vector<16xf32>
    %mul3A_1732 = arith.constant 5.000000e-01 : f32
    %mul3A_1733 = vector.broadcast %mul3A_1732 : f32 to vector<16xf32>
    %mul3A_1734 = arith.mulf %mul3A_1733, %get3A_1705 : vector<16xf32>
    %mul3A_1735 = arith.mulf %mul3A_1734, %mul3A_1731 : vector<16xf32>
    %mul3A_1736 = arith.mulf %mul3A_1735, %mul3A_1731 : vector<16xf32>
    %sub3A_1737 = arith.constant 1.500000e+00 : f32
    %sub3A_1738 = vector.broadcast %sub3A_1737 : f32 to vector<16xf32>
    %sub3A_1739 = arith.subf %sub3A_1738, %mul3A_1736 : vector<16xf32>
    %mul3A_1740 = arith.mulf %mul3A_1731, %sub3A_1739 : vector<16xf32>
    %gt3A_1741 = arith.constant 0.000000e+00 : f32
    %gt3A_1742 = vector.broadcast %gt3A_1741 : f32 to vector<16xf32>
    %gt3A_1743 = arith.cmpf ogt, %get3A_1705, %gt3A_1742 : vector<16xf32>
    %jit3A_1744 = arith.constant 0.000000e+00 : f32
    %broadcast_in_dim3A_1745 = vector.broadcast %jit3A_1744 : f32 to vector<16xf32>
    %select_n3A_1746 = arith.select %gt3A_1743, %mul3A_1740, %broadcast_in_dim3A_1745 : vector<16xi1>, vector<16xf32>
    %swap3A_1747 = arith.constant 560 : index
    %swap3A_1748 = tpu.vector_load %arg21[%swap3A_1747] {strides = array<i32>} : memref<640xf32, #tpu.memory_space<vmem>>, vector<16xf32>,
    tpu.vector_store %arg21[%swap3A_1747], %select_n3A_1746 {strides = array<i32>} : memref<640xf32, #tpu.memory_space<vmem>>, vector<16xf32>,
    %get3A_1749 = arith.constant 576 : index
    %get3A_1750 = tpu.vector_load %arg21[%get3A_1749] {strides = array<i32>} : memref<640xf32, #tpu.memory_space<vmem>>, vector<16xf32>,
    %bitcast3A_1751 = vector.bitcast %get3A_1750 : vector<16xf32> to vector<16xi32>
    %shift_right_arithmetic3A_1752 = arith.constant 1 : i32
    %shift_right_arithmetic3A_1753 = vector.broadcast %shift_right_arithmetic3A_1752 : i32 to vector<16xi32>
    %shift_right_arithmetic3A_1754 = arith.shrsi %bitcast3A_1751, %shift_right_arithmetic3A_1753 : vector<16xi32>
    %sub3A_1755 = arith.constant 1597463007 : i32
    %sub3A_1756 = vector.broadcast %sub3A_1755 : i32 to vector<16xi32>
    %sub3A_1757 = arith.subi %sub3A_1756, %shift_right_arithmetic3A_1754 : vector<16xi32>
    %bitcast3A_1758 = vector.bitcast %sub3A_1757 : vector<16xi32> to vector<16xf32>
    %mul3A_1759 = arith.constant 5.000000e-01 : f32
    %mul3A_1760 = vector.broadcast %mul3A_1759 : f32 to vector<16xf32>
    %mul3A_1761 = arith.mulf %mul3A_1760, %get3A_1750 : vector<16xf32>
    %mul3A_1762 = arith.mulf %mul3A_1761, %bitcast3A_1758 : vector<16xf32>
    %mul3A_1763 = arith.mulf %mul3A_1762, %bitcast3A_1758 : vector<16xf32>
    %sub3A_1764 = arith.constant 1.500000e+00 : f32
    %sub3A_1765 = vector.broadcast %sub3A_1764 : f32 to vector<16xf32>
    %sub3A_1766 = arith.subf %sub3A_1765, %mul3A_1763 : vector<16xf32>
    %mul3A_1767 = arith.mulf %bitcast3A_1758, %sub3A_1766 : vector<16xf32>
    %mul3A_1768 = arith.constant 5.000000e-01 : f32
    %mul3A_1769 = vector.broadcast %mul3A_1768 : f32 to vector<16xf32>
    %mul3A_1770 = arith.mulf %mul3A_1769, %get3A_1750 : vector<16xf32>
    %mul3A_1771 = arith.mulf %mul3A_1770, %mul3A_1767 : vector<16xf32>
    %mul3A_1772 = arith.mulf %mul3A_1771, %mul3A_1767 : vector<16xf32>
    %sub3A_1773 = arith.constant 1.500000e+00 : f32
    %sub3A_1774 = vector.broadcast %sub3A_1773 : f32 to vector<16xf32>
    %sub3A_1775 = arith.subf %sub3A_1774, %mul3A_1772 : vector<16xf32>
    %mul3A_1776 = arith.mulf %mul3A_1767, %sub3A_1775 : vector<16xf32>
    %mul3A_1777 = arith.constant 5.000000e-01 : f32
    %mul3A_1778 = vector.broadcast %mul3A_1777 : f32 to vector<16xf32>
    %mul3A_1779 = arith.mulf %mul3A_1778, %get3A_1750 : vector<16xf32>
    %mul3A_1780 = arith.mulf %mul3A_1779, %mul3A_1776 : vector<16xf32>
    %mul3A_1781 = arith.mulf %mul3A_1780, %mul3A_1776 : vector<16xf32>
    %sub3A_1782 = arith.constant 1.500000e+00 : f32
    %sub3A_1783 = vector.broadcast %sub3A_1782 : f32 to vector<16xf32>
    %sub3A_1784 = arith.subf %sub3A_1783, %mul3A_1781 : vector<16xf32>
    %mul3A_1785 = arith.mulf %mul3A_1776, %sub3A_1784 : vector<16xf32>
    %gt3A_1786 = arith.constant 0.000000e+00 : f32
    %gt3A_1787 = vector.broadcast %gt3A_1786 : f32 to vector<16xf32>
    %gt3A_1788 = arith.cmpf ogt, %get3A_1750, %gt3A_1787 : vector<16xf32>
    %jit3A_1789 = arith.constant 0.000000e+00 : f32
    %broadcast_in_dim3A_1790 = vector.broadcast %jit3A_1789 : f32 to vector<16xf32>
    %select_n3A_1791 = arith.select %gt3A_1788, %mul3A_1785, %broadcast_in_dim3A_1790 : vector<16xi1>, vector<16xf32>
    %swap3A_1792 = arith.constant 576 : index
    %swap3A_1793 = tpu.vector_load %arg21[%swap3A_1792] {strides = array<i32>} : memref<640xf32, #tpu.memory_space<vmem>>, vector<16xf32>,
    tpu.vector_store %arg21[%swap3A_1792], %select_n3A_1791 {strides = array<i32>} : memref<640xf32, #tpu.memory_space<vmem>>, vector<16xf32>,
    %get3A_1794 = arith.constant 592 : index
    %get3A_1795 = tpu.vector_load %arg21[%get3A_1794] {strides = array<i32>} : memref<640xf32, #tpu.memory_space<vmem>>, vector<16xf32>,
    %bitcast3A_1796 = vector.bitcast %get3A_1795 : vector<16xf32> to vector<16xi32>
    %shift_right_arithmetic3A_1797 = arith.constant 1 : i32
    %shift_right_arithmetic3A_1798 = vector.broadcast %shift_right_arithmetic3A_1797 : i32 to vector<16xi32>
    %shift_right_arithmetic3A_1799 = arith.shrsi %bitcast3A_1796, %shift_right_arithmetic3A_1798 : vector<16xi32>
    %sub3A_1800 = arith.constant 1597463007 : i32
    %sub3A_1801 = vector.broadcast %sub3A_1800 : i32 to vector<16xi32>
    %sub3A_1802 = arith.subi %sub3A_1801, %shift_right_arithmetic3A_1799 : vector<16xi32>
    %bitcast3A_1803 = vector.bitcast %sub3A_1802 : vector<16xi32> to vector<16xf32>
    %mul3A_1804 = arith.constant 5.000000e-01 : f32
    %mul3A_1805 = vector.broadcast %mul3A_1804 : f32 to vector<16xf32>
    %mul3A_1806 = arith.mulf %mul3A_1805, %get3A_1795 : vector<16xf32>
    %mul3A_1807 = arith.mulf %mul3A_1806, %bitcast3A_1803 : vector<16xf32>
    %mul3A_1808 = arith.mulf %mul3A_1807, %bitcast3A_1803 : vector<16xf32>
    %sub3A_1809 = arith.constant 1.500000e+00 : f32
    %sub3A_1810 = vector.broadcast %sub3A_1809 : f32 to vector<16xf32>
    %sub3A_1811 = arith.subf %sub3A_1810, %mul3A_1808 : vector<16xf32>
    %mul3A_1812 = arith.mulf %bitcast3A_1803, %sub3A_1811 : vector<16xf32>
    %mul3A_1813 = arith.constant 5.000000e-01 : f32
    %mul3A_1814 = vector.broadcast %mul3A_1813 : f32 to vector<16xf32>
    %mul3A_1815 = arith.mulf %mul3A_1814, %get3A_1795 : vector<16xf32>
    %mul3A_1816 = arith.mulf %mul3A_1815, %mul3A_1812 : vector<16xf32>
    %mul3A_1817 = arith.mulf %mul3A_1816, %mul3A_1812 : vector<16xf32>
    %sub3A_1818 = arith.constant 1.500000e+00 : f32
    %sub3A_1819 = vector.broadcast %sub3A_1818 : f32 to vector<16xf32>
    %sub3A_1820 = arith.subf %sub3A_1819, %mul3A_1817 : vector<16xf32>
    %mul3A_1821 = arith.mulf %mul3A_1812, %sub3A_1820 : vector<16xf32>
    %mul3A_1822 = arith.constant 5.000000e-01 : f32
    %mul3A_1823 = vector.broadcast %mul3A_1822 : f32 to vector<16xf32>
    %mul3A_1824 = arith.mulf %mul3A_1823, %get3A_1795 : vector<16xf32>
    %mul3A_1825 = arith.mulf %mul3A_1824, %mul3A_1821 : vector<16xf32>
    %mul3A_1826 = arith.mulf %mul3A_1825, %mul3A_1821 : vector<16xf32>
    %sub3A_1827 = arith.constant 1.500000e+00 : f32
    %sub3A_1828 = vector.broadcast %sub3A_1827 : f32 to vector<16xf32>
    %sub3A_1829 = arith.subf %sub3A_1828, %mul3A_1826 : vector<16xf32>
    %mul3A_1830 = arith.mulf %mul3A_1821, %sub3A_1829 : vector<16xf32>
    %gt3A_1831 = arith.constant 0.000000e+00 : f32
    %gt3A_1832 = vector.broadcast %gt3A_1831 : f32 to vector<16xf32>
    %gt3A_1833 = arith.cmpf ogt, %get3A_1795, %gt3A_1832 : vector<16xf32>
    %jit3A_1834 = arith.constant 0.000000e+00 : f32
    %broadcast_in_dim3A_1835 = vector.broadcast %jit3A_1834 : f32 to vector<16xf32>
    %select_n3A_1836 = arith.select %gt3A_1833, %mul3A_1830, %broadcast_in_dim3A_1835 : vector<16xi1>, vector<16xf32>
    %swap3A_1837 = arith.constant 592 : index
    %swap3A_1838 = tpu.vector_load %arg21[%swap3A_1837] {strides = array<i32>} : memref<640xf32, #tpu.memory_space<vmem>>, vector<16xf32>,
    tpu.vector_store %arg21[%swap3A_1837], %select_n3A_1836 {strides = array<i32>} : memref<640xf32, #tpu.memory_space<vmem>>, vector<16xf32>,
    %get3A_1839 = arith.constant 608 : index
    %get3A_1840 = tpu.vector_load %arg21[%get3A_1839] {strides = array<i32>} : memref<640xf32, #tpu.memory_space<vmem>>, vector<16xf32>,
    %bitcast3A_1841 = vector.bitcast %get3A_1840 : vector<16xf32> to vector<16xi32>
    %shift_right_arithmetic3A_1842 = arith.constant 1 : i32
    %shift_right_arithmetic3A_1843 = vector.broadcast %shift_right_arithmetic3A_1842 : i32 to vector<16xi32>
    %shift_right_arithmetic3A_1844 = arith.shrsi %bitcast3A_1841, %shift_right_arithmetic3A_1843 : vector<16xi32>
    %sub3A_1845 = arith.constant 1597463007 : i32
    %sub3A_1846 = vector.broadcast %sub3A_1845 : i32 to vector<16xi32>
    %sub3A_1847 = arith.subi %sub3A_1846, %shift_right_arithmetic3A_1844 : vector<16xi32>
    %bitcast3A_1848 = vector.bitcast %sub3A_1847 : vector<16xi32> to vector<16xf32>
    %mul3A_1849 = arith.constant 5.000000e-01 : f32
    %mul3A_1850 = vector.broadcast %mul3A_1849 : f32 to vector<16xf32>
    %mul3A_1851 = arith.mulf %mul3A_1850, %get3A_1840 : vector<16xf32>
    %mul3A_1852 = arith.mulf %mul3A_1851, %bitcast3A_1848 : vector<16xf32>
    %mul3A_1853 = arith.mulf %mul3A_1852, %bitcast3A_1848 : vector<16xf32>
    %sub3A_1854 = arith.constant 1.500000e+00 : f32
    %sub3A_1855 = vector.broadcast %sub3A_1854 : f32 to vector<16xf32>
    %sub3A_1856 = arith.subf %sub3A_1855, %mul3A_1853 : vector<16xf32>
    %mul3A_1857 = arith.mulf %bitcast3A_1848, %sub3A_1856 : vector<16xf32>
    %mul3A_1858 = arith.constant 5.000000e-01 : f32
    %mul3A_1859 = vector.broadcast %mul3A_1858 : f32 to vector<16xf32>
    %mul3A_1860 = arith.mulf %mul3A_1859, %get3A_1840 : vector<16xf32>
    %mul3A_1861 = arith.mulf %mul3A_1860, %mul3A_1857 : vector<16xf32>
    %mul3A_1862 = arith.mulf %mul3A_1861, %mul3A_1857 : vector<16xf32>
    %sub3A_1863 = arith.constant 1.500000e+00 : f32
    %sub3A_1864 = vector.broadcast %sub3A_1863 : f32 to vector<16xf32>
    %sub3A_1865 = arith.subf %sub3A_1864, %mul3A_1862 : vector<16xf32>
    %mul3A_1866 = arith.mulf %mul3A_1857, %sub3A_1865 : vector<16xf32>
    %mul3A_1867 = arith.constant 5.000000e-01 : f32
    %mul3A_1868 = vector.broadcast %mul3A_1867 : f32 to vector<16xf32>
    %mul3A_1869 = arith.mulf %mul3A_1868, %get3A_1840 : vector<16xf32>
    %mul3A_1870 = arith.mulf %mul3A_1869, %mul3A_1866 : vector<16xf32>
    %mul3A_1871 = arith.mulf %mul3A_1870, %mul3A_1866 : vector<16xf32>
    %sub3A_1872 = arith.constant 1.500000e+00 : f32
    %sub3A_1873 = vector.broadcast %sub3A_1872 : f32 to vector<16xf32>
    %sub3A_1874 = arith.subf %sub3A_1873, %mul3A_1871 : vector<16xf32>
    %mul3A_1875 = arith.mulf %mul3A_1866, %sub3A_1874 : vector<16xf32>
    %gt3A_1876 = arith.constant 0.000000e+00 : f32
    %gt3A_1877 = vector.broadcast %gt3A_1876 : f32 to vector<16xf32>
    %gt3A_1878 = arith.cmpf ogt, %get3A_1840, %gt3A_1877 : vector<16xf32>
    %jit3A_1879 = arith.constant 0.000000e+00 : f32
    %broadcast_in_dim3A_1880 = vector.broadcast %jit3A_1879 : f32 to vector<16xf32>
    %select_n3A_1881 = arith.select %gt3A_1878, %mul3A_1875, %broadcast_in_dim3A_1880 : vector<16xi1>, vector<16xf32>
    %swap3A_1882 = arith.constant 608 : index
    %swap3A_1883 = tpu.vector_load %arg21[%swap3A_1882] {strides = array<i32>} : memref<640xf32, #tpu.memory_space<vmem>>, vector<16xf32>,
    tpu.vector_store %arg21[%swap3A_1882], %select_n3A_1881 {strides = array<i32>} : memref<640xf32, #tpu.memory_space<vmem>>, vector<16xf32>,
    %get3A_1884 = arith.constant 624 : index
    %get3A_1885 = tpu.vector_load %arg21[%get3A_1884] {strides = array<i32>} : memref<640xf32, #tpu.memory_space<vmem>>, vector<16xf32>,
    %bitcast3A_1886 = vector.bitcast %get3A_1885 : vector<16xf32> to vector<16xi32>
    %shift_right_arithmetic3A_1887 = arith.constant 1 : i32
    %shift_right_arithmetic3A_1888 = vector.broadcast %shift_right_arithmetic3A_1887 : i32 to vector<16xi32>
    %shift_right_arithmetic3A_1889 = arith.shrsi %bitcast3A_1886, %shift_right_arithmetic3A_1888 : vector<16xi32>
    %sub3A_1890 = arith.constant 1597463007 : i32
    %sub3A_1891 = vector.broadcast %sub3A_1890 : i32 to vector<16xi32>
    %sub3A_1892 = arith.subi %sub3A_1891, %shift_right_arithmetic3A_1889 : vector<16xi32>
    %bitcast3A_1893 = vector.bitcast %sub3A_1892 : vector<16xi32> to vector<16xf32>
    %mul3A_1894 = arith.constant 5.000000e-01 : f32
    %mul3A_1895 = vector.broadcast %mul3A_1894 : f32 to vector<16xf32>
    %mul3A_1896 = arith.mulf %mul3A_1895, %get3A_1885 : vector<16xf32>
    %mul3A_1897 = arith.mulf %mul3A_1896, %bitcast3A_1893 : vector<16xf32>
    %mul3A_1898 = arith.mulf %mul3A_1897, %bitcast3A_1893 : vector<16xf32>
    %sub3A_1899 = arith.constant 1.500000e+00 : f32
    %sub3A_1900 = vector.broadcast %sub3A_1899 : f32 to vector<16xf32>
    %sub3A_1901 = arith.subf %sub3A_1900, %mul3A_1898 : vector<16xf32>
    %mul3A_1902 = arith.mulf %bitcast3A_1893, %sub3A_1901 : vector<16xf32>
    %mul3A_1903 = arith.constant 5.000000e-01 : f32
    %mul3A_1904 = vector.broadcast %mul3A_1903 : f32 to vector<16xf32>
    %mul3A_1905 = arith.mulf %mul3A_1904, %get3A_1885 : vector<16xf32>
    %mul3A_1906 = arith.mulf %mul3A_1905, %mul3A_1902 : vector<16xf32>
    %mul3A_1907 = arith.mulf %mul3A_1906, %mul3A_1902 : vector<16xf32>
    %sub3A_1908 = arith.constant 1.500000e+00 : f32
    %sub3A_1909 = vector.broadcast %sub3A_1908 : f32 to vector<16xf32>
    %sub3A_1910 = arith.subf %sub3A_1909, %mul3A_1907 : vector<16xf32>
    %mul3A_1911 = arith.mulf %mul3A_1902, %sub3A_1910 : vector<16xf32>
    %mul3A_1912 = arith.constant 5.000000e-01 : f32
    %mul3A_1913 = vector.broadcast %mul3A_1912 : f32 to vector<16xf32>
    %mul3A_1914 = arith.mulf %mul3A_1913, %get3A_1885 : vector<16xf32>
    %mul3A_1915 = arith.mulf %mul3A_1914, %mul3A_1911 : vector<16xf32>
    %mul3A_1916 = arith.mulf %mul3A_1915, %mul3A_1911 : vector<16xf32>
    %sub3A_1917 = arith.constant 1.500000e+00 : f32
    %sub3A_1918 = vector.broadcast %sub3A_1917 : f32 to vector<16xf32>
    %sub3A_1919 = arith.subf %sub3A_1918, %mul3A_1916 : vector<16xf32>
    %mul3A_1920 = arith.mulf %mul3A_1911, %sub3A_1919 : vector<16xf32>
    %gt3A_1921 = arith.constant 0.000000e+00 : f32
    %gt3A_1922 = vector.broadcast %gt3A_1921 : f32 to vector<16xf32>
    %gt3A_1923 = arith.cmpf ogt, %get3A_1885, %gt3A_1922 : vector<16xf32>
    %jit3A_1924 = arith.constant 0.000000e+00 : f32
    %broadcast_in_dim3A_1925 = vector.broadcast %jit3A_1924 : f32 to vector<16xf32>
    %select_n3A_1926 = arith.select %gt3A_1923, %mul3A_1920, %broadcast_in_dim3A_1925 : vector<16xi1>, vector<16xf32>
    %swap3A_1927 = arith.constant 624 : index
    %swap3A_1928 = tpu.vector_load %arg21[%swap3A_1927] {strides = array<i32>} : memref<640xf32, #tpu.memory_space<vmem>>, vector<16xf32>,
    tpu.vector_store %arg21[%swap3A_1927], %select_n3A_1926 {strides = array<i32>} : memref<640xf32, #tpu.memory_space<vmem>>, vector<16xf32>,
    "tpu.region"() ({
      %run_scoped3A_2028 = tpu.sem_alloc : memref<!tpu.dma_semaphore, #tpu.memory_space<semaphore_mem>>
      %dma_start3A_2029 = tpu.memref_slice %arg11[%mul3A_2] : memref<10240xf32, #tpu.memory_space<vmem_shared>> -> memref<640xf32, #tpu.memory_space<vmem_shared>>
      %dma_start3A_2030 = tpu.memref_slice %arg11[%mul3A_2] : memref<10240xf32, #tpu.memory_space<vmem_shared>> -> memref<640xf32, #tpu.memory_space<vmem_shared>>
      tpu.enqueue_dma source(%arg21 : memref<640xf32, #tpu.memory_space<vmem>>) target(%dma_start3A_2030 : memref<640xf32, #tpu.memory_space<vmem_shared>>) target_semaphore(%run_scoped3A_2028 : memref<!tpu.dma_semaphore, #tpu.memory_space<semaphore_mem>>)
      %dma_wait3A_2031 = tpu.memref_slice %arg11[%mul3A_2] : memref<10240xf32, #tpu.memory_space<vmem_shared>> -> memref<640xf32, #tpu.memory_space<vmem_shared>>
      %dma_wait3A_2032 = tpu.memref_slice %arg11[%mul3A_2] : memref<10240xf32, #tpu.memory_space<vmem_shared>> -> memref<640xf32, #tpu.memory_space<vmem_shared>>
      tpu.wait_dma2 semaphore(%run_scoped3A_2028 : memref<!tpu.dma_semaphore, #tpu.memory_space<semaphore_mem>>) src(%arg21 : memref<640xf32, #tpu.memory_space<vmem>>) dst(%dma_wait3A_2032 : memref<640xf32, #tpu.memory_space<vmem_shared>>)
      tpu.yield
    }) : () -> ()
    %lt3A_1929 = arith.constant 15 : i32
    %lt3A_1930 = arith.cmpi slt, %arg1, %lt3A_1929 : i32
    %convert_element_type3A_1931 = arith.extui %lt3A_1930 : i1 to i32
    %cond3A_1932 = arith.constant 0 : i32
    %cond3A_1933 = arith.constant 0 : i32
    %cond3A_1934 = arith.cmpi ne, %convert_element_type3A_1931, %cond3A_1933 : i32
    scf.if %cond3A_1934 {
      %add3A_2028 = arith.constant 0 : i32
      %add3A_2029 = arith.addi %mul3A_0, %add3A_2028 : i32
      %dma_wait3A_2030 = arith.constant 0 : i32
      %dma_wait3A_2031 = arith.constant 0 : i32
      %dma_wait3A_2032 = tpu.memref_slice %arg19[%cond3A_1932, %dma_wait3A_2030, %dma_wait3A_2031] : memref<2x128x128xf32, #tpu.memory_space<vmem>> -> memref<1x128x128xf32, #tpu.memory_space<vmem>>
      %dma_wait3A_2033 = tpu.memref_squeeze %dma_wait3A_2032 : memref<1x128x128xf32, #tpu.memory_space<vmem>> -> memref<128x128xf32, #tpu.memory_space<vmem>>
      %dma_wait3A_2034 = arith.constant 0 : i32
      %dma_wait3A_2035 = tpu.memref_slice %arg9[%add3A_2029, %dma_wait3A_2034] : memref<10000x128xf32, #tpu.memory_space<vmem_shared>> -> memref<128x128xf32, #tpu.memory_space<vmem_shared>>
      %dma_wait3A_2036 = arith.constant 0 : i32
      %dma_wait3A_2037 = tpu.memref_slice %arg9[%add3A_2029, %dma_wait3A_2036] : memref<10000x128xf32, #tpu.memory_space<vmem_shared>> -> memref<128x128xf32, #tpu.memory_space<vmem_shared>>
      %dma_wait3A_2038 = arith.constant 0 : i32
      %dma_wait3A_2039 = arith.constant 0 : i32
      %dma_wait3A_2040 = tpu.memref_slice %arg19[%cond3A_1932, %dma_wait3A_2038, %dma_wait3A_2039] : memref<2x128x128xf32, #tpu.memory_space<vmem>> -> memref<1x128x128xf32, #tpu.memory_space<vmem>>
      %dma_wait3A_2041 = tpu.memref_squeeze %dma_wait3A_2040 : memref<1x128x128xf32, #tpu.memory_space<vmem>> -> memref<128x128xf32, #tpu.memory_space<vmem>>
      tpu.wait_dma2 semaphore(%arg26 : memref<!tpu.dma_semaphore, #tpu.memory_space<semaphore_mem>>) src(%dma_wait3A_2041 : memref<128x128xf32, #tpu.memory_space<vmem>>) dst(%dma_wait3A_2037 : memref<128x128xf32, #tpu.memory_space<vmem_shared>>)
      %add3A_2042 = arith.constant 128 : i32
      %add3A_2043 = arith.addi %mul3A_0, %add3A_2042 : i32
      %dma_wait3A_2044 = arith.constant 0 : i32
      %dma_wait3A_2045 = arith.constant 0 : i32
      %dma_wait3A_2046 = tpu.memref_slice %arg19[%cond3A_1932, %dma_wait3A_2044, %dma_wait3A_2045] : memref<2x128x128xf32, #tpu.memory_space<vmem>> -> memref<1x128x128xf32, #tpu.memory_space<vmem>>
      %dma_wait3A_2047 = tpu.memref_squeeze %dma_wait3A_2046 : memref<1x128x128xf32, #tpu.memory_space<vmem>> -> memref<128x128xf32, #tpu.memory_space<vmem>>
      %dma_wait3A_2048 = arith.constant 0 : i32
      %dma_wait3A_2049 = tpu.memref_slice %arg9[%add3A_2043, %dma_wait3A_2048] : memref<10000x128xf32, #tpu.memory_space<vmem_shared>> -> memref<128x128xf32, #tpu.memory_space<vmem_shared>>
      %dma_wait3A_2050 = arith.constant 0 : i32
      %dma_wait3A_2051 = tpu.memref_slice %arg9[%add3A_2043, %dma_wait3A_2050] : memref<10000x128xf32, #tpu.memory_space<vmem_shared>> -> memref<128x128xf32, #tpu.memory_space<vmem_shared>>
      %dma_wait3A_2052 = arith.constant 0 : i32
      %dma_wait3A_2053 = arith.constant 0 : i32
      %dma_wait3A_2054 = tpu.memref_slice %arg19[%cond3A_1932, %dma_wait3A_2052, %dma_wait3A_2053] : memref<2x128x128xf32, #tpu.memory_space<vmem>> -> memref<1x128x128xf32, #tpu.memory_space<vmem>>
      %dma_wait3A_2055 = tpu.memref_squeeze %dma_wait3A_2054 : memref<1x128x128xf32, #tpu.memory_space<vmem>> -> memref<128x128xf32, #tpu.memory_space<vmem>>
      tpu.wait_dma2 semaphore(%arg26 : memref<!tpu.dma_semaphore, #tpu.memory_space<semaphore_mem>>) src(%dma_wait3A_2055 : memref<128x128xf32, #tpu.memory_space<vmem>>) dst(%dma_wait3A_2051 : memref<128x128xf32, #tpu.memory_space<vmem_shared>>)
      %add3A_2056 = arith.constant 256 : i32
      %add3A_2057 = arith.addi %mul3A_0, %add3A_2056 : i32
      %dma_wait3A_2058 = arith.constant 0 : i32
      %dma_wait3A_2059 = arith.constant 0 : i32
      %dma_wait3A_2060 = tpu.memref_slice %arg19[%cond3A_1932, %dma_wait3A_2058, %dma_wait3A_2059] : memref<2x128x128xf32, #tpu.memory_space<vmem>> -> memref<1x128x128xf32, #tpu.memory_space<vmem>>
      %dma_wait3A_2061 = tpu.memref_squeeze %dma_wait3A_2060 : memref<1x128x128xf32, #tpu.memory_space<vmem>> -> memref<128x128xf32, #tpu.memory_space<vmem>>
      %dma_wait3A_2062 = arith.constant 0 : i32
      %dma_wait3A_2063 = tpu.memref_slice %arg9[%add3A_2057, %dma_wait3A_2062] : memref<10000x128xf32, #tpu.memory_space<vmem_shared>> -> memref<128x128xf32, #tpu.memory_space<vmem_shared>>
      %dma_wait3A_2064 = arith.constant 0 : i32
      %dma_wait3A_2065 = tpu.memref_slice %arg9[%add3A_2057, %dma_wait3A_2064] : memref<10000x128xf32, #tpu.memory_space<vmem_shared>> -> memref<128x128xf32, #tpu.memory_space<vmem_shared>>
      %dma_wait3A_2066 = arith.constant 0 : i32
      %dma_wait3A_2067 = arith.constant 0 : i32
      %dma_wait3A_2068 = tpu.memref_slice %arg19[%cond3A_1932, %dma_wait3A_2066, %dma_wait3A_2067] : memref<2x128x128xf32, #tpu.memory_space<vmem>> -> memref<1x128x128xf32, #tpu.memory_space<vmem>>
      %dma_wait3A_2069 = tpu.memref_squeeze %dma_wait3A_2068 : memref<1x128x128xf32, #tpu.memory_space<vmem>> -> memref<128x128xf32, #tpu.memory_space<vmem>>
      tpu.wait_dma2 semaphore(%arg26 : memref<!tpu.dma_semaphore, #tpu.memory_space<semaphore_mem>>) src(%dma_wait3A_2069 : memref<128x128xf32, #tpu.memory_space<vmem>>) dst(%dma_wait3A_2065 : memref<128x128xf32, #tpu.memory_space<vmem_shared>>)
      %add3A_2070 = arith.constant 384 : i32
      %add3A_2071 = arith.addi %mul3A_0, %add3A_2070 : i32
      %dma_wait3A_2072 = arith.constant 0 : i32
      %dma_wait3A_2073 = arith.constant 0 : i32
      %dma_wait3A_2074 = tpu.memref_slice %arg19[%cond3A_1932, %dma_wait3A_2072, %dma_wait3A_2073] : memref<2x128x128xf32, #tpu.memory_space<vmem>> -> memref<1x128x128xf32, #tpu.memory_space<vmem>>
      %dma_wait3A_2075 = tpu.memref_squeeze %dma_wait3A_2074 : memref<1x128x128xf32, #tpu.memory_space<vmem>> -> memref<128x128xf32, #tpu.memory_space<vmem>>
      %dma_wait3A_2076 = arith.constant 0 : i32
      %dma_wait3A_2077 = tpu.memref_slice %arg9[%add3A_2071, %dma_wait3A_2076] : memref<10000x128xf32, #tpu.memory_space<vmem_shared>> -> memref<128x128xf32, #tpu.memory_space<vmem_shared>>
      %dma_wait3A_2078 = arith.constant 0 : i32
      %dma_wait3A_2079 = tpu.memref_slice %arg9[%add3A_2071, %dma_wait3A_2078] : memref<10000x128xf32, #tpu.memory_space<vmem_shared>> -> memref<128x128xf32, #tpu.memory_space<vmem_shared>>
      %dma_wait3A_2080 = arith.constant 0 : i32
      %dma_wait3A_2081 = arith.constant 0 : i32
      %dma_wait3A_2082 = tpu.memref_slice %arg19[%cond3A_1932, %dma_wait3A_2080, %dma_wait3A_2081] : memref<2x128x128xf32, #tpu.memory_space<vmem>> -> memref<1x128x128xf32, #tpu.memory_space<vmem>>
      %dma_wait3A_2083 = tpu.memref_squeeze %dma_wait3A_2082 : memref<1x128x128xf32, #tpu.memory_space<vmem>> -> memref<128x128xf32, #tpu.memory_space<vmem>>
      tpu.wait_dma2 semaphore(%arg26 : memref<!tpu.dma_semaphore, #tpu.memory_space<semaphore_mem>>) src(%dma_wait3A_2083 : memref<128x128xf32, #tpu.memory_space<vmem>>) dst(%dma_wait3A_2079 : memref<128x128xf32, #tpu.memory_space<vmem_shared>>)
      %add3A_2084 = arith.constant 512 : i32
      %add3A_2085 = arith.addi %mul3A_0, %add3A_2084 : i32
      %dma_wait3A_2086 = arith.constant 0 : i32
      %dma_wait3A_2087 = arith.constant 0 : i32
      %dma_wait3A_2088 = tpu.memref_slice %arg19[%cond3A_1932, %dma_wait3A_2086, %dma_wait3A_2087] : memref<2x128x128xf32, #tpu.memory_space<vmem>> -> memref<1x128x128xf32, #tpu.memory_space<vmem>>
      %dma_wait3A_2089 = tpu.memref_squeeze %dma_wait3A_2088 : memref<1x128x128xf32, #tpu.memory_space<vmem>> -> memref<128x128xf32, #tpu.memory_space<vmem>>
      %dma_wait3A_2090 = arith.constant 0 : i32
      %dma_wait3A_2091 = tpu.memref_slice %arg9[%add3A_2085, %dma_wait3A_2090] : memref<10000x128xf32, #tpu.memory_space<vmem_shared>> -> memref<128x128xf32, #tpu.memory_space<vmem_shared>>
      %dma_wait3A_2092 = arith.constant 0 : i32
      %dma_wait3A_2093 = tpu.memref_slice %arg9[%add3A_2085, %dma_wait3A_2092] : memref<10000x128xf32, #tpu.memory_space<vmem_shared>> -> memref<128x128xf32, #tpu.memory_space<vmem_shared>>
      %dma_wait3A_2094 = arith.constant 0 : i32
      %dma_wait3A_2095 = arith.constant 0 : i32
      %dma_wait3A_2096 = tpu.memref_slice %arg19[%cond3A_1932, %dma_wait3A_2094, %dma_wait3A_2095] : memref<2x128x128xf32, #tpu.memory_space<vmem>> -> memref<1x128x128xf32, #tpu.memory_space<vmem>>
      %dma_wait3A_2097 = tpu.memref_squeeze %dma_wait3A_2096 : memref<1x128x128xf32, #tpu.memory_space<vmem>> -> memref<128x128xf32, #tpu.memory_space<vmem>>
      tpu.wait_dma2 semaphore(%arg26 : memref<!tpu.dma_semaphore, #tpu.memory_space<semaphore_mem>>) src(%dma_wait3A_2097 : memref<128x128xf32, #tpu.memory_space<vmem>>) dst(%dma_wait3A_2093 : memref<128x128xf32, #tpu.memory_space<vmem_shared>>)
    } else {
    }
    %eq3A_1935 = arith.constant 15 : i32
    %eq3A_1936 = arith.cmpi eq, %arg1, %eq3A_1935 : i32
    %convert_element_type3A_1937 = arith.extui %eq3A_1936 : i1 to i32
    %cond3A_1938 = arith.constant 0 : i32
    %cond3A_1939 = arith.constant 0 : i32
    %cond3A_1940 = arith.cmpi ne, %convert_element_type3A_1937, %cond3A_1939 : i32
    scf.if %cond3A_1940 {
      %dma_wait3A_2028 = arith.constant 0 : i32
      %dma_wait3A_2029 = arith.constant 0 : i32
      %dma_wait3A_2030 = tpu.memref_slice %arg19[%cond3A_1938, %dma_wait3A_2028, %dma_wait3A_2029] : memref<2x128x128xf32, #tpu.memory_space<vmem>> -> memref<1x128x128xf32, #tpu.memory_space<vmem>>
      %dma_wait3A_2031 = tpu.memref_squeeze %dma_wait3A_2030 : memref<1x128x128xf32, #tpu.memory_space<vmem>> -> memref<128x128xf32, #tpu.memory_space<vmem>>
      %dma_wait3A_2032 = arith.constant 9600 : i32
      %dma_wait3A_2033 = arith.constant 0 : i32
      %dma_wait3A_2034 = tpu.memref_slice %arg9[%dma_wait3A_2032, %dma_wait3A_2033] : memref<10000x128xf32, #tpu.memory_space<vmem_shared>> -> memref<128x128xf32, #tpu.memory_space<vmem_shared>>
      %dma_wait3A_2035 = arith.constant 9600 : i32
      %dma_wait3A_2036 = arith.constant 0 : i32
      %dma_wait3A_2037 = tpu.memref_slice %arg9[%dma_wait3A_2035, %dma_wait3A_2036] : memref<10000x128xf32, #tpu.memory_space<vmem_shared>> -> memref<128x128xf32, #tpu.memory_space<vmem_shared>>
      %dma_wait3A_2038 = arith.constant 0 : i32
      %dma_wait3A_2039 = arith.constant 0 : i32
      %dma_wait3A_2040 = tpu.memref_slice %arg19[%cond3A_1938, %dma_wait3A_2038, %dma_wait3A_2039] : memref<2x128x128xf32, #tpu.memory_space<vmem>> -> memref<1x128x128xf32, #tpu.memory_space<vmem>>
      %dma_wait3A_2041 = tpu.memref_squeeze %dma_wait3A_2040 : memref<1x128x128xf32, #tpu.memory_space<vmem>> -> memref<128x128xf32, #tpu.memory_space<vmem>>
      tpu.wait_dma2 semaphore(%arg26 : memref<!tpu.dma_semaphore, #tpu.memory_space<semaphore_mem>>) src(%dma_wait3A_2041 : memref<128x128xf32, #tpu.memory_space<vmem>>) dst(%dma_wait3A_2037 : memref<128x128xf32, #tpu.memory_space<vmem_shared>>)
      %dma_wait3A_2042 = arith.constant 0 : i32
      %dma_wait3A_2043 = arith.constant 0 : i32
      %dma_wait3A_2044 = tpu.memref_slice %arg19[%cond3A_1938, %dma_wait3A_2042, %dma_wait3A_2043] : memref<2x128x128xf32, #tpu.memory_space<vmem>> -> memref<1x128x128xf32, #tpu.memory_space<vmem>>
      %dma_wait3A_2045 = tpu.memref_squeeze %dma_wait3A_2044 : memref<1x128x128xf32, #tpu.memory_space<vmem>> -> memref<128x128xf32, #tpu.memory_space<vmem>>
      %dma_wait3A_2046 = arith.constant 9728 : i32
      %dma_wait3A_2047 = arith.constant 0 : i32
      %dma_wait3A_2048 = tpu.memref_slice %arg9[%dma_wait3A_2046, %dma_wait3A_2047] : memref<10000x128xf32, #tpu.memory_space<vmem_shared>> -> memref<128x128xf32, #tpu.memory_space<vmem_shared>>
      %dma_wait3A_2049 = arith.constant 9728 : i32
      %dma_wait3A_2050 = arith.constant 0 : i32
      %dma_wait3A_2051 = tpu.memref_slice %arg9[%dma_wait3A_2049, %dma_wait3A_2050] : memref<10000x128xf32, #tpu.memory_space<vmem_shared>> -> memref<128x128xf32, #tpu.memory_space<vmem_shared>>
      %dma_wait3A_2052 = arith.constant 0 : i32
      %dma_wait3A_2053 = arith.constant 0 : i32
      %dma_wait3A_2054 = tpu.memref_slice %arg19[%cond3A_1938, %dma_wait3A_2052, %dma_wait3A_2053] : memref<2x128x128xf32, #tpu.memory_space<vmem>> -> memref<1x128x128xf32, #tpu.memory_space<vmem>>
      %dma_wait3A_2055 = tpu.memref_squeeze %dma_wait3A_2054 : memref<1x128x128xf32, #tpu.memory_space<vmem>> -> memref<128x128xf32, #tpu.memory_space<vmem>>
      tpu.wait_dma2 semaphore(%arg26 : memref<!tpu.dma_semaphore, #tpu.memory_space<semaphore_mem>>) src(%dma_wait3A_2055 : memref<128x128xf32, #tpu.memory_space<vmem>>) dst(%dma_wait3A_2051 : memref<128x128xf32, #tpu.memory_space<vmem_shared>>)
      %dma_wait3A_2056 = arith.constant 0 : i32
      %dma_wait3A_2057 = arith.constant 0 : i32
      %dma_wait3A_2058 = tpu.memref_slice %arg19[%cond3A_1938, %dma_wait3A_2056, %dma_wait3A_2057] : memref<2x128x128xf32, #tpu.memory_space<vmem>> -> memref<1x128x128xf32, #tpu.memory_space<vmem>>
      %dma_wait3A_2059 = tpu.memref_squeeze %dma_wait3A_2058 : memref<1x128x128xf32, #tpu.memory_space<vmem>> -> memref<128x128xf32, #tpu.memory_space<vmem>>
      %dma_wait3A_2060 = arith.constant 9856 : i32
      %dma_wait3A_2061 = arith.constant 0 : i32
      %dma_wait3A_2062 = tpu.memref_slice %arg9[%dma_wait3A_2060, %dma_wait3A_2061] : memref<10000x128xf32, #tpu.memory_space<vmem_shared>> -> memref<128x128xf32, #tpu.memory_space<vmem_shared>>
      %dma_wait3A_2063 = arith.constant 9856 : i32
      %dma_wait3A_2064 = arith.constant 0 : i32
      %dma_wait3A_2065 = tpu.memref_slice %arg9[%dma_wait3A_2063, %dma_wait3A_2064] : memref<10000x128xf32, #tpu.memory_space<vmem_shared>> -> memref<128x128xf32, #tpu.memory_space<vmem_shared>>
      %dma_wait3A_2066 = arith.constant 0 : i32
      %dma_wait3A_2067 = arith.constant 0 : i32
      %dma_wait3A_2068 = tpu.memref_slice %arg19[%cond3A_1938, %dma_wait3A_2066, %dma_wait3A_2067] : memref<2x128x128xf32, #tpu.memory_space<vmem>> -> memref<1x128x128xf32, #tpu.memory_space<vmem>>
      %dma_wait3A_2069 = tpu.memref_squeeze %dma_wait3A_2068 : memref<1x128x128xf32, #tpu.memory_space<vmem>> -> memref<128x128xf32, #tpu.memory_space<vmem>>
      tpu.wait_dma2 semaphore(%arg26 : memref<!tpu.dma_semaphore, #tpu.memory_space<semaphore_mem>>) src(%dma_wait3A_2069 : memref<128x128xf32, #tpu.memory_space<vmem>>) dst(%dma_wait3A_2065 : memref<128x128xf32, #tpu.memory_space<vmem_shared>>)
      %dma_wait3A_2070 = arith.constant 0 : i32
      %dma_wait3A_2071 = arith.constant 0 : i32
      %dma_wait3A_2072 = tpu.memref_slice %arg19[%cond3A_1938, %dma_wait3A_2070, %dma_wait3A_2071] : memref<2x128x128xf32, #tpu.memory_space<vmem>> -> memref<1x128x128xf32, #tpu.memory_space<vmem>>
      %dma_wait3A_2073 = tpu.memref_squeeze %dma_wait3A_2072 : memref<1x128x128xf32, #tpu.memory_space<vmem>> -> memref<128x128xf32, #tpu.memory_space<vmem>>
      %dma_wait3A_2074 = arith.constant 0 : i32
      %dma_wait3A_2075 = arith.constant 0 : i32
      %dma_wait3A_2076 = tpu.memref_slice %dma_wait3A_2073[%dma_wait3A_2074, %dma_wait3A_2075] : memref<128x128xf32, #tpu.memory_space<vmem>> -> memref<16x128xf32, #tpu.memory_space<vmem>>
      %dma_wait3A_2077 = arith.constant 9984 : i32
      %dma_wait3A_2078 = arith.constant 0 : i32
      %dma_wait3A_2079 = tpu.memref_slice %arg9[%dma_wait3A_2077, %dma_wait3A_2078] : memref<10000x128xf32, #tpu.memory_space<vmem_shared>> -> memref<16x128xf32, #tpu.memory_space<vmem_shared>>
      %dma_wait3A_2080 = arith.constant 9984 : i32
      %dma_wait3A_2081 = arith.constant 0 : i32
      %dma_wait3A_2082 = tpu.memref_slice %arg9[%dma_wait3A_2080, %dma_wait3A_2081] : memref<10000x128xf32, #tpu.memory_space<vmem_shared>> -> memref<16x128xf32, #tpu.memory_space<vmem_shared>>
      %dma_wait3A_2083 = arith.constant 0 : i32
      %dma_wait3A_2084 = arith.constant 0 : i32
      %dma_wait3A_2085 = tpu.memref_slice %arg19[%cond3A_1938, %dma_wait3A_2083, %dma_wait3A_2084] : memref<2x128x128xf32, #tpu.memory_space<vmem>> -> memref<1x128x128xf32, #tpu.memory_space<vmem>>
      %dma_wait3A_2086 = tpu.memref_squeeze %dma_wait3A_2085 : memref<1x128x128xf32, #tpu.memory_space<vmem>> -> memref<128x128xf32, #tpu.memory_space<vmem>>
      %dma_wait3A_2087 = arith.constant 0 : i32
      %dma_wait3A_2088 = arith.constant 0 : i32
      %dma_wait3A_2089 = tpu.memref_slice %dma_wait3A_2086[%dma_wait3A_2087, %dma_wait3A_2088] : memref<128x128xf32, #tpu.memory_space<vmem>> -> memref<16x128xf32, #tpu.memory_space<vmem>>
      tpu.wait_dma2 semaphore(%arg26 : memref<!tpu.dma_semaphore, #tpu.memory_space<semaphore_mem>>) src(%dma_wait3A_2089 : memref<16x128xf32, #tpu.memory_space<vmem>>) dst(%dma_wait3A_2082 : memref<16x128xf32, #tpu.memory_space<vmem_shared>>)
    } else {
    }
    %barrier3A_1941 = arith.constant 0 : index
    tpu.barrier barrier_id(%barrier3A_1941)
    "tpu.region"() ({
      %run_scoped3A_2028 = tpu.sem_alloc : memref<!tpu.dma_semaphore, #tpu.memory_space<semaphore_mem>>
      tpu.enqueue_dma source(%arg11 : memref<10240xf32, #tpu.memory_space<vmem_shared>>) target(%arg12 : memref<10240xf32, #tpu.memory_space<vmem>>) target_semaphore(%run_scoped3A_2028 : memref<!tpu.dma_semaphore, #tpu.memory_space<semaphore_mem>>)
      tpu.wait_dma2 semaphore(%run_scoped3A_2028 : memref<!tpu.dma_semaphore, #tpu.memory_space<semaphore_mem>>) src(%arg11 : memref<10240xf32, #tpu.memory_space<vmem_shared>>) dst(%arg12 : memref<10240xf32, #tpu.memory_space<vmem>>)
      tpu.yield
    }) : () -> ()
    "tpu.trace_stop"() : () -> ()
    "tpu.trace_start"() <{level = 10 : i32, message = "ph_main"}> : () -> ()
    %add3A_1942 = arith.constant 0 : i32
    %add3A_1943 = arith.addi %mul3A_33, %add3A_1942 : i32
    %run_scoped3A_1944 = arith.constant 0 : i32
    "tpu.region"() ({
      %run_scoped3A_2028 = tpu.sem_alloc : memref<!tpu.dma_semaphore, #tpu.memory_space<semaphore_mem>>
      %dma_start3A_2029 = arith.constant 0 : i32
      %dma_start3A_2030 = tpu.memref_slice %arg15[%run_scoped3A_1944, %dma_start3A_2029] : memref<2x128xi32, #tpu.memory_space<vmem>> -> memref<1x128xi32, #tpu.memory_space<vmem>>
      %dma_start3A_2031 = tpu.memref_squeeze %dma_start3A_2030 : memref<1x128xi32, #tpu.memory_space<vmem>> -> memref<128xi32, #tpu.memory_space<vmem>>
      %dma_start3A_2032 = tpu.memref_slice %arg2[%add3A_1943] : memref<327680xi32, #tpu.memory_space<hbm>> -> memref<128xi32, #tpu.memory_space<hbm>>
      %dma_start3A_2033 = arith.constant 0 : i32
      %dma_start3A_2034 = tpu.memref_slice %arg15[%run_scoped3A_1944, %dma_start3A_2033] : memref<2x128xi32, #tpu.memory_space<vmem>> -> memref<1x128xi32, #tpu.memory_space<vmem>>
      %dma_start3A_2035 = tpu.memref_squeeze %dma_start3A_2034 : memref<1x128xi32, #tpu.memory_space<vmem>> -> memref<128xi32, #tpu.memory_space<vmem>>
      %dma_start3A_2036 = tpu.memref_slice %arg2[%add3A_1943] : memref<327680xi32, #tpu.memory_space<hbm>> -> memref<128xi32, #tpu.memory_space<hbm>>
      tpu.enqueue_dma source(%dma_start3A_2036 : memref<128xi32, #tpu.memory_space<hbm>>) target(%dma_start3A_2035 : memref<128xi32, #tpu.memory_space<vmem>>) target_semaphore(%run_scoped3A_2028 : memref<!tpu.dma_semaphore, #tpu.memory_space<semaphore_mem>>)
      %dma_wait3A_2037 = arith.constant 0 : i32
      %dma_wait3A_2038 = tpu.memref_slice %arg15[%run_scoped3A_1944, %dma_wait3A_2037] : memref<2x128xi32, #tpu.memory_space<vmem>> -> memref<1x128xi32, #tpu.memory_space<vmem>>
      %dma_wait3A_2039 = tpu.memref_squeeze %dma_wait3A_2038 : memref<1x128xi32, #tpu.memory_space<vmem>> -> memref<128xi32, #tpu.memory_space<vmem>>
      %dma_wait3A_2040 = tpu.memref_slice %arg2[%add3A_1943] : memref<327680xi32, #tpu.memory_space<hbm>> -> memref<128xi32, #tpu.memory_space<hbm>>
      %dma_wait3A_2041 = arith.constant 0 : i32
      %dma_wait3A_2042 = tpu.memref_slice %arg15[%run_scoped3A_1944, %dma_wait3A_2041] : memref<2x128xi32, #tpu.memory_space<vmem>> -> memref<1x128xi32, #tpu.memory_space<vmem>>
      %dma_wait3A_2043 = tpu.memref_squeeze %dma_wait3A_2042 : memref<1x128xi32, #tpu.memory_space<vmem>> -> memref<128xi32, #tpu.memory_space<vmem>>
      %dma_wait3A_2044 = tpu.memref_slice %arg2[%add3A_1943] : memref<327680xi32, #tpu.memory_space<hbm>> -> memref<128xi32, #tpu.memory_space<hbm>>
      tpu.wait_dma2 semaphore(%run_scoped3A_2028 : memref<!tpu.dma_semaphore, #tpu.memory_space<semaphore_mem>>) src(%dma_wait3A_2044 : memref<128xi32, #tpu.memory_space<hbm>>) dst(%dma_wait3A_2043 : memref<128xi32, #tpu.memory_space<vmem>>)
      tpu.yield
    }) : () -> ()
    %run_scoped3A_1945 = arith.constant 0 : i32
    "tpu.region"() ({
      %run_scoped3A_2028 = tpu.sem_alloc : memref<!tpu.dma_semaphore, #tpu.memory_space<semaphore_mem>>
      %dma_start3A_2029 = arith.constant 0 : i32
      %dma_start3A_2030 = tpu.memref_slice %arg16[%run_scoped3A_1945, %dma_start3A_2029] : memref<2x128xi32, #tpu.memory_space<vmem>> -> memref<1x128xi32, #tpu.memory_space<vmem>>
      %dma_start3A_2031 = tpu.memref_squeeze %dma_start3A_2030 : memref<1x128xi32, #tpu.memory_space<vmem>> -> memref<128xi32, #tpu.memory_space<vmem>>
      %dma_start3A_2032 = tpu.memref_slice %arg3[%add3A_1943] : memref<327680xi32, #tpu.memory_space<hbm>> -> memref<128xi32, #tpu.memory_space<hbm>>
      %dma_start3A_2033 = arith.constant 0 : i32
      %dma_start3A_2034 = tpu.memref_slice %arg16[%run_scoped3A_1945, %dma_start3A_2033] : memref<2x128xi32, #tpu.memory_space<vmem>> -> memref<1x128xi32, #tpu.memory_space<vmem>>
      %dma_start3A_2035 = tpu.memref_squeeze %dma_start3A_2034 : memref<1x128xi32, #tpu.memory_space<vmem>> -> memref<128xi32, #tpu.memory_space<vmem>>
      %dma_start3A_2036 = tpu.memref_slice %arg3[%add3A_1943] : memref<327680xi32, #tpu.memory_space<hbm>> -> memref<128xi32, #tpu.memory_space<hbm>>
      tpu.enqueue_dma source(%dma_start3A_2036 : memref<128xi32, #tpu.memory_space<hbm>>) target(%dma_start3A_2035 : memref<128xi32, #tpu.memory_space<vmem>>) target_semaphore(%run_scoped3A_2028 : memref<!tpu.dma_semaphore, #tpu.memory_space<semaphore_mem>>)
      %dma_wait3A_2037 = arith.constant 0 : i32
      %dma_wait3A_2038 = tpu.memref_slice %arg16[%run_scoped3A_1945, %dma_wait3A_2037] : memref<2x128xi32, #tpu.memory_space<vmem>> -> memref<1x128xi32, #tpu.memory_space<vmem>>
      %dma_wait3A_2039 = tpu.memref_squeeze %dma_wait3A_2038 : memref<1x128xi32, #tpu.memory_space<vmem>> -> memref<128xi32, #tpu.memory_space<vmem>>
      %dma_wait3A_2040 = tpu.memref_slice %arg3[%add3A_1943] : memref<327680xi32, #tpu.memory_space<hbm>> -> memref<128xi32, #tpu.memory_space<hbm>>
      %dma_wait3A_2041 = arith.constant 0 : i32
      %dma_wait3A_2042 = tpu.memref_slice %arg16[%run_scoped3A_1945, %dma_wait3A_2041] : memref<2x128xi32, #tpu.memory_space<vmem>> -> memref<1x128xi32, #tpu.memory_space<vmem>>
      %dma_wait3A_2043 = tpu.memref_squeeze %dma_wait3A_2042 : memref<1x128xi32, #tpu.memory_space<vmem>> -> memref<128xi32, #tpu.memory_space<vmem>>
      %dma_wait3A_2044 = tpu.memref_slice %arg3[%add3A_1943] : memref<327680xi32, #tpu.memory_space<hbm>> -> memref<128xi32, #tpu.memory_space<hbm>>
      tpu.wait_dma2 semaphore(%run_scoped3A_2028 : memref<!tpu.dma_semaphore, #tpu.memory_space<semaphore_mem>>) src(%dma_wait3A_2044 : memref<128xi32, #tpu.memory_space<hbm>>) dst(%dma_wait3A_2043 : memref<128xi32, #tpu.memory_space<vmem>>)
      tpu.yield
    }) : () -> ()
    %run_scoped3A_1946 = arith.constant 0 : i32
    "tpu.region"() ({
      %run_scoped3A_2028 = tpu.sem_alloc : memref<!tpu.dma_semaphore, #tpu.memory_space<semaphore_mem>>
      %dma_start3A_2029 = arith.constant 0 : i32
      %dma_start3A_2030 = tpu.memref_slice %arg17[%run_scoped3A_1946, %dma_start3A_2029] : memref<2x128xf32, #tpu.memory_space<vmem>> -> memref<1x128xf32, #tpu.memory_space<vmem>>
      %dma_start3A_2031 = tpu.memref_squeeze %dma_start3A_2030 : memref<1x128xf32, #tpu.memory_space<vmem>> -> memref<128xf32, #tpu.memory_space<vmem>>
      %dma_start3A_2032 = tpu.memref_slice %arg4[%add3A_1943] : memref<327680xf32, #tpu.memory_space<hbm>> -> memref<128xf32, #tpu.memory_space<hbm>>
      %dma_start3A_2033 = arith.constant 0 : i32
      %dma_start3A_2034 = tpu.memref_slice %arg17[%run_scoped3A_1946, %dma_start3A_2033] : memref<2x128xf32, #tpu.memory_space<vmem>> -> memref<1x128xf32, #tpu.memory_space<vmem>>
      %dma_start3A_2035 = tpu.memref_squeeze %dma_start3A_2034 : memref<1x128xf32, #tpu.memory_space<vmem>> -> memref<128xf32, #tpu.memory_space<vmem>>
      %dma_start3A_2036 = tpu.memref_slice %arg4[%add3A_1943] : memref<327680xf32, #tpu.memory_space<hbm>> -> memref<128xf32, #tpu.memory_space<hbm>>
      tpu.enqueue_dma source(%dma_start3A_2036 : memref<128xf32, #tpu.memory_space<hbm>>) target(%dma_start3A_2035 : memref<128xf32, #tpu.memory_space<vmem>>) target_semaphore(%run_scoped3A_2028 : memref<!tpu.dma_semaphore, #tpu.memory_space<semaphore_mem>>)
      %dma_wait3A_2037 = arith.constant 0 : i32
      %dma_wait3A_2038 = tpu.memref_slice %arg17[%run_scoped3A_1946, %dma_wait3A_2037] : memref<2x128xf32, #tpu.memory_space<vmem>> -> memref<1x128xf32, #tpu.memory_space<vmem>>
      %dma_wait3A_2039 = tpu.memref_squeeze %dma_wait3A_2038 : memref<1x128xf32, #tpu.memory_space<vmem>> -> memref<128xf32, #tpu.memory_space<vmem>>
      %dma_wait3A_2040 = tpu.memref_slice %arg4[%add3A_1943] : memref<327680xf32, #tpu.memory_space<hbm>> -> memref<128xf32, #tpu.memory_space<hbm>>
      %dma_wait3A_2041 = arith.constant 0 : i32
      %dma_wait3A_2042 = tpu.memref_slice %arg17[%run_scoped3A_1946, %dma_wait3A_2041] : memref<2x128xf32, #tpu.memory_space<vmem>> -> memref<1x128xf32, #tpu.memory_space<vmem>>
      %dma_wait3A_2043 = tpu.memref_squeeze %dma_wait3A_2042 : memref<1x128xf32, #tpu.memory_space<vmem>> -> memref<128xf32, #tpu.memory_space<vmem>>
      %dma_wait3A_2044 = tpu.memref_slice %arg4[%add3A_1943] : memref<327680xf32, #tpu.memory_space<hbm>> -> memref<128xf32, #tpu.memory_space<hbm>>
      tpu.wait_dma2 semaphore(%run_scoped3A_2028 : memref<!tpu.dma_semaphore, #tpu.memory_space<semaphore_mem>>) src(%dma_wait3A_2044 : memref<128xf32, #tpu.memory_space<hbm>>) dst(%dma_wait3A_2043 : memref<128xf32, #tpu.memory_space<vmem>>)
      tpu.yield
    }) : () -> ()
    %dma_start3A = arith.constant 0 : i32
    %dma_start3A_1947 = arith.constant 0 : i32
    %dma_start3A_1948 = arith.constant 0 : i32
    %dma_start3A_1949 = arith.constant 0 : i32
    %dma_start3A_1950 = tpu.memref_slice %arg19[%dma_start3A_1947, %dma_start3A_1948, %dma_start3A_1949] : memref<2x128x128xf32, #tpu.memory_space<vmem>> -> memref<1x64x128xf32, #tpu.memory_space<vmem>>
    %dma_start3A_1951 = tpu.memref_squeeze %dma_start3A_1950 : memref<1x64x128xf32, #tpu.memory_space<vmem>> -> memref<64x128xf32, #tpu.memory_space<vmem>>
    %dma_start3A_1952 = arith.constant 0 : i32
    %dma_start3A_1953 = tpu.memref_slice %arg15[%dma_start3A, %dma_start3A_1952] : memref<2x128xi32, #tpu.memory_space<vmem>> -> memref<1x64xi32, #tpu.memory_space<vmem>>
    %dma_start3A_1954 = tpu.memref_squeeze %dma_start3A_1953 : memref<1x64xi32, #tpu.memory_space<vmem>> -> memref<64xi32, #tpu.memory_space<vmem>>
    %dma_start3A_1955 = arith.constant 0 : i32
    %dma_start3A_1956 = arith.constant 0 : i32
    %dma_start3A_1957 = tpu.memref_slice %arg7[%dma_start3A_1955, %dma_start3A_1956] : memref<10000x128xf32, #tpu.memory_space<hbm>> -> memref<10000x128xf32, #tpu.memory_space<hbm>>
    tpu.enqueue_indirect_dma source(%dma_start3A_1957 : memref<10000x128xf32, #tpu.memory_space<hbm>>) target(%dma_start3A_1951 : memref<64x128xf32, #tpu.memory_space<vmem>>) offsets(%dma_start3A_1954 : memref<64xi32, #tpu.memory_space<vmem>>) semaphore(%arg22 : memref<!tpu.dma_semaphore, #tpu.memory_space<semaphore_mem>>)
    %dma_start3A_1958 = arith.constant 0 : i32
    %dma_start3A_1959 = arith.constant 0 : i32
    %dma_start3A_1960 = arith.constant 64 : i32
    %dma_start3A_1961 = arith.constant 0 : i32
    %dma_start3A_1962 = tpu.memref_slice %arg19[%dma_start3A_1959, %dma_start3A_1960, %dma_start3A_1961] : memref<2x128x128xf32, #tpu.memory_space<vmem>> -> memref<1x64x128xf32, #tpu.memory_space<vmem>>
    %dma_start3A_1963 = tpu.memref_squeeze %dma_start3A_1962 : memref<1x64x128xf32, #tpu.memory_space<vmem>> -> memref<64x128xf32, #tpu.memory_space<vmem>>
    %dma_start3A_1964 = arith.constant 64 : i32
    %dma_start3A_1965 = tpu.memref_slice %arg15[%dma_start3A_1958, %dma_start3A_1964] : memref<2x128xi32, #tpu.memory_space<vmem>> -> memref<1x64xi32, #tpu.memory_space<vmem>>
    %dma_start3A_1966 = tpu.memref_squeeze %dma_start3A_1965 : memref<1x64xi32, #tpu.memory_space<vmem>> -> memref<64xi32, #tpu.memory_space<vmem>>
    %dma_start3A_1967 = arith.constant 0 : i32
    %dma_start3A_1968 = arith.constant 0 : i32
    %dma_start3A_1969 = tpu.memref_slice %arg7[%dma_start3A_1967, %dma_start3A_1968] : memref<10000x128xf32, #tpu.memory_space<hbm>> -> memref<10000x128xf32, #tpu.memory_space<hbm>>
    tpu.enqueue_indirect_dma source(%dma_start3A_1969 : memref<10000x128xf32, #tpu.memory_space<hbm>>) target(%dma_start3A_1963 : memref<64x128xf32, #tpu.memory_space<vmem>>) offsets(%dma_start3A_1966 : memref<64xi32, #tpu.memory_space<vmem>>) semaphore(%arg22 : memref<!tpu.dma_semaphore, #tpu.memory_space<semaphore_mem>>)
    %add3A_1970 = arith.constant 128 : i32
    %add3A_1971 = arith.addi %mul3A_33, %add3A_1970 : i32
    %dma_start3A_1972 = arith.constant 1 : i32
    %dma_start3A_1973 = arith.constant 0 : i32
    %dma_start3A_1974 = tpu.memref_slice %arg15[%dma_start3A_1972, %dma_start3A_1973] : memref<2x128xi32, #tpu.memory_space<vmem>> -> memref<1x128xi32, #tpu.memory_space<vmem>>
    %dma_start3A_1975 = tpu.memref_squeeze %dma_start3A_1974 : memref<1x128xi32, #tpu.memory_space<vmem>> -> memref<128xi32, #tpu.memory_space<vmem>>
    %dma_start3A_1976 = tpu.memref_slice %arg2[%add3A_1971] : memref<327680xi32, #tpu.memory_space<hbm>> -> memref<128xi32, #tpu.memory_space<hbm>>
    %dma_start3A_1977 = arith.constant 0 : i32
    %dma_start3A_1978 = tpu.memref_slice %arg15[%dma_start3A_1972, %dma_start3A_1977] : memref<2x128xi32, #tpu.memory_space<vmem>> -> memref<1x128xi32, #tpu.memory_space<vmem>>
    %dma_start3A_1979 = tpu.memref_squeeze %dma_start3A_1978 : memref<1x128xi32, #tpu.memory_space<vmem>> -> memref<128xi32, #tpu.memory_space<vmem>>
    %dma_start3A_1980 = tpu.memref_slice %arg2[%add3A_1971] : memref<327680xi32, #tpu.memory_space<hbm>> -> memref<128xi32, #tpu.memory_space<hbm>>
    tpu.enqueue_dma source(%dma_start3A_1980 : memref<128xi32, #tpu.memory_space<hbm>>) target(%dma_start3A_1979 : memref<128xi32, #tpu.memory_space<vmem>>) target_semaphore(%arg24 : memref<!tpu.dma_semaphore, #tpu.memory_space<semaphore_mem>>)
    %dma_start3A_1981 = arith.constant 1 : i32
    %dma_start3A_1982 = arith.constant 0 : i32
    %dma_start3A_1983 = tpu.memref_slice %arg16[%dma_start3A_1981, %dma_start3A_1982] : memref<2x128xi32, #tpu.memory_space<vmem>> -> memref<1x128xi32, #tpu.memory_space<vmem>>
    %dma_start3A_1984 = tpu.memref_squeeze %dma_start3A_1983 : memref<1x128xi32, #tpu.memory_space<vmem>> -> memref<128xi32, #tpu.memory_space<vmem>>
    %dma_start3A_1985 = tpu.memref_slice %arg3[%add3A_1971] : memref<327680xi32, #tpu.memory_space<hbm>> -> memref<128xi32, #tpu.memory_space<hbm>>
    %dma_start3A_1986 = arith.constant 0 : i32
    %dma_start3A_1987 = tpu.memref_slice %arg16[%dma_start3A_1981, %dma_start3A_1986] : memref<2x128xi32, #tpu.memory_space<vmem>> -> memref<1x128xi32, #tpu.memory_space<vmem>>
    %dma_start3A_1988 = tpu.memref_squeeze %dma_start3A_1987 : memref<1x128xi32, #tpu.memory_space<vmem>> -> memref<128xi32, #tpu.memory_space<vmem>>
    %dma_start3A_1989 = tpu.memref_slice %arg3[%add3A_1971] : memref<327680xi32, #tpu.memory_space<hbm>> -> memref<128xi32, #tpu.memory_space<hbm>>
    tpu.enqueue_dma source(%dma_start3A_1989 : memref<128xi32, #tpu.memory_space<hbm>>) target(%dma_start3A_1988 : memref<128xi32, #tpu.memory_space<vmem>>) target_semaphore(%arg24 : memref<!tpu.dma_semaphore, #tpu.memory_space<semaphore_mem>>)
    %dma_start3A_1990 = arith.constant 1 : i32
    %dma_start3A_1991 = arith.constant 0 : i32
    %dma_start3A_1992 = tpu.memref_slice %arg17[%dma_start3A_1990, %dma_start3A_1991] : memref<2x128xf32, #tpu.memory_space<vmem>> -> memref<1x128xf32, #tpu.memory_space<vmem>>
    %dma_start3A_1993 = tpu.memref_squeeze %dma_start3A_1992 : memref<1x128xf32, #tpu.memory_space<vmem>> -> memref<128xf32, #tpu.memory_space<vmem>>
    %dma_start3A_1994 = tpu.memref_slice %arg4[%add3A_1971] : memref<327680xf32, #tpu.memory_space<hbm>> -> memref<128xf32, #tpu.memory_space<hbm>>
    %dma_start3A_1995 = arith.constant 0 : i32
    %dma_start3A_1996 = tpu.memref_slice %arg17[%dma_start3A_1990, %dma_start3A_1995] : memref<2x128xf32, #tpu.memory_space<vmem>> -> memref<1x128xf32, #tpu.memory_space<vmem>>
    %dma_start3A_1997 = tpu.memref_squeeze %dma_start3A_1996 : memref<1x128xf32, #tpu.memory_space<vmem>> -> memref<128xf32, #tpu.memory_space<vmem>>
    %dma_start3A_1998 = tpu.memref_slice %arg4[%add3A_1971] : memref<327680xf32, #tpu.memory_space<hbm>> -> memref<128xf32, #tpu.memory_space<hbm>>
    tpu.enqueue_dma source(%dma_start3A_1998 : memref<128xf32, #tpu.memory_space<hbm>>) target(%dma_start3A_1997 : memref<128xf32, #tpu.memory_space<vmem>>) target_semaphore(%arg24 : memref<!tpu.dma_semaphore, #tpu.memory_space<semaphore_mem>>)
    %scan3A_1999 = arith.constant 0 : i32
    %scan3A_2000 = arith.constant 0 : i32
    %scan3A_2001 = arith.constant 80 : i32
    %scan3A_2002 = arith.addi %scan3A_2000, %scan3A_2001 : i32
    %scan3A_2003 = arith.constant 1 : i32
    scf.for %scan3A_2028 = %scan3A_2000 to %scan3A_2002 step %scan3A_2003  : i32 {
      %jit3A_2029 = arith.constant 2 : i32
      %eq3A_2030 = arith.constant 0 : i32
      %eq3A_2031 = arith.cmpi eq, %jit3A_2029, %eq3A_2030 : i32
      %jit3A_2032 = arith.constant 1 : i32
      %select_n3A_2033 = arith.select %eq3A_2031, %jit3A_2032, %jit3A_2029 : i32
      %rem3A = arith.remsi %scan3A_2028, %select_n3A_2033 : i32
      %ne3A = arith.constant 0 : i32
      %ne3A_2034 = arith.cmpi ne, %rem3A, %ne3A : i32
      %lt3A_2035 = arith.constant 0 : i32
      %lt3A_2036 = arith.cmpi slt, %rem3A, %lt3A_2035 : i32
      %lt3A_2037 = arith.constant 0 : i32
      %lt3A_2038 = arith.cmpi slt, %select_n3A_2033, %lt3A_2037 : i32
      %ne3A_2039 = arith.xori %lt3A_2036, %lt3A_2038 : i1
      %and3A = arith.andi %ne3A_2039, %ne3A_2034 : i1
      %add3A_2040 = arith.addi %rem3A, %select_n3A_2033 : i32
      %select_n3A_2041 = arith.select %and3A, %add3A_2040, %rem3A : i32
      %sub3A_2042 = arith.constant 1 : i32
      %sub3A_2043 = arith.subi %sub3A_2042, %select_n3A_2041 : i32
      %dma_wait3A_2044 = arith.constant 0 : i32
      %dma_wait3A_2045 = arith.constant 0 : i32
      %dma_wait3A_2046 = tpu.memref_slice %arg19[%select_n3A_2041, %dma_wait3A_2044, %dma_wait3A_2045] : memref<2x128x128xf32, #tpu.memory_space<vmem>> -> memref<1x64x128xf32, #tpu.memory_space<vmem>>
      %dma_wait3A_2047 = tpu.memref_squeeze %dma_wait3A_2046 : memref<1x64x128xf32, #tpu.memory_space<vmem>> -> memref<64x128xf32, #tpu.memory_space<vmem>>
      %dma_wait3A_2048 = arith.constant 0 : i32
      %dma_wait3A_2049 = tpu.memref_slice %arg15[%select_n3A_2041, %dma_wait3A_2048] : memref<2x128xi32, #tpu.memory_space<vmem>> -> memref<1x64xi32, #tpu.memory_space<vmem>>
      %dma_wait3A_2050 = tpu.memref_squeeze %dma_wait3A_2049 : memref<1x64xi32, #tpu.memory_space<vmem>> -> memref<64xi32, #tpu.memory_space<vmem>>
      %dma_wait3A_2051 = arith.constant 0 : i32
      %dma_wait3A_2052 = arith.constant 0 : i32
      %dma_wait3A_2053 = tpu.memref_slice %arg7[%dma_wait3A_2051, %dma_wait3A_2052] : memref<10000x128xf32, #tpu.memory_space<hbm>> -> memref<10000x128xf32, #tpu.memory_space<hbm>>
      tpu.wait_indirect_dma semaphore(%arg22 : memref<!tpu.dma_semaphore, #tpu.memory_space<semaphore_mem>>) src(%dma_wait3A_2053 : memref<10000x128xf32, #tpu.memory_space<hbm>>) dst(%dma_wait3A_2047 : memref<64x128xf32, #tpu.memory_space<vmem>>)
      %dma_wait3A_2054 = arith.constant 64 : i32
      %dma_wait3A_2055 = arith.constant 0 : i32
      %dma_wait3A_2056 = tpu.memref_slice %arg19[%select_n3A_2041, %dma_wait3A_2054, %dma_wait3A_2055] : memref<2x128x128xf32, #tpu.memory_space<vmem>> -> memref<1x64x128xf32, #tpu.memory_space<vmem>>
      %dma_wait3A_2057 = tpu.memref_squeeze %dma_wait3A_2056 : memref<1x64x128xf32, #tpu.memory_space<vmem>> -> memref<64x128xf32, #tpu.memory_space<vmem>>
      %dma_wait3A_2058 = arith.constant 64 : i32
      %dma_wait3A_2059 = tpu.memref_slice %arg15[%select_n3A_2041, %dma_wait3A_2058] : memref<2x128xi32, #tpu.memory_space<vmem>> -> memref<1x64xi32, #tpu.memory_space<vmem>>
      %dma_wait3A_2060 = tpu.memref_squeeze %dma_wait3A_2059 : memref<1x64xi32, #tpu.memory_space<vmem>> -> memref<64xi32, #tpu.memory_space<vmem>>
      %dma_wait3A_2061 = arith.constant 0 : i32
      %dma_wait3A_2062 = arith.constant 0 : i32
      %dma_wait3A_2063 = tpu.memref_slice %arg7[%dma_wait3A_2061, %dma_wait3A_2062] : memref<10000x128xf32, #tpu.memory_space<hbm>> -> memref<10000x128xf32, #tpu.memory_space<hbm>>
      tpu.wait_indirect_dma semaphore(%arg22 : memref<!tpu.dma_semaphore, #tpu.memory_space<semaphore_mem>>) src(%dma_wait3A_2063 : memref<10000x128xf32, #tpu.memory_space<hbm>>) dst(%dma_wait3A_2057 : memref<64x128xf32, #tpu.memory_space<vmem>>)
      %gt3A_2064 = arith.constant 0 : i32
      %gt3A_2065 = arith.cmpi sgt, %scan3A_2028, %gt3A_2064 : i32
      %convert_element_type3A_2066 = arith.extui %gt3A_2065 : i1 to i32
      %cond3A_2067 = arith.constant 0 : i32
      %cond3A_2068 = arith.cmpi ne, %convert_element_type3A_2066, %cond3A_2067 : i32
      scf.if %cond3A_2068 {
        %dma_wait3A_2262 = arith.constant 0 : i32
        %dma_wait3A_2263 = arith.constant 0 : i32
        %dma_wait3A_2264 = tpu.memref_slice %arg19[%sub3A_2043, %dma_wait3A_2262, %dma_wait3A_2263] : memref<2x128x128xf32, #tpu.memory_space<vmem>> -> memref<1x128x128xf32, #tpu.memory_space<vmem>>
        %dma_wait3A_2265 = tpu.memref_squeeze %dma_wait3A_2264 : memref<1x128x128xf32, #tpu.memory_space<vmem>> -> memref<128x128xf32, #tpu.memory_space<vmem>>
        %dma_wait3A_2266 = arith.constant 0 : i32
        %dma_wait3A_2267 = tpu.memref_slice %arg18[%sub3A_2043, %dma_wait3A_2266] : memref<2x128xi32, #tpu.memory_space<vmem>> -> memref<1x128xi32, #tpu.memory_space<vmem>>
        %dma_wait3A_2268 = tpu.memref_squeeze %dma_wait3A_2267 : memref<1x128xi32, #tpu.memory_space<vmem>> -> memref<128xi32, #tpu.memory_space<vmem>>
        %dma_wait3A_2269 = arith.constant 0 : i32
        %dma_wait3A_2270 = arith.constant 0 : i32
        %dma_wait3A_2271 = tpu.memref_slice %arg9[%dma_wait3A_2269, %dma_wait3A_2270] : memref<10000x128xf32, #tpu.memory_space<vmem_shared>> -> memref<10000x128xf32, #tpu.memory_space<vmem_shared>>
        tpu.wait_indirect_dma semaphore(%arg23 : memref<!tpu.dma_semaphore, #tpu.memory_space<semaphore_mem>>) src(%dma_wait3A_2265 : memref<128x128xf32, #tpu.memory_space<vmem>>) dst(%dma_wait3A_2271 : memref<10000x128xf32, #tpu.memory_space<vmem_shared>>)
      } else {
      }
      %lt3A_2069 = arith.constant 79 : i32
      %lt3A_2070 = arith.cmpi slt, %scan3A_2028, %lt3A_2069 : i32
      %convert_element_type3A_2071 = arith.extui %lt3A_2070 : i1 to i32
      %cond3A_2072 = arith.constant 0 : i32
      %cond3A_2073 = arith.cmpi ne, %convert_element_type3A_2071, %cond3A_2072 : i32
      scf.if %cond3A_2073 {
        %dma_wait3A_2262 = arith.constant 0 : i32
        %dma_wait3A_2263 = tpu.memref_slice %arg15[%sub3A_2043, %dma_wait3A_2262] : memref<2x128xi32, #tpu.memory_space<vmem>> -> memref<1x128xi32, #tpu.memory_space<vmem>>
        %dma_wait3A_2264 = tpu.memref_squeeze %dma_wait3A_2263 : memref<1x128xi32, #tpu.memory_space<vmem>> -> memref<128xi32, #tpu.memory_space<vmem>>
        %dma_wait3A_2265 = arith.constant 0 : i32
        %dma_wait3A_2266 = tpu.memref_slice %arg2[%dma_wait3A_2265] : memref<327680xi32, #tpu.memory_space<hbm>> -> memref<128xi32, #tpu.memory_space<hbm>>
        %dma_wait3A_2267 = arith.constant 0 : i32
        %dma_wait3A_2268 = tpu.memref_slice %arg15[%sub3A_2043, %dma_wait3A_2267] : memref<2x128xi32, #tpu.memory_space<vmem>> -> memref<1x128xi32, #tpu.memory_space<vmem>>
        %dma_wait3A_2269 = tpu.memref_squeeze %dma_wait3A_2268 : memref<1x128xi32, #tpu.memory_space<vmem>> -> memref<128xi32, #tpu.memory_space<vmem>>
        %dma_wait3A_2270 = arith.constant 0 : i32
        %dma_wait3A_2271 = tpu.memref_slice %arg2[%dma_wait3A_2270] : memref<327680xi32, #tpu.memory_space<hbm>> -> memref<128xi32, #tpu.memory_space<hbm>>
        tpu.wait_dma2 semaphore(%arg24 : memref<!tpu.dma_semaphore, #tpu.memory_space<semaphore_mem>>) src(%dma_wait3A_2271 : memref<128xi32, #tpu.memory_space<hbm>>) dst(%dma_wait3A_2269 : memref<128xi32, #tpu.memory_space<vmem>>)
        %dma_wait3A_2272 = arith.constant 0 : i32
        %dma_wait3A_2273 = tpu.memref_slice %arg15[%sub3A_2043, %dma_wait3A_2272] : memref<2x128xi32, #tpu.memory_space<vmem>> -> memref<1x128xi32, #tpu.memory_space<vmem>>
        %dma_wait3A_2274 = tpu.memref_squeeze %dma_wait3A_2273 : memref<1x128xi32, #tpu.memory_space<vmem>> -> memref<128xi32, #tpu.memory_space<vmem>>
        %dma_wait3A_2275 = arith.constant 0 : i32
        %dma_wait3A_2276 = tpu.memref_slice %arg2[%dma_wait3A_2275] : memref<327680xi32, #tpu.memory_space<hbm>> -> memref<128xi32, #tpu.memory_space<hbm>>
        %dma_wait3A_2277 = arith.constant 0 : i32
        %dma_wait3A_2278 = tpu.memref_slice %arg15[%sub3A_2043, %dma_wait3A_2277] : memref<2x128xi32, #tpu.memory_space<vmem>> -> memref<1x128xi32, #tpu.memory_space<vmem>>
        %dma_wait3A_2279 = tpu.memref_squeeze %dma_wait3A_2278 : memref<1x128xi32, #tpu.memory_space<vmem>> -> memref<128xi32, #tpu.memory_space<vmem>>
        %dma_wait3A_2280 = arith.constant 0 : i32
        %dma_wait3A_2281 = tpu.memref_slice %arg2[%dma_wait3A_2280] : memref<327680xi32, #tpu.memory_space<hbm>> -> memref<128xi32, #tpu.memory_space<hbm>>
        tpu.wait_dma2 semaphore(%arg24 : memref<!tpu.dma_semaphore, #tpu.memory_space<semaphore_mem>>) src(%dma_wait3A_2281 : memref<128xi32, #tpu.memory_space<hbm>>) dst(%dma_wait3A_2279 : memref<128xi32, #tpu.memory_space<vmem>>)
        %dma_wait3A_2282 = arith.constant 0 : i32
        %dma_wait3A_2283 = tpu.memref_slice %arg15[%sub3A_2043, %dma_wait3A_2282] : memref<2x128xi32, #tpu.memory_space<vmem>> -> memref<1x128xi32, #tpu.memory_space<vmem>>
        %dma_wait3A_2284 = tpu.memref_squeeze %dma_wait3A_2283 : memref<1x128xi32, #tpu.memory_space<vmem>> -> memref<128xi32, #tpu.memory_space<vmem>>
        %dma_wait3A_2285 = arith.constant 0 : i32
        %dma_wait3A_2286 = tpu.memref_slice %arg2[%dma_wait3A_2285] : memref<327680xi32, #tpu.memory_space<hbm>> -> memref<128xi32, #tpu.memory_space<hbm>>
        %dma_wait3A_2287 = arith.constant 0 : i32
        %dma_wait3A_2288 = tpu.memref_slice %arg15[%sub3A_2043, %dma_wait3A_2287] : memref<2x128xi32, #tpu.memory_space<vmem>> -> memref<1x128xi32, #tpu.memory_space<vmem>>
        %dma_wait3A_2289 = tpu.memref_squeeze %dma_wait3A_2288 : memref<1x128xi32, #tpu.memory_space<vmem>> -> memref<128xi32, #tpu.memory_space<vmem>>
        %dma_wait3A_2290 = arith.constant 0 : i32
        %dma_wait3A_2291 = tpu.memref_slice %arg2[%dma_wait3A_2290] : memref<327680xi32, #tpu.memory_space<hbm>> -> memref<128xi32, #tpu.memory_space<hbm>>
        tpu.wait_dma2 semaphore(%arg24 : memref<!tpu.dma_semaphore, #tpu.memory_space<semaphore_mem>>) src(%dma_wait3A_2291 : memref<128xi32, #tpu.memory_space<hbm>>) dst(%dma_wait3A_2289 : memref<128xi32, #tpu.memory_space<vmem>>)
        %dma_start3A_2292 = arith.constant 0 : i32
        %dma_start3A_2293 = arith.constant 0 : i32
        %dma_start3A_2294 = tpu.memref_slice %arg19[%sub3A_2043, %dma_start3A_2292, %dma_start3A_2293] : memref<2x128x128xf32, #tpu.memory_space<vmem>> -> memref<1x64x128xf32, #tpu.memory_space<vmem>>
        %dma_start3A_2295 = tpu.memref_squeeze %dma_start3A_2294 : memref<1x64x128xf32, #tpu.memory_space<vmem>> -> memref<64x128xf32, #tpu.memory_space<vmem>>
        %dma_start3A_2296 = arith.constant 0 : i32
        %dma_start3A_2297 = tpu.memref_slice %arg15[%sub3A_2043, %dma_start3A_2296] : memref<2x128xi32, #tpu.memory_space<vmem>> -> memref<1x64xi32, #tpu.memory_space<vmem>>
        %dma_start3A_2298 = tpu.memref_squeeze %dma_start3A_2297 : memref<1x64xi32, #tpu.memory_space<vmem>> -> memref<64xi32, #tpu.memory_space<vmem>>
        %dma_start3A_2299 = arith.constant 0 : i32
        %dma_start3A_2300 = arith.constant 0 : i32
        %dma_start3A_2301 = tpu.memref_slice %arg7[%dma_start3A_2299, %dma_start3A_2300] : memref<10000x128xf32, #tpu.memory_space<hbm>> -> memref<10000x128xf32, #tpu.memory_space<hbm>>
        tpu.enqueue_indirect_dma source(%dma_start3A_2301 : memref<10000x128xf32, #tpu.memory_space<hbm>>) target(%dma_start3A_2295 : memref<64x128xf32, #tpu.memory_space<vmem>>) offsets(%dma_start3A_2298 : memref<64xi32, #tpu.memory_space<vmem>>) semaphore(%arg22 : memref<!tpu.dma_semaphore, #tpu.memory_space<semaphore_mem>>)
        %dma_start3A_2302 = arith.constant 64 : i32
        %dma_start3A_2303 = arith.constant 0 : i32
        %dma_start3A_2304 = tpu.memref_slice %arg19[%sub3A_2043, %dma_start3A_2302, %dma_start3A_2303] : memref<2x128x128xf32, #tpu.memory_space<vmem>> -> memref<1x64x128xf32, #tpu.memory_space<vmem>>
        %dma_start3A_2305 = tpu.memref_squeeze %dma_start3A_2304 : memref<1x64x128xf32, #tpu.memory_space<vmem>> -> memref<64x128xf32, #tpu.memory_space<vmem>>
        %dma_start3A_2306 = arith.constant 64 : i32
        %dma_start3A_2307 = tpu.memref_slice %arg15[%sub3A_2043, %dma_start3A_2306] : memref<2x128xi32, #tpu.memory_space<vmem>> -> memref<1x64xi32, #tpu.memory_space<vmem>>
        %dma_start3A_2308 = tpu.memref_squeeze %dma_start3A_2307 : memref<1x64xi32, #tpu.memory_space<vmem>> -> memref<64xi32, #tpu.memory_space<vmem>>
        %dma_start3A_2309 = arith.constant 0 : i32
        %dma_start3A_2310 = arith.constant 0 : i32
        %dma_start3A_2311 = tpu.memref_slice %arg7[%dma_start3A_2309, %dma_start3A_2310] : memref<10000x128xf32, #tpu.memory_space<hbm>> -> memref<10000x128xf32, #tpu.memory_space<hbm>>
        tpu.enqueue_indirect_dma source(%dma_start3A_2311 : memref<10000x128xf32, #tpu.memory_space<hbm>>) target(%dma_start3A_2305 : memref<64x128xf32, #tpu.memory_space<vmem>>) offsets(%dma_start3A_2308 : memref<64xi32, #tpu.memory_space<vmem>>) semaphore(%arg22 : memref<!tpu.dma_semaphore, #tpu.memory_space<semaphore_mem>>)
      } else {
      }
      %get3A_2074 = arith.index_cast %select_n3A_2041 : i32 to index
      %get3A_2075 = arith.constant 0 : index
      %get3A_2076 = tpu.vector_load %arg16[%get3A_2074, %get3A_2075] {strides = array<i32>} : memref<2x128xi32, #tpu.memory_space<vmem>>, vector<16xi32>,
      %swap3A_2077 = arith.index_cast %select_n3A_2041 : i32 to index
      %swap3A_2078 = arith.constant 0 : index
      %swap3A_2079 = tpu.vector_load %arg18[%swap3A_2077, %swap3A_2078] {strides = array<i32>} : memref<2x128xi32, #tpu.memory_space<vmem>>, vector<16xi32>,
      tpu.vector_store %arg18[%swap3A_2077, %swap3A_2078], %get3A_2076 {strides = array<i32>} : memref<2x128xi32, #tpu.memory_space<vmem>>, vector<16xi32>,
      %get3A_2080 = arith.index_cast %select_n3A_2041 : i32 to index
      %get3A_2081 = arith.constant 16 : index
      %get3A_2082 = tpu.vector_load %arg16[%get3A_2080, %get3A_2081] {strides = array<i32>} : memref<2x128xi32, #tpu.memory_space<vmem>>, vector<16xi32>,
      %swap3A_2083 = arith.index_cast %select_n3A_2041 : i32 to index
      %swap3A_2084 = arith.constant 16 : index
      %swap3A_2085 = tpu.vector_load %arg18[%swap3A_2083, %swap3A_2084] {strides = array<i32>} : memref<2x128xi32, #tpu.memory_space<vmem>>, vector<16xi32>,
      tpu.vector_store %arg18[%swap3A_2083, %swap3A_2084], %get3A_2082 {strides = array<i32>} : memref<2x128xi32, #tpu.memory_space<vmem>>, vector<16xi32>,
      %get3A_2086 = arith.index_cast %select_n3A_2041 : i32 to index
      %get3A_2087 = arith.constant 32 : index
      %get3A_2088 = tpu.vector_load %arg16[%get3A_2086, %get3A_2087] {strides = array<i32>} : memref<2x128xi32, #tpu.memory_space<vmem>>, vector<16xi32>,
      %swap3A_2089 = arith.index_cast %select_n3A_2041 : i32 to index
      %swap3A_2090 = arith.constant 32 : index
      %swap3A_2091 = tpu.vector_load %arg18[%swap3A_2089, %swap3A_2090] {strides = array<i32>} : memref<2x128xi32, #tpu.memory_space<vmem>>, vector<16xi32>,
      tpu.vector_store %arg18[%swap3A_2089, %swap3A_2090], %get3A_2088 {strides = array<i32>} : memref<2x128xi32, #tpu.memory_space<vmem>>, vector<16xi32>,
      %get3A_2092 = arith.index_cast %select_n3A_2041 : i32 to index
      %get3A_2093 = arith.constant 48 : index
      %get3A_2094 = tpu.vector_load %arg16[%get3A_2092, %get3A_2093] {strides = array<i32>} : memref<2x128xi32, #tpu.memory_space<vmem>>, vector<16xi32>,
      %swap3A_2095 = arith.index_cast %select_n3A_2041 : i32 to index
      %swap3A_2096 = arith.constant 48 : index
      %swap3A_2097 = tpu.vector_load %arg18[%swap3A_2095, %swap3A_2096] {strides = array<i32>} : memref<2x128xi32, #tpu.memory_space<vmem>>, vector<16xi32>,
      tpu.vector_store %arg18[%swap3A_2095, %swap3A_2096], %get3A_2094 {strides = array<i32>} : memref<2x128xi32, #tpu.memory_space<vmem>>, vector<16xi32>,
      %get3A_2098 = arith.index_cast %select_n3A_2041 : i32 to index
      %get3A_2099 = arith.constant 64 : index
      %get3A_2100 = tpu.vector_load %arg16[%get3A_2098, %get3A_2099] {strides = array<i32>} : memref<2x128xi32, #tpu.memory_space<vmem>>, vector<16xi32>,
      %swap3A_2101 = arith.index_cast %select_n3A_2041 : i32 to index
      %swap3A_2102 = arith.constant 64 : index
      %swap3A_2103 = tpu.vector_load %arg18[%swap3A_2101, %swap3A_2102] {strides = array<i32>} : memref<2x128xi32, #tpu.memory_space<vmem>>, vector<16xi32>,
      tpu.vector_store %arg18[%swap3A_2101, %swap3A_2102], %get3A_2100 {strides = array<i32>} : memref<2x128xi32, #tpu.memory_space<vmem>>, vector<16xi32>,
      %get3A_2104 = arith.index_cast %select_n3A_2041 : i32 to index
      %get3A_2105 = arith.constant 80 : index
      %get3A_2106 = tpu.vector_load %arg16[%get3A_2104, %get3A_2105] {strides = array<i32>} : memref<2x128xi32, #tpu.memory_space<vmem>>, vector<16xi32>,
      %swap3A_2107 = arith.index_cast %select_n3A_2041 : i32 to index
      %swap3A_2108 = arith.constant 80 : index
      %swap3A_2109 = tpu.vector_load %arg18[%swap3A_2107, %swap3A_2108] {strides = array<i32>} : memref<2x128xi32, #tpu.memory_space<vmem>>, vector<16xi32>,
      tpu.vector_store %arg18[%swap3A_2107, %swap3A_2108], %get3A_2106 {strides = array<i32>} : memref<2x128xi32, #tpu.memory_space<vmem>>, vector<16xi32>,
      %get3A_2110 = arith.index_cast %select_n3A_2041 : i32 to index
      %get3A_2111 = arith.constant 96 : index
      %get3A_2112 = tpu.vector_load %arg16[%get3A_2110, %get3A_2111] {strides = array<i32>} : memref<2x128xi32, #tpu.memory_space<vmem>>, vector<16xi32>,
      %swap3A_2113 = arith.index_cast %select_n3A_2041 : i32 to index
      %swap3A_2114 = arith.constant 96 : index
      %swap3A_2115 = tpu.vector_load %arg18[%swap3A_2113, %swap3A_2114] {strides = array<i32>} : memref<2x128xi32, #tpu.memory_space<vmem>>, vector<16xi32>,
      tpu.vector_store %arg18[%swap3A_2113, %swap3A_2114], %get3A_2112 {strides = array<i32>} : memref<2x128xi32, #tpu.memory_space<vmem>>, vector<16xi32>,
      %get3A_2116 = arith.index_cast %select_n3A_2041 : i32 to index
      %get3A_2117 = arith.constant 112 : index
      %get3A_2118 = tpu.vector_load %arg16[%get3A_2116, %get3A_2117] {strides = array<i32>} : memref<2x128xi32, #tpu.memory_space<vmem>>, vector<16xi32>,
      %swap3A_2119 = arith.index_cast %select_n3A_2041 : i32 to index
      %swap3A_2120 = arith.constant 112 : index
      %swap3A_2121 = tpu.vector_load %arg18[%swap3A_2119, %swap3A_2120] {strides = array<i32>} : memref<2x128xi32, #tpu.memory_space<vmem>>, vector<16xi32>,
      tpu.vector_store %arg18[%swap3A_2119, %swap3A_2120], %get3A_2118 {strides = array<i32>} : memref<2x128xi32, #tpu.memory_space<vmem>>, vector<16xi32>,
      %get3A_2122 = arith.index_cast %select_n3A_2041 : i32 to index
      %get3A_2123 = arith.constant 0 : index
      %get3A_2124 = tpu.vector_load %arg15[%get3A_2122, %get3A_2123] {strides = array<i32>} : memref<2x128xi32, #tpu.memory_space<vmem>>, vector<16xi32>,
      %get3A_2125 = arith.index_cast %select_n3A_2041 : i32 to index
      %get3A_2126 = arith.constant 0 : index
      %get3A_2127 = tpu.vector_load %arg16[%get3A_2125, %get3A_2126] {strides = array<i32>} : memref<2x128xi32, #tpu.memory_space<vmem>>, vector<16xi32>,
      %get3A_2128 = arith.index_cast %select_n3A_2041 : i32 to index
      %get3A_2129 = arith.constant 0 : index
      %get3A_2130 = tpu.vector_load %arg17[%get3A_2128, %get3A_2129] {strides = array<i32>} : memref<2x128xf32, #tpu.memory_space<vmem>>, vector<16xf32>,
      %gather3A = tpu.vector_load_idx %arg12[%get3A_2124] : memref<10240xf32, #tpu.memory_space<vmem>>[vector<16xi32>], vector<16xf32>,
      %mul3A_2131 = arith.mulf %gather3A, %get3A_2130 : vector<16xf32>
      %gather3A_2132 = tpu.vector_load_idx %arg12[%get3A_2127] : memref<10240xf32, #tpu.memory_space<vmem>>[vector<16xi32>], vector<16xf32>,
      %mul3A_2133 = arith.mulf %mul3A_2131, %gather3A_2132 : vector<16xf32>
      %swap3A_2134 = arith.constant 0 : index
      %swap3A_2135 = tpu.vector_load %arg20[%swap3A_2134] {strides = array<i32>} : memref<128xf32, #tpu.memory_space<vmem>>, vector<16xf32>,
      tpu.vector_store %arg20[%swap3A_2134], %mul3A_2133 {strides = array<i32>} : memref<128xf32, #tpu.memory_space<vmem>>, vector<16xf32>,
      %get3A_2136 = arith.index_cast %select_n3A_2041 : i32 to index
      %get3A_2137 = arith.constant 16 : index
      %get3A_2138 = tpu.vector_load %arg15[%get3A_2136, %get3A_2137] {strides = array<i32>} : memref<2x128xi32, #tpu.memory_space<vmem>>, vector<16xi32>,
      %get3A_2139 = arith.index_cast %select_n3A_2041 : i32 to index
      %get3A_2140 = arith.constant 16 : index
      %get3A_2141 = tpu.vector_load %arg16[%get3A_2139, %get3A_2140] {strides = array<i32>} : memref<2x128xi32, #tpu.memory_space<vmem>>, vector<16xi32>,
      %get3A_2142 = arith.index_cast %select_n3A_2041 : i32 to index
      %get3A_2143 = arith.constant 16 : index
      %get3A_2144 = tpu.vector_load %arg17[%get3A_2142, %get3A_2143] {strides = array<i32>} : memref<2x128xf32, #tpu.memory_space<vmem>>, vector<16xf32>,
      %gather3A_2145 = tpu.vector_load_idx %arg12[%get3A_2138] : memref<10240xf32, #tpu.memory_space<vmem>>[vector<16xi32>], vector<16xf32>,
      %mul3A_2146 = arith.mulf %gather3A_2145, %get3A_2144 : vector<16xf32>
      %gather3A_2147 = tpu.vector_load_idx %arg12[%get3A_2141] : memref<10240xf32, #tpu.memory_space<vmem>>[vector<16xi32>], vector<16xf32>,
      %mul3A_2148 = arith.mulf %mul3A_2146, %gather3A_2147 : vector<16xf32>
      %swap3A_2149 = arith.constant 16 : index
      %swap3A_2150 = tpu.vector_load %arg20[%swap3A_2149] {strides = array<i32>} : memref<128xf32, #tpu.memory_space<vmem>>, vector<16xf32>,
      tpu.vector_store %arg20[%swap3A_2149], %mul3A_2148 {strides = array<i32>} : memref<128xf32, #tpu.memory_space<vmem>>, vector<16xf32>,
      %get3A_2151 = arith.index_cast %select_n3A_2041 : i32 to index
      %get3A_2152 = arith.constant 32 : index
      %get3A_2153 = tpu.vector_load %arg15[%get3A_2151, %get3A_2152] {strides = array<i32>} : memref<2x128xi32, #tpu.memory_space<vmem>>, vector<16xi32>,
      %get3A_2154 = arith.index_cast %select_n3A_2041 : i32 to index
      %get3A_2155 = arith.constant 32 : index
      %get3A_2156 = tpu.vector_load %arg16[%get3A_2154, %get3A_2155] {strides = array<i32>} : memref<2x128xi32, #tpu.memory_space<vmem>>, vector<16xi32>,
      %get3A_2157 = arith.index_cast %select_n3A_2041 : i32 to index
      %get3A_2158 = arith.constant 32 : index
      %get3A_2159 = tpu.vector_load %arg17[%get3A_2157, %get3A_2158] {strides = array<i32>} : memref<2x128xf32, #tpu.memory_space<vmem>>, vector<16xf32>,
      %gather3A_2160 = tpu.vector_load_idx %arg12[%get3A_2153] : memref<10240xf32, #tpu.memory_space<vmem>>[vector<16xi32>], vector<16xf32>,
      %mul3A_2161 = arith.mulf %gather3A_2160, %get3A_2159 : vector<16xf32>
      %gather3A_2162 = tpu.vector_load_idx %arg12[%get3A_2156] : memref<10240xf32, #tpu.memory_space<vmem>>[vector<16xi32>], vector<16xf32>,
      %mul3A_2163 = arith.mulf %mul3A_2161, %gather3A_2162 : vector<16xf32>
      %swap3A_2164 = arith.constant 32 : index
      %swap3A_2165 = tpu.vector_load %arg20[%swap3A_2164] {strides = array<i32>} : memref<128xf32, #tpu.memory_space<vmem>>, vector<16xf32>,
      tpu.vector_store %arg20[%swap3A_2164], %mul3A_2163 {strides = array<i32>} : memref<128xf32, #tpu.memory_space<vmem>>, vector<16xf32>,
      %get3A_2166 = arith.index_cast %select_n3A_2041 : i32 to index
      %get3A_2167 = arith.constant 48 : index
      %get3A_2168 = tpu.vector_load %arg15[%get3A_2166, %get3A_2167] {strides = array<i32>} : memref<2x128xi32, #tpu.memory_space<vmem>>, vector<16xi32>,
      %get3A_2169 = arith.index_cast %select_n3A_2041 : i32 to index
      %get3A_2170 = arith.constant 48 : index
      %get3A_2171 = tpu.vector_load %arg16[%get3A_2169, %get3A_2170] {strides = array<i32>} : memref<2x128xi32, #tpu.memory_space<vmem>>, vector<16xi32>,
      %get3A_2172 = arith.index_cast %select_n3A_2041 : i32 to index
      %get3A_2173 = arith.constant 48 : index
      %get3A_2174 = tpu.vector_load %arg17[%get3A_2172, %get3A_2173] {strides = array<i32>} : memref<2x128xf32, #tpu.memory_space<vmem>>, vector<16xf32>,
      %gather3A_2175 = tpu.vector_load_idx %arg12[%get3A_2168] : memref<10240xf32, #tpu.memory_space<vmem>>[vector<16xi32>], vector<16xf32>,
      %mul3A_2176 = arith.mulf %gather3A_2175, %get3A_2174 : vector<16xf32>
      %gather3A_2177 = tpu.vector_load_idx %arg12[%get3A_2171] : memref<10240xf32, #tpu.memory_space<vmem>>[vector<16xi32>], vector<16xf32>,
      %mul3A_2178 = arith.mulf %mul3A_2176, %gather3A_2177 : vector<16xf32>
      %swap3A_2179 = arith.constant 48 : index
      %swap3A_2180 = tpu.vector_load %arg20[%swap3A_2179] {strides = array<i32>} : memref<128xf32, #tpu.memory_space<vmem>>, vector<16xf32>,
      tpu.vector_store %arg20[%swap3A_2179], %mul3A_2178 {strides = array<i32>} : memref<128xf32, #tpu.memory_space<vmem>>, vector<16xf32>,
      %get3A_2181 = arith.index_cast %select_n3A_2041 : i32 to index
      %get3A_2182 = arith.constant 64 : index
      %get3A_2183 = tpu.vector_load %arg15[%get3A_2181, %get3A_2182] {strides = array<i32>} : memref<2x128xi32, #tpu.memory_space<vmem>>, vector<16xi32>,
      %get3A_2184 = arith.index_cast %select_n3A_2041 : i32 to index
      %get3A_2185 = arith.constant 64 : index
      %get3A_2186 = tpu.vector_load %arg16[%get3A_2184, %get3A_2185] {strides = array<i32>} : memref<2x128xi32, #tpu.memory_space<vmem>>, vector<16xi32>,
      %get3A_2187 = arith.index_cast %select_n3A_2041 : i32 to index
      %get3A_2188 = arith.constant 64 : index
      %get3A_2189 = tpu.vector_load %arg17[%get3A_2187, %get3A_2188] {strides = array<i32>} : memref<2x128xf32, #tpu.memory_space<vmem>>, vector<16xf32>,
      %gather3A_2190 = tpu.vector_load_idx %arg12[%get3A_2183] : memref<10240xf32, #tpu.memory_space<vmem>>[vector<16xi32>], vector<16xf32>,
      %mul3A_2191 = arith.mulf %gather3A_2190, %get3A_2189 : vector<16xf32>
      %gather3A_2192 = tpu.vector_load_idx %arg12[%get3A_2186] : memref<10240xf32, #tpu.memory_space<vmem>>[vector<16xi32>], vector<16xf32>,
      %mul3A_2193 = arith.mulf %mul3A_2191, %gather3A_2192 : vector<16xf32>
      %swap3A_2194 = arith.constant 64 : index
      %swap3A_2195 = tpu.vector_load %arg20[%swap3A_2194] {strides = array<i32>} : memref<128xf32, #tpu.memory_space<vmem>>, vector<16xf32>,
      tpu.vector_store %arg20[%swap3A_2194], %mul3A_2193 {strides = array<i32>} : memref<128xf32, #tpu.memory_space<vmem>>, vector<16xf32>,
      %get3A_2196 = arith.index_cast %select_n3A_2041 : i32 to index
      %get3A_2197 = arith.constant 80 : index
      %get3A_2198 = tpu.vector_load %arg15[%get3A_2196, %get3A_2197] {strides = array<i32>} : memref<2x128xi32, #tpu.memory_space<vmem>>, vector<16xi32>,
      %get3A_2199 = arith.index_cast %select_n3A_2041 : i32 to index
      %get3A_2200 = arith.constant 80 : index
      %get3A_2201 = tpu.vector_load %arg16[%get3A_2199, %get3A_2200] {strides = array<i32>} : memref<2x128xi32, #tpu.memory_space<vmem>>, vector<16xi32>,
      %get3A_2202 = arith.index_cast %select_n3A_2041 : i32 to index
      %get3A_2203 = arith.constant 80 : index
      %get3A_2204 = tpu.vector_load %arg17[%get3A_2202, %get3A_2203] {strides = array<i32>} : memref<2x128xf32, #tpu.memory_space<vmem>>, vector<16xf32>,
      %gather3A_2205 = tpu.vector_load_idx %arg12[%get3A_2198] : memref<10240xf32, #tpu.memory_space<vmem>>[vector<16xi32>], vector<16xf32>,
      %mul3A_2206 = arith.mulf %gather3A_2205, %get3A_2204 : vector<16xf32>
      %gather3A_2207 = tpu.vector_load_idx %arg12[%get3A_2201] : memref<10240xf32, #tpu.memory_space<vmem>>[vector<16xi32>], vector<16xf32>,
      %mul3A_2208 = arith.mulf %mul3A_2206, %gather3A_2207 : vector<16xf32>
      %swap3A_2209 = arith.constant 80 : index
      %swap3A_2210 = tpu.vector_load %arg20[%swap3A_2209] {strides = array<i32>} : memref<128xf32, #tpu.memory_space<vmem>>, vector<16xf32>,
      tpu.vector_store %arg20[%swap3A_2209], %mul3A_2208 {strides = array<i32>} : memref<128xf32, #tpu.memory_space<vmem>>, vector<16xf32>,
      %get3A_2211 = arith.index_cast %select_n3A_2041 : i32 to index
      %get3A_2212 = arith.constant 96 : index
      %get3A_2213 = tpu.vector_load %arg15[%get3A_2211, %get3A_2212] {strides = array<i32>} : memref<2x128xi32, #tpu.memory_space<vmem>>, vector<16xi32>,
      %get3A_2214 = arith.index_cast %select_n3A_2041 : i32 to index
      %get3A_2215 = arith.constant 96 : index
      %get3A_2216 = tpu.vector_load %arg16[%get3A_2214, %get3A_2215] {strides = array<i32>} : memref<2x128xi32, #tpu.memory_space<vmem>>, vector<16xi32>,
      %get3A_2217 = arith.index_cast %select_n3A_2041 : i32 to index
      %get3A_2218 = arith.constant 96 : index
      %get3A_2219 = tpu.vector_load %arg17[%get3A_2217, %get3A_2218] {strides = array<i32>} : memref<2x128xf32, #tpu.memory_space<vmem>>, vector<16xf32>,
      %gather3A_2220 = tpu.vector_load_idx %arg12[%get3A_2213] : memref<10240xf32, #tpu.memory_space<vmem>>[vector<16xi32>], vector<16xf32>,
      %mul3A_2221 = arith.mulf %gather3A_2220, %get3A_2219 : vector<16xf32>
      %gather3A_2222 = tpu.vector_load_idx %arg12[%get3A_2216] : memref<10240xf32, #tpu.memory_space<vmem>>[vector<16xi32>], vector<16xf32>,
      %mul3A_2223 = arith.mulf %mul3A_2221, %gather3A_2222 : vector<16xf32>
      %swap3A_2224 = arith.constant 96 : index
      %swap3A_2225 = tpu.vector_load %arg20[%swap3A_2224] {strides = array<i32>} : memref<128xf32, #tpu.memory_space<vmem>>, vector<16xf32>,
      tpu.vector_store %arg20[%swap3A_2224], %mul3A_2223 {strides = array<i32>} : memref<128xf32, #tpu.memory_space<vmem>>, vector<16xf32>,
      %get3A_2226 = arith.index_cast %select_n3A_2041 : i32 to index
      %get3A_2227 = arith.constant 112 : index
      %get3A_2228 = tpu.vector_load %arg15[%get3A_2226, %get3A_2227] {strides = array<i32>} : memref<2x128xi32, #tpu.memory_space<vmem>>, vector<16xi32>,
      %get3A_2229 = arith.index_cast %select_n3A_2041 : i32 to index
      %get3A_2230 = arith.constant 112 : index
      %get3A_2231 = tpu.vector_load %arg16[%get3A_2229, %get3A_2230] {strides = array<i32>} : memref<2x128xi32, #tpu.memory_space<vmem>>, vector<16xi32>,
      %get3A_2232 = arith.index_cast %select_n3A_2041 : i32 to index
      %get3A_2233 = arith.constant 112 : index
      %get3A_2234 = tpu.vector_load %arg17[%get3A_2232, %get3A_2233] {strides = array<i32>} : memref<2x128xf32, #tpu.memory_space<vmem>>, vector<16xf32>,
      %gather3A_2235 = tpu.vector_load_idx %arg12[%get3A_2228] : memref<10240xf32, #tpu.memory_space<vmem>>[vector<16xi32>], vector<16xf32>,
      %mul3A_2236 = arith.mulf %gather3A_2235, %get3A_2234 : vector<16xf32>
      %gather3A_2237 = tpu.vector_load_idx %arg12[%get3A_2231] : memref<10240xf32, #tpu.memory_space<vmem>>[vector<16xi32>], vector<16xf32>,
      %mul3A_2238 = arith.mulf %mul3A_2236, %gather3A_2237 : vector<16xf32>
      %swap3A_2239 = arith.constant 112 : index
      %swap3A_2240 = tpu.vector_load %arg20[%swap3A_2239] {strides = array<i32>} : memref<128xf32, #tpu.memory_space<vmem>>, vector<16xf32>,
      tpu.vector_store %arg20[%swap3A_2239], %mul3A_2238 {strides = array<i32>} : memref<128xf32, #tpu.memory_space<vmem>>, vector<16xf32>,
      %lt3A_2241 = arith.constant 78 : i32
      %lt3A_2242 = arith.cmpi slt, %scan3A_2028, %lt3A_2241 : i32
      %convert_element_type3A_2243 = arith.extui %lt3A_2242 : i1 to i32
      %cond3A_2244 = arith.constant 0 : i32
      %cond3A_2245 = arith.cmpi ne, %convert_element_type3A_2243, %cond3A_2244 : i32
      scf.if %cond3A_2245 {
        %add3A_2262 = arith.constant 2 : i32
        %add3A_2263 = arith.addi %scan3A_2028, %add3A_2262 : i32
        %mul3A_2264 = arith.constant 128 : i32
        %mul3A_2265 = arith.muli %add3A_2263, %mul3A_2264 : i32
        %add3A_2266 = arith.addi %mul3A_33, %mul3A_2265 : i32
        %dma_start3A_2267 = arith.constant 0 : i32
        %dma_start3A_2268 = tpu.memref_slice %arg15[%select_n3A_2041, %dma_start3A_2267] : memref<2x128xi32, #tpu.memory_space<vmem>> -> memref<1x128xi32, #tpu.memory_space<vmem>>
        %dma_start3A_2269 = tpu.memref_squeeze %dma_start3A_2268 : memref<1x128xi32, #tpu.memory_space<vmem>> -> memref<128xi32, #tpu.memory_space<vmem>>
        %dma_start3A_2270 = tpu.memref_slice %arg2[%add3A_2266] : memref<327680xi32, #tpu.memory_space<hbm>> -> memref<128xi32, #tpu.memory_space<hbm>>
        %dma_start3A_2271 = arith.constant 0 : i32
        %dma_start3A_2272 = tpu.memref_slice %arg15[%select_n3A_2041, %dma_start3A_2271] : memref<2x128xi32, #tpu.memory_space<vmem>> -> memref<1x128xi32, #tpu.memory_space<vmem>>
        %dma_start3A_2273 = tpu.memref_squeeze %dma_start3A_2272 : memref<1x128xi32, #tpu.memory_space<vmem>> -> memref<128xi32, #tpu.memory_space<vmem>>
        %dma_start3A_2274 = tpu.memref_slice %arg2[%add3A_2266] : memref<327680xi32, #tpu.memory_space<hbm>> -> memref<128xi32, #tpu.memory_space<hbm>>
        tpu.enqueue_dma source(%dma_start3A_2274 : memref<128xi32, #tpu.memory_space<hbm>>) target(%dma_start3A_2273 : memref<128xi32, #tpu.memory_space<vmem>>) target_semaphore(%arg24 : memref<!tpu.dma_semaphore, #tpu.memory_space<semaphore_mem>>)
        %dma_start3A_2275 = arith.constant 0 : i32
        %dma_start3A_2276 = tpu.memref_slice %arg16[%select_n3A_2041, %dma_start3A_2275] : memref<2x128xi32, #tpu.memory_space<vmem>> -> memref<1x128xi32, #tpu.memory_space<vmem>>
        %dma_start3A_2277 = tpu.memref_squeeze %dma_start3A_2276 : memref<1x128xi32, #tpu.memory_space<vmem>> -> memref<128xi32, #tpu.memory_space<vmem>>
        %dma_start3A_2278 = tpu.memref_slice %arg3[%add3A_2266] : memref<327680xi32, #tpu.memory_space<hbm>> -> memref<128xi32, #tpu.memory_space<hbm>>
        %dma_start3A_2279 = arith.constant 0 : i32
        %dma_start3A_2280 = tpu.memref_slice %arg16[%select_n3A_2041, %dma_start3A_2279] : memref<2x128xi32, #tpu.memory_space<vmem>> -> memref<1x128xi32, #tpu.memory_space<vmem>>
        %dma_start3A_2281 = tpu.memref_squeeze %dma_start3A_2280 : memref<1x128xi32, #tpu.memory_space<vmem>> -> memref<128xi32, #tpu.memory_space<vmem>>
        %dma_start3A_2282 = tpu.memref_slice %arg3[%add3A_2266] : memref<327680xi32, #tpu.memory_space<hbm>> -> memref<128xi32, #tpu.memory_space<hbm>>
        tpu.enqueue_dma source(%dma_start3A_2282 : memref<128xi32, #tpu.memory_space<hbm>>) target(%dma_start3A_2281 : memref<128xi32, #tpu.memory_space<vmem>>) target_semaphore(%arg24 : memref<!tpu.dma_semaphore, #tpu.memory_space<semaphore_mem>>)
        %dma_start3A_2283 = arith.constant 0 : i32
        %dma_start3A_2284 = tpu.memref_slice %arg17[%select_n3A_2041, %dma_start3A_2283] : memref<2x128xf32, #tpu.memory_space<vmem>> -> memref<1x128xf32, #tpu.memory_space<vmem>>
        %dma_start3A_2285 = tpu.memref_squeeze %dma_start3A_2284 : memref<1x128xf32, #tpu.memory_space<vmem>> -> memref<128xf32, #tpu.memory_space<vmem>>
        %dma_start3A_2286 = tpu.memref_slice %arg4[%add3A_2266] : memref<327680xf32, #tpu.memory_space<hbm>> -> memref<128xf32, #tpu.memory_space<hbm>>
        %dma_start3A_2287 = arith.constant 0 : i32
        %dma_start3A_2288 = tpu.memref_slice %arg17[%select_n3A_2041, %dma_start3A_2287] : memref<2x128xf32, #tpu.memory_space<vmem>> -> memref<1x128xf32, #tpu.memory_space<vmem>>
        %dma_start3A_2289 = tpu.memref_squeeze %dma_start3A_2288 : memref<1x128xf32, #tpu.memory_space<vmem>> -> memref<128xf32, #tpu.memory_space<vmem>>
        %dma_start3A_2290 = tpu.memref_slice %arg4[%add3A_2266] : memref<327680xf32, #tpu.memory_space<hbm>> -> memref<128xf32, #tpu.memory_space<hbm>>
        tpu.enqueue_dma source(%dma_start3A_2290 : memref<128xf32, #tpu.memory_space<hbm>>) target(%dma_start3A_2289 : memref<128xf32, #tpu.memory_space<vmem>>) target_semaphore(%arg24 : memref<!tpu.dma_semaphore, #tpu.memory_space<semaphore_mem>>)
      } else {
      }
      %scan3A_2246 = arith.constant 0 : i32
      %scan3A_2247 = arith.constant 0 : i32
      %scan3A_2248 = arith.constant 128 : i32
      %scan3A_2249 = arith.addi %scan3A_2247, %scan3A_2248 : i32
      %scan3A_2250 = arith.constant 8 : i32
      scf.for %scan3A_2262 = %scan3A_2247 to %scan3A_2249 step %scan3A_2250  : i32 {
        %broadcast_in_dim3A_2263 = vector.broadcast %scan3A_2262 : i32 to vector<16xi32>
        %gather3A_2264 = tpu.vector_load_idx %arg20[%broadcast_in_dim3A_2263] : memref<128xf32, #tpu.memory_space<vmem>>[vector<16xi32>], vector<16xf32>,
        %get3A_2265 = arith.index_cast %select_n3A_2041 : i32 to index
        %get3A_2266 = arith.index_cast %scan3A_2262 : i32 to index
        %get3A_2267 = arith.constant 0 : index
        %get3A_2268 = tpu.vector_load %arg19[%get3A_2265, %get3A_2266, %get3A_2267] {strides = array<i32>} : memref<2x128x128xf32, #tpu.memory_space<vmem>>, vector<16xf32>,
        %mul3A_2269 = arith.mulf %get3A_2268, %gather3A_2264 : vector<16xf32>
        %swap3A_2270 = arith.index_cast %select_n3A_2041 : i32 to index
        %swap3A_2271 = arith.index_cast %scan3A_2262 : i32 to index
        %swap3A_2272 = arith.constant 0 : index
        %swap3A_2273 = tpu.vector_load %arg19[%swap3A_2270, %swap3A_2271, %swap3A_2272] {strides = array<i32>} : memref<2x128x128xf32, #tpu.memory_space<vmem>>, vector<16xf32>,
        tpu.vector_store %arg19[%swap3A_2270, %swap3A_2271, %swap3A_2272], %mul3A_2269 {strides = array<i32>} : memref<2x128x128xf32, #tpu.memory_space<vmem>>, vector<16xf32>,
        %get3A_2274 = arith.index_cast %select_n3A_2041 : i32 to index
        %get3A_2275 = arith.index_cast %scan3A_2262 : i32 to index
        %get3A_2276 = arith.constant 16 : index
        %get3A_2277 = tpu.vector_load %arg19[%get3A_2274, %get3A_2275, %get3A_2276] {strides = array<i32>} : memref<2x128x128xf32, #tpu.memory_space<vmem>>, vector<16xf32>,
        %mul3A_2278 = arith.mulf %get3A_2277, %gather3A_2264 : vector<16xf32>
        %swap3A_2279 = arith.index_cast %select_n3A_2041 : i32 to index
        %swap3A_2280 = arith.index_cast %scan3A_2262 : i32 to index
        %swap3A_2281 = arith.constant 16 : index
        %swap3A_2282 = tpu.vector_load %arg19[%swap3A_2279, %swap3A_2280, %swap3A_2281] {strides = array<i32>} : memref<2x128x128xf32, #tpu.memory_space<vmem>>, vector<16xf32>,
        tpu.vector_store %arg19[%swap3A_2279, %swap3A_2280, %swap3A_2281], %mul3A_2278 {strides = array<i32>} : memref<2x128x128xf32, #tpu.memory_space<vmem>>, vector<16xf32>,
        %get3A_2283 = arith.index_cast %select_n3A_2041 : i32 to index
        %get3A_2284 = arith.index_cast %scan3A_2262 : i32 to index
        %get3A_2285 = arith.constant 32 : index
        %get3A_2286 = tpu.vector_load %arg19[%get3A_2283, %get3A_2284, %get3A_2285] {strides = array<i32>} : memref<2x128x128xf32, #tpu.memory_space<vmem>>, vector<16xf32>,
        %mul3A_2287 = arith.mulf %get3A_2286, %gather3A_2264 : vector<16xf32>
        %swap3A_2288 = arith.index_cast %select_n3A_2041 : i32 to index
        %swap3A_2289 = arith.index_cast %scan3A_2262 : i32 to index
        %swap3A_2290 = arith.constant 32 : index
        %swap3A_2291 = tpu.vector_load %arg19[%swap3A_2288, %swap3A_2289, %swap3A_2290] {strides = array<i32>} : memref<2x128x128xf32, #tpu.memory_space<vmem>>, vector<16xf32>,
        tpu.vector_store %arg19[%swap3A_2288, %swap3A_2289, %swap3A_2290], %mul3A_2287 {strides = array<i32>} : memref<2x128x128xf32, #tpu.memory_space<vmem>>, vector<16xf32>,
        %get3A_2292 = arith.index_cast %select_n3A_2041 : i32 to index
        %get3A_2293 = arith.index_cast %scan3A_2262 : i32 to index
        %get3A_2294 = arith.constant 48 : index
        %get3A_2295 = tpu.vector_load %arg19[%get3A_2292, %get3A_2293, %get3A_2294] {strides = array<i32>} : memref<2x128x128xf32, #tpu.memory_space<vmem>>, vector<16xf32>,
        %mul3A_2296 = arith.mulf %get3A_2295, %gather3A_2264 : vector<16xf32>
        %swap3A_2297 = arith.index_cast %select_n3A_2041 : i32 to index
        %swap3A_2298 = arith.index_cast %scan3A_2262 : i32 to index
        %swap3A_2299 = arith.constant 48 : index
        %swap3A_2300 = tpu.vector_load %arg19[%swap3A_2297, %swap3A_2298, %swap3A_2299] {strides = array<i32>} : memref<2x128x128xf32, #tpu.memory_space<vmem>>, vector<16xf32>,
        tpu.vector_store %arg19[%swap3A_2297, %swap3A_2298, %swap3A_2299], %mul3A_2296 {strides = array<i32>} : memref<2x128x128xf32, #tpu.memory_space<vmem>>, vector<16xf32>,
        %get3A_2301 = arith.index_cast %select_n3A_2041 : i32 to index
        %get3A_2302 = arith.index_cast %scan3A_2262 : i32 to index
        %get3A_2303 = arith.constant 64 : index
        %get3A_2304 = tpu.vector_load %arg19[%get3A_2301, %get3A_2302, %get3A_2303] {strides = array<i32>} : memref<2x128x128xf32, #tpu.memory_space<vmem>>, vector<16xf32>,
        %mul3A_2305 = arith.mulf %get3A_2304, %gather3A_2264 : vector<16xf32>
        %swap3A_2306 = arith.index_cast %select_n3A_2041 : i32 to index
        %swap3A_2307 = arith.index_cast %scan3A_2262 : i32 to index
        %swap3A_2308 = arith.constant 64 : index
        %swap3A_2309 = tpu.vector_load %arg19[%swap3A_2306, %swap3A_2307, %swap3A_2308] {strides = array<i32>} : memref<2x128x128xf32, #tpu.memory_space<vmem>>, vector<16xf32>,
        tpu.vector_store %arg19[%swap3A_2306, %swap3A_2307, %swap3A_2308], %mul3A_2305 {strides = array<i32>} : memref<2x128x128xf32, #tpu.memory_space<vmem>>, vector<16xf32>,
        %get3A_2310 = arith.index_cast %select_n3A_2041 : i32 to index
        %get3A_2311 = arith.index_cast %scan3A_2262 : i32 to index
        %get3A_2312 = arith.constant 80 : index
        %get3A_2313 = tpu.vector_load %arg19[%get3A_2310, %get3A_2311, %get3A_2312] {strides = array<i32>} : memref<2x128x128xf32, #tpu.memory_space<vmem>>, vector<16xf32>,
        %mul3A_2314 = arith.mulf %get3A_2313, %gather3A_2264 : vector<16xf32>
        %swap3A_2315 = arith.index_cast %select_n3A_2041 : i32 to index
        %swap3A_2316 = arith.index_cast %scan3A_2262 : i32 to index
        %swap3A_2317 = arith.constant 80 : index
        %swap3A_2318 = tpu.vector_load %arg19[%swap3A_2315, %swap3A_2316, %swap3A_2317] {strides = array<i32>} : memref<2x128x128xf32, #tpu.memory_space<vmem>>, vector<16xf32>,
        tpu.vector_store %arg19[%swap3A_2315, %swap3A_2316, %swap3A_2317], %mul3A_2314 {strides = array<i32>} : memref<2x128x128xf32, #tpu.memory_space<vmem>>, vector<16xf32>,
        %get3A_2319 = arith.index_cast %select_n3A_2041 : i32 to index
        %get3A_2320 = arith.index_cast %scan3A_2262 : i32 to index
        %get3A_2321 = arith.constant 96 : index
        %get3A_2322 = tpu.vector_load %arg19[%get3A_2319, %get3A_2320, %get3A_2321] {strides = array<i32>} : memref<2x128x128xf32, #tpu.memory_space<vmem>>, vector<16xf32>,
        %mul3A_2323 = arith.mulf %get3A_2322, %gather3A_2264 : vector<16xf32>
        %swap3A_2324 = arith.index_cast %select_n3A_2041 : i32 to index
        %swap3A_2325 = arith.index_cast %scan3A_2262 : i32 to index
        %swap3A_2326 = arith.constant 96 : index
        %swap3A_2327 = tpu.vector_load %arg19[%swap3A_2324, %swap3A_2325, %swap3A_2326] {strides = array<i32>} : memref<2x128x128xf32, #tpu.memory_space<vmem>>, vector<16xf32>,
        tpu.vector_store %arg19[%swap3A_2324, %swap3A_2325, %swap3A_2326], %mul3A_2323 {strides = array<i32>} : memref<2x128x128xf32, #tpu.memory_space<vmem>>, vector<16xf32>,
        %get3A_2328 = arith.index_cast %select_n3A_2041 : i32 to index
        %get3A_2329 = arith.index_cast %scan3A_2262 : i32 to index
        %get3A_2330 = arith.constant 112 : index
        %get3A_2331 = tpu.vector_load %arg19[%get3A_2328, %get3A_2329, %get3A_2330] {strides = array<i32>} : memref<2x128x128xf32, #tpu.memory_space<vmem>>, vector<16xf32>,
        %mul3A_2332 = arith.mulf %get3A_2331, %gather3A_2264 : vector<16xf32>
        %swap3A_2333 = arith.index_cast %select_n3A_2041 : i32 to index
        %swap3A_2334 = arith.index_cast %scan3A_2262 : i32 to index
        %swap3A_2335 = arith.constant 112 : index
        %swap3A_2336 = tpu.vector_load %arg19[%swap3A_2333, %swap3A_2334, %swap3A_2335] {strides = array<i32>} : memref<2x128x128xf32, #tpu.memory_space<vmem>>, vector<16xf32>,
        tpu.vector_store %arg19[%swap3A_2333, %swap3A_2334, %swap3A_2335], %mul3A_2332 {strides = array<i32>} : memref<2x128x128xf32, #tpu.memory_space<vmem>>, vector<16xf32>,
        %scan3A_2337 = arith.constant 1 : i32
        %scan3A_2338 = arith.addi %scan3A_2262, %scan3A_2337 : i32
        %broadcast_in_dim3A_2339 = vector.broadcast %scan3A_2338 : i32 to vector<16xi32>
        %gather3A_2340 = tpu.vector_load_idx %arg20[%broadcast_in_dim3A_2339] : memref<128xf32, #tpu.memory_space<vmem>>[vector<16xi32>], vector<16xf32>,
        %get3A_2341 = arith.index_cast %select_n3A_2041 : i32 to index
        %get3A_2342 = arith.index_cast %scan3A_2338 : i32 to index
        %get3A_2343 = arith.constant 0 : index
        %get3A_2344 = tpu.vector_load %arg19[%get3A_2341, %get3A_2342, %get3A_2343] {strides = array<i32>} : memref<2x128x128xf32, #tpu.memory_space<vmem>>, vector<16xf32>,
        %mul3A_2345 = arith.mulf %get3A_2344, %gather3A_2340 : vector<16xf32>
        %swap3A_2346 = arith.index_cast %select_n3A_2041 : i32 to index
        %swap3A_2347 = arith.index_cast %scan3A_2338 : i32 to index
        %swap3A_2348 = arith.constant 0 : index
        %swap3A_2349 = tpu.vector_load %arg19[%swap3A_2346, %swap3A_2347, %swap3A_2348] {strides = array<i32>} : memref<2x128x128xf32, #tpu.memory_space<vmem>>, vector<16xf32>,
        tpu.vector_store %arg19[%swap3A_2346, %swap3A_2347, %swap3A_2348], %mul3A_2345 {strides = array<i32>} : memref<2x128x128xf32, #tpu.memory_space<vmem>>, vector<16xf32>,
        %get3A_2350 = arith.index_cast %select_n3A_2041 : i32 to index
        %get3A_2351 = arith.index_cast %scan3A_2338 : i32 to index
        %get3A_2352 = arith.constant 16 : index
        %get3A_2353 = tpu.vector_load %arg19[%get3A_2350, %get3A_2351, %get3A_2352] {strides = array<i32>} : memref<2x128x128xf32, #tpu.memory_space<vmem>>, vector<16xf32>,
        %mul3A_2354 = arith.mulf %get3A_2353, %gather3A_2340 : vector<16xf32>
        %swap3A_2355 = arith.index_cast %select_n3A_2041 : i32 to index
        %swap3A_2356 = arith.index_cast %scan3A_2338 : i32 to index
        %swap3A_2357 = arith.constant 16 : index
        %swap3A_2358 = tpu.vector_load %arg19[%swap3A_2355, %swap3A_2356, %swap3A_2357] {strides = array<i32>} : memref<2x128x128xf32, #tpu.memory_space<vmem>>, vector<16xf32>,
        tpu.vector_store %arg19[%swap3A_2355, %swap3A_2356, %swap3A_2357], %mul3A_2354 {strides = array<i32>} : memref<2x128x128xf32, #tpu.memory_space<vmem>>, vector<16xf32>,
        %get3A_2359 = arith.index_cast %select_n3A_2041 : i32 to index
        %get3A_2360 = arith.index_cast %scan3A_2338 : i32 to index
        %get3A_2361 = arith.constant 32 : index
        %get3A_2362 = tpu.vector_load %arg19[%get3A_2359, %get3A_2360, %get3A_2361] {strides = array<i32>} : memref<2x128x128xf32, #tpu.memory_space<vmem>>, vector<16xf32>,
        %mul3A_2363 = arith.mulf %get3A_2362, %gather3A_2340 : vector<16xf32>
        %swap3A_2364 = arith.index_cast %select_n3A_2041 : i32 to index
        %swap3A_2365 = arith.index_cast %scan3A_2338 : i32 to index
        %swap3A_2366 = arith.constant 32 : index
        %swap3A_2367 = tpu.vector_load %arg19[%swap3A_2364, %swap3A_2365, %swap3A_2366] {strides = array<i32>} : memref<2x128x128xf32, #tpu.memory_space<vmem>>, vector<16xf32>,
        tpu.vector_store %arg19[%swap3A_2364, %swap3A_2365, %swap3A_2366], %mul3A_2363 {strides = array<i32>} : memref<2x128x128xf32, #tpu.memory_space<vmem>>, vector<16xf32>,
        %get3A_2368 = arith.index_cast %select_n3A_2041 : i32 to index
        %get3A_2369 = arith.index_cast %scan3A_2338 : i32 to index
        %get3A_2370 = arith.constant 48 : index
        %get3A_2371 = tpu.vector_load %arg19[%get3A_2368, %get3A_2369, %get3A_2370] {strides = array<i32>} : memref<2x128x128xf32, #tpu.memory_space<vmem>>, vector<16xf32>,
        %mul3A_2372 = arith.mulf %get3A_2371, %gather3A_2340 : vector<16xf32>
        %swap3A_2373 = arith.index_cast %select_n3A_2041 : i32 to index
        %swap3A_2374 = arith.index_cast %scan3A_2338 : i32 to index
        %swap3A_2375 = arith.constant 48 : index
        %swap3A_2376 = tpu.vector_load %arg19[%swap3A_2373, %swap3A_2374, %swap3A_2375] {strides = array<i32>} : memref<2x128x128xf32, #tpu.memory_space<vmem>>, vector<16xf32>,
        tpu.vector_store %arg19[%swap3A_2373, %swap3A_2374, %swap3A_2375], %mul3A_2372 {strides = array<i32>} : memref<2x128x128xf32, #tpu.memory_space<vmem>>, vector<16xf32>,
        %get3A_2377 = arith.index_cast %select_n3A_2041 : i32 to index
        %get3A_2378 = arith.index_cast %scan3A_2338 : i32 to index
        %get3A_2379 = arith.constant 64 : index
        %get3A_2380 = tpu.vector_load %arg19[%get3A_2377, %get3A_2378, %get3A_2379] {strides = array<i32>} : memref<2x128x128xf32, #tpu.memory_space<vmem>>, vector<16xf32>,
        %mul3A_2381 = arith.mulf %get3A_2380, %gather3A_2340 : vector<16xf32>
        %swap3A_2382 = arith.index_cast %select_n3A_2041 : i32 to index
        %swap3A_2383 = arith.index_cast %scan3A_2338 : i32 to index
        %swap3A_2384 = arith.constant 64 : index
        %swap3A_2385 = tpu.vector_load %arg19[%swap3A_2382, %swap3A_2383, %swap3A_2384] {strides = array<i32>} : memref<2x128x128xf32, #tpu.memory_space<vmem>>, vector<16xf32>,
        tpu.vector_store %arg19[%swap3A_2382, %swap3A_2383, %swap3A_2384], %mul3A_2381 {strides = array<i32>} : memref<2x128x128xf32, #tpu.memory_space<vmem>>, vector<16xf32>,
        %get3A_2386 = arith.index_cast %select_n3A_2041 : i32 to index
        %get3A_2387 = arith.index_cast %scan3A_2338 : i32 to index
        %get3A_2388 = arith.constant 80 : index
        %get3A_2389 = tpu.vector_load %arg19[%get3A_2386, %get3A_2387, %get3A_2388] {strides = array<i32>} : memref<2x128x128xf32, #tpu.memory_space<vmem>>, vector<16xf32>,
        %mul3A_2390 = arith.mulf %get3A_2389, %gather3A_2340 : vector<16xf32>
        %swap3A_2391 = arith.index_cast %select_n3A_2041 : i32 to index
        %swap3A_2392 = arith.index_cast %scan3A_2338 : i32 to index
        %swap3A_2393 = arith.constant 80 : index
        %swap3A_2394 = tpu.vector_load %arg19[%swap3A_2391, %swap3A_2392, %swap3A_2393] {strides = array<i32>} : memref<2x128x128xf32, #tpu.memory_space<vmem>>, vector<16xf32>,
        tpu.vector_store %arg19[%swap3A_2391, %swap3A_2392, %swap3A_2393], %mul3A_2390 {strides = array<i32>} : memref<2x128x128xf32, #tpu.memory_space<vmem>>, vector<16xf32>,
        %get3A_2395 = arith.index_cast %select_n3A_2041 : i32 to index
        %get3A_2396 = arith.index_cast %scan3A_2338 : i32 to index
        %get3A_2397 = arith.constant 96 : index
        %get3A_2398 = tpu.vector_load %arg19[%get3A_2395, %get3A_2396, %get3A_2397] {strides = array<i32>} : memref<2x128x128xf32, #tpu.memory_space<vmem>>, vector<16xf32>,
        %mul3A_2399 = arith.mulf %get3A_2398, %gather3A_2340 : vector<16xf32>
        %swap3A_2400 = arith.index_cast %select_n3A_2041 : i32 to index
        %swap3A_2401 = arith.index_cast %scan3A_2338 : i32 to index
        %swap3A_2402 = arith.constant 96 : index
        %swap3A_2403 = tpu.vector_load %arg19[%swap3A_2400, %swap3A_2401, %swap3A_2402] {strides = array<i32>} : memref<2x128x128xf32, #tpu.memory_space<vmem>>, vector<16xf32>,
        tpu.vector_store %arg19[%swap3A_2400, %swap3A_2401, %swap3A_2402], %mul3A_2399 {strides = array<i32>} : memref<2x128x128xf32, #tpu.memory_space<vmem>>, vector<16xf32>,
        %get3A_2404 = arith.index_cast %select_n3A_2041 : i32 to index
        %get3A_2405 = arith.index_cast %scan3A_2338 : i32 to index
        %get3A_2406 = arith.constant 112 : index
        %get3A_2407 = tpu.vector_load %arg19[%get3A_2404, %get3A_2405, %get3A_2406] {strides = array<i32>} : memref<2x128x128xf32, #tpu.memory_space<vmem>>, vector<16xf32>,
        %mul3A_2408 = arith.mulf %get3A_2407, %gather3A_2340 : vector<16xf32>
        %swap3A_2409 = arith.index_cast %select_n3A_2041 : i32 to index
        %swap3A_2410 = arith.index_cast %scan3A_2338 : i32 to index
        %swap3A_2411 = arith.constant 112 : index
        %swap3A_2412 = tpu.vector_load %arg19[%swap3A_2409, %swap3A_2410, %swap3A_2411] {strides = array<i32>} : memref<2x128x128xf32, #tpu.memory_space<vmem>>, vector<16xf32>,
        tpu.vector_store %arg19[%swap3A_2409, %swap3A_2410, %swap3A_2411], %mul3A_2408 {strides = array<i32>} : memref<2x128x128xf32, #tpu.memory_space<vmem>>, vector<16xf32>,
        %scan3A_2413 = arith.constant 2 : i32
        %scan3A_2414 = arith.addi %scan3A_2262, %scan3A_2413 : i32
        %broadcast_in_dim3A_2415 = vector.broadcast %scan3A_2414 : i32 to vector<16xi32>
        %gather3A_2416 = tpu.vector_load_idx %arg20[%broadcast_in_dim3A_2415] : memref<128xf32, #tpu.memory_space<vmem>>[vector<16xi32>], vector<16xf32>,
        %get3A_2417 = arith.index_cast %select_n3A_2041 : i32 to index
        %get3A_2418 = arith.index_cast %scan3A_2414 : i32 to index
        %get3A_2419 = arith.constant 0 : index
        %get3A_2420 = tpu.vector_load %arg19[%get3A_2417, %get3A_2418, %get3A_2419] {strides = array<i32>} : memref<2x128x128xf32, #tpu.memory_space<vmem>>, vector<16xf32>,
        %mul3A_2421 = arith.mulf %get3A_2420, %gather3A_2416 : vector<16xf32>
        %swap3A_2422 = arith.index_cast %select_n3A_2041 : i32 to index
        %swap3A_2423 = arith.index_cast %scan3A_2414 : i32 to index
        %swap3A_2424 = arith.constant 0 : index
        %swap3A_2425 = tpu.vector_load %arg19[%swap3A_2422, %swap3A_2423, %swap3A_2424] {strides = array<i32>} : memref<2x128x128xf32, #tpu.memory_space<vmem>>, vector<16xf32>,
        tpu.vector_store %arg19[%swap3A_2422, %swap3A_2423, %swap3A_2424], %mul3A_2421 {strides = array<i32>} : memref<2x128x128xf32, #tpu.memory_space<vmem>>, vector<16xf32>,
        %get3A_2426 = arith.index_cast %select_n3A_2041 : i32 to index
        %get3A_2427 = arith.index_cast %scan3A_2414 : i32 to index
        %get3A_2428 = arith.constant 16 : index
        %get3A_2429 = tpu.vector_load %arg19[%get3A_2426, %get3A_2427, %get3A_2428] {strides = array<i32>} : memref<2x128x128xf32, #tpu.memory_space<vmem>>, vector<16xf32>,
        %mul3A_2430 = arith.mulf %get3A_2429, %gather3A_2416 : vector<16xf32>
        %swap3A_2431 = arith.index_cast %select_n3A_2041 : i32 to index
        %swap3A_2432 = arith.index_cast %scan3A_2414 : i32 to index
        %swap3A_2433 = arith.constant 16 : index
        %swap3A_2434 = tpu.vector_load %arg19[%swap3A_2431, %swap3A_2432, %swap3A_2433] {strides = array<i32>} : memref<2x128x128xf32, #tpu.memory_space<vmem>>, vector<16xf32>,
        tpu.vector_store %arg19[%swap3A_2431, %swap3A_2432, %swap3A_2433], %mul3A_2430 {strides = array<i32>} : memref<2x128x128xf32, #tpu.memory_space<vmem>>, vector<16xf32>,
        %get3A_2435 = arith.index_cast %select_n3A_2041 : i32 to index
        %get3A_2436 = arith.index_cast %scan3A_2414 : i32 to index
        %get3A_2437 = arith.constant 32 : index
        %get3A_2438 = tpu.vector_load %arg19[%get3A_2435, %get3A_2436, %get3A_2437] {strides = array<i32>} : memref<2x128x128xf32, #tpu.memory_space<vmem>>, vector<16xf32>,
        %mul3A_2439 = arith.mulf %get3A_2438, %gather3A_2416 : vector<16xf32>
        %swap3A_2440 = arith.index_cast %select_n3A_2041 : i32 to index
        %swap3A_2441 = arith.index_cast %scan3A_2414 : i32 to index
        %swap3A_2442 = arith.constant 32 : index
        %swap3A_2443 = tpu.vector_load %arg19[%swap3A_2440, %swap3A_2441, %swap3A_2442] {strides = array<i32>} : memref<2x128x128xf32, #tpu.memory_space<vmem>>, vector<16xf32>,
        tpu.vector_store %arg19[%swap3A_2440, %swap3A_2441, %swap3A_2442], %mul3A_2439 {strides = array<i32>} : memref<2x128x128xf32, #tpu.memory_space<vmem>>, vector<16xf32>,
        %get3A_2444 = arith.index_cast %select_n3A_2041 : i32 to index
        %get3A_2445 = arith.index_cast %scan3A_2414 : i32 to index
        %get3A_2446 = arith.constant 48 : index
        %get3A_2447 = tpu.vector_load %arg19[%get3A_2444, %get3A_2445, %get3A_2446] {strides = array<i32>} : memref<2x128x128xf32, #tpu.memory_space<vmem>>, vector<16xf32>,
        %mul3A_2448 = arith.mulf %get3A_2447, %gather3A_2416 : vector<16xf32>
        %swap3A_2449 = arith.index_cast %select_n3A_2041 : i32 to index
        %swap3A_2450 = arith.index_cast %scan3A_2414 : i32 to index
        %swap3A_2451 = arith.constant 48 : index
        %swap3A_2452 = tpu.vector_load %arg19[%swap3A_2449, %swap3A_2450, %swap3A_2451] {strides = array<i32>} : memref<2x128x128xf32, #tpu.memory_space<vmem>>, vector<16xf32>,
        tpu.vector_store %arg19[%swap3A_2449, %swap3A_2450, %swap3A_2451], %mul3A_2448 {strides = array<i32>} : memref<2x128x128xf32, #tpu.memory_space<vmem>>, vector<16xf32>,
        %get3A_2453 = arith.index_cast %select_n3A_2041 : i32 to index
        %get3A_2454 = arith.index_cast %scan3A_2414 : i32 to index
        %get3A_2455 = arith.constant 64 : index
        %get3A_2456 = tpu.vector_load %arg19[%get3A_2453, %get3A_2454, %get3A_2455] {strides = array<i32>} : memref<2x128x128xf32, #tpu.memory_space<vmem>>, vector<16xf32>,
        %mul3A_2457 = arith.mulf %get3A_2456, %gather3A_2416 : vector<16xf32>
        %swap3A_2458 = arith.index_cast %select_n3A_2041 : i32 to index
        %swap3A_2459 = arith.index_cast %scan3A_2414 : i32 to index
        %swap3A_2460 = arith.constant 64 : index
        %swap3A_2461 = tpu.vector_load %arg19[%swap3A_2458, %swap3A_2459, %swap3A_2460] {strides = array<i32>} : memref<2x128x128xf32, #tpu.memory_space<vmem>>, vector<16xf32>,
        tpu.vector_store %arg19[%swap3A_2458, %swap3A_2459, %swap3A_2460], %mul3A_2457 {strides = array<i32>} : memref<2x128x128xf32, #tpu.memory_space<vmem>>, vector<16xf32>,
        %get3A_2462 = arith.index_cast %select_n3A_2041 : i32 to index
        %get3A_2463 = arith.index_cast %scan3A_2414 : i32 to index
        %get3A_2464 = arith.constant 80 : index
        %get3A_2465 = tpu.vector_load %arg19[%get3A_2462, %get3A_2463, %get3A_2464] {strides = array<i32>} : memref<2x128x128xf32, #tpu.memory_space<vmem>>, vector<16xf32>,
        %mul3A_2466 = arith.mulf %get3A_2465, %gather3A_2416 : vector<16xf32>
        %swap3A_2467 = arith.index_cast %select_n3A_2041 : i32 to index
        %swap3A_2468 = arith.index_cast %scan3A_2414 : i32 to index
        %swap3A_2469 = arith.constant 80 : index
        %swap3A_2470 = tpu.vector_load %arg19[%swap3A_2467, %swap3A_2468, %swap3A_2469] {strides = array<i32>} : memref<2x128x128xf32, #tpu.memory_space<vmem>>, vector<16xf32>,
        tpu.vector_store %arg19[%swap3A_2467, %swap3A_2468, %swap3A_2469], %mul3A_2466 {strides = array<i32>} : memref<2x128x128xf32, #tpu.memory_space<vmem>>, vector<16xf32>,
        %get3A_2471 = arith.index_cast %select_n3A_2041 : i32 to index
        %get3A_2472 = arith.index_cast %scan3A_2414 : i32 to index
        %get3A_2473 = arith.constant 96 : index
        %get3A_2474 = tpu.vector_load %arg19[%get3A_2471, %get3A_2472, %get3A_2473] {strides = array<i32>} : memref<2x128x128xf32, #tpu.memory_space<vmem>>, vector<16xf32>,
        %mul3A_2475 = arith.mulf %get3A_2474, %gather3A_2416 : vector<16xf32>
        %swap3A_2476 = arith.index_cast %select_n3A_2041 : i32 to index
        %swap3A_2477 = arith.index_cast %scan3A_2414 : i32 to index
        %swap3A_2478 = arith.constant 96 : index
        %swap3A_2479 = tpu.vector_load %arg19[%swap3A_2476, %swap3A_2477, %swap3A_2478] {strides = array<i32>} : memref<2x128x128xf32, #tpu.memory_space<vmem>>, vector<16xf32>,
        tpu.vector_store %arg19[%swap3A_2476, %swap3A_2477, %swap3A_2478], %mul3A_2475 {strides = array<i32>} : memref<2x128x128xf32, #tpu.memory_space<vmem>>, vector<16xf32>,
        %get3A_2480 = arith.index_cast %select_n3A_2041 : i32 to index
        %get3A_2481 = arith.index_cast %scan3A_2414 : i32 to index
        %get3A_2482 = arith.constant 112 : index
        %get3A_2483 = tpu.vector_load %arg19[%get3A_2480, %get3A_2481, %get3A_2482] {strides = array<i32>} : memref<2x128x128xf32, #tpu.memory_space<vmem>>, vector<16xf32>,
        %mul3A_2484 = arith.mulf %get3A_2483, %gather3A_2416 : vector<16xf32>
        %swap3A_2485 = arith.index_cast %select_n3A_2041 : i32 to index
        %swap3A_2486 = arith.index_cast %scan3A_2414 : i32 to index
        %swap3A_2487 = arith.constant 112 : index
        %swap3A_2488 = tpu.vector_load %arg19[%swap3A_2485, %swap3A_2486, %swap3A_2487] {strides = array<i32>} : memref<2x128x128xf32, #tpu.memory_space<vmem>>, vector<16xf32>,
        tpu.vector_store %arg19[%swap3A_2485, %swap3A_2486, %swap3A_2487], %mul3A_2484 {strides = array<i32>} : memref<2x128x128xf32, #tpu.memory_space<vmem>>, vector<16xf32>,
        %scan3A_2489 = arith.constant 3 : i32
        %scan3A_2490 = arith.addi %scan3A_2262, %scan3A_2489 : i32
        %broadcast_in_dim3A_2491 = vector.broadcast %scan3A_2490 : i32 to vector<16xi32>
        %gather3A_2492 = tpu.vector_load_idx %arg20[%broadcast_in_dim3A_2491] : memref<128xf32, #tpu.memory_space<vmem>>[vector<16xi32>], vector<16xf32>,
        %get3A_2493 = arith.index_cast %select_n3A_2041 : i32 to index
        %get3A_2494 = arith.index_cast %scan3A_2490 : i32 to index
        %get3A_2495 = arith.constant 0 : index
        %get3A_2496 = tpu.vector_load %arg19[%get3A_2493, %get3A_2494, %get3A_2495] {strides = array<i32>} : memref<2x128x128xf32, #tpu.memory_space<vmem>>, vector<16xf32>,
        %mul3A_2497 = arith.mulf %get3A_2496, %gather3A_2492 : vector<16xf32>
        %swap3A_2498 = arith.index_cast %select_n3A_2041 : i32 to index
        %swap3A_2499 = arith.index_cast %scan3A_2490 : i32 to index
        %swap3A_2500 = arith.constant 0 : index
        %swap3A_2501 = tpu.vector_load %arg19[%swap3A_2498, %swap3A_2499, %swap3A_2500] {strides = array<i32>} : memref<2x128x128xf32, #tpu.memory_space<vmem>>, vector<16xf32>,
        tpu.vector_store %arg19[%swap3A_2498, %swap3A_2499, %swap3A_2500], %mul3A_2497 {strides = array<i32>} : memref<2x128x128xf32, #tpu.memory_space<vmem>>, vector<16xf32>,
        %get3A_2502 = arith.index_cast %select_n3A_2041 : i32 to index
        %get3A_2503 = arith.index_cast %scan3A_2490 : i32 to index
        %get3A_2504 = arith.constant 16 : index
        %get3A_2505 = tpu.vector_load %arg19[%get3A_2502, %get3A_2503, %get3A_2504] {strides = array<i32>} : memref<2x128x128xf32, #tpu.memory_space<vmem>>, vector<16xf32>,
        %mul3A_2506 = arith.mulf %get3A_2505, %gather3A_2492 : vector<16xf32>
        %swap3A_2507 = arith.index_cast %select_n3A_2041 : i32 to index
        %swap3A_2508 = arith.index_cast %scan3A_2490 : i32 to index
        %swap3A_2509 = arith.constant 16 : index
        %swap3A_2510 = tpu.vector_load %arg19[%swap3A_2507, %swap3A_2508, %swap3A_2509] {strides = array<i32>} : memref<2x128x128xf32, #tpu.memory_space<vmem>>, vector<16xf32>,
        tpu.vector_store %arg19[%swap3A_2507, %swap3A_2508, %swap3A_2509], %mul3A_2506 {strides = array<i32>} : memref<2x128x128xf32, #tpu.memory_space<vmem>>, vector<16xf32>,
        %get3A_2511 = arith.index_cast %select_n3A_2041 : i32 to index
        %get3A_2512 = arith.index_cast %scan3A_2490 : i32 to index
        %get3A_2513 = arith.constant 32 : index
        %get3A_2514 = tpu.vector_load %arg19[%get3A_2511, %get3A_2512, %get3A_2513] {strides = array<i32>} : memref<2x128x128xf32, #tpu.memory_space<vmem>>, vector<16xf32>,
        %mul3A_2515 = arith.mulf %get3A_2514, %gather3A_2492 : vector<16xf32>
        %swap3A_2516 = arith.index_cast %select_n3A_2041 : i32 to index
        %swap3A_2517 = arith.index_cast %scan3A_2490 : i32 to index
        %swap3A_2518 = arith.constant 32 : index
        %swap3A_2519 = tpu.vector_load %arg19[%swap3A_2516, %swap3A_2517, %swap3A_2518] {strides = array<i32>} : memref<2x128x128xf32, #tpu.memory_space<vmem>>, vector<16xf32>,
        tpu.vector_store %arg19[%swap3A_2516, %swap3A_2517, %swap3A_2518], %mul3A_2515 {strides = array<i32>} : memref<2x128x128xf32, #tpu.memory_space<vmem>>, vector<16xf32>,
        %get3A_2520 = arith.index_cast %select_n3A_2041 : i32 to index
        %get3A_2521 = arith.index_cast %scan3A_2490 : i32 to index
        %get3A_2522 = arith.constant 48 : index
        %get3A_2523 = tpu.vector_load %arg19[%get3A_2520, %get3A_2521, %get3A_2522] {strides = array<i32>} : memref<2x128x128xf32, #tpu.memory_space<vmem>>, vector<16xf32>,
        %mul3A_2524 = arith.mulf %get3A_2523, %gather3A_2492 : vector<16xf32>
        %swap3A_2525 = arith.index_cast %select_n3A_2041 : i32 to index
        %swap3A_2526 = arith.index_cast %scan3A_2490 : i32 to index
        %swap3A_2527 = arith.constant 48 : index
        %swap3A_2528 = tpu.vector_load %arg19[%swap3A_2525, %swap3A_2526, %swap3A_2527] {strides = array<i32>} : memref<2x128x128xf32, #tpu.memory_space<vmem>>, vector<16xf32>,
        tpu.vector_store %arg19[%swap3A_2525, %swap3A_2526, %swap3A_2527], %mul3A_2524 {strides = array<i32>} : memref<2x128x128xf32, #tpu.memory_space<vmem>>, vector<16xf32>,
        %get3A_2529 = arith.index_cast %select_n3A_2041 : i32 to index
        %get3A_2530 = arith.index_cast %scan3A_2490 : i32 to index
        %get3A_2531 = arith.constant 64 : index
        %get3A_2532 = tpu.vector_load %arg19[%get3A_2529, %get3A_2530, %get3A_2531] {strides = array<i32>} : memref<2x128x128xf32, #tpu.memory_space<vmem>>, vector<16xf32>,
        %mul3A_2533 = arith.mulf %get3A_2532, %gather3A_2492 : vector<16xf32>
        %swap3A_2534 = arith.index_cast %select_n3A_2041 : i32 to index
        %swap3A_2535 = arith.index_cast %scan3A_2490 : i32 to index
        %swap3A_2536 = arith.constant 64 : index
        %swap3A_2537 = tpu.vector_load %arg19[%swap3A_2534, %swap3A_2535, %swap3A_2536] {strides = array<i32>} : memref<2x128x128xf32, #tpu.memory_space<vmem>>, vector<16xf32>,
        tpu.vector_store %arg19[%swap3A_2534, %swap3A_2535, %swap3A_2536], %mul3A_2533 {strides = array<i32>} : memref<2x128x128xf32, #tpu.memory_space<vmem>>, vector<16xf32>,
        %get3A_2538 = arith.index_cast %select_n3A_2041 : i32 to index
        %get3A_2539 = arith.index_cast %scan3A_2490 : i32 to index
        %get3A_2540 = arith.constant 80 : index
        %get3A_2541 = tpu.vector_load %arg19[%get3A_2538, %get3A_2539, %get3A_2540] {strides = array<i32>} : memref<2x128x128xf32, #tpu.memory_space<vmem>>, vector<16xf32>,
        %mul3A_2542 = arith.mulf %get3A_2541, %gather3A_2492 : vector<16xf32>
        %swap3A_2543 = arith.index_cast %select_n3A_2041 : i32 to index
        %swap3A_2544 = arith.index_cast %scan3A_2490 : i32 to index
        %swap3A_2545 = arith.constant 80 : index
        %swap3A_2546 = tpu.vector_load %arg19[%swap3A_2543, %swap3A_2544, %swap3A_2545] {strides = array<i32>} : memref<2x128x128xf32, #tpu.memory_space<vmem>>, vector<16xf32>,
        tpu.vector_store %arg19[%swap3A_2543, %swap3A_2544, %swap3A_2545], %mul3A_2542 {strides = array<i32>} : memref<2x128x128xf32, #tpu.memory_space<vmem>>, vector<16xf32>,
        %get3A_2547 = arith.index_cast %select_n3A_2041 : i32 to index
        %get3A_2548 = arith.index_cast %scan3A_2490 : i32 to index
        %get3A_2549 = arith.constant 96 : index
        %get3A_2550 = tpu.vector_load %arg19[%get3A_2547, %get3A_2548, %get3A_2549] {strides = array<i32>} : memref<2x128x128xf32, #tpu.memory_space<vmem>>, vector<16xf32>,
        %mul3A_2551 = arith.mulf %get3A_2550, %gather3A_2492 : vector<16xf32>
        %swap3A_2552 = arith.index_cast %select_n3A_2041 : i32 to index
        %swap3A_2553 = arith.index_cast %scan3A_2490 : i32 to index
        %swap3A_2554 = arith.constant 96 : index
        %swap3A_2555 = tpu.vector_load %arg19[%swap3A_2552, %swap3A_2553, %swap3A_2554] {strides = array<i32>} : memref<2x128x128xf32, #tpu.memory_space<vmem>>, vector<16xf32>,
        tpu.vector_store %arg19[%swap3A_2552, %swap3A_2553, %swap3A_2554], %mul3A_2551 {strides = array<i32>} : memref<2x128x128xf32, #tpu.memory_space<vmem>>, vector<16xf32>,
        %get3A_2556 = arith.index_cast %select_n3A_2041 : i32 to index
        %get3A_2557 = arith.index_cast %scan3A_2490 : i32 to index
        %get3A_2558 = arith.constant 112 : index
        %get3A_2559 = tpu.vector_load %arg19[%get3A_2556, %get3A_2557, %get3A_2558] {strides = array<i32>} : memref<2x128x128xf32, #tpu.memory_space<vmem>>, vector<16xf32>,
        %mul3A_2560 = arith.mulf %get3A_2559, %gather3A_2492 : vector<16xf32>
        %swap3A_2561 = arith.index_cast %select_n3A_2041 : i32 to index
        %swap3A_2562 = arith.index_cast %scan3A_2490 : i32 to index
        %swap3A_2563 = arith.constant 112 : index
        %swap3A_2564 = tpu.vector_load %arg19[%swap3A_2561, %swap3A_2562, %swap3A_2563] {strides = array<i32>} : memref<2x128x128xf32, #tpu.memory_space<vmem>>, vector<16xf32>,
        tpu.vector_store %arg19[%swap3A_2561, %swap3A_2562, %swap3A_2563], %mul3A_2560 {strides = array<i32>} : memref<2x128x128xf32, #tpu.memory_space<vmem>>, vector<16xf32>,
        %scan3A_2565 = arith.constant 4 : i32
        %scan3A_2566 = arith.addi %scan3A_2262, %scan3A_2565 : i32
        %broadcast_in_dim3A_2567 = vector.broadcast %scan3A_2566 : i32 to vector<16xi32>
        %gather3A_2568 = tpu.vector_load_idx %arg20[%broadcast_in_dim3A_2567] : memref<128xf32, #tpu.memory_space<vmem>>[vector<16xi32>], vector<16xf32>,
        %get3A_2569 = arith.index_cast %select_n3A_2041 : i32 to index
        %get3A_2570 = arith.index_cast %scan3A_2566 : i32 to index
        %get3A_2571 = arith.constant 0 : index
        %get3A_2572 = tpu.vector_load %arg19[%get3A_2569, %get3A_2570, %get3A_2571] {strides = array<i32>} : memref<2x128x128xf32, #tpu.memory_space<vmem>>, vector<16xf32>,
        %mul3A_2573 = arith.mulf %get3A_2572, %gather3A_2568 : vector<16xf32>
        %swap3A_2574 = arith.index_cast %select_n3A_2041 : i32 to index
        %swap3A_2575 = arith.index_cast %scan3A_2566 : i32 to index
        %swap3A_2576 = arith.constant 0 : index
        %swap3A_2577 = tpu.vector_load %arg19[%swap3A_2574, %swap3A_2575, %swap3A_2576] {strides = array<i32>} : memref<2x128x128xf32, #tpu.memory_space<vmem>>, vector<16xf32>,
        tpu.vector_store %arg19[%swap3A_2574, %swap3A_2575, %swap3A_2576], %mul3A_2573 {strides = array<i32>} : memref<2x128x128xf32, #tpu.memory_space<vmem>>, vector<16xf32>,
        %get3A_2578 = arith.index_cast %select_n3A_2041 : i32 to index
        %get3A_2579 = arith.index_cast %scan3A_2566 : i32 to index
        %get3A_2580 = arith.constant 16 : index
        %get3A_2581 = tpu.vector_load %arg19[%get3A_2578, %get3A_2579, %get3A_2580] {strides = array<i32>} : memref<2x128x128xf32, #tpu.memory_space<vmem>>, vector<16xf32>,
        %mul3A_2582 = arith.mulf %get3A_2581, %gather3A_2568 : vector<16xf32>
        %swap3A_2583 = arith.index_cast %select_n3A_2041 : i32 to index
        %swap3A_2584 = arith.index_cast %scan3A_2566 : i32 to index
        %swap3A_2585 = arith.constant 16 : index
        %swap3A_2586 = tpu.vector_load %arg19[%swap3A_2583, %swap3A_2584, %swap3A_2585] {strides = array<i32>} : memref<2x128x128xf32, #tpu.memory_space<vmem>>, vector<16xf32>,
        tpu.vector_store %arg19[%swap3A_2583, %swap3A_2584, %swap3A_2585], %mul3A_2582 {strides = array<i32>} : memref<2x128x128xf32, #tpu.memory_space<vmem>>, vector<16xf32>,
        %get3A_2587 = arith.index_cast %select_n3A_2041 : i32 to index
        %get3A_2588 = arith.index_cast %scan3A_2566 : i32 to index
        %get3A_2589 = arith.constant 32 : index
        %get3A_2590 = tpu.vector_load %arg19[%get3A_2587, %get3A_2588, %get3A_2589] {strides = array<i32>} : memref<2x128x128xf32, #tpu.memory_space<vmem>>, vector<16xf32>,
        %mul3A_2591 = arith.mulf %get3A_2590, %gather3A_2568 : vector<16xf32>
        %swap3A_2592 = arith.index_cast %select_n3A_2041 : i32 to index
        %swap3A_2593 = arith.index_cast %scan3A_2566 : i32 to index
        %swap3A_2594 = arith.constant 32 : index
        %swap3A_2595 = tpu.vector_load %arg19[%swap3A_2592, %swap3A_2593, %swap3A_2594] {strides = array<i32>} : memref<2x128x128xf32, #tpu.memory_space<vmem>>, vector<16xf32>,
        tpu.vector_store %arg19[%swap3A_2592, %swap3A_2593, %swap3A_2594], %mul3A_2591 {strides = array<i32>} : memref<2x128x128xf32, #tpu.memory_space<vmem>>, vector<16xf32>,
        %get3A_2596 = arith.index_cast %select_n3A_2041 : i32 to index
        %get3A_2597 = arith.index_cast %scan3A_2566 : i32 to index
        %get3A_2598 = arith.constant 48 : index
        %get3A_2599 = tpu.vector_load %arg19[%get3A_2596, %get3A_2597, %get3A_2598] {strides = array<i32>} : memref<2x128x128xf32, #tpu.memory_space<vmem>>, vector<16xf32>,
        %mul3A_2600 = arith.mulf %get3A_2599, %gather3A_2568 : vector<16xf32>
        %swap3A_2601 = arith.index_cast %select_n3A_2041 : i32 to index
        %swap3A_2602 = arith.index_cast %scan3A_2566 : i32 to index
        %swap3A_2603 = arith.constant 48 : index
        %swap3A_2604 = tpu.vector_load %arg19[%swap3A_2601, %swap3A_2602, %swap3A_2603] {strides = array<i32>} : memref<2x128x128xf32, #tpu.memory_space<vmem>>, vector<16xf32>,
        tpu.vector_store %arg19[%swap3A_2601, %swap3A_2602, %swap3A_2603], %mul3A_2600 {strides = array<i32>} : memref<2x128x128xf32, #tpu.memory_space<vmem>>, vector<16xf32>,
        %get3A_2605 = arith.index_cast %select_n3A_2041 : i32 to index
        %get3A_2606 = arith.index_cast %scan3A_2566 : i32 to index
        %get3A_2607 = arith.constant 64 : index
        %get3A_2608 = tpu.vector_load %arg19[%get3A_2605, %get3A_2606, %get3A_2607] {strides = array<i32>} : memref<2x128x128xf32, #tpu.memory_space<vmem>>, vector<16xf32>,
        %mul3A_2609 = arith.mulf %get3A_2608, %gather3A_2568 : vector<16xf32>
        %swap3A_2610 = arith.index_cast %select_n3A_2041 : i32 to index
        %swap3A_2611 = arith.index_cast %scan3A_2566 : i32 to index
        %swap3A_2612 = arith.constant 64 : index
        %swap3A_2613 = tpu.vector_load %arg19[%swap3A_2610, %swap3A_2611, %swap3A_2612] {strides = array<i32>} : memref<2x128x128xf32, #tpu.memory_space<vmem>>, vector<16xf32>,
        tpu.vector_store %arg19[%swap3A_2610, %swap3A_2611, %swap3A_2612], %mul3A_2609 {strides = array<i32>} : memref<2x128x128xf32, #tpu.memory_space<vmem>>, vector<16xf32>,
        %get3A_2614 = arith.index_cast %select_n3A_2041 : i32 to index
        %get3A_2615 = arith.index_cast %scan3A_2566 : i32 to index
        %get3A_2616 = arith.constant 80 : index
        %get3A_2617 = tpu.vector_load %arg19[%get3A_2614, %get3A_2615, %get3A_2616] {strides = array<i32>} : memref<2x128x128xf32, #tpu.memory_space<vmem>>, vector<16xf32>,
        %mul3A_2618 = arith.mulf %get3A_2617, %gather3A_2568 : vector<16xf32>
        %swap3A_2619 = arith.index_cast %select_n3A_2041 : i32 to index
        %swap3A_2620 = arith.index_cast %scan3A_2566 : i32 to index
        %swap3A_2621 = arith.constant 80 : index
        %swap3A_2622 = tpu.vector_load %arg19[%swap3A_2619, %swap3A_2620, %swap3A_2621] {strides = array<i32>} : memref<2x128x128xf32, #tpu.memory_space<vmem>>, vector<16xf32>,
        tpu.vector_store %arg19[%swap3A_2619, %swap3A_2620, %swap3A_2621], %mul3A_2618 {strides = array<i32>} : memref<2x128x128xf32, #tpu.memory_space<vmem>>, vector<16xf32>,
        %get3A_2623 = arith.index_cast %select_n3A_2041 : i32 to index
        %get3A_2624 = arith.index_cast %scan3A_2566 : i32 to index
        %get3A_2625 = arith.constant 96 : index
        %get3A_2626 = tpu.vector_load %arg19[%get3A_2623, %get3A_2624, %get3A_2625] {strides = array<i32>} : memref<2x128x128xf32, #tpu.memory_space<vmem>>, vector<16xf32>,
        %mul3A_2627 = arith.mulf %get3A_2626, %gather3A_2568 : vector<16xf32>
        %swap3A_2628 = arith.index_cast %select_n3A_2041 : i32 to index
        %swap3A_2629 = arith.index_cast %scan3A_2566 : i32 to index
        %swap3A_2630 = arith.constant 96 : index
        %swap3A_2631 = tpu.vector_load %arg19[%swap3A_2628, %swap3A_2629, %swap3A_2630] {strides = array<i32>} : memref<2x128x128xf32, #tpu.memory_space<vmem>>, vector<16xf32>,
        tpu.vector_store %arg19[%swap3A_2628, %swap3A_2629, %swap3A_2630], %mul3A_2627 {strides = array<i32>} : memref<2x128x128xf32, #tpu.memory_space<vmem>>, vector<16xf32>,
        %get3A_2632 = arith.index_cast %select_n3A_2041 : i32 to index
        %get3A_2633 = arith.index_cast %scan3A_2566 : i32 to index
        %get3A_2634 = arith.constant 112 : index
        %get3A_2635 = tpu.vector_load %arg19[%get3A_2632, %get3A_2633, %get3A_2634] {strides = array<i32>} : memref<2x128x128xf32, #tpu.memory_space<vmem>>, vector<16xf32>,
        %mul3A_2636 = arith.mulf %get3A_2635, %gather3A_2568 : vector<16xf32>
        %swap3A_2637 = arith.index_cast %select_n3A_2041 : i32 to index
        %swap3A_2638 = arith.index_cast %scan3A_2566 : i32 to index
        %swap3A_2639 = arith.constant 112 : index
        %swap3A_2640 = tpu.vector_load %arg19[%swap3A_2637, %swap3A_2638, %swap3A_2639] {strides = array<i32>} : memref<2x128x128xf32, #tpu.memory_space<vmem>>, vector<16xf32>,
        tpu.vector_store %arg19[%swap3A_2637, %swap3A_2638, %swap3A_2639], %mul3A_2636 {strides = array<i32>} : memref<2x128x128xf32, #tpu.memory_space<vmem>>, vector<16xf32>,
        %scan3A_2641 = arith.constant 5 : i32
        %scan3A_2642 = arith.addi %scan3A_2262, %scan3A_2641 : i32
        %broadcast_in_dim3A_2643 = vector.broadcast %scan3A_2642 : i32 to vector<16xi32>
        %gather3A_2644 = tpu.vector_load_idx %arg20[%broadcast_in_dim3A_2643] : memref<128xf32, #tpu.memory_space<vmem>>[vector<16xi32>], vector<16xf32>,
        %get3A_2645 = arith.index_cast %select_n3A_2041 : i32 to index
        %get3A_2646 = arith.index_cast %scan3A_2642 : i32 to index
        %get3A_2647 = arith.constant 0 : index
        %get3A_2648 = tpu.vector_load %arg19[%get3A_2645, %get3A_2646, %get3A_2647] {strides = array<i32>} : memref<2x128x128xf32, #tpu.memory_space<vmem>>, vector<16xf32>,
        %mul3A_2649 = arith.mulf %get3A_2648, %gather3A_2644 : vector<16xf32>
        %swap3A_2650 = arith.index_cast %select_n3A_2041 : i32 to index
        %swap3A_2651 = arith.index_cast %scan3A_2642 : i32 to index
        %swap3A_2652 = arith.constant 0 : index
        %swap3A_2653 = tpu.vector_load %arg19[%swap3A_2650, %swap3A_2651, %swap3A_2652] {strides = array<i32>} : memref<2x128x128xf32, #tpu.memory_space<vmem>>, vector<16xf32>,
        tpu.vector_store %arg19[%swap3A_2650, %swap3A_2651, %swap3A_2652], %mul3A_2649 {strides = array<i32>} : memref<2x128x128xf32, #tpu.memory_space<vmem>>, vector<16xf32>,
        %get3A_2654 = arith.index_cast %select_n3A_2041 : i32 to index
        %get3A_2655 = arith.index_cast %scan3A_2642 : i32 to index
        %get3A_2656 = arith.constant 16 : index
        %get3A_2657 = tpu.vector_load %arg19[%get3A_2654, %get3A_2655, %get3A_2656] {strides = array<i32>} : memref<2x128x128xf32, #tpu.memory_space<vmem>>, vector<16xf32>,
        %mul3A_2658 = arith.mulf %get3A_2657, %gather3A_2644 : vector<16xf32>
        %swap3A_2659 = arith.index_cast %select_n3A_2041 : i32 to index
        %swap3A_2660 = arith.index_cast %scan3A_2642 : i32 to index
        %swap3A_2661 = arith.constant 16 : index
        %swap3A_2662 = tpu.vector_load %arg19[%swap3A_2659, %swap3A_2660, %swap3A_2661] {strides = array<i32>} : memref<2x128x128xf32, #tpu.memory_space<vmem>>, vector<16xf32>,
        tpu.vector_store %arg19[%swap3A_2659, %swap3A_2660, %swap3A_2661], %mul3A_2658 {strides = array<i32>} : memref<2x128x128xf32, #tpu.memory_space<vmem>>, vector<16xf32>,
        %get3A_2663 = arith.index_cast %select_n3A_2041 : i32 to index
        %get3A_2664 = arith.index_cast %scan3A_2642 : i32 to index
        %get3A_2665 = arith.constant 32 : index
        %get3A_2666 = tpu.vector_load %arg19[%get3A_2663, %get3A_2664, %get3A_2665] {strides = array<i32>} : memref<2x128x128xf32, #tpu.memory_space<vmem>>, vector<16xf32>,
        %mul3A_2667 = arith.mulf %get3A_2666, %gather3A_2644 : vector<16xf32>
        %swap3A_2668 = arith.index_cast %select_n3A_2041 : i32 to index
        %swap3A_2669 = arith.index_cast %scan3A_2642 : i32 to index
        %swap3A_2670 = arith.constant 32 : index
        %swap3A_2671 = tpu.vector_load %arg19[%swap3A_2668, %swap3A_2669, %swap3A_2670] {strides = array<i32>} : memref<2x128x128xf32, #tpu.memory_space<vmem>>, vector<16xf32>,
        tpu.vector_store %arg19[%swap3A_2668, %swap3A_2669, %swap3A_2670], %mul3A_2667 {strides = array<i32>} : memref<2x128x128xf32, #tpu.memory_space<vmem>>, vector<16xf32>,
        %get3A_2672 = arith.index_cast %select_n3A_2041 : i32 to index
        %get3A_2673 = arith.index_cast %scan3A_2642 : i32 to index
        %get3A_2674 = arith.constant 48 : index
        %get3A_2675 = tpu.vector_load %arg19[%get3A_2672, %get3A_2673, %get3A_2674] {strides = array<i32>} : memref<2x128x128xf32, #tpu.memory_space<vmem>>, vector<16xf32>,
        %mul3A_2676 = arith.mulf %get3A_2675, %gather3A_2644 : vector<16xf32>
        %swap3A_2677 = arith.index_cast %select_n3A_2041 : i32 to index
        %swap3A_2678 = arith.index_cast %scan3A_2642 : i32 to index
        %swap3A_2679 = arith.constant 48 : index
        %swap3A_2680 = tpu.vector_load %arg19[%swap3A_2677, %swap3A_2678, %swap3A_2679] {strides = array<i32>} : memref<2x128x128xf32, #tpu.memory_space<vmem>>, vector<16xf32>,
        tpu.vector_store %arg19[%swap3A_2677, %swap3A_2678, %swap3A_2679], %mul3A_2676 {strides = array<i32>} : memref<2x128x128xf32, #tpu.memory_space<vmem>>, vector<16xf32>,
        %get3A_2681 = arith.index_cast %select_n3A_2041 : i32 to index
        %get3A_2682 = arith.index_cast %scan3A_2642 : i32 to index
        %get3A_2683 = arith.constant 64 : index
        %get3A_2684 = tpu.vector_load %arg19[%get3A_2681, %get3A_2682, %get3A_2683] {strides = array<i32>} : memref<2x128x128xf32, #tpu.memory_space<vmem>>, vector<16xf32>,
        %mul3A_2685 = arith.mulf %get3A_2684, %gather3A_2644 : vector<16xf32>
        %swap3A_2686 = arith.index_cast %select_n3A_2041 : i32 to index
        %swap3A_2687 = arith.index_cast %scan3A_2642 : i32 to index
        %swap3A_2688 = arith.constant 64 : index
        %swap3A_2689 = tpu.vector_load %arg19[%swap3A_2686, %swap3A_2687, %swap3A_2688] {strides = array<i32>} : memref<2x128x128xf32, #tpu.memory_space<vmem>>, vector<16xf32>,
        tpu.vector_store %arg19[%swap3A_2686, %swap3A_2687, %swap3A_2688], %mul3A_2685 {strides = array<i32>} : memref<2x128x128xf32, #tpu.memory_space<vmem>>, vector<16xf32>,
        %get3A_2690 = arith.index_cast %select_n3A_2041 : i32 to index
        %get3A_2691 = arith.index_cast %scan3A_2642 : i32 to index
        %get3A_2692 = arith.constant 80 : index
        %get3A_2693 = tpu.vector_load %arg19[%get3A_2690, %get3A_2691, %get3A_2692] {strides = array<i32>} : memref<2x128x128xf32, #tpu.memory_space<vmem>>, vector<16xf32>,
        %mul3A_2694 = arith.mulf %get3A_2693, %gather3A_2644 : vector<16xf32>
        %swap3A_2695 = arith.index_cast %select_n3A_2041 : i32 to index
        %swap3A_2696 = arith.index_cast %scan3A_2642 : i32 to index
        %swap3A_2697 = arith.constant 80 : index
        %swap3A_2698 = tpu.vector_load %arg19[%swap3A_2695, %swap3A_2696, %swap3A_2697] {strides = array<i32>} : memref<2x128x128xf32, #tpu.memory_space<vmem>>, vector<16xf32>,
        tpu.vector_store %arg19[%swap3A_2695, %swap3A_2696, %swap3A_2697], %mul3A_2694 {strides = array<i32>} : memref<2x128x128xf32, #tpu.memory_space<vmem>>, vector<16xf32>,
        %get3A_2699 = arith.index_cast %select_n3A_2041 : i32 to index
        %get3A_2700 = arith.index_cast %scan3A_2642 : i32 to index
        %get3A_2701 = arith.constant 96 : index
        %get3A_2702 = tpu.vector_load %arg19[%get3A_2699, %get3A_2700, %get3A_2701] {strides = array<i32>} : memref<2x128x128xf32, #tpu.memory_space<vmem>>, vector<16xf32>,
        %mul3A_2703 = arith.mulf %get3A_2702, %gather3A_2644 : vector<16xf32>
        %swap3A_2704 = arith.index_cast %select_n3A_2041 : i32 to index
        %swap3A_2705 = arith.index_cast %scan3A_2642 : i32 to index
        %swap3A_2706 = arith.constant 96 : index
        %swap3A_2707 = tpu.vector_load %arg19[%swap3A_2704, %swap3A_2705, %swap3A_2706] {strides = array<i32>} : memref<2x128x128xf32, #tpu.memory_space<vmem>>, vector<16xf32>,
        tpu.vector_store %arg19[%swap3A_2704, %swap3A_2705, %swap3A_2706], %mul3A_2703 {strides = array<i32>} : memref<2x128x128xf32, #tpu.memory_space<vmem>>, vector<16xf32>,
        %get3A_2708 = arith.index_cast %select_n3A_2041 : i32 to index
        %get3A_2709 = arith.index_cast %scan3A_2642 : i32 to index
        %get3A_2710 = arith.constant 112 : index
        %get3A_2711 = tpu.vector_load %arg19[%get3A_2708, %get3A_2709, %get3A_2710] {strides = array<i32>} : memref<2x128x128xf32, #tpu.memory_space<vmem>>, vector<16xf32>,
        %mul3A_2712 = arith.mulf %get3A_2711, %gather3A_2644 : vector<16xf32>
        %swap3A_2713 = arith.index_cast %select_n3A_2041 : i32 to index
        %swap3A_2714 = arith.index_cast %scan3A_2642 : i32 to index
        %swap3A_2715 = arith.constant 112 : index
        %swap3A_2716 = tpu.vector_load %arg19[%swap3A_2713, %swap3A_2714, %swap3A_2715] {strides = array<i32>} : memref<2x128x128xf32, #tpu.memory_space<vmem>>, vector<16xf32>,
        tpu.vector_store %arg19[%swap3A_2713, %swap3A_2714, %swap3A_2715], %mul3A_2712 {strides = array<i32>} : memref<2x128x128xf32, #tpu.memory_space<vmem>>, vector<16xf32>,
        %scan3A_2717 = arith.constant 6 : i32
        %scan3A_2718 = arith.addi %scan3A_2262, %scan3A_2717 : i32
        %broadcast_in_dim3A_2719 = vector.broadcast %scan3A_2718 : i32 to vector<16xi32>
        %gather3A_2720 = tpu.vector_load_idx %arg20[%broadcast_in_dim3A_2719] : memref<128xf32, #tpu.memory_space<vmem>>[vector<16xi32>], vector<16xf32>,
        %get3A_2721 = arith.index_cast %select_n3A_2041 : i32 to index
        %get3A_2722 = arith.index_cast %scan3A_2718 : i32 to index
        %get3A_2723 = arith.constant 0 : index
        %get3A_2724 = tpu.vector_load %arg19[%get3A_2721, %get3A_2722, %get3A_2723] {strides = array<i32>} : memref<2x128x128xf32, #tpu.memory_space<vmem>>, vector<16xf32>,
        %mul3A_2725 = arith.mulf %get3A_2724, %gather3A_2720 : vector<16xf32>
        %swap3A_2726 = arith.index_cast %select_n3A_2041 : i32 to index
        %swap3A_2727 = arith.index_cast %scan3A_2718 : i32 to index
        %swap3A_2728 = arith.constant 0 : index
        %swap3A_2729 = tpu.vector_load %arg19[%swap3A_2726, %swap3A_2727, %swap3A_2728] {strides = array<i32>} : memref<2x128x128xf32, #tpu.memory_space<vmem>>, vector<16xf32>,
        tpu.vector_store %arg19[%swap3A_2726, %swap3A_2727, %swap3A_2728], %mul3A_2725 {strides = array<i32>} : memref<2x128x128xf32, #tpu.memory_space<vmem>>, vector<16xf32>,
        %get3A_2730 = arith.index_cast %select_n3A_2041 : i32 to index
        %get3A_2731 = arith.index_cast %scan3A_2718 : i32 to index
        %get3A_2732 = arith.constant 16 : index
        %get3A_2733 = tpu.vector_load %arg19[%get3A_2730, %get3A_2731, %get3A_2732] {strides = array<i32>} : memref<2x128x128xf32, #tpu.memory_space<vmem>>, vector<16xf32>,
        %mul3A_2734 = arith.mulf %get3A_2733, %gather3A_2720 : vector<16xf32>
        %swap3A_2735 = arith.index_cast %select_n3A_2041 : i32 to index
        %swap3A_2736 = arith.index_cast %scan3A_2718 : i32 to index
        %swap3A_2737 = arith.constant 16 : index
        %swap3A_2738 = tpu.vector_load %arg19[%swap3A_2735, %swap3A_2736, %swap3A_2737] {strides = array<i32>} : memref<2x128x128xf32, #tpu.memory_space<vmem>>, vector<16xf32>,
        tpu.vector_store %arg19[%swap3A_2735, %swap3A_2736, %swap3A_2737], %mul3A_2734 {strides = array<i32>} : memref<2x128x128xf32, #tpu.memory_space<vmem>>, vector<16xf32>,
        %get3A_2739 = arith.index_cast %select_n3A_2041 : i32 to index
        %get3A_2740 = arith.index_cast %scan3A_2718 : i32 to index
        %get3A_2741 = arith.constant 32 : index
        %get3A_2742 = tpu.vector_load %arg19[%get3A_2739, %get3A_2740, %get3A_2741] {strides = array<i32>} : memref<2x128x128xf32, #tpu.memory_space<vmem>>, vector<16xf32>,
        %mul3A_2743 = arith.mulf %get3A_2742, %gather3A_2720 : vector<16xf32>
        %swap3A_2744 = arith.index_cast %select_n3A_2041 : i32 to index
        %swap3A_2745 = arith.index_cast %scan3A_2718 : i32 to index
        %swap3A_2746 = arith.constant 32 : index
        %swap3A_2747 = tpu.vector_load %arg19[%swap3A_2744, %swap3A_2745, %swap3A_2746] {strides = array<i32>} : memref<2x128x128xf32, #tpu.memory_space<vmem>>, vector<16xf32>,
        tpu.vector_store %arg19[%swap3A_2744, %swap3A_2745, %swap3A_2746], %mul3A_2743 {strides = array<i32>} : memref<2x128x128xf32, #tpu.memory_space<vmem>>, vector<16xf32>,
        %get3A_2748 = arith.index_cast %select_n3A_2041 : i32 to index
        %get3A_2749 = arith.index_cast %scan3A_2718 : i32 to index
        %get3A_2750 = arith.constant 48 : index
        %get3A_2751 = tpu.vector_load %arg19[%get3A_2748, %get3A_2749, %get3A_2750] {strides = array<i32>} : memref<2x128x128xf32, #tpu.memory_space<vmem>>, vector<16xf32>,
        %mul3A_2752 = arith.mulf %get3A_2751, %gather3A_2720 : vector<16xf32>
        %swap3A_2753 = arith.index_cast %select_n3A_2041 : i32 to index
        %swap3A_2754 = arith.index_cast %scan3A_2718 : i32 to index
        %swap3A_2755 = arith.constant 48 : index
        %swap3A_2756 = tpu.vector_load %arg19[%swap3A_2753, %swap3A_2754, %swap3A_2755] {strides = array<i32>} : memref<2x128x128xf32, #tpu.memory_space<vmem>>, vector<16xf32>,
        tpu.vector_store %arg19[%swap3A_2753, %swap3A_2754, %swap3A_2755], %mul3A_2752 {strides = array<i32>} : memref<2x128x128xf32, #tpu.memory_space<vmem>>, vector<16xf32>,
        %get3A_2757 = arith.index_cast %select_n3A_2041 : i32 to index
        %get3A_2758 = arith.index_cast %scan3A_2718 : i32 to index
        %get3A_2759 = arith.constant 64 : index
        %get3A_2760 = tpu.vector_load %arg19[%get3A_2757, %get3A_2758, %get3A_2759] {strides = array<i32>} : memref<2x128x128xf32, #tpu.memory_space<vmem>>, vector<16xf32>,
        %mul3A_2761 = arith.mulf %get3A_2760, %gather3A_2720 : vector<16xf32>
        %swap3A_2762 = arith.index_cast %select_n3A_2041 : i32 to index
        %swap3A_2763 = arith.index_cast %scan3A_2718 : i32 to index
        %swap3A_2764 = arith.constant 64 : index
        %swap3A_2765 = tpu.vector_load %arg19[%swap3A_2762, %swap3A_2763, %swap3A_2764] {strides = array<i32>} : memref<2x128x128xf32, #tpu.memory_space<vmem>>, vector<16xf32>,
        tpu.vector_store %arg19[%swap3A_2762, %swap3A_2763, %swap3A_2764], %mul3A_2761 {strides = array<i32>} : memref<2x128x128xf32, #tpu.memory_space<vmem>>, vector<16xf32>,
        %get3A_2766 = arith.index_cast %select_n3A_2041 : i32 to index
        %get3A_2767 = arith.index_cast %scan3A_2718 : i32 to index
        %get3A_2768 = arith.constant 80 : index
        %get3A_2769 = tpu.vector_load %arg19[%get3A_2766, %get3A_2767, %get3A_2768] {strides = array<i32>} : memref<2x128x128xf32, #tpu.memory_space<vmem>>, vector<16xf32>,
        %mul3A_2770 = arith.mulf %get3A_2769, %gather3A_2720 : vector<16xf32>
        %swap3A_2771 = arith.index_cast %select_n3A_2041 : i32 to index
        %swap3A_2772 = arith.index_cast %scan3A_2718 : i32 to index
        %swap3A_2773 = arith.constant 80 : index
        %swap3A_2774 = tpu.vector_load %arg19[%swap3A_2771, %swap3A_2772, %swap3A_2773] {strides = array<i32>} : memref<2x128x128xf32, #tpu.memory_space<vmem>>, vector<16xf32>,
        tpu.vector_store %arg19[%swap3A_2771, %swap3A_2772, %swap3A_2773], %mul3A_2770 {strides = array<i32>} : memref<2x128x128xf32, #tpu.memory_space<vmem>>, vector<16xf32>,
        %get3A_2775 = arith.index_cast %select_n3A_2041 : i32 to index
        %get3A_2776 = arith.index_cast %scan3A_2718 : i32 to index
        %get3A_2777 = arith.constant 96 : index
        %get3A_2778 = tpu.vector_load %arg19[%get3A_2775, %get3A_2776, %get3A_2777] {strides = array<i32>} : memref<2x128x128xf32, #tpu.memory_space<vmem>>, vector<16xf32>,
        %mul3A_2779 = arith.mulf %get3A_2778, %gather3A_2720 : vector<16xf32>
        %swap3A_2780 = arith.index_cast %select_n3A_2041 : i32 to index
        %swap3A_2781 = arith.index_cast %scan3A_2718 : i32 to index
        %swap3A_2782 = arith.constant 96 : index
        %swap3A_2783 = tpu.vector_load %arg19[%swap3A_2780, %swap3A_2781, %swap3A_2782] {strides = array<i32>} : memref<2x128x128xf32, #tpu.memory_space<vmem>>, vector<16xf32>,
        tpu.vector_store %arg19[%swap3A_2780, %swap3A_2781, %swap3A_2782], %mul3A_2779 {strides = array<i32>} : memref<2x128x128xf32, #tpu.memory_space<vmem>>, vector<16xf32>,
        %get3A_2784 = arith.index_cast %select_n3A_2041 : i32 to index
        %get3A_2785 = arith.index_cast %scan3A_2718 : i32 to index
        %get3A_2786 = arith.constant 112 : index
        %get3A_2787 = tpu.vector_load %arg19[%get3A_2784, %get3A_2785, %get3A_2786] {strides = array<i32>} : memref<2x128x128xf32, #tpu.memory_space<vmem>>, vector<16xf32>,
        %mul3A_2788 = arith.mulf %get3A_2787, %gather3A_2720 : vector<16xf32>
        %swap3A_2789 = arith.index_cast %select_n3A_2041 : i32 to index
        %swap3A_2790 = arith.index_cast %scan3A_2718 : i32 to index
        %swap3A_2791 = arith.constant 112 : index
        %swap3A_2792 = tpu.vector_load %arg19[%swap3A_2789, %swap3A_2790, %swap3A_2791] {strides = array<i32>} : memref<2x128x128xf32, #tpu.memory_space<vmem>>, vector<16xf32>,
        tpu.vector_store %arg19[%swap3A_2789, %swap3A_2790, %swap3A_2791], %mul3A_2788 {strides = array<i32>} : memref<2x128x128xf32, #tpu.memory_space<vmem>>, vector<16xf32>,
        %scan3A_2793 = arith.constant 7 : i32
        %scan3A_2794 = arith.addi %scan3A_2262, %scan3A_2793 : i32
        %broadcast_in_dim3A_2795 = vector.broadcast %scan3A_2794 : i32 to vector<16xi32>
        %gather3A_2796 = tpu.vector_load_idx %arg20[%broadcast_in_dim3A_2795] : memref<128xf32, #tpu.memory_space<vmem>>[vector<16xi32>], vector<16xf32>,
        %get3A_2797 = arith.index_cast %select_n3A_2041 : i32 to index
        %get3A_2798 = arith.index_cast %scan3A_2794 : i32 to index
        %get3A_2799 = arith.constant 0 : index
        %get3A_2800 = tpu.vector_load %arg19[%get3A_2797, %get3A_2798, %get3A_2799] {strides = array<i32>} : memref<2x128x128xf32, #tpu.memory_space<vmem>>, vector<16xf32>,
        %mul3A_2801 = arith.mulf %get3A_2800, %gather3A_2796 : vector<16xf32>
        %swap3A_2802 = arith.index_cast %select_n3A_2041 : i32 to index
        %swap3A_2803 = arith.index_cast %scan3A_2794 : i32 to index
        %swap3A_2804 = arith.constant 0 : index
        %swap3A_2805 = tpu.vector_load %arg19[%swap3A_2802, %swap3A_2803, %swap3A_2804] {strides = array<i32>} : memref<2x128x128xf32, #tpu.memory_space<vmem>>, vector<16xf32>,
        tpu.vector_store %arg19[%swap3A_2802, %swap3A_2803, %swap3A_2804], %mul3A_2801 {strides = array<i32>} : memref<2x128x128xf32, #tpu.memory_space<vmem>>, vector<16xf32>,
        %get3A_2806 = arith.index_cast %select_n3A_2041 : i32 to index
        %get3A_2807 = arith.index_cast %scan3A_2794 : i32 to index
        %get3A_2808 = arith.constant 16 : index
        %get3A_2809 = tpu.vector_load %arg19[%get3A_2806, %get3A_2807, %get3A_2808] {strides = array<i32>} : memref<2x128x128xf32, #tpu.memory_space<vmem>>, vector<16xf32>,
        %mul3A_2810 = arith.mulf %get3A_2809, %gather3A_2796 : vector<16xf32>
        %swap3A_2811 = arith.index_cast %select_n3A_2041 : i32 to index
        %swap3A_2812 = arith.index_cast %scan3A_2794 : i32 to index
        %swap3A_2813 = arith.constant 16 : index
        %swap3A_2814 = tpu.vector_load %arg19[%swap3A_2811, %swap3A_2812, %swap3A_2813] {strides = array<i32>} : memref<2x128x128xf32, #tpu.memory_space<vmem>>, vector<16xf32>,
        tpu.vector_store %arg19[%swap3A_2811, %swap3A_2812, %swap3A_2813], %mul3A_2810 {strides = array<i32>} : memref<2x128x128xf32, #tpu.memory_space<vmem>>, vector<16xf32>,
        %get3A_2815 = arith.index_cast %select_n3A_2041 : i32 to index
        %get3A_2816 = arith.index_cast %scan3A_2794 : i32 to index
        %get3A_2817 = arith.constant 32 : index
        %get3A_2818 = tpu.vector_load %arg19[%get3A_2815, %get3A_2816, %get3A_2817] {strides = array<i32>} : memref<2x128x128xf32, #tpu.memory_space<vmem>>, vector<16xf32>,
        %mul3A_2819 = arith.mulf %get3A_2818, %gather3A_2796 : vector<16xf32>
        %swap3A_2820 = arith.index_cast %select_n3A_2041 : i32 to index
        %swap3A_2821 = arith.index_cast %scan3A_2794 : i32 to index
        %swap3A_2822 = arith.constant 32 : index
        %swap3A_2823 = tpu.vector_load %arg19[%swap3A_2820, %swap3A_2821, %swap3A_2822] {strides = array<i32>} : memref<2x128x128xf32, #tpu.memory_space<vmem>>, vector<16xf32>,
        tpu.vector_store %arg19[%swap3A_2820, %swap3A_2821, %swap3A_2822], %mul3A_2819 {strides = array<i32>} : memref<2x128x128xf32, #tpu.memory_space<vmem>>, vector<16xf32>,
        %get3A_2824 = arith.index_cast %select_n3A_2041 : i32 to index
        %get3A_2825 = arith.index_cast %scan3A_2794 : i32 to index
        %get3A_2826 = arith.constant 48 : index
        %get3A_2827 = tpu.vector_load %arg19[%get3A_2824, %get3A_2825, %get3A_2826] {strides = array<i32>} : memref<2x128x128xf32, #tpu.memory_space<vmem>>, vector<16xf32>,
        %mul3A_2828 = arith.mulf %get3A_2827, %gather3A_2796 : vector<16xf32>
        %swap3A_2829 = arith.index_cast %select_n3A_2041 : i32 to index
        %swap3A_2830 = arith.index_cast %scan3A_2794 : i32 to index
        %swap3A_2831 = arith.constant 48 : index
        %swap3A_2832 = tpu.vector_load %arg19[%swap3A_2829, %swap3A_2830, %swap3A_2831] {strides = array<i32>} : memref<2x128x128xf32, #tpu.memory_space<vmem>>, vector<16xf32>,
        tpu.vector_store %arg19[%swap3A_2829, %swap3A_2830, %swap3A_2831], %mul3A_2828 {strides = array<i32>} : memref<2x128x128xf32, #tpu.memory_space<vmem>>, vector<16xf32>,
        %get3A_2833 = arith.index_cast %select_n3A_2041 : i32 to index
        %get3A_2834 = arith.index_cast %scan3A_2794 : i32 to index
        %get3A_2835 = arith.constant 64 : index
        %get3A_2836 = tpu.vector_load %arg19[%get3A_2833, %get3A_2834, %get3A_2835] {strides = array<i32>} : memref<2x128x128xf32, #tpu.memory_space<vmem>>, vector<16xf32>,
        %mul3A_2837 = arith.mulf %get3A_2836, %gather3A_2796 : vector<16xf32>
        %swap3A_2838 = arith.index_cast %select_n3A_2041 : i32 to index
        %swap3A_2839 = arith.index_cast %scan3A_2794 : i32 to index
        %swap3A_2840 = arith.constant 64 : index
        %swap3A_2841 = tpu.vector_load %arg19[%swap3A_2838, %swap3A_2839, %swap3A_2840] {strides = array<i32>} : memref<2x128x128xf32, #tpu.memory_space<vmem>>, vector<16xf32>,
        tpu.vector_store %arg19[%swap3A_2838, %swap3A_2839, %swap3A_2840], %mul3A_2837 {strides = array<i32>} : memref<2x128x128xf32, #tpu.memory_space<vmem>>, vector<16xf32>,
        %get3A_2842 = arith.index_cast %select_n3A_2041 : i32 to index
        %get3A_2843 = arith.index_cast %scan3A_2794 : i32 to index
        %get3A_2844 = arith.constant 80 : index
        %get3A_2845 = tpu.vector_load %arg19[%get3A_2842, %get3A_2843, %get3A_2844] {strides = array<i32>} : memref<2x128x128xf32, #tpu.memory_space<vmem>>, vector<16xf32>,
        %mul3A_2846 = arith.mulf %get3A_2845, %gather3A_2796 : vector<16xf32>
        %swap3A_2847 = arith.index_cast %select_n3A_2041 : i32 to index
        %swap3A_2848 = arith.index_cast %scan3A_2794 : i32 to index
        %swap3A_2849 = arith.constant 80 : index
        %swap3A_2850 = tpu.vector_load %arg19[%swap3A_2847, %swap3A_2848, %swap3A_2849] {strides = array<i32>} : memref<2x128x128xf32, #tpu.memory_space<vmem>>, vector<16xf32>,
        tpu.vector_store %arg19[%swap3A_2847, %swap3A_2848, %swap3A_2849], %mul3A_2846 {strides = array<i32>} : memref<2x128x128xf32, #tpu.memory_space<vmem>>, vector<16xf32>,
        %get3A_2851 = arith.index_cast %select_n3A_2041 : i32 to index
        %get3A_2852 = arith.index_cast %scan3A_2794 : i32 to index
        %get3A_2853 = arith.constant 96 : index
        %get3A_2854 = tpu.vector_load %arg19[%get3A_2851, %get3A_2852, %get3A_2853] {strides = array<i32>} : memref<2x128x128xf32, #tpu.memory_space<vmem>>, vector<16xf32>,
        %mul3A_2855 = arith.mulf %get3A_2854, %gather3A_2796 : vector<16xf32>
        %swap3A_2856 = arith.index_cast %select_n3A_2041 : i32 to index
        %swap3A_2857 = arith.index_cast %scan3A_2794 : i32 to index
        %swap3A_2858 = arith.constant 96 : index
        %swap3A_2859 = tpu.vector_load %arg19[%swap3A_2856, %swap3A_2857, %swap3A_2858] {strides = array<i32>} : memref<2x128x128xf32, #tpu.memory_space<vmem>>, vector<16xf32>,
        tpu.vector_store %arg19[%swap3A_2856, %swap3A_2857, %swap3A_2858], %mul3A_2855 {strides = array<i32>} : memref<2x128x128xf32, #tpu.memory_space<vmem>>, vector<16xf32>,
        %get3A_2860 = arith.index_cast %select_n3A_2041 : i32 to index
        %get3A_2861 = arith.index_cast %scan3A_2794 : i32 to index
        %get3A_2862 = arith.constant 112 : index
        %get3A_2863 = tpu.vector_load %arg19[%get3A_2860, %get3A_2861, %get3A_2862] {strides = array<i32>} : memref<2x128x128xf32, #tpu.memory_space<vmem>>, vector<16xf32>,
        %mul3A_2864 = arith.mulf %get3A_2863, %gather3A_2796 : vector<16xf32>
        %swap3A_2865 = arith.index_cast %select_n3A_2041 : i32 to index
        %swap3A_2866 = arith.index_cast %scan3A_2794 : i32 to index
        %swap3A_2867 = arith.constant 112 : index
        %swap3A_2868 = tpu.vector_load %arg19[%swap3A_2865, %swap3A_2866, %swap3A_2867] {strides = array<i32>} : memref<2x128x128xf32, #tpu.memory_space<vmem>>, vector<16xf32>,
        tpu.vector_store %arg19[%swap3A_2865, %swap3A_2866, %swap3A_2867], %mul3A_2864 {strides = array<i32>} : memref<2x128x128xf32, #tpu.memory_space<vmem>>, vector<16xf32>,
      }
      %scan3A_2251 = arith.constant 128 : i32
      %dma_start3A_2252 = arith.constant 0 : i32
      %dma_start3A_2253 = arith.constant 0 : i32
      %dma_start3A_2254 = tpu.memref_slice %arg19[%select_n3A_2041, %dma_start3A_2252, %dma_start3A_2253] : memref<2x128x128xf32, #tpu.memory_space<vmem>> -> memref<1x128x128xf32, #tpu.memory_space<vmem>>
      %dma_start3A_2255 = tpu.memref_squeeze %dma_start3A_2254 : memref<1x128x128xf32, #tpu.memory_space<vmem>> -> memref<128x128xf32, #tpu.memory_space<vmem>>
      %dma_start3A_2256 = arith.constant 0 : i32
      %dma_start3A_2257 = tpu.memref_slice %arg18[%select_n3A_2041, %dma_start3A_2256] : memref<2x128xi32, #tpu.memory_space<vmem>> -> memref<1x128xi32, #tpu.memory_space<vmem>>
      %dma_start3A_2258 = tpu.memref_squeeze %dma_start3A_2257 : memref<1x128xi32, #tpu.memory_space<vmem>> -> memref<128xi32, #tpu.memory_space<vmem>>
      %dma_start3A_2259 = arith.constant 0 : i32
      %dma_start3A_2260 = arith.constant 0 : i32
      %dma_start3A_2261 = tpu.memref_slice %arg9[%dma_start3A_2259, %dma_start3A_2260] : memref<10000x128xf32, #tpu.memory_space<vmem_shared>> -> memref<10000x128xf32, #tpu.memory_space<vmem_shared>>
      tpu.enqueue_indirect_dma source(%dma_start3A_2255 : memref<128x128xf32, #tpu.memory_space<vmem>>) target(%dma_start3A_2261 : memref<10000x128xf32, #tpu.memory_space<vmem_shared>>) offsets(%dma_start3A_2258 : memref<128xi32, #tpu.memory_space<vmem>>) semaphore(%arg23 : memref<!tpu.dma_semaphore, #tpu.memory_space<semaphore_mem>>) {add = true}
    }
    %scan3A_2004 = arith.constant 80 : i32
    %dma_wait3A_2005 = arith.constant 1 : i32
    %dma_wait3A_2006 = arith.constant 1 : i32
    %dma_wait3A_2007 = arith.constant 0 : i32
    %dma_wait3A_2008 = arith.constant 0 : i32
    %dma_wait3A_2009 = tpu.memref_slice %arg19[%dma_wait3A_2005, %dma_wait3A_2007, %dma_wait3A_2008] : memref<2x128x128xf32, #tpu.memory_space<vmem>> -> memref<1x128x128xf32, #tpu.memory_space<vmem>>
    %dma_wait3A_2010 = tpu.memref_squeeze %dma_wait3A_2009 : memref<1x128x128xf32, #tpu.memory_space<vmem>> -> memref<128x128xf32, #tpu.memory_space<vmem>>
    %dma_wait3A_2011 = arith.constant 0 : i32
    %dma_wait3A_2012 = tpu.memref_slice %arg18[%dma_wait3A_2006, %dma_wait3A_2011] : memref<2x128xi32, #tpu.memory_space<vmem>> -> memref<1x128xi32, #tpu.memory_space<vmem>>
    %dma_wait3A_2013 = tpu.memref_squeeze %dma_wait3A_2012 : memref<1x128xi32, #tpu.memory_space<vmem>> -> memref<128xi32, #tpu.memory_space<vmem>>
    %dma_wait3A_2014 = arith.constant 0 : i32
    %dma_wait3A_2015 = arith.constant 0 : i32
    %dma_wait3A_2016 = tpu.memref_slice %arg9[%dma_wait3A_2014, %dma_wait3A_2015] : memref<10000x128xf32, #tpu.memory_space<vmem_shared>> -> memref<10000x128xf32, #tpu.memory_space<vmem_shared>>
    tpu.wait_indirect_dma semaphore(%arg23 : memref<!tpu.dma_semaphore, #tpu.memory_space<semaphore_mem>>) src(%dma_wait3A_2010 : memref<128x128xf32, #tpu.memory_space<vmem>>) dst(%dma_wait3A_2016 : memref<10000x128xf32, #tpu.memory_space<vmem_shared>>)
    %barrier3A_2017 = arith.constant 0 : index
    tpu.barrier barrier_id(%barrier3A_2017)
    %lt3A_2018 = arith.constant 15 : i32
    "tpu.trace_stop"() : () -> ()
    %lt3A_2019 = arith.cmpi slt, %arg1, %lt3A_2018 : i32
    %convert_element_type3A_2020 = arith.extui %lt3A_2019 : i1 to i32
    %cond3A_2021 = arith.constant 0 : i32
    %cond3A_2022 = arith.cmpi ne, %convert_element_type3A_2020, %cond3A_2021 : i32
    scf.if %cond3A_2022 {
      "tpu.region"() ({
        %run_scoped3A_2028 = tpu.sem_alloc : memref<!tpu.dma_semaphore, #tpu.memory_space<semaphore_mem>>
        %dma_start3A_2029 = arith.constant 0 : i32
        %dma_start3A_2030 = tpu.memref_slice %arg8[%arg0, %mul3A_0, %dma_start3A_2029] : memref<2x10000x128xf32, #tpu.memory_space<hbm>> -> memref<1x640x128xf32, #tpu.memory_space<hbm>>
        %dma_start3A_2031 = tpu.memref_squeeze %dma_start3A_2030 : memref<1x640x128xf32, #tpu.memory_space<hbm>> -> memref<640x128xf32, #tpu.memory_space<hbm>>
        %dma_start3A_2032 = arith.constant 0 : i32
        %dma_start3A_2033 = tpu.memref_slice %arg9[%mul3A_0, %dma_start3A_2032] : memref<10000x128xf32, #tpu.memory_space<vmem_shared>> -> memref<640x128xf32, #tpu.memory_space<vmem_shared>>
        tpu.enqueue_dma source(%dma_start3A_2033 : memref<640x128xf32, #tpu.memory_space<vmem_shared>>) target(%dma_start3A_2031 : memref<640x128xf32, #tpu.memory_space<hbm>>) target_semaphore(%run_scoped3A_2028 : memref<!tpu.dma_semaphore, #tpu.memory_space<semaphore_mem>>)
        %dma_wait3A_2034 = arith.constant 0 : i32
        %dma_wait3A_2035 = tpu.memref_slice %arg8[%arg0, %mul3A_0, %dma_wait3A_2034] : memref<2x10000x128xf32, #tpu.memory_space<hbm>> -> memref<1x640x128xf32, #tpu.memory_space<hbm>>
        %dma_wait3A_2036 = tpu.memref_squeeze %dma_wait3A_2035 : memref<1x640x128xf32, #tpu.memory_space<hbm>> -> memref<640x128xf32, #tpu.memory_space<hbm>>
        %dma_wait3A_2037 = arith.constant 0 : i32
        %dma_wait3A_2038 = tpu.memref_slice %arg9[%mul3A_0, %dma_wait3A_2037] : memref<10000x128xf32, #tpu.memory_space<vmem_shared>> -> memref<640x128xf32, #tpu.memory_space<vmem_shared>>
        tpu.wait_dma2 semaphore(%run_scoped3A_2028 : memref<!tpu.dma_semaphore, #tpu.memory_space<semaphore_mem>>) src(%dma_wait3A_2038 : memref<640x128xf32, #tpu.memory_space<vmem_shared>>) dst(%dma_wait3A_2036 : memref<640x128xf32, #tpu.memory_space<hbm>>)
        tpu.yield
      }) : () -> ()
    } else {
    }
    %eq3A_2023 = arith.constant 15 : i32
    %eq3A_2024 = arith.cmpi eq, %arg1, %eq3A_2023 : i32
    %convert_element_type3A_2025 = arith.extui %eq3A_2024 : i1 to i32
    %cond3A_2026 = arith.constant 0 : i32
    %cond3A_2027 = arith.cmpi ne, %convert_element_type3A_2025, %cond3A_2026 : i32
    scf.if %cond3A_2027 {
      "tpu.region"() ({
        %run_scoped3A_2028 = tpu.sem_alloc : memref<!tpu.dma_semaphore, #tpu.memory_space<semaphore_mem>>
        %dma_start3A_2029 = arith.constant 9600 : i32
        %dma_start3A_2030 = arith.constant 0 : i32
        %dma_start3A_2031 = tpu.memref_slice %arg8[%arg0, %dma_start3A_2029, %dma_start3A_2030] : memref<2x10000x128xf32, #tpu.memory_space<hbm>> -> memref<1x400x128xf32, #tpu.memory_space<hbm>>
        %dma_start3A_2032 = tpu.memref_squeeze %dma_start3A_2031 : memref<1x400x128xf32, #tpu.memory_space<hbm>> -> memref<400x128xf32, #tpu.memory_space<hbm>>
        %dma_start3A_2033 = arith.constant 9600 : i32
        %dma_start3A_2034 = arith.constant 0 : i32
        %dma_start3A_2035 = tpu.memref_slice %arg9[%dma_start3A_2033, %dma_start3A_2034] : memref<10000x128xf32, #tpu.memory_space<vmem_shared>> -> memref<400x128xf32, #tpu.memory_space<vmem_shared>>
        tpu.enqueue_dma source(%dma_start3A_2035 : memref<400x128xf32, #tpu.memory_space<vmem_shared>>) target(%dma_start3A_2032 : memref<400x128xf32, #tpu.memory_space<hbm>>) target_semaphore(%run_scoped3A_2028 : memref<!tpu.dma_semaphore, #tpu.memory_space<semaphore_mem>>)
        %dma_wait3A_2036 = arith.constant 9600 : i32
        %dma_wait3A_2037 = arith.constant 0 : i32
        %dma_wait3A_2038 = tpu.memref_slice %arg8[%arg0, %dma_wait3A_2036, %dma_wait3A_2037] : memref<2x10000x128xf32, #tpu.memory_space<hbm>> -> memref<1x400x128xf32, #tpu.memory_space<hbm>>
        %dma_wait3A_2039 = tpu.memref_squeeze %dma_wait3A_2038 : memref<1x400x128xf32, #tpu.memory_space<hbm>> -> memref<400x128xf32, #tpu.memory_space<hbm>>
        %dma_wait3A_2040 = arith.constant 9600 : i32
        %dma_wait3A_2041 = arith.constant 0 : i32
        %dma_wait3A_2042 = tpu.memref_slice %arg9[%dma_wait3A_2040, %dma_wait3A_2041] : memref<10000x128xf32, #tpu.memory_space<vmem_shared>> -> memref<400x128xf32, #tpu.memory_space<vmem_shared>>
        tpu.wait_dma2 semaphore(%run_scoped3A_2028 : memref<!tpu.dma_semaphore, #tpu.memory_space<semaphore_mem>>) src(%dma_wait3A_2042 : memref<400x128xf32, #tpu.memory_space<vmem_shared>>) dst(%dma_wait3A_2039 : memref<400x128xf32, #tpu.memory_space<hbm>>)
        tpu.yield
      }) : () -> ()
    } else {
    }
    return
  }
}

module attributes {stable_mosaic.version = 14 : i64} {
  func.func @_mm_body(%arg0: i32, %arg1: memref<1000x128xf32, #tpu.memory_space<vmem>>, %arg2: memref<128x128xf32, #tpu.memory_space<vmem>>, %arg3: memref<1000x128xf32, #tpu.memory_space<vmem>>) attributes {dimension_semantics = [#tpu.dimension_semantics<arbitrary>], iteration_bounds = array<i64: 10>, scalar_prefetch = 0 : i64, scratch_operands = 0 : i64, tpu.core_type = #tpu.core_type<tc>, window_params = [{transform_indices = @transform_0, window_bounds = array<i64: 1000, 128>}, {pipeline_mode = #tpu.pipeline_mode<synchronous>, transform_indices = @transform_1, window_bounds = array<i64: 128, 128>}, {transform_indices = @transform_2, window_bounds = array<i64: 1000, 128>}]} {
    %get3A = arith.constant 0 : index
    %get3A_0 = arith.constant 0 : index
    %get3A_1 = vector.load %arg1[%get3A, %get3A_0] : memref<1000x128xf32, #tpu.memory_space<vmem>>, vector<1000x128xf32>
    %get3A_2 = arith.constant 0 : index
    %get3A_3 = arith.constant 0 : index
    %get3A_4 = vector.load %arg2[%get3A_2, %get3A_3] : memref<128x128xf32, #tpu.memory_space<vmem>>, vector<128x128xf32>
    %dot_general3A = arith.constant dense<0.000000e+00> : vector<1000x128xf32>
    %dot_general3A_5 = tpu.matmul %get3A_1, %get3A_4, %dot_general3A {dimension_numbers = #tpu.dot_dimension_numbers<[1], [0], [0], [1], [0, 0, 1, 1], [], []>, transpose_lhs_hint = false} : vector<1000x128xf32>, vector<128x128xf32>, vector<1000x128xf32> -> vector<1000x128xf32>
    %swap3A = arith.constant 0 : index
    %swap3A_6 = arith.constant 0 : index
    %swap3A_7 = vector.load %arg3[%swap3A, %swap3A_6] : memref<1000x128xf32, #tpu.memory_space<vmem>>, vector<1000x128xf32>
    tpu.vector_store %arg3[%swap3A, %swap3A_6], %dot_general3A_5 {strides = array<i32>} : memref<1000x128xf32, #tpu.memory_space<vmem>>, vector<1000x128xf32>,
    return
  }
  func.func @transform_0(%arg0: i32) -> (i32, i32) {
    %c0_i32 = arith.constant 0 : i32
    %c0_i32_0 = arith.constant 0 : i32
    return %arg0, %c0_i32 : i32, i32
  }
  func.func @transform_1(%arg0: i32) -> (i32, i32) {
    %c0_i32 = arith.constant 0 : i32
    %c0_i32_0 = arith.constant 0 : i32
    %c0_i32_1 = arith.constant 0 : i32
    return %c0_i32, %c0_i32_0 : i32, i32
  }
  func.func @transform_2(%arg0: i32) -> (i32, i32) {
    %c0_i32 = arith.constant 0 : i32
    %c0_i32_0 = arith.constant 0 : i32
    return %arg0, %c0_i32 : i32, i32
  }
}

module attributes {stable_mosaic.version = 14 : i64} {
  func.func @_addrelu_body(%arg0: i32, %arg1: memref<1000x128xf32, #tpu.memory_space<vmem>>, %arg2: memref<1000x128xf32, #tpu.memory_space<vmem>>, %arg3: memref<1000x128xf32, #tpu.memory_space<vmem>>) attributes {dimension_semantics = [#tpu.dimension_semantics<arbitrary>], iteration_bounds = array<i64: 10>, scalar_prefetch = 0 : i64, scratch_operands = 0 : i64, tpu.core_type = #tpu.core_type<tc>, window_params = [{transform_indices = @transform_0, window_bounds = array<i64: 1000, 128>}, {transform_indices = @transform_1, window_bounds = array<i64: 1000, 128>}, {transform_indices = @transform_2, window_bounds = array<i64: 1000, 128>}]} {
    %get3A = arith.constant 0 : index
    %get3A_0 = arith.constant 0 : index
    %get3A_1 = vector.load %arg1[%get3A, %get3A_0] : memref<1000x128xf32, #tpu.memory_space<vmem>>, vector<1000x128xf32>
    %get3A_2 = arith.constant 0 : index
    %get3A_3 = arith.constant 0 : index
    %get3A_4 = vector.load %arg2[%get3A_2, %get3A_3] : memref<1000x128xf32, #tpu.memory_space<vmem>>, vector<1000x128xf32>
    %add3A = arith.addf %get3A_1, %get3A_4 : vector<1000x128xf32>
    %max3A = arith.constant 0.000000e+00 : f32
    %max3A_5 = vector.broadcast %max3A : f32 to vector<1000x128xf32>
    %max3A_6 = arith.maximumf %add3A, %max3A_5 : vector<1000x128xf32>
    %swap3A = arith.constant 0 : index
    %swap3A_7 = arith.constant 0 : index
    %swap3A_8 = vector.load %arg3[%swap3A, %swap3A_7] : memref<1000x128xf32, #tpu.memory_space<vmem>>, vector<1000x128xf32>
    tpu.vector_store %arg3[%swap3A, %swap3A_7], %max3A_6 {strides = array<i32>} : memref<1000x128xf32, #tpu.memory_space<vmem>>, vector<1000x128xf32>,
    return
  }
  func.func @transform_0(%arg0: i32) -> (i32, i32) {
    %c0_i32 = arith.constant 0 : i32
    %c0_i32_0 = arith.constant 0 : i32
    return %arg0, %c0_i32 : i32, i32
  }
  func.func @transform_1(%arg0: i32) -> (i32, i32) {
    %c0_i32 = arith.constant 0 : i32
    %c0_i32_0 = arith.constant 0 : i32
    return %arg0, %c0_i32 : i32, i32
  }
  func.func @transform_2(%arg0: i32) -> (i32, i32) {
    %c0_i32 = arith.constant 0 : i32
    %c0_i32_0 = arith.constant 0 : i32
    return %arg0, %c0_i32 : i32, i32
  }
}

</mosaic_0001>

<sc_bundles>
// kernel: kernel.5.cloned.1.call-start
scs
__scs_entry_jumppad:
0x0: {  	(pc) =	sbr.rel $0x88, $3  }
0x1: {  	(tag) =	ssettag $0x0;
	lr =	simm.s32 $0x1  }
0x2: {  	[smem:$0x3F9B] =	sst lr;
	_ =	strace $0xD0000000  }
0x3: {  	_ = 	snop  }
0x4: {  	_ = 	snop  }
0x5: {  	_ = 	snop  }
0x6: {  	_ = 	snop  }
0x7: {  	_ = 	snop  }
__scs_overlays_trampoline_lowered:
0x8: {  	[smem:$0x3FAA] =	sst s0  }
0x9: {  	[smem:$0x3FAB] =	sst s1  }
0xa: {  	[smem:$0x3FAC] =	sst s2  }
0xb: {  	[smem:$0x3FAD] =	sst s3  }
0xc: {  	[smem:$0x3FAE] =	sst s4  }
0xd: {  	[smem:$0x3FAF] =	sst s5  }
0xe: {  	[smem:$0x3FB0] =	sst s6  }
0xf: {  	[smem:$0x3FB1] =	sst s7  }
0x10: {  	[smem:$0x3FB2] =	sst s8  }
0x11: {  	[smem:$0x3FB3] =	sst s9;
	s0 =	simm.s32 @!p0 $0x0  }
0x12: {  	s1 =	sld [smem:$0x3F99];
	s0 =	simm.s32 @p0 $0x1  }
0x13: {  	[smem:$0x3FB4] =	sst s0;
	s0 =	simm.s32 @!p1 $0x0  }
0x14: {  	s2 =	sld [smem:$0x3F98];
	s0 =	simm.s32 @p1 $0x1  }
0x15: {  	[smem:$0x3FB5] =	sst s0;
	s0 =	simm.s32 @!p2 $0x0  }
0x16: {  	s3 =	sld [smem:$0x3FDB];
	s0 =	simm.s32 @p2 $0x1  }
0x17: {  	s4 =	simm.s32 $0x1BF5;
	[smem:$0x3FB7] =	sst s0  }
0x18: {  	s0 =	sld [smem:$0x3F9A];
	_ =	swait.ge [sflag:s4], $0x0  }
0x19: {  	s7 =	sld [smem:$0x3F9B]  }
0x1a: {  	s8 =	sadd.s32 $0xFFFFE003, lr  }
0x1b: {  	s9 =	sadd.s32 $0xFFFFFEF7, lr;
	s5 =	simm.s32 $0xFFFFFFFF;
	p2 =	slt.u32 s8, $0xFFFFF086  }
0x1c: {  	p1 =	slt.u32 s9, $0xF7A;
	s5 =	simm.s32 @!p2 $0x0  }
0x1d: {  	s5 =	simm.s32 @p1 $0x1;
	p0 =	seq.s32 s7, s2  }
0x1e: {  	s7 =	smul.u32 @!p0 $0xF7A, s2;
	p2 =	seq.s32 @!p0 s5, $0x0  }
0x1f: {  	s9 =	smul.u32 $0xF7A, s1;
	s8 =	simm.s32 @!p0 $0x1BF5;
	p2 =	por !p2, p0  }
0x20: {  	[sflag:s8] =	ssyncset.s32 @!p0 $0xFFFFF086;
	s6 =	sadd.s32 @!p0 s3, s7;
	s7 =	simm.s32 @!p0 $0x108  }
0x21: {  	s3 =	sadd.s32 s3, s9;
	s6 =	sadd.s32 @!p0 $0x88, s6;
	s7 =	simm.s32 @p2 $0x1082  }
0x22: {  	[simem:s7], [sflag:s8] =	dma.local @!p0 [hbm:s6], $0xF7A  }
0x23: {  	s9 =	sor.u32 $0xD0000000, s2;
	s6 =	simm.s32 $0x108;
	_ =	swait.ge @!p0 [sflag:s8], $0x0  }
0x24: {  	s3 =	sadd.s32 $0x88, s3;
	s6 =	simm.s32 @!p1 $0x1082;
	[sflag:s4] =	ssyncset.s32 $0xFFFFF086  }
0x25: {  	[simem:s6], [sflag:s4] =	dma.local [hbm:s3], $0xF7A  }
0x26: {  	[smem:$0x3F9B] =	sst s1;
	(tag) =	ssettag s2;
	_ =	strace s9  }
0x27: {  	s1 =	sld [smem:$0x3FAB]  }
0x28: {  	s2 =	sld [smem:$0x3FAC]  }
0x29: {  	s4 =	sld [smem:$0x3FAE]  }
0x2a: {  	p0 =	seq.s32 s5, $0x0;
	s5 =	sld [smem:$0x3FAF]  }
0x2b: {  	s6 =	sld [smem:$0x3FB0]  }
0x2c: {  	s7 =	sld [smem:$0x3FB1]  }
0x2d: {  	s3 =	simm.s32 $0x108;
	s8 =	sld [smem:$0x3FB2]  }
0x2e: {  	s3 =	simm.s32 @!p0 $0x1082;
	s9 =	sld [smem:$0x3FB3]  }
0x2f: {  	lr =	sadd.s32 s0, s3;
	s0 =	sld [smem:$0x3FAA]  }
0x30: {  	s3 =	sld [smem:$0x3FAD]  }
0x31: {  	[smem:$0x3FB6] =	sst s10  }
0x32: {  	s10 =	sld [smem:$0x3FB4];
	_ =	sdelay $0x3  }
0x33: {  	p0 =	seq.s32 s10, $0x1;
	s10 =	sld [smem:$0x3FB6];
	_ =	sdelay $0x3  }
0x34: {  	[smem:$0x3FB6] =	sst s10  }
0x35: {  	s10 =	sld [smem:$0x3FB5];
	_ =	sdelay $0x3  }
0x36: {  	p1 =	seq.s32 s10, $0x1;
	s10 =	sld [smem:$0x3FB6];
	_ =	sdelay $0x3  }
0x37: {  	[smem:$0x3FB6] =	sst s10  }
0x38: {  	s10 =	sld [smem:$0x3FB7]  }
0x39: {  	_ = 	snop;
	(pc) =	sbr.ind lr, $3  }
0x3a: {  	_ = 	snop  }
0x3b: {  	_ = 	snop  }
0x3c: {  	p2 =	seq.s32 s10, $0x1;
	s10 =	sld [smem:$0x3FB6]  }
0x3d: {  	_ =	shalt  }
0x3e: {  	_ =	shalt  }
0x3f: {  	_ =	shalt  }
0x40: {  	_ =	shalt  }
0x41: {  	_ =	shalt  }
0x42: {  	_ =	shalt  }
0x43: {  	_ =	shalt  }
0x44: {  	_ =	shalt  }
0x45: {  	_ =	shalt  }
0x46: {  	_ =	shalt  }
0x47: {  	_ =	shalt  }
0x48: {  	_ =	shalt  }
0x49: {  	_ =	shalt  }
0x4a: {  	_ =	shalt  }
0x4b: {  	_ =	shalt  }
0x4c: {  	_ =	shalt  }
0x4d: {  	_ =	shalt  }
0x4e: {  	_ =	shalt  }
0x4f: {  	_ =	shalt  }
0x50: {  	_ =	shalt  }
0x51: {  	_ =	shalt  }
0x52: {  	_ =	shalt  }
0x53: {  	_ =	shalt  }
0x54: {  	_ =	shalt  }
0x55: {  	_ =	shalt  }
0x56: {  	_ =	shalt  }
0x57: {  	_ =	shalt  }
0x58: {  	_ =	shalt  }
0x59: {  	_ =	shalt  }
0x5a: {  	_ =	shalt  }
0x5b: {  	_ =	shalt  }
0x5c: {  	_ =	shalt  }
0x5d: {  	_ =	shalt  }
0x5e: {  	_ =	shalt  }
0x5f: {  	_ =	shalt  }
0x60: {  	_ =	shalt  }
0x61: {  	_ =	shalt  }
0x62: {  	_ =	shalt  }
0x63: {  	_ =	shalt  }
0x64: {  	_ =	shalt  }
0x65: {  	_ =	shalt  }
0x66: {  	_ =	shalt  }
0x67: {  	_ =	shalt  }
0x68: {  	_ =	shalt  }
0x69: {  	_ =	shalt  }
0x6a: {  	_ =	shalt  }
0x6b: {  	_ =	shalt  }
0x6c: {  	_ =	shalt  }
0x6d: {  	_ =	shalt  }
0x6e: {  	_ =	shalt  }
0x6f: {  	_ =	shalt  }
0x70: {  	_ =	shalt  }
0x71: {  	_ =	shalt  }
0x72: {  	_ =	shalt  }
0x73: {  	_ =	shalt  }
0x74: {  	_ =	shalt  }
0x75: {  	_ =	shalt  }
0x76: {  	_ =	shalt  }
0x77: {  	_ =	shalt  }
0x78: {  	_ =	shalt  }
0x79: {  	_ =	shalt  }
0x7a: {  	_ =	shalt  }
0x7b: {  	_ =	shalt  }
0x7c: {  	_ =	shalt  }
0x7d: {  	_ =	shalt  }
0x7e: {  	_ =	shalt  }
0x7f: {  	_ =	shalt  }
0x80: {  	_ =	shalt  }
0x81: {  	_ =	shalt  }
0x82: {  	_ =	shalt  }
0x83: {  	_ =	shalt  }
0x84: {  	_ =	shalt  }
0x85: {  	_ =	shalt  }
0x86: {  	_ =	shalt  }
0x87: {  	_ =	shalt  }
.Lfunc_end0:
.L_simem_size_0:
called_computation_lowered:
.L_overlay_start_0:
0x88: {  	s2 =	sld [smem:$0x3FD9]  }
0x89: {  	s3 =	sld [smem:$0x3FFE];
	_ =	sdelay $0x1  }
0x8a: {  	s1 =	srdreg.scid  }
0x8b: {  	s0 =	sand.u32 $0x1, s1  }
0x8c: {  	s17 =	sshll.u32 s0, $0xA;
	s2 =	sadd.s32 s3, s2  }
0x8d: {  	s2 =	sadd.s32 s2, s17  }
0x8e: {  	[smem:$0x3FC2] =	sst s2  }
0x8f: {  	_ = 	snop  }
0x90: {  	s2 =	sld [smem:$0x3FD0];
	(tm) =	ssettm $0x1  }
0x91: {  	s18 =	sld [smem:$0x3FFB];
	_ =	sdelay $0x3  }
0x92: {  	_ =	strace s18  }
0x93: {  	s3 =	sld [smem:$0x3FFC];
	_ =	sdelay $0x3  }
0x94: {  	_ =	strace s3  }
0x95: {  	s3 =	sld [smem:$0x3FFD];
	_ =	sdelay $0x3  }
0x96: {  	_ =	strace s3  }
0x97: {  	_ =	strace $0x8FFFFFFF  }
0x98: {  	s19 =	sld [smem:$0x3FDB];
	_ =	sdelay $0x1  }
0x99: {  	s4 =	simm.s32 $_scs_section_size  }
0x9a: {  	s5 =	simm.s32 $_size__tile_overlayer_lowered;
	s6 =	simm.s32 $_tile_overlayer_lowered  }
0x9b: {  	s22 =	simm.s32 $0x1BFF;
	s21 =	sshll.u32 s6, $0x1;
	s3 =	sadd.s32 s4, s19  }
0x9c: {  	s7 =	simm.s32 $0x0;
	s20 =	sshll.u32 s5, $0x1;
	s5 =	sadd.s32 s21, s3  }
0x9d: {  	[timem:s7], [sflag:s22] =	dma.local [hbm:s5], s20  }
0x9e: {  	_ =	swait.ge [sflag:s22], s20  }
0x9f: {  	s4 =	ssub.s32 $0x0, s20;
	[sflag:s22] =	ssyncset.done $0x0  }
0xa0: {  	[sflag:s22] =	ssyncadd.s32 s4;
	_ =	sdelay $0x1  }
0xa1: {  	s23 =	simm.s32 $0x1B8B  }
0xa2: {  	_ =	swait.ge [sflag:s23], $0x1  }
0xa3: {  	[sflag:s23] =	ssyncset.done $0x0  }
0xa4: {  	s25 =	simm.s32 $0x1B8E;
	s24 =	sld [smem:$0x3FFE];
	[sflag:s23] =	ssyncadd.s32 $0xFFFFFFFF  }
0xa5: {  	s26 =	simm.s32 $execute0_lowered;
	[smem:$0x3FD2] =	sst s25  }
0xa6: {  	s5 =	sshll.u32 s26, $0x1;
	_ =	strace $0x80000046;
	[dreg:$0x1] =	wrdreg $0xFFFFFFFF  }
0xa7: {  	s28 =	simm.s32 $_size_execute0_lowered;
	s3 =	sadd.s32 s3, s5;
	[dreg:$0x0] =	wrdreg $0x0  }
0xa8: {  	s5 =	sshll.u32 s28, $0x1;
	[dreg:$0x2] =	wrdreg s3  }
0xa9: {  	[dreg:$0x3] =	wrdreg s5  }
0xaa: {  	[dreg:$0x4] =	wrdreg $0xC0  }
0xab: {  	_ =	task [dreg:s7], $0x5FFFF  }
0xac: {  	[dreg:$0x1] =	wrdreg $0xFFFFFFFF  }
0xad: {  	[dreg:$0x0] =	wrdreg $0x60  }
0xae: {  	[dreg:$0x2] =	wrdreg s24  }
0xaf: {  	[dreg:$0x3] =	wrdreg s2  }
0xb0: {  	[dreg:$0x4] =	wrdreg $0x0  }
0xb1: {  	[dreg:$0x5] =	wrdreg $0x138800  }
0xb2: {  	[dreg:$0x6] =	wrdreg $0x13B000  }
0xb3: {  	[dreg:$0x7] =	wrdreg $0x9  }
0xb4: {  	_ =	task.clear_ibuf [dreg:s7], $0x8FFFF;
	_ =	strace $0x90000046  }
0xb5: {  	s29 =	simm.s32 $0x9;
	_ =	strace $0x8000004C  }
0xb6: {  	_ =	swait.ge [sflag:s29], $0x1  }
0xb7: {  	[sflag:s29] =	ssyncadd.s32 $0xFFFFFFFF  }
0xb8: {  	_ =	strace $0x9000004C  }
0xb9: {  	_ =	sfence  }
0xba: {  	s30 =	sld [smem:$0x0];
	_ =	sdelay $0x2  }
0xbb: {  	s31 =	sshll.u32 s1, $0xD;
	s1 =	sshrl.u32 s1, $0x2  }
0xbc: {  	s3 =	sand.u32 $0x4000, s31;
	s1 =	sadd.s32 s1, s30  }
0xbd: {  	s0 =	sor.u32 s3, s0;
	s1 =	sshll.u32 s1, $0x11  }
0xbe: {  	s0 =	sor.u32 s1, s0  }
0xbf: {  	s0 =	sadd.s32 $0x8F2B, s0  }
0xc0: {  	[sflag:s0] =	ssyncadd.remote.s32 $0x1  }
0xc1: {  	_ =	sfence.sel $0xFFFF  }
0xc2: {  	[dreg:$0x0] =	wrdreg $0xFFFFFFFF;
	(pc) =	sbr.abs _section_cstart, $3  }
0xc3: {  	[dreg:$0x1] =	wrdreg $0xFFFFFFFF  }
0xc4: {  	_ =	task.clear_ibuf [dreg:s7], $0x2FFFF;
	_ =	strace $0x9FFFFFFF  }
0xc5: {  	(tm) =	ssettm $0x7FFFFFFF  }
tec
execute0_lowered:
.L_overlay_start_1:
0x0: {  	(tag) =	ssettag $0x1  }
0x1: {  	s1 =	rddreg [dreg:$0x0]  }
0x2: {  	s2 =	rddreg [dreg:$0x1]  }
0x3: {  	s3 =	rddreg [dreg:$0x2]  }
0x4: {  	s4 =	rddreg [dreg:$0x3]  }
0x5: {  	s20 =	rddreg [dreg:$0x4]  }
0x6: {  	s7 =	simm.s32 $0x0;
	s0 =	srdreg.scid;
	s21 =	stileid.u32  }
0x7: {  	s28 =	simm.s32 $0x1;
	s29 =	simm.s32 $0x1F980;
	[smem:$0x7FF] =	sst s7  }
0x8: {  	s0 =	sand.u32 $0x1, s0;
	s5 =	smul.u32 $0x280, s21;
	s8 =	sadd.s32 $0x28000, s1  }
0x9: {  	s13 =	smul.u32 $0x50000, s21;
	s12 =	sadd.s32 $0x14000, s1;
	s16 =	sadd.s32 $0x32000, s1  }
0xa: {  	s19 =	smul.u32 $0x14000, s21;
	p0 =	seq.s32 s21, $0xF;
	_ =	strace $0x80000047  }
0xb: {  	s6 =	sshll.u32 s0, $0x4;
	s15 =	ssub.s32 $0x2, s0;
	s0 =	smul.u32 $0x138800, s0  }
0xc: {  	s14 =	sor.u32 s21, s6;
	s6 =	ssub.s32 s21, s6;
	s18 =	sshrl.u32 s15, $0x1  }
0xd: {  	s30 =	sadd.s32 s5, s4;
	s5 =	sadd.s32 s5, s20;
	s10 =	smul.u32 $0x50, s14  }
0xe: {  	s13 =	sshrl.u32 s13, $0x2;
	s6 =	smul.u32 $0x50, s6;
	[dreg:$0xa] =	wrdreg s5  }
0xf: {  	s18 =	ssub.s32 s15, s18;
	s13 =	sadd.s32 s13, s3;
	[dreg:$0x7] =	wrdreg s30  }
0x10: {  	s17 =	smul.u32 $0x500, s14;
	s18 =	smax.u32 s18, $0x1;
	[dreg:$0x6] =	wrdreg s13  }
0x11: {  	s19 =	sadd.s32 s19, s0;
	s20 =	sadd.s32 $0x8000, s13;
	[dreg:$0x13] =	wrdreg s18  }
0x12: {  	s0 =	sshrl.u32 s0, $0x3;
	s21 =	sadd.s32 $0xC000, s13;
	[dreg:$0x15] =	wrdreg s20  }
0x13: {  	s0 =	sadd.s32 s16, s0;
	s26 =	sadd.s32 s12, s17;
	[dreg:$0x16] =	wrdreg s21  }
0x14: {  	s15 =	sadd.s32 $0x500, s6;
	s17 =	sadd.s32 s1, s17;
	[dreg:$0x8] =	wrdreg s26  }
0x15: {  	s6 =	smul.u32 $0x2800, s14;
	s0 =	sadd.s32 $0x25800, s0;
	[dreg:$0x9] =	wrdreg s17  }
0x16: {  	s14 =	sshrl.u32 s19, $0x3;
	s19 =	sadd.s32 $0x4000, s13;
	[dreg:$0x12] =	wrdreg s0  }
0x17: {  	s14 =	sadd.s32 s16, s14;
	[dreg:$0x14] =	wrdreg s19;
	s22 =	sshrl.u32 s6, $0x3  }
0x18: {  	s9 =	sadd.s32 $0x1E000, s1;
	[dreg:$0xc] =	wrdreg s14;
	s23 =	sadd.s32 s8, s22  }
0x19: {  	s11 =	sadd.s32 $0xA000, s1;
	s24 =	sadd.s32 s9, s22;
	[dreg:$0xb] =	wrdreg s23  }
0x1a: {  	s31 =	simm.s32 $0x3;
	s5 =	sadd.s32 s11, s22;
	[dreg:$0xd] =	wrdreg s24  }
0x1b: {  	s25 =	sor.u32 $0x10, s22;
	s22 =	sadd.s32 $0x10000, s13;
	[dreg:$0xe] =	wrdreg s5  }
0x1c: {  	s20 =	simm.s32 $0x6;
	s26 =	sadd.s32 s8, s25;
	[dreg:$0x17] =	wrdreg s22  }
0x1d: {  	s21 =	simm.s32 $0x80;
	s16 =	sadd.s32 s9, s25;
	[dreg:$0xf] =	wrdreg s26  }
0x1e: {  	s19 =	simm.s32 $0x1FA00;
	s17 =	sadd.s32 s11, s25;
	[dreg:$0x10] =	wrdreg s16  }
0x1f: {  	s0 =	simm.s32 $0x0;
	s23 =	sadd.s32 $0x130000, s3;
	[dreg:$0x11] =	wrdreg s17  }
0x20: {  	s24 =	sadd.s32 $0x134000, s3;
	s25 =	sadd.s32 $0x138000, s3;
	[dreg:$0x19] =	wrdreg s23  }
0x21: {  	s22 =	simm.s32 $0x4;
	s26 =	sor.u32 $0x100, s6;
	[dreg:$0x1a] =	wrdreg s24  }
0x22: {  	s16 =	sadd.s32 $0x12C000, s3;
	[dreg:$0x1b] =	wrdreg s25;
	s23 =	simm.s32 $0x5  }
0x23: {  	v0 =	vimm.f32 $0.0e+00;
	s24 =	simm.s32 $0x13D80;
	s25 =	simm.s32 $0x40;
	[dreg:$0x18] =	wrdreg s16  }
.LBB2_1:
0x24: {  	_ =	strace $0x80000048;
	s5 =	simm.s32 $0x0;
	s6 =	simm.s32 $0x200  }
.LBB2_2:
0x25: {  	p1 =	sne.s32 s6, $0xFE00;
	[tilespmem:s5+$0x179F0] =	vst v0  }
0x26: {  	[tilespmem:s5+$0x17980] =	vst v0  }
0x27: {  	[tilespmem:s5+$0x17990] =	vst v0  }
.Ltmp0:
0x28: {  	[tilespmem:s5+$0x179A0] =	vst v0;
	(pc) =	sbr.rel @p1 .LBB2_2-.Ltmp0, $4  }
0x29: {  	[tilespmem:s5+$0x179B0] =	vst v0  }
0x2a: {  	[tilespmem:s5+$0x179C0] =	vst v0  }
0x2b: {  	[tilespmem:s5+$0x179D0] =	vst v0  }
0x2c: {  	[tilespmem:s5+$0x179E0] =	vst v0;
	s5 =	sshra.s32 s6, $0x2;
	s6 =	sadd.s32 $0x200, s6  }
0x2d: {  	[tilespmem:s5+$0x179F0] =	vst v0  }
0x2e: {  	[tilespmem:s5+$0x17980] =	vst v0  }
0x2f: {  	[tilespmem:s5+$0x17990] =	vst v0  }
0x30: {  	[tilespmem:s5+$0x179A0] =	vst v0  }
0x31: {  	[tilespmem:s5+$0x179B0] =	vst v0  }
0x32: {  	[tilespmem:s5+$0x179C0] =	vst v0  }
0x33: {  	[tilespmem:s5+$0x179D0] =	vst v0  }
0x34: {  	[tilespmem:s5+$0x179E0] =	vst v0;
	s5 =	simm.s32 @p0 $0x17980  }
0x35: {  	[spmem:s16] =	stream.linear.scatter @p0 [tilespmem:s5], [sflag:$0x5], $0x4000, $0x200038;
	[tilespmem:$0x1FC80] =	vst v63  }
0x36: {  	s6 =	rddreg [dreg:$0x19]  }
0x37: {  	[spmem:s6] =	stream.linear.scatter @p0 [tilespmem:s5], [sflag:$0x5], $0x4000, $0x200038;
	[tilespmem:$0x1FC80] =	vst v63  }
0x38: {  	s6 =	rddreg [dreg:$0x1a]  }
0x39: {  	[spmem:s6] =	stream.linear.scatter @p0 [tilespmem:s5], [sflag:$0x5], $0x4000, $0x200038;
	[tilespmem:$0x1FC80] =	vst v63  }
0x3a: {  	s6 =	rddreg [dreg:$0x1b]  }
0x3b: {  	[spmem:s6] =	stream.linear.scatter @p0 [tilespmem:s5], [sflag:$0x5], $0x800, $0x200038;
	[tilespmem:$0x1FC80] =	vst v63  }
0x3c: {  	s5 =	simm.s32 @!p0 $0x17980  }
0x3d: {  	[spmem:s13] =	stream.linear.scatter @!p0 [tilespmem:s5], [sflag:$0x5], $0x4000, $0x200038;
	[tilespmem:$0x1FC80] =	vst v63  }
0x3e: {  	s6 =	rddreg [dreg:$0x14]  }
0x3f: {  	[spmem:s6] =	stream.linear.scatter @!p0 [tilespmem:s5], [sflag:$0x5], $0x4000, $0x200038;
	[tilespmem:$0x1FC80] =	vst v63  }
0x40: {  	s6 =	rddreg [dreg:$0x15]  }
0x41: {  	[spmem:s6] =	stream.linear.scatter @!p0 [tilespmem:s5], [sflag:$0x5], $0x4000, $0x200038;
	[tilespmem:$0x1FC80] =	vst v63  }
0x42: {  	s6 =	rddreg [dreg:$0x16]  }
0x43: {  	[spmem:s6] =	stream.linear.scatter @!p0 [tilespmem:s5], [sflag:$0x5], $0x4000, $0x200038;
	[tilespmem:$0x1FC80] =	vst v63  }
0x44: {  	s6 =	rddreg [dreg:$0x17]  }
0x45: {  	[spmem:s6] =	stream.linear.scatter @!p0 [tilespmem:s5], [sflag:$0x5], $0x4000, $0x200038;
	[tilespmem:$0x1FC80] =	vst v63  }
0x46: {  	[tilespmem:$0x1FA00] =	vst v0  }
0x47: {  	[tilespmem:$0x1FA10] =	vst v0  }
0x48: {  	[tilespmem:$0x1FA20] =	vst v0  }
0x49: {  	[tilespmem:$0x1FA30] =	vst v0  }
0x4a: {  	[tilespmem:$0x1FA40] =	vst v0  }
0x4b: {  	[tilespmem:$0x1FA50] =	vst v0  }
0x4c: {  	[tilespmem:$0x1FA60] =	vst v0  }
0x4d: {  	[tilespmem:$0x1FA70] =	vst v0  }
0x4e: {  	[tilespmem:$0x1FA80] =	vst v0  }
0x4f: {  	[tilespmem:$0x1FA90] =	vst v0  }
0x50: {  	[tilespmem:$0x1FAA0] =	vst v0  }
0x51: {  	[tilespmem:$0x1FAB0] =	vst v0  }
0x52: {  	[tilespmem:$0x1FAC0] =	vst v0  }
0x53: {  	[tilespmem:$0x1FAD0] =	vst v0  }
0x54: {  	[tilespmem:$0x1FAE0] =	vst v0  }
0x55: {  	[tilespmem:$0x1FAF0] =	vst v0  }
0x56: {  	[tilespmem:$0x1FB00] =	vst v0  }
0x57: {  	[tilespmem:$0x1FB10] =	vst v0  }
0x58: {  	[tilespmem:$0x1FB20] =	vst v0  }
0x59: {  	[tilespmem:$0x1FB30] =	vst v0  }
0x5a: {  	[tilespmem:$0x1FB40] =	vst v0  }
0x5b: {  	[tilespmem:$0x1FB50] =	vst v0  }
0x5c: {  	[tilespmem:$0x1FB60] =	vst v0  }
0x5d: {  	[tilespmem:$0x1FB70] =	vst v0  }
0x5e: {  	[tilespmem:$0x1FB80] =	vst v0  }
0x5f: {  	[tilespmem:$0x1FB90] =	vst v0  }
0x60: {  	[tilespmem:$0x1FBA0] =	vst v0  }
0x61: {  	[tilespmem:$0x1FBB0] =	vst v0  }
0x62: {  	[tilespmem:$0x1FBC0] =	vst v0  }
0x63: {  	[tilespmem:$0x1FBD0] =	vst v0  }
0x64: {  	[tilespmem:$0x1FBE0] =	vst v0  }
0x65: {  	[tilespmem:$0x1FBF0] =	vst v0  }
0x66: {  	[tilespmem:$0x1FC00] =	vst v0  }
0x67: {  	[tilespmem:$0x1FC10] =	vst v0  }
0x68: {  	[tilespmem:$0x1FC20] =	vst v0  }
0x69: {  	[tilespmem:$0x1FC30] =	vst v0  }
0x6a: {  	[tilespmem:$0x1FC40] =	vst v0  }
0x6b: {  	[tilespmem:$0x1FC50] =	vst v0  }
0x6c: {  	[tilespmem:$0x1FC60] =	vst v0  }
0x6d: {  	[tilespmem:$0x1FC70] =	vst v0  }
0x6e: {  	[spmem:s30] =	stream.linear.scatter [tilespmem:s19], [sflag:$0x6], $0x280, $0x200038;
	[tilespmem:$0x1FC80] =	vst v63  }
0x6f: {  	_ =	swait.ge [sflag:s20], $0x280  }
0x70: {  	[sflag:s20] =	ssyncset.done $0x0  }
0x71: {  	[sflag:s20] =	ssyncadd.s32 $0xFFFFFD80  }
0x72: {  	[bflag:$0x0] =	sbarrier.arrive $0xFFFF  }
0x73: {  	_ =	strace $0x90000048  }
0x74: {  	_ =	strace $0x80000049  }
0x75: {  	s14 =	simm.s32 $0x16580;
	s5 =	simm.s32 $0x0;
	s16 =	rddreg [dreg:$0x8]  }
0x76: {  	[tilespmem:s14], [sflag:$0x6] =	stream.linear.gather [hbm4b:s16+s5], $0x400, $0x200038;
	[tilespmem:$0x1FC80] =	vst v63  }
0x77: {  	_ =	swait.ge [sflag:s20], $0x400  }
0x78: {  	s18 =	simm.s32 $0x16D80;
	[sflag:s20] =	ssyncset.done $0x0  }
.Ltmp1:
0x79: {  	s17 =	rddreg [dreg:$0x9];
	[sflag:s20] =	ssyncadd.s32 $0xFFFFFC00;
	(pc) =	sbr.rel .LBB2_4-.Ltmp1, $4  }
0x7a: {  	[tilespmem:s18], [sflag:$0x6] =	stream.linear.gather [hbm4b:s17+s5], $0x400, $0x200038;
	[tilespmem:$0x1FC80] =	vst v63  }
0x7b: {  	_ =	swait.ge [sflag:s20], $0x400  }
0x7c: {  	[sflag:s20] =	ssyncset.done $0x0  }
0x7d: {  	[sflag:s20] =	ssyncadd.s32 $0xFFFFFC00  }
.LBB2_6:
0x7e: {  	p1 =	sgt.u32 s5, $0x8;
	s6 =	smov.u32 s10;
	s14 =	simm.s32 $0x3FFFF6  }
0x7f: {  	s16 =	sadd.s32 $0x1, s5;
	s6 =	smov.u32 @p1 s15;
	s14 =	simm.s32 @!p1 $0x0  }
0x80: {  	s6 =	sshrl.u32 s6, $0x3;
	s14 =	sadd.s32 s14, s16  }
0x81: {  	s17 =	sshll.u32 s5, $0xA;
	s14 =	sadd.s32 s6, s14  }
0x82: {  	s6 =	sand.u32 $0x400, s17;
	s18 =	sshll.u32 s14, $0x7  }
0x83: {  	s13 =	sxor.u32 $0x400, s6;
	s5 =	sand.u32 $0x1FFFFF80, s18  }
0x84: {  	s17 =	sadd.s32 $0x16580, s13;
	s18 =	sadd.s32 s12, s5  }
0x85: {  	[tilespmem:s17], [sflag:$0x3] =	stream.linear.gather [hbm4b:s18+s7], $0x400, $0x200038;
	[tilespmem:$0x1FC80] =	vst v63  }
0x86: {  	s14 =	sadd.s32 $0x16D80, s13;
	s5 =	sadd.s32 s1, s5  }
0x87: {  	[tilespmem:s14], [sflag:$0x3] =	stream.linear.gather [hbm4b:s5+s7], $0x400, $0x200038;
	[tilespmem:$0x1FC80] =	vst v63  }
0x88: {  	s5 =	smov.u32 s16  }
.LBB2_7:
0x89: {  	s14 =	sadd.s32 $0x16D80, s6;
	s16 =	sadd.s32 $0x16580, s6  }
0x8a: {  	[spmem:s4] =	stream.indirect.scatter.add.f32 [tilespmem:s14], [sflag:$0x4], $0x1, s16, s21, $0x2000b8;
	[tilespmem:$0x1FC80] =	vst v63  }
0x8b: {  	s17 =	sadd.s32 $0x16600, s6;
	s16 =	sadd.s32 $0x16E00, s6  }
0x8c: {  	[spmem:s4] =	stream.indirect.scatter.add.f32 [tilespmem:s16], [sflag:$0x4], $0x1, s17, s21, $0x2000b8;
	[tilespmem:$0x1FC80] =	vst v63  }
0x8d: {  	s18 =	sadd.s32 $0x16E80, s6;
	s13 =	sadd.s32 $0x16680, s6  }
0x8e: {  	[spmem:s4] =	stream.indirect.scatter.add.f32 [tilespmem:s18], [sflag:$0x4], $0x1, s13, s21, $0x2000b8;
	[tilespmem:$0x1FC80] =	vst v63  }
0x8f: {  	s16 =	sadd.s32 $0x16F00, s6;
	s17 =	sadd.s32 $0x16700, s6  }
0x90: {  	[spmem:s4] =	stream.indirect.scatter.add.f32 [tilespmem:s16], [sflag:$0x4], $0x1, s17, s21, $0x2000b8;
	[tilespmem:$0x1FC80] =	vst v63  }
0x91: {  	s18 =	sadd.s32 $0x16F80, s6;
	s13 =	sadd.s32 $0x16780, s6  }
0x92: {  	[spmem:s4] =	stream.indirect.scatter.add.f32 [tilespmem:s18], [sflag:$0x4], $0x1, s13, s21, $0x2000b8;
	[tilespmem:$0x1FC80] =	vst v63  }
0x93: {  	p1 =	sne.s32 s5, $0x14;
	s16 =	sor.u32 $0x17000, s6;
	s17 =	sor.u32 $0x16800, s6  }
0x94: {  	[spmem:s4] =	stream.indirect.scatter.add.f32 [tilespmem:s16], [sflag:$0x4], $0x1, s17, s21, $0x2000b8;
	[tilespmem:$0x1FC80] =	vst v63  }
.Ltmp2:
0x95: {  	_ = 	snop;
	(pc) =	sbr.rel @!p1 .LBB2_8-.Ltmp2, $4  }
0x96: {  	s18 =	sadd.s32 $0x17080, s6;
	s13 =	sadd.s32 $0x16880, s6  }
0x97: {  	[spmem:s4] =	stream.indirect.scatter.add.f32 [tilespmem:s18], [sflag:$0x4], $0x1, s13, s21, $0x2000b8;
	[tilespmem:$0x1FC80] =	vst v63  }
0x98: {  	s17 =	sadd.s32 $0x17100, s6;
	s18 =	sadd.s32 $0x16900, s6  }
0x99: {  	[spmem:s4] =	stream.indirect.scatter.add.f32 [tilespmem:s17], [sflag:$0x4], $0x1, s18, s21, $0x2000b8;
	[tilespmem:$0x1FC80] =	vst v63  }
.LBB2_4:
0x9a: {  	p1 =	seq.s32 s5, $0x0  }
0x9b: {  	s6 =	simm.s32 @!p1 $0x4  }
0x9c: {  	_ =	swait.ge @!p1 [sflag:s6], $0x80  }
0x9d: {  	[sflag:s6] =	ssyncset.done @!p1 $0x0  }
0x9e: {  	[sflag:s6] =	ssyncadd.s32 @!p1 $0xFFFFFF80  }
0x9f: {  	_ =	swait.ge @!p1 [sflag:s6], $0x80  }
0xa0: {  	[sflag:s6] =	ssyncset.done @!p1 $0x0  }
0xa1: {  	[sflag:s6] =	ssyncadd.s32 @!p1 $0xFFFFFF80  }
0xa2: {  	_ =	swait.ge @!p1 [sflag:s6], $0x80  }
0xa3: {  	[sflag:s6] =	ssyncset.done @!p1 $0x0  }
0xa4: {  	[sflag:s6] =	ssyncadd.s32 @!p1 $0xFFFFFF80  }
0xa5: {  	_ =	swait.ge @!p1 [sflag:s6], $0x80  }
0xa6: {  	[sflag:s6] =	ssyncset.done @!p1 $0x0  }
0xa7: {  	[sflag:s6] =	ssyncadd.s32 @!p1 $0xFFFFFF80  }
0xa8: {  	_ =	swait.ge @!p1 [sflag:s6], $0x80  }
0xa9: {  	[sflag:s6] =	ssyncset.done @!p1 $0x0  }
0xaa: {  	[sflag:s6] =	ssyncadd.s32 @!p1 $0xFFFFFF80  }
0xab: {  	_ =	swait.ge @!p1 [sflag:s6], $0x80  }
0xac: {  	[sflag:s6] =	ssyncset.done @!p1 $0x0  }
0xad: {  	[sflag:s6] =	ssyncadd.s32 @!p1 $0xFFFFFF80  }
0xae: {  	_ =	swait.ge @!p1 [sflag:s6], $0x80  }
0xaf: {  	[sflag:s6] =	ssyncset.done @!p1 $0x0  }
0xb0: {  	[sflag:s6] =	ssyncadd.s32 @!p1 $0xFFFFFF80  }
0xb1: {  	_ =	swait.ge @!p1 [sflag:s6], $0x80  }
0xb2: {  	[sflag:s6] =	ssyncset.done @!p1 $0x0  }
0xb3: {  	p2 =	seq.s32 @!p1 s5, $0x13;
	[sflag:s6] =	ssyncadd.s32 @!p1 $0xFFFFFF80;
	s6 =	simm.s32 @!p1 $0x3  }
0xb4: {  	p2 =	por p1, !p2;
	_ =	swait.ge @!p1 [sflag:s6], $0x400  }
.Ltmp3:
0xb5: {  	[sflag:s6] =	ssyncset.done @!p1 $0x0;
	(pc) =	sbr.rel @p2 .LBB2_6-.Ltmp3, $4  }
0xb6: {  	[sflag:s6] =	ssyncadd.s32 @!p1 $0xFFFFFC00  }
0xb7: {  	_ =	swait.ge @!p1 [sflag:s6], $0x400  }
0xb8: {  	[sflag:s6] =	ssyncset.done @!p1 $0x0  }
0xb9: {  	[sflag:s6] =	ssyncadd.s32 @!p1 $0xFFFFFC00  }
.Ltmp4:
0xba: {  	(pc) =	sbr.rel .LBB2_7-.Ltmp4, $2  }
0xbb: {  	_ =	sdelay $0x2  }
0xbc: {  	s6 =	simm.s32 @!p1 $0x400;
	s5 =	simm.s32 @!p1 $0x14  }
.LBB2_8:
0xbd: {  	_ =	swait.ge [sflag:s22], $0x80  }
0xbe: {  	[sflag:s22] =	ssyncset.done $0x0  }
0xbf: {  	[sflag:s22] =	ssyncadd.s32 $0xFFFFFF80  }
0xc0: {  	_ =	swait.ge [sflag:s22], $0x80  }
0xc1: {  	[sflag:s22] =	ssyncset.done $0x0  }
0xc2: {  	[sflag:s22] =	ssyncadd.s32 $0xFFFFFF80  }
0xc3: {  	_ =	swait.ge [sflag:s22], $0x80  }
0xc4: {  	[sflag:s22] =	ssyncset.done $0x0  }
0xc5: {  	[sflag:s22] =	ssyncadd.s32 $0xFFFFFF80  }
0xc6: {  	_ =	swait.ge [sflag:s22], $0x80  }
0xc7: {  	[sflag:s22] =	ssyncset.done $0x0  }
0xc8: {  	[sflag:s22] =	ssyncadd.s32 $0xFFFFFF80  }
0xc9: {  	_ =	swait.ge [sflag:s22], $0x80  }
0xca: {  	[sflag:s22] =	ssyncset.done $0x0  }
0xcb: {  	[sflag:s22] =	ssyncadd.s32 $0xFFFFFF80  }
0xcc: {  	_ =	swait.ge [sflag:s22], $0x80  }
0xcd: {  	[sflag:s22] =	ssyncset.done $0x0  }
0xce: {  	[sflag:s22] =	ssyncadd.s32 $0xFFFFFF80  }
0xcf: {  	_ =	swait.ge [sflag:s22], $0x80  }
0xd0: {  	[sflag:s22] =	ssyncset.done $0x0  }
0xd1: {  	[sflag:s22] =	ssyncadd.s32 $0xFFFFFF80  }
0xd2: {  	_ =	swait.ge [sflag:s22], $0x80  }
0xd3: {  	[sflag:s22] =	ssyncset.done $0x0  }
0xd4: {  	[sflag:s22] =	ssyncadd.s32 $0xFFFFFF80  }
0xd5: {  	[bflag:$0x0] =	sbarrier.arrive $0xFFFF  }
0xd6: {  	_ =	strace $0x90000049  }
0xd7: {  	_ =	strace $0x8000004A  }
0xd8: {  	[tilespmem:s19], [sflag:$0x6] =	stream.linear.gather [spmem:s30], $0x280, $0x200038;
	[tilespmem:$0x1FC80] =	vst v63  }
0xd9: {  	_ =	swait.ge [sflag:s20], $0x280  }
0xda: {  	[sflag:s20] =	ssyncset.done $0x0  }
0xdb: {  	[sflag:s20] =	ssyncadd.s32 $0xFFFFFD80  }
0xdc: {  	v1 =	vld [tilespmem:$0x1FA00]  }
0xdd: {  	v5 =	vld [tilespmem:$0x1FA10];
	_ =	sdelay $0x3  }
0xde: {  	v2 =	vshra.s32 v1, $0x1  }
0xdf: {  	v3 =	vmul.f32 $5.000000000e-01, v1;
	v6 =	vshra.s32 v5, $0x1;
	v7 =	vmul.f32 $5.000000000e-01, v5  }
0xe0: {  	v9 =	vld [tilespmem:$0x1FA20];
	v2 =	vsub.s32 $0x5F3759DF, v2;
	v57 =	vsub.s32 $0x5F3759DF, v6  }
0xe1: {  	v11 =	vld [tilespmem:$0x1FA30];
	v4 =	vmul.f32 v2, v3;
	v6 =	vmul.f32 v57, v7;
	_ =	sdelay $0x1  }
0xe2: {  	v13 =	vld [tilespmem:$0x1FA40];
	v4 =	vmul.f32 v2, v4;
	v6 =	vmul.f32 v57, v6;
	_ =	sdelay $0x1  }
0xe3: {  	v63 =	vld [tilespmem:$0x1FA50];
	v58 =	vshra.s32 v9, $0x1;
	v4 =	vsub.f32 $1.500000000e+00, v4;
	v6 =	vsub.f32 $1.500000000e+00, v6  }
0xe4: {  	v10 =	vmul.f32 $5.000000000e-01, v9;
	v14 =	vshra.s32 v11, $0x1;
	v15 =	vmul.f32 $5.000000000e-01, v11  }
0xe5: {  	v21 =	vld [tilespmem:$0x1FA60];
	v2 =	vmul.f32 v2, v4;
	v4 =	vmul.f32 v57, v6;
	v6 =	vsub.s32 $0x5F3759DF, v58  }
0xe6: {  	v18 =	vmul.f32 $5.000000000e-01, v13;
	v14 =	vsub.s32 $0x5F3759DF, v14;
	v12 =	vmul.f32 v6, v10  }
0xe7: {  	v16 =	vmul.f32 v14, v15;
	v8 =	vmul.f32 v2, v3  }
0xe8: {  	v20 =	vmul.f32 $5.000000000e-01, v63;
	v12 =	vmul.f32 v6, v12  }
0xe9: {  	v17 =	vshra.s32 v13, $0x1;
	v16 =	vmul.f32 v14, v16;
	v8 =	vmul.f32 v8, v2  }
0xea: {  	v36 =	vmul.f32 $5.000000000e-01, v21;
	v60 =	vsub.s32 $0x5F3759DF, v17;
	v12 =	vsub.f32 $1.500000000e+00, v12  }
0xeb: {  	v31 =	vld [tilespmem:$0x1FA70];
	v62 =	vmul.f32 v60, v18;
	v61 =	vsub.f32 $1.500000000e+00, v16;
	v8 =	vsub.f32 $1.500000000e+00, v8  }
0xec: {  	v26 =	vshra.s32 v63, $0x1;
	v59 =	vmul.f32 v4, v7;
	v6 =	vmul.f32 v6, v12  }
0xed: {  	vm0 =	vgt.f32 v1, $0.0e+00;
	v12 =	vmul.f32 v14, v61;
	v2 =	vmul.f32 v8, v2  }
0xee: {  	vm14 =	vgt.f32 v5, $0.0e+00;
	v24 =	vmul.f32 v60, v62;
	v8 =	vmul.f32 v59, v4  }
0xef: {  	v35 =	vshra.s32 v21, $0x1;
	v25 =	vmul.f32 v12, v15;
	v3 =	vmul.f32 v2, v3  }
0xf0: {  	v22 =	vmul.f32 $5.000000000e-01, v31;
	v14 =	vsub.f32 $1.500000000e+00, v24;
	v8 =	vsub.f32 $1.500000000e+00, v8  }
0xf1: {  	v38 =	vshra.s32 v31, $0x1;
	v16 =	vmul.f32 v25, v12;
	v3 =	vmul.f32 v3, v2  }
0xf2: {  	v4 =	vmul.f32 v8, v4;
	v8 =	vmul.f32 v60, v14;
	v14 =	vsub.s32 $0x5F3759DF, v35  }
0xf3: {  	v19 =	vmul.f32 v6, v10;
	v37 =	vmul.f32 v14, v36;
	v3 =	vsub.f32 $1.500000000e+00, v3  }
0xf4: {  	v16 =	vsub.f32 $1.500000000e+00, v16;
	v7 =	vmul.f32 v4, v7;
	v29 =	vmul.f32 v8, v18  }
0xf5: {  	vm15 =	vgt.f32 v9, $0.0e+00;
	v2 =	vmul.f32 v3, v2;
	v3 =	vmul.f32 v19, v6  }
0xf6: {  	v27 =	vsub.s32 $0x5F3759DF, v26;
	v12 =	vmul.f32 v16, v12;
	v16 =	vmul.f32 v14, v37  }
0xf7: {  	v28 =	vmul.f32 v27, v20;
	v7 =	vmul.f32 v7, v4;
	v3 =	vsub.f32 $1.500000000e+00, v3  }
0xf8: {  	v16 =	vsub.f32 $1.500000000e+00, v16;
	v1 =	vnsel vm0, $0x0, v2;
	v2 =	vmul.f32 v29, v8  }
0xf9: {  	v19 =	vsub.s32 $0x5F3759DF, v38;
	v3 =	vmul.f32 v3, v6;
	v6 =	vmul.f32 v27, v28  }
0xfa: {  	v34 =	vmul.f32 v12, v15;
	v42 =	vmul.f32 v14, v16;
	v2 =	vsub.f32 $1.500000000e+00, v2  }
0xfb: {  	v40 =	vmul.f32 v19, v22;
	v10 =	vmul.f32 v3, v10;
	v30 =	vsub.f32 $1.500000000e+00, v6  }
0xfc: {  	vm4 =	vgt.f32 v11, $0.0e+00;
	v14 =	vmul.f32 v42, v36;
	v8 =	vmul.f32 v2, v8  }
0xfd: {  	vm5 =	vgt.f32 v13, $0.0e+00;
	v33 =	vmul.f32 v10, v3;
	v5 =	vmul.f32 v27, v30  }
0xfe: {  	vm6 =	vgt.f32 v63, $0.0e+00;
	v10 =	vmul.f32 v34, v12;
	v18 =	vmul.f32 v8, v18  }
0xff: {  	v7 =	vsub.f32 $1.500000000e+00, v7;
	v14 =	vmul.f32 v14, v42;
	v2 =	vmul.f32 v5, v20  }
0x100: {  	v39 =	vmul.f32 v18, v8;
	v10 =	vsub.f32 $1.500000000e+00, v10;
	v18 =	vmul.f32 v19, v40  }
0x101: {  	v4 =	vmul.f32 v7, v4;
	v14 =	vsub.f32 $1.500000000e+00, v14;
	v6 =	vsub.f32 $1.500000000e+00, v33  }
0x102: {  	v23 =	vmul.f32 v2, v5;
	v43 =	vmul.f32 v10, v12;
	v44 =	vsub.f32 $1.500000000e+00, v18;
	v10 =	vld [tilespmem:$0x1FA90]  }
0x103: {  	v53 =	vmul.f32 v14, v42;
	v2 =	vnsel vm14, $0x0, v4;
	v4 =	vsub.f32 $1.500000000e+00, v39  }
0x104: {  	v3 =	vmul.f32 v6, v3;
	v41 =	vsub.f32 $1.500000000e+00, v23;
	v23 =	vld [tilespmem:$0x1FA80];
	v46 =	vmul.f32 v19, v44  }
0x105: {  	vm7 =	vgt.f32 v21, $0.0e+00;
	v14 =	vmul.f32 v53, v36;
	v8 =	vmul.f32 v4, v8  }
0x106: {  	vm1 =	vgt.f32 v31, $0.0e+00;
	v6 =	vmul.f32 v41, v5;
	v50 =	vmul.f32 v46, v22  }
0x107: {  	v3 =	vnsel vm15, $0x0, v3;
	v58 =	vmul.f32 v14, v53;
	v24 =	vmul.f32 $5.000000000e-01, v10  }
0x108: {  	v52 =	vshra.s32 v10, $0x1;
	v45 =	vmul.f32 v6, v20;
	v25 =	vmul.f32 v50, v46  }
0x109: {  	v20 =	vsub.s32 $0x5F3759DF, v52;
	v47 =	vshra.s32 v23, $0x1;
	v48 =	vmul.f32 $5.000000000e-01, v23  }
0x10a: {  	v13 =	vsub.f32 $1.500000000e+00, v58;
	v54 =	vmul.f32 v20, v24;
	v49 =	vsub.s32 $0x5F3759DF, v47  }
0x10b: {  	v12 =	vmul.f32 v45, v6;
	v55 =	vsub.f32 $1.500000000e+00, v25;
	v25 =	vld [tilespmem:$0x1FAA0];
	v51 =	vmul.f32 v49, v48  }
0x10c: {  	v4 =	vnsel vm4, $0x0, v43;
	v9 =	vmul.f32 v13, v53;
	v13 =	vld [tilespmem:$0x1FAC0];
	v56 =	vmul.f32 v20, v54  }
0x10d: {  	v12 =	vsub.f32 $1.500000000e+00, v12;
	v57 =	vmul.f32 v55, v46;
	v11 =	vmul.f32 v49, v51  }
0x10e: {  	v5 =	vnsel vm5, $0x0, v8;
	vm9 =	vgt.f32 v10, $0.0e+00;
	v59 =	vsub.f32 $1.500000000e+00, v56  }
0x10f: {  	v6 =	vmul.f32 v12, v6;
	v60 =	vmul.f32 v57, v22;
	v11 =	vsub.f32 $1.500000000e+00, v11  }
0x110: {  	v12 =	vld [tilespmem:$0x1FAB0];
	v14 =	vmul.f32 v20, v59;
	v62 =	vshra.s32 v25, $0x1;
	v63 =	vmul.f32 $5.000000000e-01, v25  }
0x111: {  	v45 =	vmul.f32 $5.000000000e-01, v13;
	v17 =	vsub.s32 $0x5F3759DF, v62;
	v11 =	vmul.f32 v49, v11  }
0x112: {  	vm8 =	vgt.f32 v23, $0.0e+00;
	v20 =	vmul.f32 v14, v24;
	v32 =	vmul.f32 v17, v63  }
0x113: {  	v8 =	vnsel vm7, $0x0, v9;
	v15 =	vmul.f32 v60, v57;
	v61 =	vmul.f32 v11, v48  }
0x114: {  	v44 =	vshra.s32 v13, $0x1;
	v20 =	vmul.f32 v20, v14;
	v22 =	vmul.f32 v17, v32  }
0x115: {  	v26 =	vshra.s32 v12, $0x1;
	v27 =	vmul.f32 $5.000000000e-01, v12;
	v16 =	vmul.f32 v61, v11  }
0x116: {  	v26 =	vsub.s32 $0x5F3759DF, v26;
	v34 =	vsub.f32 $1.500000000e+00, v20;
	v35 =	vsub.f32 $1.500000000e+00, v22  }
0x117: {  	v15 =	vsub.f32 $1.500000000e+00, v15;
	v33 =	vmul.f32 v26, v27;
	v16 =	vsub.f32 $1.500000000e+00, v16  }
0x118: {  	vm12 =	vgt.f32 v13, $0.0e+00;
	v36 =	vmul.f32 v34, v14;
	v17 =	vmul.f32 v17, v35;
	v14 =	vld [tilespmem:$0x1FAD0]  }
0x119: {  	vm10 =	vgt.f32 v25, $0.0e+00;
	v37 =	vmul.f32 v15, v57;
	v11 =	vmul.f32 v16, v11  }
0x11a: {  	v6 =	vnsel vm6, $0x0, v6;
	v16 =	vmul.f32 v26, v33;
	v20 =	vmul.f32 v17, v63  }
0x11b: {  	v22 =	vsub.s32 $0x5F3759DF, v44;
	v39 =	vmul.f32 v36, v24;
	v18 =	vmul.f32 v11, v48  }
0x11c: {  	v46 =	vmul.f32 v22, v45;
	v16 =	vsub.f32 $1.500000000e+00, v16;
	v42 =	vmul.f32 v20, v17  }
0x11d: {  	v41 =	vmul.f32 v39, v36;
	v47 =	vshra.s32 v14, $0x1;
	v38 =	vmul.f32 v18, v11  }
0x11e: {  	v28 =	vmul.f32 $5.000000000e-01, v14;
	v40 =	vmul.f32 v26, v16;
	v18 =	vsub.f32 $1.500000000e+00, v42  }
0x11f: {  	v16 =	vsub.f32 $1.500000000e+00, v41;
	v26 =	vmul.f32 v22, v46;
	v15 =	vsub.f32 $1.500000000e+00, v38  }
0x120: {  	v43 =	vmul.f32 v40, v27;
	v18 =	vmul.f32 v18, v17;
	v17 =	vsub.s32 $0x5F3759DF, v47  }
0x121: {  	v21 =	vmul.f32 v16, v36;
	v16 =	vld [tilespmem:$0x1FAF0];
	v49 =	vsub.f32 $1.500000000e+00, v26;
	v48 =	vmul.f32 v17, v28  }
0x122: {  	vm11 =	vgt.f32 v12, $0.0e+00;
	v11 =	vmul.f32 v15, v11;
	v20 =	vmul.f32 v43, v40  }
0x123: {  	v7 =	vnsel vm1, $0x0, v37;
	v15 =	vld [tilespmem:$0x1FAE0];
	v19 =	vmul.f32 v18, v63;
	v22 =	vmul.f32 v22, v49  }
0x124: {  	vm13 =	vgt.f32 v14, $0.0e+00;
	v10 =	vnsel vm9, $0x0, v21;
	v23 =	vmul.f32 v17, v48  }
0x125: {  	v20 =	vsub.f32 $1.500000000e+00, v20;
	v19 =	vmul.f32 v19, v18;
	v30 =	vmul.f32 v22, v45  }
0x126: {  	v51 =	vsub.f32 $1.500000000e+00, v23;
	v31 =	vshra.s32 v16, $0x1;
	v32 =	vmul.f32 $5.000000000e-01, v16  }
0x127: {  	v20 =	vmul.f32 v20, v40;
	v54 =	vsub.s32 $0x5F3759DF, v31;
	v55 =	vmul.f32 v30, v22  }
0x128: {  	v19 =	vsub.f32 $1.500000000e+00, v19;
	v50 =	vshra.s32 v15, $0x1;
	v29 =	vmul.f32 $5.000000000e-01, v15  }
0x129: {  	v33 =	vmul.f32 v17, v51;
	v56 =	vmul.f32 v54, v32;
	v26 =	vsub.s32 $0x5F3759DF, v50  }
0x12a: {  	v21 =	vld [tilespmem:$0x1FB40];
	v9 =	vnsel vm8, $0x0, v11;
	v27 =	vmul.f32 v20, v27;
	v52 =	vmul.f32 v26, v29  }
0x12b: {  	v11 =	vsub.f32 $1.500000000e+00, v55;
	v19 =	vmul.f32 v19, v18;
	v57 =	vmul.f32 v33, v28  }
0x12c: {  	vm15 =	vgt.f32 v16, $0.0e+00;
	v18 =	vld [tilespmem:$0x1FB10];
	v30 =	vmul.f32 v54, v56;
	v53 =	vmul.f32 v26, v52  }
0x12d: {  	vm14 =	vgt.f32 v15, $0.0e+00;
	v27 =	vmul.f32 v27, v20;
	v22 =	vmul.f32 v11, v22  }
0x12e: {  	v31 =	vmul.f32 v57, v33;
	v58 =	vsub.f32 $1.500000000e+00, v30;
	v17 =	vsub.f32 $1.500000000e+00, v53  }
0x12f: {  	vm8 =	vgt.f32 v21, $0.0e+00;
	v27 =	vsub.f32 $1.500000000e+00, v27;
	v24 =	vmul.f32 v22, v45  }
0x130: {  	v59 =	vsub.f32 $1.500000000e+00, v31;
	v23 =	vmul.f32 v54, v58;
	v26 =	vmul.f32 v26, v17;
	v17 =	vld [tilespmem:$0x1FB00]  }
0x131: {  	v42 =	vshra.s32 v18, $0x1;
	v34 =	vmul.f32 $5.000000000e-01, v18;
	v24 =	vmul.f32 v24, v22  }
0x132: {  	v61 =	vmul.f32 v59, v33;
	v63 =	vmul.f32 v23, v32;
	v33 =	vsub.s32 $0x5F3759DF, v42  }
0x133: {  	v11 =	vnsel vm10, $0x0, v19;
	v27 =	vmul.f32 v27, v20;
	v43 =	vmul.f32 v33, v34  }
0x134: {  	v24 =	vsub.f32 $1.500000000e+00, v24;
	v60 =	vmul.f32 v26, v29;
	v20 =	vmul.f32 v63, v23  }
0x135: {  	v28 =	vmul.f32 v61, v28;
	v40 =	vshra.s32 v17, $0x1;
	v41 =	vmul.f32 $5.000000000e-01, v17  }
0x136: {  	v19 =	vld [tilespmem:$0x1FB20];
	v25 =	vmul.f32 v33, v43;
	v62 =	vmul.f32 v60, v26;
	v30 =	vsub.s32 $0x5F3759DF, v40  }
0x137: {  	v22 =	vmul.f32 v24, v22;
	v20 =	vsub.f32 $1.500000000e+00, v20;
	v36 =	vmul.f32 v30, v41  }
0x138: {  	v28 =	vmul.f32 v28, v61;
	v46 =	vsub.f32 $1.500000000e+00, v25;
	v35 =	vsub.f32 $1.500000000e+00, v62  }
0x139: {  	vm5 =	vgt.f32 v18, $0.0e+00;
	v23 =	vmul.f32 v20, v23;
	v44 =	vmul.f32 v30, v36  }
0x13a: {  	v51 =	vsub.f32 $1.500000000e+00, v28;
	v50 =	vmul.f32 v33, v46;
	v26 =	vmul.f32 v35, v26  }
0x13b: {  	v49 =	vmul.f32 v23, v32;
	v35 =	vmul.f32 $5.000000000e-01, v19;
	v45 =	vsub.f32 $1.500000000e+00, v44  }
0x13c: {  	v55 =	vshra.s32 v19, $0x1;
	v24 =	vmul.f32 v51, v61;
	v53 =	vmul.f32 v50, v34  }
0x13d: {  	v20 =	vld [tilespmem:$0x1FB30];
	v33 =	vsub.s32 $0x5F3759DF, v55;
	v36 =	vmul.f32 $5.000000000e-01, v21;
	v48 =	vmul.f32 v30, v45  }
0x13e: {  	vm6 =	vgt.f32 v19, $0.0e+00;
	v29 =	vmul.f32 v26, v29;
	v57 =	vmul.f32 v33, v35  }
0x13f: {  	v13 =	vnsel vm12, $0x0, v22;
	v28 =	vmul.f32 v53, v50;
	v52 =	vmul.f32 v48, v41  }
0x140: {  	vm4 =	vgt.f32 v17, $0.0e+00;
	v47 =	vmul.f32 v29, v26;
	v60 =	vmul.f32 v33, v57  }
0x141: {  	v12 =	vmul.f32 v49, v23;
	v58 =	vsub.f32 $1.500000000e+00, v28;
	v54 =	vmul.f32 v52, v48  }
0x142: {  	v63 =	vmul.f32 $5.000000000e-01, v20;
	v25 =	vsub.f32 $1.500000000e+00, v47;
	v28 =	vsub.f32 $1.500000000e+00, v60  }
0x143: {  	v12 =	vsub.f32 $1.500000000e+00, v12;
	v61 =	vmul.f32 v58, v50;
	v56 =	vsub.f32 $1.500000000e+00, v54  }
0x144: {  	v22 =	vld [tilespmem:$0x1FB50];
	v62 =	vshra.s32 v20, $0x1;
	v25 =	vmul.f32 v25, v26;
	v28 =	vmul.f32 v33, v28  }
0x145: {  	v44 =	vshra.s32 v21, $0x1;
	v26 =	vmul.f32 v12, v23;
	v59 =	vmul.f32 v56, v48  }
0x146: {  	v40 =	vmul.f32 v61, v34;
	v34 =	vsub.s32 $0x5F3759DF, v44;
	v33 =	vmul.f32 v28, v35  }
0x147: {  	v23 =	vsub.s32 $0x5F3759DF, v62;
	v38 =	vmul.f32 v34, v36;
	v31 =	vmul.f32 v59, v41  }
0x148: {  	v14 =	vnsel vm13, $0x0, v24;
	v33 =	vmul.f32 v33, v28;
	v41 =	vmul.f32 v23, v63  }
0x149: {  	v49 =	vshra.s32 v22, $0x1;
	v47 =	vmul.f32 v34, v38;
	v31 =	vmul.f32 v31, v59  }
0x14a: {  	v51 =	vsub.s32 $0x5F3759DF, v49;
	v38 =	vmul.f32 $5.000000000e-01, v22;
	v43 =	vmul.f32 v23, v41  }
0x14b: {  	v42 =	vmul.f32 v40, v61;
	v46 =	vsub.f32 $1.500000000e+00, v33;
	v31 =	vsub.f32 $1.500000000e+00, v31  }
0x14c: {  	v50 =	vsub.f32 $1.500000000e+00, v47;
	v53 =	vmul.f32 v51, v38;
	v32 =	vsub.f32 $1.500000000e+00, v43  }
0x14d: {  	vm9 =	vgt.f32 v22, $0.0e+00;
	v28 =	vmul.f32 v46, v28;
	v24 =	vmul.f32 v31, v59  }
0x14e: {  	vm7 =	vgt.f32 v20, $0.0e+00;
	v45 =	vmul.f32 v23, v32;
	v23 =	vld [tilespmem:$0x1FB60];
	v31 =	vmul.f32 v34, v50  }
0x14f: {  	v37 =	vsub.f32 $1.500000000e+00, v42;
	v33 =	vmul.f32 v51, v53;
	v35 =	vmul.f32 v28, v35  }
0x150: {  	v15 =	vnsel vm14, $0x0, v25;
	v48 =	vmul.f32 v45, v63;
	v40 =	vmul.f32 v31, v36  }
0x151: {  	v25 =	vld [tilespmem:$0x1FB70];
	v29 =	vmul.f32 v37, v61;
	v33 =	vsub.f32 $1.500000000e+00, v33;
	v58 =	vmul.f32 v35, v28  }
0x152: {  	v12 =	vnsel vm11, $0x0, v27;
	v52 =	vmul.f32 v48, v45;
	v56 =	vmul.f32 v40, v31  }
0x153: {  	v32 =	vmul.f32 v51, v33;
	v54 =	vshra.s32 v23, $0x1;
	v55 =	vmul.f32 $5.000000000e-01, v23  }
0x154: {  	v39 =	vsub.f32 $1.500000000e+00, v52;
	v34 =	vsub.s32 $0x5F3759DF, v54;
	v59 =	vsub.f32 $1.500000000e+00, v56  }
0x155: {  	v16 =	vnsel vm15, $0x0, v26;
	v61 =	vmul.f32 v32, v38;
	v41 =	vmul.f32 v34, v55  }
0x156: {  	v62 =	vshra.s32 v25, $0x1;
	v27 =	vmul.f32 v39, v45;
	v42 =	vmul.f32 v59, v31  }
0x157: {  	v26 =	vsub.f32 $1.500000000e+00, v58;
	v45 =	vmul.f32 v61, v32;
	v57 =	vmul.f32 v34, v41  }
0x158: {  	vm11 =	vgt.f32 v25, $0.0e+00;
	v30 =	vmul.f32 v27, v63;
	v63 =	vmul.f32 $5.000000000e-01, v25  }
0x159: {  	v44 =	vsub.s32 $0x5F3759DF, v62;
	v26 =	vmul.f32 v26, v28;
	v31 =	vld [tilespmem:$0x1FB80];
	v60 =	vsub.f32 $1.500000000e+00, v57  }
0x15a: {  	v36 =	vmul.f32 v42, v36;
	v39 =	vsub.f32 $1.500000000e+00, v45;
	v46 =	vmul.f32 v44, v63  }
0x15b: {  	v18 =	vnsel vm5, $0x0, v29;
	v47 =	vmul.f32 v30, v27;
	v43 =	vmul.f32 v34, v60  }
0x15c: {  	v17 =	vnsel vm4, $0x0, v24;
	v36 =	vmul.f32 v36, v42;
	v32 =	vmul.f32 v39, v32  }
0x15d: {  	v33 =	vld [tilespmem:$0x1FB90];
	v35 =	vmul.f32 v44, v46;
	v24 =	vsub.f32 $1.500000000e+00, v47;
	v48 =	vmul.f32 v43, v55  }
0x15e: {  	v50 =	vsub.f32 $1.500000000e+00, v36;
	v51 =	vmul.f32 v32, v38;
	v36 =	vmul.f32 $5.000000000e-01, v31  }
0x15f: {  	v35 =	vsub.f32 $1.500000000e+00, v35;
	v24 =	vmul.f32 v24, v27;
	v30 =	vmul.f32 v48, v43  }
0x160: {  	v52 =	vshra.s32 v31, $0x1;
	v38 =	vmul.f32 v51, v32;
	v28 =	vmul.f32 v50, v42  }
0x161: {  	v34 =	vmul.f32 v44, v35;
	v35 =	vsub.s32 $0x5F3759DF, v52;
	v49 =	vsub.f32 $1.500000000e+00, v30  }
0x162: {  	v42 =	vmul.f32 $5.000000000e-01, v33;
	v38 =	vsub.f32 $1.500000000e+00, v38;
	v54 =	vmul.f32 v35, v36  }
0x163: {  	v19 =	vnsel vm6, $0x0, v26;
	v30 =	vld [tilespmem:$0x1FBA0];
	v53 =	vmul.f32 v34, v63;
	v27 =	vmul.f32 v49, v43  }
0x164: {  	vm10 =	vgt.f32 v23, $0.0e+00;
	v38 =	vmul.f32 v38, v32;
	v39 =	vmul.f32 v35, v54  }
0x165: {  	v56 =	vshra.s32 v33, $0x1;
	v32 =	vld [tilespmem:$0x1FBB0];
	v37 =	vmul.f32 v27, v55;
	v55 =	vmul.f32 v53, v34  }
0x166: {  	vm13 =	vgt.f32 v33, $0.0e+00;
	v58 =	vsub.s32 $0x5F3759DF, v56;
	v57 =	vsub.f32 $1.500000000e+00, v39  }
0x167: {  	vm12 =	vgt.f32 v31, $0.0e+00;
	v59 =	vmul.f32 v58, v42;
	v29 =	vsub.f32 $1.500000000e+00, v55  }
0x168: {  	v20 =	vnsel vm7, $0x0, v24;
	v60 =	vshra.s32 v30, $0x1;
	v35 =	vmul.f32 v35, v57  }
0x169: {  	v43 =	vmul.f32 $5.000000000e-01, v30;
	v40 =	vsub.s32 $0x5F3759DF, v60;
	v29 =	vmul.f32 v29, v34  }
0x16a: {  	v48 =	vshra.s32 v32, $0x1;
	v34 =	vmul.f32 v58, v59;
	v44 =	vmul.f32 v35, v36  }
0x16b: {  	v37 =	vmul.f32 v37, v27;
	v45 =	vmul.f32 v40, v43;
	v49 =	vsub.s32 $0x5F3759DF, v48  }
0x16c: {  	v41 =	vmul.f32 v29, v63;
	v34 =	vsub.f32 $1.500000000e+00, v34;
	v62 =	vmul.f32 v44, v35  }
0x16d: {  	v37 =	vsub.f32 $1.500000000e+00, v37;
	v63 =	vmul.f32 v40, v45;
	v44 =	vmul.f32 $5.000000000e-01, v32  }
0x16e: {  	v61 =	vmul.f32 v41, v29;
	v39 =	vmul.f32 v58, v34;
	v26 =	vsub.f32 $1.500000000e+00, v62  }
0x16f: {  	v37 =	vmul.f32 v37, v27;
	v41 =	vsub.f32 $1.500000000e+00, v63;
	v47 =	vmul.f32 v49, v44;
	v34 =	vld [tilespmem:$0x1FBC0]  }
0x170: {  	v46 =	vmul.f32 v39, v42;
	v27 =	vsub.f32 $1.500000000e+00, v61;
	v35 =	vmul.f32 v26, v35  }
0x171: {  	vm14 =	vgt.f32 v30, $0.0e+00;
	v50 =	vmul.f32 v40, v41;
	v52 =	vmul.f32 v49, v47  }
0x172: {  	vm15 =	vgt.f32 v32, $0.0e+00;
	v51 =	vmul.f32 v46, v39;
	v41 =	vmul.f32 v27, v29  }
0x173: {  	v53 =	vmul.f32 v50, v43;
	v54 =	vmul.f32 v35, v36;
	v55 =	vsub.f32 $1.500000000e+00, v52;
	v29 =	vld [tilespmem:$0x1FBD0]  }
0x174: {  	v56 =	vshra.s32 v34, $0x1;
	v46 =	vmul.f32 $5.000000000e-01, v34;
	v24 =	vsub.f32 $1.500000000e+00, v51  }
0x175: {  	v21 =	vmul.f32 v53, v50;
	v36 =	vmul.f32 v49, v55;
	v57 =	vsub.s32 $0x5F3759DF, v56  }
0x176: {  	vm4 =	vgt.f32 v34, $0.0e+00;
	v27 =	vmul.f32 v54, v35;
	v59 =	vmul.f32 v57, v46  }
0x177: {  	v24 =	vmul.f32 v24, v39;
	v58 =	vsub.f32 $1.500000000e+00, v21;
	v61 =	vmul.f32 v36, v44  }
0x178: {  	v21 =	vnsel vm8, $0x0, v28;
	v62 =	vmul.f32 v57, v59;
	v45 =	vmul.f32 $5.000000000e-01, v29  }
0x179: {  	v33 =	vld [tilespmem:$0x1FC30];
	v48 =	vshra.s32 v29, $0x1;
	v40 =	vmul.f32 v58, v50;
	v63 =	vmul.f32 v61, v36  }
0x17a: {  	v60 =	vmul.f32 v24, v42;
	v42 =	vsub.s32 $0x5F3759DF, v48;
	v22 =	vsub.f32 $1.500000000e+00, v62  }
0x17b: {  	v49 =	vmul.f32 v42, v45;
	v43 =	vmul.f32 v40, v43;
	v26 =	vsub.f32 $1.500000000e+00, v63  }
0x17c: {  	v27 =	vsub.f32 $1.500000000e+00, v27;
	v28 =	vmul.f32 v60, v24;
	v39 =	vmul.f32 v57, v22  }
0x17d: {  	v25 =	vnsel vm11, $0x0, v41;
	v53 =	vmul.f32 v42, v49;
	v51 =	vmul.f32 v26, v36;
	v26 =	vld [tilespmem:$0x1FBE0]  }
0x17e: {  	vm11 =	vgt.f32 v33, $0.0e+00;
	v35 =	vmul.f32 v27, v35;
	v50 =	vsub.f32 $1.500000000e+00, v28  }
0x17f: {  	v43 =	vmul.f32 v43, v40;
	v55 =	vmul.f32 v39, v46;
	v36 =	vsub.f32 $1.500000000e+00, v53  }
0x180: {  	v22 =	vnsel vm9, $0x0, v38;
	v47 =	vmul.f32 v50, v24;
	v56 =	vmul.f32 v51, v44  }
0x181: {  	v27 =	vld [tilespmem:$0x1FBF0];
	v54 =	vsub.f32 $1.500000000e+00, v43;
	v57 =	vmul.f32 v55, v39;
	v36 =	vmul.f32 v42, v36  }
0x182: {  	v58 =	vmul.f32 v56, v51;
	v60 =	vshra.s32 v26, $0x1;
	v42 =	vmul.f32 $5.000000000e-01, v26  }
0x183: {  	v28 =	vld [tilespmem:$0x1FC00];
	v59 =	vsub.f32 $1.500000000e+00, v57;
	v61 =	vmul.f32 v36, v45;
	v62 =	vsub.s32 $0x5F3759DF, v60  }
0x184: {  	v38 =	vmul.f32 v54, v40;
	v23 =	vsub.f32 $1.500000000e+00, v58;
	v52 =	vmul.f32 v62, v42  }
0x185: {  	vm5 =	vgt.f32 v29, $0.0e+00;
	v63 =	vmul.f32 v59, v39;
	v53 =	vmul.f32 v61, v36  }
0x186: {  	v55 =	vshra.s32 v27, $0x1;
	v40 =	vmul.f32 v23, v51;
	v39 =	vmul.f32 v62, v52  }
0x187: {  	v23 =	vld [tilespmem:$0x1FC10];
	v54 =	vmul.f32 v63, v46;
	v43 =	vsub.f32 $1.500000000e+00, v53;
	v46 =	vmul.f32 $5.000000000e-01, v27  }
0x188: {  	v48 =	vsub.s32 $0x5F3759DF, v55;
	v44 =	vmul.f32 $5.000000000e-01, v28;
	v39 =	vsub.f32 $1.500000000e+00, v39  }
0x189: {  	v35 =	vnsel vm12, $0x0, v35;
	v43 =	vmul.f32 v43, v36;
	v56 =	vmul.f32 v48, v46  }
0x18a: {  	v58 =	vshra.s32 v28, $0x1;
	v41 =	vmul.f32 v54, v63;
	v57 =	vmul.f32 v62, v39  }
0x18b: {  	v45 =	vmul.f32 v43, v45;
	v31 =	vmul.f32 v48, v56;
	v39 =	vsub.s32 $0x5F3759DF, v58  }
0x18c: {  	[tilespmem:$0x1FA00] =	vst v1;
	v1 =	vld [tilespmem:$0x1FC40];
	v41 =	vsub.f32 $1.500000000e+00, v41;
	v51 =	vshra.s32 v23, $0x1;
	v52 =	vmul.f32 $5.000000000e-01, v23  }
0x18d: {  	v50 =	vmul.f32 v39, v44;
	v51 =	vsub.s32 $0x5F3759DF, v51;
	v49 =	vmul.f32 v57, v42  }
0x18e: {  	v31 =	vsub.f32 $1.500000000e+00, v31;
	v59 =	vmul.f32 v51, v52;
	v60 =	vmul.f32 v45, v43  }
0x18f: {  	v24 =	vnsel vm10, $0x0, v37;
	v37 =	vmul.f32 v41, v63;
	v50 =	vmul.f32 v39, v50  }
0x190: {  	v48 =	vmul.f32 v48, v31;
	v53 =	vmul.f32 v51, v59;
	v63 =	vsub.f32 $1.500000000e+00, v60  }
0x191: {  	vm12 =	vgt.f32 v1, $0.0e+00;
	v49 =	vmul.f32 v49, v57;
	v31 =	vld [tilespmem:$0x1FC20];
	v61 =	vsub.f32 $1.500000000e+00, v50  }
0x192: {  	v62 =	vmul.f32 v48, v46;
	v55 =	vsub.f32 $1.500000000e+00, v53;
	v43 =	vmul.f32 v63, v43  }
0x193: {  	v49 =	vsub.f32 $1.500000000e+00, v49;
	v53 =	vmul.f32 $5.000000000e-01, v33;
	v39 =	vmul.f32 v39, v61  }
0x194: {  	v36 =	vnsel vm13, $0x0, v47;
	v54 =	vmul.f32 v62, v48;
	v47 =	vmul.f32 v51, v55  }
0x195: {  	vm7 =	vgt.f32 v27, $0.0e+00;
	v41 =	vmul.f32 v49, v57;
	v56 =	vmul.f32 v39, v44  }
0x196: {  	v51 =	vmul.f32 $5.000000000e-01, v31;
	v45 =	vsub.f32 $1.500000000e+00, v54;
	v59 =	vmul.f32 v47, v52  }
0x197: {  	v58 =	vshra.s32 v31, $0x1;
	v42 =	vmul.f32 v41, v42;
	v57 =	vmul.f32 v56, v39  }
0x198: {  	v50 =	vsub.s32 $0x5F3759DF, v58;
	v45 =	vmul.f32 v45, v48;
	v62 =	vmul.f32 v59, v47  }
0x199: {  	vm6 =	vgt.f32 v26, $0.0e+00;
	v60 =	vmul.f32 v50, v51;
	v42 =	vmul.f32 v42, v41  }
0x19a: {  	v49 =	vsub.f32 $1.500000000e+00, v57;
	v61 =	vmul.f32 v45, v46;
	v46 =	vsub.f32 $1.500000000e+00, v62  }
0x19b: {  	v56 =	vshra.s32 v33, $0x1;
	v63 =	vmul.f32 v50, v60;
	v42 =	vsub.f32 $1.500000000e+00, v42  }
0x19c: {  	v39 =	vmul.f32 v49, v39;
	v49 =	vsub.s32 $0x5F3759DF, v56;
	v57 =	vmul.f32 v46, v47  }
0x19d: {  	[tilespmem:$0x1FA20] =	vst v3;
	v48 =	vsub.f32 $1.500000000e+00, v63;
	v58 =	vmul.f32 v49, v53;
	v3 =	vmul.f32 v42, v41;
	v41 =	vld [tilespmem:$0x1FC50]  }
0x19e: {  	vm8 =	vgt.f32 v28, $0.0e+00;
	v30 =	vmul.f32 v61, v45;
	v42 =	vld [tilespmem:$0x1FC60];
	v44 =	vmul.f32 v39, v44  }
0x19f: {  	[tilespmem:$0x1FA40] =	vst v5;
	v5 =	vnsel vm4, $0x0, v37;
	v59 =	vmul.f32 v50, v48;
	v46 =	vmul.f32 v49, v58  }
0x1a0: {  	[tilespmem:$0x1FA10] =	vst v2;
	v2 =	vmul.f32 v57, v52;
	v30 =	vsub.f32 $1.500000000e+00, v30;
	v44 =	vmul.f32 v44, v39  }
0x1a1: {  	[tilespmem:$0x1FA30] =	vst v4;
	v48 =	vshra.s32 v1, $0x1;
	v60 =	vmul.f32 v59, v51;
	v61 =	vsub.f32 $1.500000000e+00, v46  }
0x1a2: {  	[tilespmem:$0x1FA60] =	vst v8;
	v2 =	vmul.f32 v2, v57;
	v30 =	vmul.f32 v30, v45;
	v62 =	vsub.f32 $1.500000000e+00, v44  }
0x1a3: {  	[tilespmem:$0x1FA50] =	vst v6;
	v34 =	vmul.f32 v60, v59;
	v52 =	vshra.s32 v41, $0x1;
	v56 =	vshra.s32 v42, $0x1  }
0x1a4: {  	[tilespmem:$0x1FA70] =	vst v7;
	v32 =	vld [tilespmem:$0x1FC70];
	v44 =	vmul.f32 $5.000000000e-01, v42;
	v63 =	vmul.f32 v49, v61;
	v2 =	vsub.f32 $1.500000000e+00, v2  }
0x1a5: {  	[tilespmem:$0x1FA90] =	vst v10;
	v4 =	vmul.f32 v62, v39;
	v45 =	vsub.f32 $1.500000000e+00, v34;
	v39 =	vmul.f32 $5.000000000e-01, v1  }
0x1a6: {  	[tilespmem:$0x1FA80] =	vst v9;
	v49 =	vsub.s32 $0x5F3759DF, v48;
	v34 =	vmul.f32 $5.000000000e-01, v41;
	v46 =	vmul.f32 v63, v53  }
0x1a7: {  	[tilespmem:$0x1FAA0] =	vst v11;
	v54 =	vsub.s32 $0x5F3759DF, v52;
	v2 =	vmul.f32 v2, v57;
	v6 =	vmul.f32 v45, v59  }
0x1a8: {  	[tilespmem:$0x1FAC0] =	vst v13;
	v57 =	vsub.s32 $0x5F3759DF, v56;
	v50 =	vmul.f32 v49, v39;
	v55 =	vmul.f32 v54, v34  }
0x1a9: {  	[tilespmem:$0x1FAD0] =	vst v14;
	v58 =	vshra.s32 v32, $0x1;
	v59 =	vmul.f32 $5.000000000e-01, v32;
	v60 =	vmul.f32 v57, v44  }
0x1aa: {  	[tilespmem:$0x1FAB0] =	vst v12;
	v29 =	vsub.s32 $0x5F3759DF, v58;
	v8 =	vmul.f32 v46, v63;
	v9 =	vmul.f32 v49, v50  }
0x1ab: {  	[tilespmem:$0x1FAE0] =	vst v15;
	v61 =	vnsel vm5, $0x0, v43;
	v12 =	vmul.f32 v54, v55;
	v62 =	vmul.f32 v29, v59  }
0x1ac: {  	[tilespmem:$0x1FAF0] =	vst v16;
	v51 =	vmul.f32 v6, v51;
	v14 =	vmul.f32 v57, v60;
	v9 =	vsub.f32 $1.500000000e+00, v9  }
0x1ad: {  	[tilespmem:$0x1FB10] =	vst v18;
	v8 =	vsub.f32 $1.500000000e+00, v8;
	v12 =	vsub.f32 $1.500000000e+00, v12;
	v26 =	vmul.f32 v29, v62  }
0x1ae: {  	[tilespmem:$0x1FB00] =	vst v17;
	v43 =	vsub.f32 $1.500000000e+00, v14;
	v10 =	vmul.f32 v51, v6;
	v7 =	vmul.f32 v49, v9  }
0x1af: {  	[tilespmem:$0x1FB20] =	vst v19;
	v8 =	vmul.f32 v8, v63;
	v37 =	vmul.f32 v54, v12;
	v47 =	vsub.f32 $1.500000000e+00, v26  }
0x1b0: {  	[tilespmem:$0x1FB30] =	vst v20;
	v38 =	vnsel vm14, $0x0, v38;
	v11 =	vmul.f32 v57, v43;
	v48 =	vmul.f32 v7, v39  }
0x1b1: {  	[tilespmem:$0x1FB70] =	vst v25;
	v40 =	vnsel vm15, $0x0, v40;
	v14 =	vmul.f32 v29, v47;
	v49 =	vmul.f32 v37, v34  }
0x1b2: {  	[tilespmem:$0x1FB40] =	vst v21;
	vm9 =	vgt.f32 v23, $0.0e+00;
	v51 =	vmul.f32 v11, v44;
	v13 =	vmul.f32 v48, v7  }
0x1b3: {  	[tilespmem:$0x1FB80] =	vst v35;
	vm10 =	vgt.f32 v31, $0.0e+00;
	v16 =	vmul.f32 v49, v37;
	v52 =	vmul.f32 v14, v59  }
0x1b4: {  	[tilespmem:$0x1FB50] =	vst v22;
	v10 =	vsub.f32 $1.500000000e+00, v10;
	v18 =	vmul.f32 v51, v11;
	v13 =	vsub.f32 $1.500000000e+00, v13  }
0x1b5: {  	[tilespmem:$0x1FB60] =	vst v24;
	v63 =	vmul.f32 v8, v53;
	v16 =	vsub.f32 $1.500000000e+00, v16;
	v19 =	vmul.f32 v52, v14  }
0x1b6: {  	[tilespmem:$0x1FBA0] =	vst v38;
	v6 =	vmul.f32 v10, v6;
	v53 =	vsub.f32 $1.500000000e+00, v18;
	v7 =	vmul.f32 v13, v7  }
0x1b7: {  	[tilespmem:$0x1FBB0] =	vst v40;
	v46 =	vmul.f32 v63, v8;
	v9 =	vmul.f32 v16, v37;
	v54 =	vsub.f32 $1.500000000e+00, v19  }
0x1b8: {  	[tilespmem:$0x1FB90] =	vst v36;
	v3 =	vnsel vm6, $0x0, v3;
	v10 =	vmul.f32 v53, v11;
	v55 =	vmul.f32 v7, v39  }
0x1b9: {  	[tilespmem:$0x1FBC0] =	vst v5;
	v4 =	vnsel vm8, $0x0, v4;
	v56 =	vmul.f32 v54, v14;
	v57 =	vmul.f32 v9, v34  }
0x1ba: {  	[tilespmem:$0x1FBE0] =	vst v3;
	v2 =	vnsel vm9, $0x0, v2;
	v58 =	vmul.f32 v10, v44;
	v11 =	vmul.f32 v55, v7  }
0x1bb: {  	[tilespmem:$0x1FBD0] =	vst v61;
	v12 =	vsub.f32 $1.500000000e+00, v46;
	v3 =	vmul.f32 v57, v9;
	v59 =	vmul.f32 v56, v59  }
0x1bc: {  	[tilespmem:$0x1FC00] =	vst v4;
	v50 =	vnsel vm7, $0x0, v30;
	v13 =	vmul.f32 v58, v10;
	v11 =	vsub.f32 $1.500000000e+00, v11  }
0x1bd: {  	[tilespmem:$0x1FC10] =	vst v2;
	v8 =	vmul.f32 v12, v8;
	v3 =	vsub.f32 $1.500000000e+00, v3;
	v60 =	vmul.f32 v59, v56  }
0x1be: {  	[tilespmem:$0x1FBF0] =	vst v50;
	v6 =	vnsel vm10, $0x0, v6;
	v62 =	vsub.f32 $1.500000000e+00, v13;
	v2 =	vmul.f32 v11, v7  }
0x1bf: {  	[tilespmem:$0x1FC20] =	vst v6;
	v61 =	vnsel vm11, $0x0, v8;
	v1 =	vmul.f32 v3, v9;
	v3 =	vsub.f32 $1.500000000e+00, v60  }
0x1c0: {  	vm13 =	vgt.f32 v41, $0.0e+00;
	[tilespmem:$0x1FC30] =	vst v61;
	v63 =	vmul.f32 v62, v10;
	v2 =	vnsel vm12, $0x0, v2  }
0x1c1: {  	vm14 =	vgt.f32 v42, $0.0e+00;
	v1 =	vnsel vm13, $0x0, v1;
	[tilespmem:$0x1FC40] =	vst v2;
	v2 =	vmul.f32 v3, v56  }
0x1c2: {  	vm15 =	vgt.f32 v32, $0.0e+00;
	[tilespmem:$0x1FC50] =	vst v1;
	v1 =	vnsel vm14, $0x0, v63  }
0x1c3: {  	[tilespmem:$0x1FC60] =	vst v1;
	v1 =	vnsel vm15, $0x0, v2  }
0x1c4: {  	s5 =	rddreg [dreg:$0xa];
	[tilespmem:$0x1FC70] =	vst v1  }
0x1c5: {  	[spmem:s5] =	stream.linear.scatter [tilespmem:s19], [sflag:$0x6], $0x280, $0x200038;
	[tilespmem:$0x1FC80] =	vst v63  }
0x1c6: {  	_ =	swait.ge [sflag:s20], $0x280  }
0x1c7: {  	[sflag:s20] =	ssyncset.done $0x0  }
0x1c8: {  	[sflag:s20] =	ssyncadd.s32 $0xFFFFFD80  }
0x1c9: {  	_ =	swait.ge [sflag:s23], $0x4000  }
0x1ca: {  	[sflag:s23] =	ssyncset.done $0x0  }
0x1cb: {  	[sflag:s23] =	ssyncadd.s32 $0xFFFFC000  }
0x1cc: {  	_ =	swait.ge [sflag:s23], $0x4000  }
0x1cd: {  	[sflag:s23] =	ssyncset.done $0x0  }
0x1ce: {  	[sflag:s23] =	ssyncadd.s32 $0xFFFFC000  }
0x1cf: {  	_ =	swait.ge [sflag:s23], $0x4000  }
0x1d0: {  	[sflag:s23] =	ssyncset.done $0x0  }
0x1d1: {  	s5 =	simm.s32 @p0 $0x5;
	[sflag:s23] =	ssyncadd.s32 $0xFFFFC000  }
0x1d2: {  	_ =	swait.ge @p0 [sflag:s5], $0x800  }
0x1d3: {  	[sflag:s5] =	ssyncset.done @p0 $0x0  }
0x1d4: {  	[sflag:s5] =	ssyncadd.s32 @p0 $0xFFFFF800;
	s5 =	simm.s32 @!p0 $0x5  }
0x1d5: {  	_ =	swait.ge @!p0 [sflag:s5], $0x4000  }
0x1d6: {  	[sflag:s5] =	ssyncset.done @!p0 $0x0  }
0x1d7: {  	[sflag:s5] =	ssyncadd.s32 @!p0 $0xFFFFC000  }
0x1d8: {  	_ =	swait.ge @!p0 [sflag:s5], $0x4000  }
0x1d9: {  	[sflag:s5] =	ssyncset.done @!p0 $0x0  }
0x1da: {  	[sflag:s5] =	ssyncadd.s32 @!p0 $0xFFFFC000  }
0x1db: {  	[bflag:$0x0] =	sbarrier.arrive $0xFFFF  }
0x1dc: {  	s19 =	rddreg [dreg:$0x4]  }
0x1dd: {  	[tilespmem:s24], [sflag:$0x6] =	stream.linear.gather [spmem:s19], $0x2800, $0x200038;
	[tilespmem:$0x1FC80] =	vst v63  }
0x1de: {  	_ =	swait.ge [sflag:s20], $0x2800  }
0x1df: {  	[sflag:s20] =	ssyncset.done $0x0  }
0x1e0: {  	[sflag:s20] =	ssyncadd.s32 $0xFFFFD800  }
0x1e1: {  	_ =	strace $0x9000004A  }
0x1e2: {  	_ =	strace $0x8000004B  }
0x1e3: {  	s13 =	simm.s32 $0x17580;
	s5 =	simm.s32 $0x0;
	s6 =	rddreg [dreg:$0xb]  }
0x1e4: {  	[tilespmem:s13], [sflag:$0x6] =	stream.linear.gather [hbm4b:s6+s5], $0x80, $0x200038;
	[tilespmem:$0x1FC80] =	vst v63  }
0x1e5: {  	_ =	swait.ge [sflag:s20], $0x80  }
0x1e6: {  	[sflag:s20] =	ssyncset.done $0x0  }
0x1e7: {  	s14 =	simm.s32 $0x17680;
	s30 =	rddreg [dreg:$0xd];
	[sflag:s20] =	ssyncadd.s32 $0xFFFFFF80  }
0x1e8: {  	[tilespmem:s14], [sflag:$0x6] =	stream.linear.gather [hbm4b:s30+s5], $0x80, $0x200038;
	[tilespmem:$0x1FC80] =	vst v63  }
0x1e9: {  	_ =	swait.ge [sflag:s20], $0x80  }
0x1ea: {  	[sflag:s20] =	ssyncset.done $0x0  }
0x1eb: {  	s17 =	simm.s32 $0x17780;
	s16 =	rddreg [dreg:$0xe];
	[sflag:s20] =	ssyncadd.s32 $0xFFFFFF80  }
0x1ec: {  	[tilespmem:s17], [sflag:$0x6] =	stream.linear.gather [hbm4b:s16+s5], $0x80, $0x200038;
	[tilespmem:$0x1FC80] =	vst v63  }
0x1ed: {  	_ =	swait.ge [sflag:s20], $0x80  }
0x1ee: {  	[sflag:s20] =	ssyncset.done $0x0  }
0x1ef: {  	s18 =	simm.s32 $0x17980;
	[sflag:s20] =	ssyncadd.s32 $0xFFFFFF80  }
0x1f0: {  	[tilespmem:s18], [sflag:$0x1] =	stream.indirect.gather [hbm4b:s2+s25], $0x80, s13, s25, $0x2000b8;
	[tilespmem:$0x1FC80] =	vst v63  }
0x1f1: {  	s19 =	simm.s32 $0x175C0;
	s30 =	simm.s32 $0x19980  }
0x1f2: {  	[tilespmem:s30], [sflag:$0x1] =	stream.indirect.gather [hbm4b:s2+s25], $0x80, s19, s25, $0x2000b8;
	[tilespmem:$0x1FC80] =	vst v63  }
0x1f3: {  	s16 =	simm.s32 $0x17600;
	s14 =	rddreg [dreg:$0xf]  }
0x1f4: {  	[tilespmem:s16], [sflag:$0x3] =	stream.linear.gather [hbm4b:s14+s5], $0x80, $0x200038;
	[tilespmem:$0x1FC80] =	vst v63  }
0x1f5: {  	s17 =	rddreg [dreg:$0x10];
	s18 =	simm.s32 $0x17700  }
0x1f6: {  	[tilespmem:s18], [sflag:$0x3] =	stream.linear.gather [hbm4b:s17+s5], $0x80, $0x200038;
	[tilespmem:$0x1FC80] =	vst v63  }
0x1f7: {  	p1 =	por $0x0, $0x0;
	s19 =	rddreg [dreg:$0x11];
	s30 =	simm.s32 $0x17800  }
0x1f8: {  	[tilespmem:s30], [sflag:$0x3] =	stream.linear.gather [hbm4b:s19+s5], $0x80, $0x200038;
	[tilespmem:$0x1FC80] =	vst v63  }
.LBB2_9:
0x1f9: {  	_ =	swait.ge [sflag:s28], $0x2000  }
0x1fa: {  	[sflag:s28] =	ssyncset.done $0x0  }
0x1fb: {  	[sflag:s28] =	ssyncadd.s32 $0xFFFFE000  }
0x1fc: {  	_ =	swait.ge [sflag:s28], $0x2000  }
0x1fd: {  	p2 =	seq.s32 s5, $0x0;
	[sflag:s28] =	ssyncset.done $0x0  }
0x1fe: {  	s6 =	simm.s32 @!p2 $0x2;
	[sflag:s28] =	ssyncadd.s32 $0xFFFFE000  }
0x1ff: {  	_ =	swait.ge @!p2 [sflag:s6], $0x4000  }
0x200: {  	p3 =	seq.s32 @!p2 s5, $0x4F;
	[sflag:s6] =	ssyncset.done @!p2 $0x0  }
0x201: {  	p3 =	por p2, !p3;
	[sflag:s6] =	ssyncadd.s32 @!p2 $0xFFFFC000  }
0x202: {  	_ =	swait.ge @p3 [sflag:s31], $0x80  }
0x203: {  	[sflag:s31] =	ssyncset.done @p3 $0x0  }
0x204: {  	[sflag:s31] =	ssyncadd.s32 @p3 $0xFFFFFF80  }
0x205: {  	_ =	swait.ge @p3 [sflag:s31], $0x80  }
0x206: {  	[sflag:s31] =	ssyncset.done @p3 $0x0  }
0x207: {  	s14 =	sand.u32 $0x1, s5;
	[sflag:s31] =	ssyncadd.s32 @p3 $0xFFFFFF80  }
0x208: {  	s6 =	sxor.u32 @p3 $0x1, s14;
	_ =	swait.ge @p3 [sflag:s31], $0x80  }
0x209: {  	s16 =	sshll.u32 @p3 s6, $0xE;
	s6 =	sshll.u32 @p3 s6, $0x7;
	[sflag:s31] =	ssyncset.done @p3 $0x0  }
0x20a: {  	s17 =	sadd.s32 @p3 $0x17980, s16;
	s18 =	sadd.s32 @p3 $0x17580, s6;
	[sflag:s31] =	ssyncadd.s32 @p3 $0xFFFFFF80  }
0x20b: {  	[tilespmem:s17], [sflag:$0x1] =	stream.indirect.gather @p3 [hbm4b:s2+s25], $0x80, s18, s25, $0x2000b8;
	[tilespmem:$0x1FC80] =	vst v63  }
0x20c: {  	s16 =	sor.u32 @p3 $0x19980, s16;
	s6 =	sadd.s32 @p3 $0x175C0, s6;
	s18 =	sshll.u32 s14, $0x7  }
0x20d: {  	[tilespmem:s16], [sflag:$0x1] =	stream.indirect.gather @p3 [hbm4b:s2+s25], $0x80, s6, s25, $0x2000b8;
	[tilespmem:$0x1FC80] =	vst v63  }
0x20e: {  	v1 =	vld [tilespmem:s18+$0x17680]  }
0x20f: {  	v2 =	vld [tilespmem:s18+$0x17690]  }
0x210: {  	v3 =	vld [tilespmem:s18+$0x176A0]  }
0x211: {  	v4 =	vld [tilespmem:s18+$0x176B0]  }
0x212: {  	v5 =	vld [tilespmem:s18+$0x176C0]  }
0x213: {  	v6 =	vld [tilespmem:s18+$0x176D0]  }
0x214: {  	v7 =	vld [tilespmem:s18+$0x17580];
	[tilespmem:s18+$0x17880] =	vst v1  }
0x215: {  	[tilespmem:s18+$0x17890] =	vst v2;
	v2 =	vld [tilespmem:s18+$0x176E0]  }
0x216: {  	[tilespmem:s18+$0x178A0] =	vst v3;
	v3 =	vld [tilespmem:s18+$0x176F0]  }
0x217: {  	[tilespmem:s18+$0x178B0] =	vst v4  }
0x218: {  	[tilespmem:s18+$0x178C0] =	vst v5  }
0x219: {  	[tilespmem:s18+$0x178D0] =	vst v6  }
0x21a: {  	[tilespmem:s18+$0x178E0] =	vst v2  }
0x21b: {  	[tilespmem:s18+$0x178F0] =	vst v3;
	v2 =	vld [tilespmem:s18+$0x17780]  }
0x21c: {  	v3 =	vld.idx.msk [tilespmem:v7+s24+$0x0], $0xffff;
	_ =	sdelay $0x1  }
0x21d: {  	v1 =	vld.idx.msk [tilespmem:v1+s24+$0x0], $0xffff;
	_ =	sdelay $0x2  }
0x21e: {  	v2 =	vmul.f32 v3, v2;
	_ =	sdelay $0x1  }
0x21f: {  	v1 =	vmul.f32 v1, v2;
	_ =	sdelay $0x1  }
0x220: {  	[tilespmem:$0x1F980] =	vst v1  }
0x221: {  	v1 =	vld [tilespmem:s18+$0x17590];
	_ =	sdelay $0x1  }
0x222: {  	v2 =	vld [tilespmem:s18+$0x17690];
	_ =	sdelay $0x4  }
0x223: {  	v3 =	vld [tilespmem:s18+$0x17790]  }
0x224: {  	v1 =	vld.idx.msk [tilespmem:v1+s24+$0x0], $0xffff;
	_ =	sdelay $0x1  }
0x225: {  	v2 =	vld.idx.msk [tilespmem:v2+s24+$0x0], $0xffff;
	_ =	sdelay $0x2  }
0x226: {  	v1 =	vmul.f32 v1, v3;
	_ =	sdelay $0x1  }
0x227: {  	v1 =	vmul.f32 v2, v1;
	_ =	sdelay $0x1  }
0x228: {  	[tilespmem:$0x1F990] =	vst v1  }
0x229: {  	v1 =	vld [tilespmem:s18+$0x175A0];
	_ =	sdelay $0x1  }
0x22a: {  	v2 =	vld [tilespmem:s18+$0x176A0];
	_ =	sdelay $0x4  }
0x22b: {  	v3 =	vld [tilespmem:s18+$0x177A0]  }
0x22c: {  	v1 =	vld.idx.msk [tilespmem:v1+s24+$0x0], $0xffff;
	_ =	sdelay $0x1  }
0x22d: {  	v2 =	vld.idx.msk [tilespmem:v2+s24+$0x0], $0xffff;
	_ =	sdelay $0x2  }
0x22e: {  	v1 =	vmul.f32 v1, v3;
	_ =	sdelay $0x1  }
0x22f: {  	v1 =	vmul.f32 v2, v1;
	_ =	sdelay $0x1  }
0x230: {  	[tilespmem:$0x1F9A0] =	vst v1  }
0x231: {  	v1 =	vld [tilespmem:s18+$0x175B0];
	_ =	sdelay $0x1  }
0x232: {  	v2 =	vld [tilespmem:s18+$0x176B0];
	_ =	sdelay $0x4  }
0x233: {  	v3 =	vld [tilespmem:s18+$0x177B0]  }
0x234: {  	v1 =	vld.idx.msk [tilespmem:v1+s24+$0x0], $0xffff;
	_ =	sdelay $0x1  }
0x235: {  	v2 =	vld.idx.msk [tilespmem:v2+s24+$0x0], $0xffff;
	_ =	sdelay $0x2  }
0x236: {  	v1 =	vmul.f32 v1, v3;
	_ =	sdelay $0x1  }
0x237: {  	v1 =	vmul.f32 v2, v1;
	_ =	sdelay $0x1  }
0x238: {  	[tilespmem:$0x1F9B0] =	vst v1  }
0x239: {  	v1 =	vld [tilespmem:s18+$0x175C0];
	_ =	sdelay $0x1  }
0x23a: {  	v2 =	vld [tilespmem:s18+$0x176C0];
	_ =	sdelay $0x4  }
0x23b: {  	v3 =	vld [tilespmem:s18+$0x177C0]  }
0x23c: {  	v1 =	vld.idx.msk [tilespmem:v1+s24+$0x0], $0xffff;
	_ =	sdelay $0x1  }
0x23d: {  	v2 =	vld.idx.msk [tilespmem:v2+s24+$0x0], $0xffff;
	_ =	sdelay $0x2  }
0x23e: {  	v1 =	vmul.f32 v1, v3;
	_ =	sdelay $0x1  }
0x23f: {  	v1 =	vmul.f32 v2, v1;
	_ =	sdelay $0x1  }
0x240: {  	[tilespmem:$0x1F9C0] =	vst v1  }
0x241: {  	v1 =	vld [tilespmem:s18+$0x175D0];
	_ =	sdelay $0x1  }
0x242: {  	v2 =	vld [tilespmem:s18+$0x176D0];
	_ =	sdelay $0x4  }
0x243: {  	v3 =	vld [tilespmem:s18+$0x177D0]  }
0x244: {  	v1 =	vld.idx.msk [tilespmem:v1+s24+$0x0], $0xffff;
	_ =	sdelay $0x1  }
0x245: {  	v2 =	vld.idx.msk [tilespmem:v2+s24+$0x0], $0xffff;
	_ =	sdelay $0x2  }
0x246: {  	v1 =	vmul.f32 v1, v3;
	_ =	sdelay $0x1  }
0x247: {  	v1 =	vmul.f32 v2, v1;
	_ =	sdelay $0x1  }
0x248: {  	[tilespmem:$0x1F9D0] =	vst v1  }
0x249: {  	v1 =	vld [tilespmem:s18+$0x175E0];
	_ =	sdelay $0x1  }
0x24a: {  	v2 =	vld [tilespmem:s18+$0x176E0];
	_ =	sdelay $0x4  }
0x24b: {  	v3 =	vld [tilespmem:s18+$0x177E0]  }
0x24c: {  	v1 =	vld.idx.msk [tilespmem:v1+s24+$0x0], $0xffff;
	_ =	sdelay $0x1  }
0x24d: {  	v2 =	vld.idx.msk [tilespmem:v2+s24+$0x0], $0xffff;
	_ =	sdelay $0x2  }
0x24e: {  	v1 =	vmul.f32 v1, v3;
	_ =	sdelay $0x1  }
0x24f: {  	v1 =	vmul.f32 v2, v1;
	_ =	sdelay $0x1  }
0x250: {  	[tilespmem:$0x1F9E0] =	vst v1  }
0x251: {  	v1 =	vld [tilespmem:s18+$0x175F0];
	_ =	sdelay $0x1  }
0x252: {  	v2 =	vld [tilespmem:s18+$0x176F0];
	_ =	sdelay $0x4  }
0x253: {  	v3 =	vld [tilespmem:s18+$0x177F0]  }
0x254: {  	v1 =	vld.idx.msk [tilespmem:v1+s24+$0x0], $0xffff;
	_ =	sdelay $0x1  }
0x255: {  	v2 =	vld.idx.msk [tilespmem:v2+s24+$0x0], $0xffff;
	_ =	sdelay $0x2  }
0x256: {  	v1 =	vmul.f32 v1, v3  }
0x257: {  	p2 =	sgt.u32 s5, $0x4D  }
0x258: {  	s6 =	sshll.u32 @!p2 s5, $0x7;
	v1 =	vmul.f32 v2, v1  }
0x259: {  	s16 =	simm.s32 $0x0;
	s6 =	sadd.s32 @!p2 s6, s26  }
0x25a: {  	s13 =	simm.s32 @!p2 $0x0;
	s17 =	simm.s32 $0x1;
	s6 =	sshrl.u32 @!p2 s6, $0x3;
	[tilespmem:$0x1F9F0] =	vst v1;
	v1 =	vmov s16  }
0x25b: {  	s17 =	simm.s32 @!p1 $0x0;
	s19 =	sadd.s32 $0x17580, s18;
	s30 =	sadd.s32 @!p2 s8, s6;
	v1 =	vand.u32 $0xFFFFFFF8, v1  }
0x25c: {  	[tilespmem:s19], [sflag:$0x3] =	stream.linear.gather @!p2 [hbm4b:s30+s13], $0x80, $0x200038;
	v1 =	vbroadcast v1, $0x0;
	[tilespmem:$0x1FC80] =	vst v63  }
0x25d: {  	s17 =	sshll.u32 s17, $0xE;
	s19 =	sadd.s32 $0x17680, s18;
	s30 =	sadd.s32 @!p2 s9, s6  }
0x25e: {  	[tilespmem:s19], [sflag:$0x3] =	stream.linear.gather @!p2 [hbm4b:s30+s13], $0x80, $0x200038;
	[tilespmem:$0x1FC80] =	vst v63  }
0x25f: {  	s17 =	sadd.s32 $0x17B80, s17;
	s6 =	sadd.s32 @!p2 s11, s6;
	s19 =	sadd.s32 $0x17780, s18  }
0x260: {  	[tilespmem:s19], [sflag:$0x3] =	stream.linear.gather @!p2 [hbm4b:s6+s13], $0x80, $0x200038;
	[tilespmem:$0x1FC80] =	vst v63  }
0x261: {  	v3 =	vld [tilespmem:s17+$0xFFFFFE70]  }
0x262: {  	v1 =	vld.idx.msk [tilespmem:v1+s29+$0x0], $0xffff  }
0x263: {  	v4 =	vld [tilespmem:s17+$0xFFFFFE00]  }
0x264: {  	v5 =	vld [tilespmem:s17+$0xFFFFFE20]  }
0x265: {  	v6 =	vld [tilespmem:s17+$0xFFFFFE30]  }
0x266: {  	v2 =	vld [tilespmem:s17+$0xFFFFFE50]  }
0x267: {  	v8 =	vld [tilespmem:s17+$0xFFFFFE10];
	v3 =	vmul.f32 v3, v1  }
0x268: {  	s19 =	simm.s32 $0x1;
	v7 =	vld [tilespmem:s17+$0xFFFFFE60];
	v4 =	vmul.f32 v4, v1  }
0x269: {  	v9 =	vld [tilespmem:s17+$0xFFFFFE40];
	v5 =	vmul.f32 v5, v1;
	[tilespmem:s17+$0xFFFFFE70] =	vst v3;
	v3 =	vmov s19  }
0x26a: {  	v6 =	vmul.f32 v6, v1;
	[tilespmem:s17+$0xFFFFFE00] =	vst v4;
	v3 =	vand.u32 $0xFFFFFFF9, v3  }
0x26b: {  	v2 =	vmul.f32 v2, v1;
	[tilespmem:s17+$0xFFFFFE20] =	vst v5;
	v3 =	vbroadcast v3, $0x0  }
0x26c: {  	v4 =	vmul.f32 v8, v1;
	[tilespmem:s17+$0xFFFFFE30] =	vst v6  }
0x26d: {  	v5 =	vmul.f32 v7, v1;
	[tilespmem:s17+$0xFFFFFE50] =	vst v2  }
0x26e: {  	v1 =	vmul.f32 v9, v1;
	[tilespmem:s17+$0xFFFFFE10] =	vst v4  }
0x26f: {  	[tilespmem:s17+$0xFFFFFE60] =	vst v5  }
0x270: {  	[tilespmem:s17+$0xFFFFFE40] =	vst v1  }
0x271: {  	v1 =	vld.idx.msk [tilespmem:v3+s29+$0x0], $0xffff  }
0x272: {  	v3 =	vld [tilespmem:s17+$0xFFFFFE90]  }
0x273: {  	v4 =	vld [tilespmem:s17+$0xFFFFFEC0]  }
0x274: {  	v5 =	vld [tilespmem:s17+$0xFFFFFE80]  }
0x275: {  	v6 =	vld [tilespmem:s17+$0xFFFFFED0]  }
0x276: {  	v2 =	vld [tilespmem:s17+$0xFFFFFEF0]  }
0x277: {  	v7 =	vld [tilespmem:s17+$0xFFFFFEE0];
	v3 =	vmul.f32 v3, v1  }
0x278: {  	s13 =	simm.s32 $0x2;
	v8 =	vld [tilespmem:s17+$0xFFFFFEB0];
	v4 =	vmul.f32 v4, v1  }
0x279: {  	v9 =	vld [tilespmem:s17+$0xFFFFFEA0];
	v5 =	vmul.f32 v5, v1;
	[tilespmem:s17+$0xFFFFFE90] =	vst v3;
	v3 =	vmov s13  }
0x27a: {  	v6 =	vmul.f32 v6, v1;
	[tilespmem:s17+$0xFFFFFEC0] =	vst v4;
	v3 =	vand.u32 $0xFFFFFFFA, v3  }
0x27b: {  	v2 =	vmul.f32 v2, v1;
	[tilespmem:s17+$0xFFFFFE80] =	vst v5;
	v3 =	vbroadcast v3, $0x0  }
0x27c: {  	v4 =	vmul.f32 v7, v1;
	[tilespmem:s17+$0xFFFFFED0] =	vst v6  }
0x27d: {  	v5 =	vmul.f32 v8, v1;
	[tilespmem:s17+$0xFFFFFEF0] =	vst v2  }
0x27e: {  	v1 =	vmul.f32 v9, v1;
	[tilespmem:s17+$0xFFFFFEE0] =	vst v4  }
0x27f: {  	[tilespmem:s17+$0xFFFFFEB0] =	vst v5  }
0x280: {  	v2 =	vld [tilespmem:s17+$0xFFFFFF00];
	[tilespmem:s17+$0xFFFFFEA0] =	vst v1  }
0x281: {  	v1 =	vld.idx.msk [tilespmem:v3+s29+$0x0], $0xffff  }
0x282: {  	v3 =	vld [tilespmem:s17+$0xFFFFFF60]  }
0x283: {  	v4 =	vld [tilespmem:s17+$0xFFFFFF10]  }
0x284: {  	v5 =	vld [tilespmem:s17+$0xFFFFFF50]  }
0x285: {  	v6 =	vld [tilespmem:s17+$0xFFFFFF70]  }
0x286: {  	v7 =	vld [tilespmem:s17+$0xFFFFFF20];
	v2 =	vmul.f32 v2, v1  }
0x287: {  	s19 =	simm.s32 $0x3;
	v8 =	vld [tilespmem:s17+$0xFFFFFF30];
	v3 =	vmul.f32 v3, v1  }
0x288: {  	v9 =	vld [tilespmem:s17+$0xFFFFFF40];
	v4 =	vmul.f32 v4, v1;
	[tilespmem:s17+$0xFFFFFF00] =	vst v2;
	v2 =	vmov s19  }
0x289: {  	v5 =	vmul.f32 v5, v1;
	[tilespmem:s17+$0xFFFFFF60] =	vst v3;
	v2 =	vand.u32 $0xFFFFFFFB, v2  }
0x28a: {  	v3 =	vmul.f32 v6, v1;
	[tilespmem:s17+$0xFFFFFF10] =	vst v4;
	v2 =	vbroadcast v2, $0x0  }
0x28b: {  	v4 =	vmul.f32 v7, v1;
	[tilespmem:s17+$0xFFFFFF50] =	vst v5  }
0x28c: {  	v5 =	vmul.f32 v8, v1;
	[tilespmem:s17+$0xFFFFFF70] =	vst v3  }
0x28d: {  	v1 =	vmul.f32 v9, v1;
	[tilespmem:s17+$0xFFFFFF20] =	vst v4  }
0x28e: {  	[tilespmem:s17+$0xFFFFFF30] =	vst v5  }
0x28f: {  	[tilespmem:s17+$0xFFFFFF40] =	vst v1  }
0x290: {  	v1 =	vld.idx.msk [tilespmem:v2+s29+$0x0], $0xffff  }
0x291: {  	v2 =	vld [tilespmem:s17+$0xFFFFFFB0]  }
0x292: {  	v4 =	vld [tilespmem:s17+$0xFFFFFFE0]  }
0x293: {  	v5 =	vld [tilespmem:s17+$0xFFFFFF80]  }
0x294: {  	v6 =	vld [tilespmem:s17+$0xFFFFFFD0]  }
0x295: {  	v3 =	vld [tilespmem:s17+$0xFFFFFFF0]  }
0x296: {  	v8 =	vld [tilespmem:s17+$0xFFFFFFA0];
	v2 =	vmul.f32 v2, v1  }
0x297: {  	s13 =	simm.s32 $0x4;
	v7 =	vld [tilespmem:s17+$0xFFFFFF90];
	v4 =	vmul.f32 v4, v1  }
0x298: {  	v9 =	vld [tilespmem:s17+$0xFFFFFFC0];
	v5 =	vmul.f32 v5, v1;
	[tilespmem:s17+$0xFFFFFFB0] =	vst v2;
	v2 =	vmov s13  }
0x299: {  	v6 =	vmul.f32 v6, v1;
	[tilespmem:s17+$0xFFFFFFE0] =	vst v4;
	v2 =	vand.u32 $0xFFFFFFFC, v2  }
0x29a: {  	v3 =	vmul.f32 v3, v1;
	[tilespmem:s17+$0xFFFFFF80] =	vst v5;
	v2 =	vbroadcast v2, $0x0  }
0x29b: {  	v10 =	vld [tilespmem:s17+$0x40];
	v4 =	vmul.f32 v8, v1;
	[tilespmem:s17+$0xFFFFFFD0] =	vst v6  }
0x29c: {  	v5 =	vmul.f32 v7, v1;
	[tilespmem:s17+$0xFFFFFFF0] =	vst v3;
	v8 =	vld [tilespmem:s17+$0x0]  }
0x29d: {  	v3 =	vmul.f32 v9, v1;
	v1 =	vld [tilespmem:s17+$0x70];
	[tilespmem:s17+$0xFFFFFFA0] =	vst v4  }
0x29e: {  	v7 =	vld [tilespmem:s17+$0x20];
	[tilespmem:s17+$0xFFFFFF90] =	vst v5  }
0x29f: {  	v6 =	vld [tilespmem:s17+$0x30];
	[tilespmem:s17+$0xFFFFFFC0] =	vst v3  }
0x2a0: {  	v2 =	vld.idx.msk [tilespmem:v2+s29+$0x0], $0xffff  }
0x2a1: {  	v3 =	vld [tilespmem:s17+$0x50]  }
0x2a2: {  	v4 =	vld [tilespmem:s17+$0x10]  }
0x2a3: {  	v5 =	vld [tilespmem:s17+$0x60]  }
0x2a4: {  	s18 =	sadd.s32 $0x17880, s18;
	s19 =	sshll.u32 s14, $0xE  }
0x2a5: {  	s30 =	smov.u32 s17;
	s14 =	simm.s32 $0x8;
	s19 =	sadd.s32 $0x17980, s19;
	v9 =	vmul.f32 v8, v2;
	v8 =	vmul.f32 v10, v2  }
.LBB2_10:
0x2a6: {  	p2 =	slt.u32 s14, $0x78;
	v7 =	vmul.f32 v7, v2;
	v6 =	vmul.f32 v6, v2;
	s6 =	sadd.s32 $0x5, s16;
	s17 =	sadd.s32 $0x400, s17  }
0x2a7: {  	v3 =	vmul.f32 v3, v2;
	[tilespmem:s30+$0x0] =	vst v9;
	v4 =	vmul.f32 v4, v2;
	v9 =	vmov s6;
	s6 =	smov.u32 s14;
	s14 =	sadd.s32 $0x8, s14  }
0x2a8: {  	v1 =	vmul.f32 v1, v2;
	[tilespmem:s30+$0x40] =	vst v8;
	v5 =	vmul.f32 v5, v2;
	v2 =	vand.u32 $0xFFFFFFFD, v9  }
0x2a9: {  	[tilespmem:s30+$0x20] =	vst v7;
	v2 =	vbroadcast v2, $0x0  }
0x2aa: {  	[tilespmem:s30+$0x50] =	vst v3  }
0x2ab: {  	[tilespmem:s30+$0x70] =	vst v1;
	v1 =	vld [tilespmem:s30+$0xA0]  }
0x2ac: {  	[tilespmem:s30+$0x30] =	vst v6;
	v3 =	vld [tilespmem:s30+$0x80]  }
0x2ad: {  	[tilespmem:s30+$0x60] =	vst v5;
	v5 =	vld [tilespmem:s30+$0xD0]  }
0x2ae: {  	[tilespmem:s30+$0x10] =	vst v4;
	v4 =	vld [tilespmem:s30+$0xF0]  }
0x2af: {  	v2 =	vld.idx.msk [tilespmem:v2+s29+$0x0], $0xffff  }
0x2b0: {  	v6 =	vld [tilespmem:s30+$0xC0]  }
0x2b1: {  	v7 =	vld [tilespmem:s30+$0xB0]  }
0x2b2: {  	v8 =	vld [tilespmem:s30+$0x90]  }
0x2b3: {  	v9 =	vld [tilespmem:s30+$0xE0];
	_ =	sdelay $0x1  }
0x2b4: {  	v3 =	vmul.f32 v3, v2;
	v6 =	vmul.f32 v6, v2  }
0x2b5: {  	s13 =	sadd.s32 $0x6, s16;
	v1 =	vmul.f32 v1, v2;
	v7 =	vmul.f32 v7, v2  }
0x2b6: {  	v5 =	vmul.f32 v5, v2;
	[tilespmem:s30+$0x80] =	vst v3;
	v3 =	vmul.f32 v8, v2;
	v8 =	vmov s13  }
0x2b7: {  	[tilespmem:s30+$0xA0] =	vst v1;
	v1 =	vmul.f32 v9, v2;
	v2 =	vmul.f32 v4, v2;
	v4 =	vand.u32 $0xFFFFFFFE, v8  }
0x2b8: {  	[tilespmem:s30+$0xD0] =	vst v5;
	v4 =	vbroadcast v4, $0x0  }
0x2b9: {  	[tilespmem:s30+$0xC0] =	vst v6  }
0x2ba: {  	[tilespmem:s30+$0xF0] =	vst v2;
	v2 =	vld [tilespmem:s30+$0x120]  }
0x2bb: {  	[tilespmem:s30+$0xB0] =	vst v7;
	v5 =	vld [tilespmem:s30+$0x100]  }
0x2bc: {  	[tilespmem:s30+$0x90] =	vst v3;
	v3 =	vld [tilespmem:s30+$0x140]  }
0x2bd: {  	[tilespmem:s30+$0xE0] =	vst v1;
	v1 =	vld [tilespmem:s30+$0x130]  }
0x2be: {  	v4 =	vld.idx.msk [tilespmem:v4+s29+$0x0], $0xffff  }
0x2bf: {  	v6 =	vld [tilespmem:s30+$0x110]  }
0x2c0: {  	v7 =	vld [tilespmem:s30+$0x160]  }
0x2c1: {  	v8 =	vld [tilespmem:s30+$0x150]  }
0x2c2: {  	v9 =	vld [tilespmem:s30+$0x170];
	_ =	sdelay $0x1  }
0x2c3: {  	v5 =	vmul.f32 v5, v4;
	v6 =	vmul.f32 v6, v4  }
0x2c4: {  	v2 =	vmul.f32 v2, v4;
	v1 =	vmul.f32 v1, v4  }
0x2c5: {  	v3 =	vmul.f32 v3, v4;
	[tilespmem:s30+$0x100] =	vst v5;
	v5 =	vmul.f32 v8, v4  }
0x2c6: {  	[tilespmem:s30+$0x120] =	vst v2;
	v2 =	vmul.f32 v7, v4;
	v4 =	vmul.f32 v9, v4  }
0x2c7: {  	s13 =	sadd.s32 $0x7, s16;
	s16 =	smov.u32 s6;
	[tilespmem:s30+$0x130] =	vst v1  }
0x2c8: {  	v1 =	vmov s13;
	[tilespmem:s30+$0x140] =	vst v3  }
0x2c9: {  	[tilespmem:s30+$0x160] =	vst v2;
	v2 =	vld [tilespmem:s30+$0x180]  }
0x2ca: {  	[tilespmem:s30+$0x110] =	vst v6;
	v3 =	vld [tilespmem:s30+$0x1D0]  }
0x2cb: {  	[tilespmem:s30+$0x150] =	vst v5;
	v5 =	vld [tilespmem:s30+$0x190]  }
0x2cc: {  	[tilespmem:s30+$0x170] =	vst v4;
	v4 =	vld [tilespmem:s30+$0x1F0]  }
0x2cd: {  	v1 =	vld.idx.msk [tilespmem:v1+s29+$0x0], $0xffff  }
0x2ce: {  	v6 =	vld [tilespmem:s30+$0x1B0]  }
0x2cf: {  	v7 =	vld [tilespmem:s30+$0x1A0]  }
0x2d0: {  	v8 =	vld [tilespmem:s30+$0x1C0]  }
0x2d1: {  	v9 =	vld [tilespmem:s30+$0x1E0];
	_ =	sdelay $0x1  }
0x2d2: {  	v2 =	vmul.f32 v2, v1;
	v5 =	vmul.f32 v5, v1  }
0x2d3: {  	v6 =	vmul.f32 v6, v1;
	v7 =	vmul.f32 v7, v1  }
0x2d4: {  	v10 =	vmov s16;
	v3 =	vmul.f32 v3, v1;
	[tilespmem:s30+$0x180] =	vst v2;
	v2 =	vmul.f32 v8, v1  }
0x2d5: {  	v8 =	vand.u32 $0xFFFFFFF8, v10;
	[tilespmem:s30+$0x190] =	vst v5;
	v5 =	vmul.f32 v9, v1;
	v1 =	vmul.f32 v4, v1  }
0x2d6: {  	v4 =	vbroadcast v8, $0x0;
	[tilespmem:s30+$0x1D0] =	vst v3  }
0x2d7: {  	[tilespmem:s30+$0x1A0] =	vst v7  }
0x2d8: {  	v3 =	vld [tilespmem:s17+$0xFFFFFE50];
	[tilespmem:s30+$0x1F0] =	vst v1  }
0x2d9: {  	v1 =	vld [tilespmem:s17+$0xFFFFFE30];
	[tilespmem:s30+$0x1B0] =	vst v6  }
0x2da: {  	v6 =	vld [tilespmem:s17+$0xFFFFFE60];
	[tilespmem:s30+$0x1E0] =	vst v5  }
0x2db: {  	v5 =	vld [tilespmem:s17+$0xFFFFFE70];
	[tilespmem:s30+$0x1C0] =	vst v2;
	s30 =	smov.u32 s17  }
0x2dc: {  	v2 =	vld.idx.msk [tilespmem:v4+s29+$0x0], $0xffff  }
0x2dd: {  	v4 =	vld [tilespmem:s17+$0xFFFFFE00]  }
0x2de: {  	v7 =	vld [tilespmem:s17+$0xFFFFFE20]  }
0x2df: {  	v8 =	vld [tilespmem:s17+$0xFFFFFE10]  }
0x2e0: {  	v9 =	vld [tilespmem:s17+$0xFFFFFE40];
	_ =	sdelay $0x1  }
0x2e1: {  	v5 =	vmul.f32 v5, v2;
	v4 =	vmul.f32 v4, v2  }
0x2e2: {  	s6 =	sadd.s32 $0x1, s16;
	v6 =	vmul.f32 v6, v2;
	v7 =	vmul.f32 v7, v2  }
0x2e3: {  	v1 =	vmul.f32 v1, v2;
	v8 =	vmul.f32 v8, v2;
	[tilespmem:s17+$0xFFFFFE70] =	vst v5;
	v5 =	vmov s6  }
0x2e4: {  	[tilespmem:s17+$0xFFFFFE00] =	vst v4;
	v4 =	vmul.f32 v9, v2;
	v2 =	vmul.f32 v3, v2;
	v3 =	vand.u32 $0xFFFFFFF9, v5  }
0x2e5: {  	[tilespmem:s17+$0xFFFFFE20] =	vst v7;
	v3 =	vbroadcast v3, $0x0  }
0x2e6: {  	[tilespmem:s17+$0xFFFFFE30] =	vst v1  }
0x2e7: {  	[tilespmem:s17+$0xFFFFFE50] =	vst v2;
	v1 =	vld [tilespmem:s17+$0xFFFFFEF0]  }
0x2e8: {  	[tilespmem:s17+$0xFFFFFE10] =	vst v8;
	v2 =	vld [tilespmem:s17+$0xFFFFFED0]  }
0x2e9: {  	[tilespmem:s17+$0xFFFFFE60] =	vst v6;
	v5 =	vld [tilespmem:s17+$0xFFFFFEB0]  }
0x2ea: {  	[tilespmem:s17+$0xFFFFFE40] =	vst v4;
	v4 =	vld [tilespmem:s17+$0xFFFFFEC0]  }
0x2eb: {  	v3 =	vld.idx.msk [tilespmem:v3+s29+$0x0], $0xffff  }
0x2ec: {  	v6 =	vld [tilespmem:s17+$0xFFFFFE90]  }
0x2ed: {  	v7 =	vld [tilespmem:s17+$0xFFFFFE80]  }
0x2ee: {  	v8 =	vld [tilespmem:s17+$0xFFFFFEA0]  }
0x2ef: {  	v9 =	vld [tilespmem:s17+$0xFFFFFEE0];
	_ =	sdelay $0x1  }
0x2f0: {  	v4 =	vmul.f32 v4, v3;
	v6 =	vmul.f32 v6, v3  }
0x2f1: {  	s6 =	sadd.s32 $0x2, s16;
	v5 =	vmul.f32 v5, v3;
	v7 =	vmul.f32 v7, v3  }
0x2f2: {  	v2 =	vmul.f32 v2, v3;
	[tilespmem:s17+$0xFFFFFE90] =	vst v6;
	v6 =	vmul.f32 v8, v3;
	v8 =	vmov s6  }
0x2f3: {  	v1 =	vmul.f32 v1, v3;
	[tilespmem:s17+$0xFFFFFEC0] =	vst v4;
	v4 =	vmul.f32 v9, v3;
	v3 =	vand.u32 $0xFFFFFFFA, v8  }
0x2f4: {  	[tilespmem:s17+$0xFFFFFE80] =	vst v7;
	v3 =	vbroadcast v3, $0x0  }
0x2f5: {  	[tilespmem:s17+$0xFFFFFED0] =	vst v2  }
0x2f6: {  	[tilespmem:s17+$0xFFFFFEE0] =	vst v4;
	v2 =	vld [tilespmem:s17+$0xFFFFFF70]  }
0x2f7: {  	[tilespmem:s17+$0xFFFFFEB0] =	vst v5;
	v4 =	vld [tilespmem:s17+$0xFFFFFF50]  }
0x2f8: {  	[tilespmem:s17+$0xFFFFFEF0] =	vst v1;
	v1 =	vld [tilespmem:s17+$0xFFFFFF20]  }
0x2f9: {  	[tilespmem:s17+$0xFFFFFEA0] =	vst v6;
	v5 =	vld [tilespmem:s17+$0xFFFFFF60]  }
0x2fa: {  	v3 =	vld.idx.msk [tilespmem:v3+s29+$0x0], $0xffff  }
0x2fb: {  	v6 =	vld [tilespmem:s17+$0xFFFFFF00]  }
0x2fc: {  	v7 =	vld [tilespmem:s17+$0xFFFFFF10]  }
0x2fd: {  	v8 =	vld [tilespmem:s17+$0xFFFFFF40]  }
0x2fe: {  	v9 =	vld [tilespmem:s17+$0xFFFFFF30];
	_ =	sdelay $0x1  }
0x2ff: {  	v5 =	vmul.f32 v5, v3;
	v6 =	vmul.f32 v6, v3  }
0x300: {  	s6 =	sadd.s32 $0x3, s16;
	v1 =	vmul.f32 v1, v3;
	v7 =	vmul.f32 v7, v3  }
0x301: {  	v4 =	vmul.f32 v4, v3;
	[tilespmem:s17+$0xFFFFFF00] =	vst v6;
	v6 =	vmul.f32 v8, v3;
	v8 =	vmov s6  }
0x302: {  	v2 =	vmul.f32 v2, v3;
	v9 =	vmul.f32 v9, v3;
	[tilespmem:s17+$0xFFFFFF60] =	vst v5;
	v3 =	vand.u32 $0xFFFFFFFB, v8  }
0x303: {  	[tilespmem:s17+$0xFFFFFF10] =	vst v7;
	v3 =	vbroadcast v3, $0x0  }
0x304: {  	[tilespmem:s17+$0xFFFFFF50] =	vst v4  }
0x305: {  	[tilespmem:s17+$0xFFFFFF70] =	vst v2;
	v2 =	vld [tilespmem:s17+$0xFFFFFFF0]  }
0x306: {  	[tilespmem:s17+$0xFFFFFF20] =	vst v1;
	v1 =	vld [tilespmem:s17+$0xFFFFFFD0]  }
0x307: {  	[tilespmem:s17+$0xFFFFFF30] =	vst v9;
	v4 =	vld [tilespmem:s17+$0xFFFFFF90]  }
0x308: {  	[tilespmem:s17+$0xFFFFFF40] =	vst v6;
	v5 =	vld [tilespmem:s17+$0xFFFFFFE0]  }
0x309: {  	v3 =	vld.idx.msk [tilespmem:v3+s29+$0x0], $0xffff  }
0x30a: {  	v6 =	vld [tilespmem:s17+$0xFFFFFFB0]  }
0x30b: {  	v7 =	vld [tilespmem:s17+$0xFFFFFF80]  }
0x30c: {  	v8 =	vld [tilespmem:s17+$0xFFFFFFC0]  }
0x30d: {  	v9 =	vld [tilespmem:s17+$0xFFFFFFA0];
	_ =	sdelay $0x1  }
0x30e: {  	v5 =	vmul.f32 v5, v3;
	v6 =	vmul.f32 v6, v3  }
0x30f: {  	s6 =	sadd.s32 $0x4, s16;
	v4 =	vmul.f32 v4, v3;
	v7 =	vmul.f32 v7, v3  }
0x310: {  	v1 =	vmul.f32 v1, v3;
	[tilespmem:s17+$0xFFFFFFB0] =	vst v6;
	v6 =	vmul.f32 v8, v3;
	v8 =	vmov s6  }
0x311: {  	v2 =	vmul.f32 v2, v3;
	v9 =	vmul.f32 v9, v3;
	[tilespmem:s17+$0xFFFFFFE0] =	vst v5;
	v3 =	vand.u32 $0xFFFFFFFC, v8  }
0x312: {  	[tilespmem:s17+$0xFFFFFF80] =	vst v7;
	v5 =	vbroadcast v3, $0x0  }
0x313: {  	[tilespmem:s17+$0xFFFFFFD0] =	vst v1  }
0x314: {  	[tilespmem:s17+$0xFFFFFFF0] =	vst v2;
	v8 =	vld [tilespmem:s17+$0x0]  }
0x315: {  	[tilespmem:s17+$0xFFFFFFA0] =	vst v9;
	v1 =	vld [tilespmem:s17+$0x70]  }
0x316: {  	[tilespmem:s17+$0xFFFFFF90] =	vst v4;
	v3 =	vld [tilespmem:s17+$0x50]  }
0x317: {  	[tilespmem:s17+$0xFFFFFFC0] =	vst v6;
	v7 =	vld [tilespmem:s17+$0x20]  }
0x318: {  	v2 =	vld.idx.msk [tilespmem:v5+s29+$0x0], $0xffff  }
0x319: {  	v10 =	vld [tilespmem:s17+$0x40]  }
.Ltmp5:
0x31a: {  	v6 =	vld [tilespmem:s17+$0x30];
	(pc) =	sbr.rel @p2 .LBB2_10-.Ltmp5, $3  }
0x31b: {  	v4 =	vld [tilespmem:s17+$0x10]  }
0x31c: {  	v5 =	vld [tilespmem:s17+$0x60];
	_ =	sdelay $0x1  }
0x31d: {  	v9 =	vmul.f32 v8, v2;
	v8 =	vmul.f32 v10, v2  }
0x31e: {  	s6 =	sadd.s32 $0x5, s16  }
0x31f: {  	v7 =	vmul.f32 v7, v2;
	[tilespmem:s30+$0x0] =	vst v9;
	v37 =	vmov s6  }
0x320: {  	v3 =	vmul.f32 v3, v2;
	[tilespmem:s30+$0x40] =	vst v8;
	v38 =	vand.u32 $0xFFFFFFFD, v37  }
0x321: {  	v1 =	vmul.f32 v1, v2;
	[tilespmem:s30+$0x20] =	vst v7;
	v39 =	vbroadcast v38, $0x0  }
0x322: {  	v6 =	vmul.f32 v6, v2;
	[tilespmem:s30+$0x50] =	vst v3  }
0x323: {  	v3 =	vmul.f32 v5, v2;
	[tilespmem:s30+$0x70] =	vst v1  }
0x324: {  	v1 =	vmul.f32 v4, v2;
	[tilespmem:s30+$0x30] =	vst v6  }
0x325: {  	[tilespmem:s30+$0x60] =	vst v3  }
0x326: {  	v2 =	vld [tilespmem:s30+$0x80];
	[tilespmem:s30+$0x10] =	vst v1  }
0x327: {  	v1 =	vld.idx.msk [tilespmem:v39+s29+$0x0], $0xffff  }
0x328: {  	v3 =	vld [tilespmem:s30+$0xA0]  }
0x329: {  	v40 =	vld [tilespmem:s30+$0xD0]  }
0x32a: {  	v41 =	vld [tilespmem:s30+$0xC0]  }
0x32b: {  	v42 =	vld [tilespmem:s30+$0xF0]  }
0x32c: {  	v44 =	vld [tilespmem:s30+$0x90];
	v2 =	vmul.f32 v2, v1  }
0x32d: {  	v43 =	vld [tilespmem:s30+$0xB0];
	s14 =	sadd.s32 $0x6, s16;
	v3 =	vmul.f32 v3, v1  }
0x32e: {  	v45 =	vld [tilespmem:s30+$0xE0];
	v46 =	vmov s14;
	[tilespmem:s30+$0x80] =	vst v2;
	v2 =	vmul.f32 v40, v1  }
0x32f: {  	v5 =	vmul.f32 v41, v1;
	[tilespmem:s30+$0xA0] =	vst v3;
	v3 =	vand.u32 $0xFFFFFFFE, v46  }
0x330: {  	v47 =	vmul.f32 v42, v1;
	[tilespmem:s30+$0xD0] =	vst v2;
	v2 =	vbroadcast v3, $0x0  }
0x331: {  	v48 =	vmul.f32 v44, v1;
	[tilespmem:s30+$0xC0] =	vst v5  }
0x332: {  	[tilespmem:s30+$0xF0] =	vst v47;
	v3 =	vmul.f32 v43, v1  }
0x333: {  	[tilespmem:s30+$0x90] =	vst v48;
	v1 =	vmul.f32 v45, v1  }
0x334: {  	[tilespmem:s30+$0xB0] =	vst v3  }
0x335: {  	v3 =	vld [tilespmem:s30+$0x100];
	[tilespmem:s30+$0xE0] =	vst v1  }
0x336: {  	v1 =	vld.idx.msk [tilespmem:v2+s29+$0x0], $0xffff  }
0x337: {  	v2 =	vld [tilespmem:s30+$0x120]  }
0x338: {  	v49 =	vld [tilespmem:s30+$0x130]  }
0x339: {  	v50 =	vld [tilespmem:s30+$0x140]  }
0x33a: {  	v52 =	vld [tilespmem:s30+$0x110]  }
0x33b: {  	v53 =	vld [tilespmem:s30+$0x150];
	v3 =	vmul.f32 v3, v1  }
0x33c: {  	v51 =	vld [tilespmem:s30+$0x160];
	v2 =	vmul.f32 v2, v1  }
0x33d: {  	v54 =	vld [tilespmem:s30+$0x170];
	v4 =	vmul.f32 v49, v1;
	[tilespmem:s30+$0x100] =	vst v3  }
0x33e: {  	v3 =	vmul.f32 v50, v1;
	[tilespmem:s30+$0x120] =	vst v2  }
0x33f: {  	s17 =	sadd.s32 $0x7, s16;
	v55 =	vmul.f32 v52, v1;
	[tilespmem:s30+$0x130] =	vst v4  }
0x340: {  	v56 =	vmul.f32 v53, v1;
	[tilespmem:s30+$0x140] =	vst v3;
	v3 =	vmov s17  }
0x341: {  	v2 =	vmul.f32 v51, v1;
	[tilespmem:s30+$0x110] =	vst v55  }
0x342: {  	v1 =	vmul.f32 v54, v1;
	[tilespmem:s30+$0x150] =	vst v56  }
0x343: {  	[tilespmem:s30+$0x160] =	vst v2  }
0x344: {  	v2 =	vld [tilespmem:s30+$0x180];
	[tilespmem:s30+$0x170] =	vst v1  }
0x345: {  	v1 =	vld.idx.msk [tilespmem:v3+s29+$0x0], $0xffff  }
0x346: {  	v57 =	vld [tilespmem:s30+$0x190]  }
0x347: {  	v59 =	vld [tilespmem:s30+$0x1F0]  }
0x348: {  	v3 =	vld [tilespmem:s30+$0x1D0]  }
0x349: {  	v58 =	vld [tilespmem:s30+$0x1A0]  }
0x34a: {  	v60 =	vld [tilespmem:s30+$0x1B0];
	v2 =	vmul.f32 v2, v1  }
0x34b: {  	v61 =	vld [tilespmem:s30+$0x1E0];
	v4 =	vmul.f32 v57, v1  }
0x34c: {  	v62 =	vld [tilespmem:s30+$0x1C0];
	v63 =	vmul.f32 v59, v1;
	[tilespmem:s30+$0x180] =	vst v2  }
0x34d: {  	v2 =	vmul.f32 v3, v1;
	[tilespmem:s30+$0x190] =	vst v4  }
0x34e: {  	s5 =	sadd.s32 $0x1, s5;
	v3 =	vmul.f32 v58, v1;
	[tilespmem:s30+$0x1F0] =	vst v63  }
0x34f: {  	p2 =	sne.s32 s5, $0x50;
	[tilespmem:s30+$0x1D0] =	vst v2;
	v2 =	vmul.f32 v60, v1  }
.Ltmp6:
0x350: {  	[tilespmem:s30+$0x1A0] =	vst v3;
	v3 =	vmul.f32 v61, v1;
	(pc) =	sbr.rel @p2 .LBB2_9-.Ltmp6, $4  }
0x351: {  	v1 =	vmul.f32 v62, v1;
	[tilespmem:s30+$0x1B0] =	vst v2  }
0x352: {  	[tilespmem:s30+$0x1E0] =	vst v3  }
0x353: {  	p1 =	por !p1, !p1;
	[tilespmem:s30+$0x1C0] =	vst v1  }
0x354: {  	[spmem:s3] =	stream.indirect.scatter.add.f32 [tilespmem:s19], [sflag:$0x2], $0x80, s18, s21, $0x2000b8;
	[tilespmem:$0x1FC80] =	vst v63  }
0x355: {  	s5 =	simm.s32 $0x2  }
0x356: {  	_ =	swait.ge [sflag:s5], $0x4000  }
0x357: {  	[sflag:s5] =	ssyncset.done $0x0  }
0x358: {  	[sflag:s5] =	ssyncadd.s32 $0xFFFFC000  }
0x359: {  	[bflag:$0x0] =	sbarrier.arrive $0xFFFF  }
0x35a: {  	_ =	strace $0x9000004B  }
0x35b: {  	s16 =	rddreg [dreg:$0x18]  }
0x35c: {  	s6 =	simm.s32 @p0 $0x1FC6;
	s13 =	rddreg [dreg:$0x12];
	s5 =	sshrl.u32 @p0 s16, $0x3  }
0x35d: {  	[hbm:s13], [sflag:s6] =	dma.local @p0 [spmem:s5], $0x1900  }
0x35e: {  	s5 =	simm.s32 @p0 $0x6  }
0x35f: {  	_ =	swait.ge @p0 [sflag:s5], $0x1900  }
0x360: {  	s6 =	stileid.u32;
	s13 =	rddreg [dreg:$0x6]  }
0x361: {  	s6 =	sshll.u32 @!p0 s6, $0x6;
	[sflag:s5] =	ssyncset.done @p0 $0x0;
	s14 =	rddreg [dreg:$0xc]  }
0x362: {  	[sflag:s5] =	ssyncadd.s32 @p0 $0xFFFFE700;
	s5 =	sor.u32 @!p0 $0x1C06, s6;
	s6 =	sshrl.u32 @!p0 s13, $0x3  }
0x363: {  	[hbm:s14], [sflag:s5] =	dma.local @!p0 [spmem:s6], $0x2800  }
0x364: {  	s5 =	simm.s32 @!p0 $0x6  }
0x365: {  	_ =	swait.ge @!p0 [sflag:s5], $0x2800  }
0x366: {  	s0 =	sadd.s32 $0x1, s0;
	s19 =	rddreg [dreg:$0x13]  }
0x367: {  	p1 =	sne.s32 s0, s19  }
.Ltmp7:
0x368: {  	_ = 	snop;
	(pc) =	sbr.rel @p1 .LBB2_1-.Ltmp7, $3  }
0x369: {  	_ =	sdelay $0x1  }
0x36a: {  	[sflag:s5] =	ssyncset.done @!p0 $0x0  }
0x36b: {  	s30 =	rddreg [dreg:$0x7];
	[sflag:s5] =	ssyncadd.s32 @!p0 $0xFFFFD800;
	s19 =	simm.s32 $0x1FA00  }
0x36c: {  	_ =	sfence.sel $0x180000  }
0x36d: {  	[bflag:$0x0] =	sbarrier.arrive $0xFFFF  }
0x36e: {  	_ =	strace $0x90000047  }
0x36f: {  	s0 =	stileid.u32;
	[bflag:$0x2] =	sbarrier.arrive $0xFFFF  }
0x370: {  	p0 =	sne.s32 s0, $0x0;
	s0 =	rddreg [dreg:$0x5]  }
0x371: {  	s0 =	sadd.s32 @!p0 $0x100000, s0  }
0x372: {  	[sflag:s0] =	ssyncadd.tile.s32 @!p0 $0x1;
	_ =	shalt  }
.Lfunc_end2:
_tile_overlayer_lowered:
.L_overlay_start_2:
0x373: {  	(tag) =	ssettag $0x2  }
0x374: {  	s0 =	rddreg [dreg:$0x0];
	s2 =	stileid.u32  }
0x375: {  	s1 =	rddreg [dreg:$0x1];
	p0 =	sne.s32 s2, $0x0  }
0x376: {  	s3 =	rddreg [dreg:$0x2];
	[bflag:$0x3] =	sbarrier.arrive $0xFFFF;
	s2 =	simm.s32 @!p0 $0x1C06  }
0x377: {  	[timem:s3], [sflag:s2] =	dma.local @!p0 [hbm:s0], s1  }
0x378: {  	s0 =	simm.s32 @!p0 $0x6  }
0x379: {  	_ =	swait.ge @!p0 [sflag:s0], s1  }
0x37a: {  	s1 =	ssub.s32 @!p0 $0x0, s1;
	[sflag:s0] =	ssyncset.done @!p0 $0x0  }
0x37b: {  	[sflag:s0] =	ssyncadd.s32 @!p0 s1  }
0x37c: {  	[bflag:$0x3] =	sbarrier.arrive $0xFFFF  }
0x37d: {  	_ =	shalt  }

</sc_bundles>
